<compile_context>
chip_gen: v7x
topology: tpu7x:2x2x1
jax: 0.10.2.dev20260603
libtpu: 0.0.44.dev20260713+nightly
codegen_flags: <defaults>
</compile_context>

<pallas_src>
import functools

import jax
import jax.numpy as jnp
from jax import lax
from jax.experimental import pallas as pl
from jax.experimental.pallas import tpu as pltpu
from jax.experimental.pallas import tpu_sc as plsc

N_NODES = 10000
N_CH = 128
CPT = 4
NTILES = 32
NC = 2
FLAT = N_NODES * CPT
E_TOTAL = 320000
CHUNK = 6400
SUPER = 8
NSUPER = CHUNK // (16 * SUPER)
NCHUNK = E_TOTAL // CHUNK


def _sc_gather_segmax(xt, src_e, dst_e):
    mesh = plsc.VectorSubcoreMesh(core_axis_name="c", subcore_axis_name="s")

    @functools.partial(
        pl.kernel,
        out_type=jax.ShapeDtypeStruct((NTILES, FLAT), jnp.float32),
        mesh=mesh,
        scratch_types=[
            pltpu.VMEM((FLAT,), jnp.float32),
            pltpu.VMEM((FLAT,), jnp.float32),
            pltpu.VMEM((N_NODES,), jnp.int32),
            pltpu.VMEM((CHUNK,), jnp.int32),
            pltpu.VMEM((CHUNK,), jnp.int32),
            pltpu.VMEM((CHUNK,), jnp.int32),
            pltpu.VMEM((CHUNK,), jnp.int32),
            pltpu.SemaphoreType.DMA,
            pltpu.SemaphoreType.DMA,
            pltpu.SemaphoreType.DMA,
            pltpu.SemaphoreType.DMA,
        ],
        compiler_params=pltpu.CompilerParams(needs_layout_passes=False),
    )
    def k(xt_hbm, src_hbm, dst_hbm, out_hbm, xc_v, agg_v, claim_v,
          src_a, src_b, dst_a, dst_b, sem_sa, sem_sb, sem_da, sem_db):
        wid = lax.axis_index("s") * NC + lax.axis_index("c")

        srcbuf = [src_a, src_b]
        dstbuf = [dst_a, dst_b]
        sems = [(sem_sa, sem_da), (sem_sb, sem_db)]

        def start_fetch(ci, buf):
            e0 = ci * CHUNK
            pltpu.make_async_copy(
                src_hbm.at[pl.ds(e0, CHUNK)], srcbuf[buf], sems[buf][0]
            ).start()
            pltpu.make_async_copy(
                dst_hbm.at[pl.ds(e0, CHUNK)], dstbuf[buf], sems[buf][1]
            ).start()

        def wait_fetch(ci, buf):
            e0 = ci * CHUNK
            pltpu.make_async_copy(
                src_hbm.at[pl.ds(e0, CHUNK)], srcbuf[buf], sems[buf][0]
            ).wait()
            pltpu.make_async_copy(
                dst_hbm.at[pl.ds(e0, CHUNK)], dstbuf[buf], sems[buf][1]
            ).wait()

        start_fetch(0, 0)
        pltpu.sync_copy(xt_hbm.at[wid], xc_v)

        neg_inf = jnp.full((16,), -jnp.inf, dtype=jnp.float32)

        def init_body(i, carry):
            agg_v[pl.ds(i * 16, 16)] = neg_inf
            return carry

        lax.fori_loop(0, FLAT // 16, init_body, 0)

        iota = lax.iota(jnp.int32, 16)

        def process_chunk(ci, src_v, dst_v):
            def super_body(sb, c2):
                srcs = []
                dsts = []
                for u in range(SUPER):
                    off = (sb * SUPER + u) * 16
                    srcs.append(src_v[pl.ds(off, 16)])
                    dsts.append(dst_v[pl.ds(off, 16)])

                infos = []
                for u in range(SUPER):
                    src = srcs[u]
                    dst = dsts[u]
                    _, lastm = plsc.scan_count(dst)
                    dup = ~lastm
                    xvs = [
                        plsc.load_gather(xc_v, [src + ch * N_NODES])
                        for ch in range(CPT)
                    ]
                    olds = [
                        plsc.load_gather(agg_v, [dst + ch * N_NODES])
                        for ch in range(CPT)
                    ]
                    for ch in range(CPT):
                        plsc.store_scatter(
                            agg_v, [dst + ch * N_NODES], jnp.maximum(olds[ch], xvs[ch])
                        )
                    infos.append(dup)

                anyd = infos[0]
                for u in range(1, SUPER):
                    anyd = anyd | infos[u]
                ndup = plsc.all_reduce_population_count(anyd)

                @pl.when(ndup[0] > 0)
                def _slow():
                    for u in range(SUPER):
                        @pl.when(jnp.max(infos[u].astype(jnp.int32)) > 0)
                        def _fixu(u=u):
                            offu = (sb * SUPER + u) * 16
                            srcu = src_v[pl.ds(offu, 16)]
                            dstu = dst_v[pl.ds(offu, 16)]

                            def cond(c):
                                return c[0] > 0

                            def body(c):
                                _, rem = c
                                remb = rem > 0
                                plsc.store_scatter(
                                    claim_v, [dstu], iota, mask=remb
                                )
                                w = plsc.load_gather(claim_v, [dstu])
                                win = remb & (w == iota)
                                for ch in range(CPT):
                                    xv = plsc.load_gather(
                                        xc_v, [srcu + ch * N_NODES]
                                    )
                                    o = plsc.load_gather(
                                        agg_v, [dstu + ch * N_NODES]
                                    )
                                    plsc.store_scatter(
                                        agg_v,
                                        [dstu + ch * N_NODES],
                                        jnp.maximum(o, xv),
                                        mask=win,
                                    )
                                rem2 = jnp.where(win, 0, rem)
                                return (jnp.max(rem2), rem2)

                            lax.while_loop(
                                cond, body,
                                (jnp.int32(1), jnp.ones((16,), jnp.int32)),
                            )

                return c2

            lax.fori_loop(0, NSUPER, super_body, 0)

        def chunk_pair(p, carry):
            c0 = p * 2
            start_fetch(c0 + 1, 1)
            wait_fetch(c0, 0)
            process_chunk(c0, src_a, dst_a)

            @pl.when(c0 + 2 < NCHUNK)
            def _():
                start_fetch(c0 + 2, 0)

            wait_fetch(c0 + 1, 1)
            process_chunk(c0 + 1, src_b, dst_b)
            return carry

        lax.fori_loop(0, NCHUNK // 2, chunk_pair, 0)

        def fin_body(i, carry):
            sl = pl.ds(i * 16, 16)
            a = agg_v[sl]
            agg_v[sl] = jnp.where(a == -jnp.inf, 0.0, a) + xc_v[sl]
            return carry

        lax.fori_loop(0, FLAT // 16, fin_body, 0)
        pltpu.sync_copy(agg_v, out_hbm.at[wid])

    return k(xt, src_e, dst_e)


def _tc_mlp(hp, W1, b1, W2, b2):

    def mlp_body(h_ref, w1_ref, b1_ref, w2_ref, b2_ref, o_ref):
        hh = h_ref[...].T
        z = jnp.dot(hh, w1_ref[...], preferred_element_type=jnp.float32)
        z = jnp.maximum(z + b1_ref[...], 0.0)
        o = jnp.dot(z, w2_ref[...], preferred_element_type=jnp.float32)
        o_ref[...] = o + b2_ref[...]

    return pl.pallas_call(
        mlp_body,
        out_shape=jax.ShapeDtypeStruct((N_NODES, N_CH), jnp.float32),
    )(hp, W1, b1.reshape(1, N_CH), W2, b2.reshape(1, N_CH))


def kernel(x1, adj, W1, b1, W2, b2):
    xt = x1.transpose(1, 0).reshape(NTILES, FLAT)
    h32 = _sc_gather_segmax(xt, adj[0], adj[1])
    return _tc_mlp(h32.reshape(N_CH, N_NODES), W1, b1, W2, b2)

# --- scband reference (transcript-rebuilt; emitter-appended) ---
"""Pipeline reference for scband-simple-gcn-15745350107435 (READ-ONLY COPY).

The authoritative reference and input builder live on the scoring server;
editing this copy changes nothing except your own understanding.
"""

import jax, jax.numpy as jnp
import numpy as np

N = 10000
E = 320000
C = 128


def setup_inputs(seed: int = 0) -> dict:
    key = jax.random.key(seed)
    k1, k2, k3, k4, k5, k6 = jax.random.split(key, 6)
    x1 = jax.random.normal(k1, (N, C), dtype=jnp.float32)
    adj = jax.random.randint(k2, (2, E), 0, N, dtype=jnp.int32)
    s = 1.0 / np.sqrt(C)
    W1 = jax.random.normal(k3, (C, C), dtype=jnp.float32) * s
    b1 = jnp.zeros((C,), dtype=jnp.float32)
    W2 = jax.random.normal(k4, (C, C), dtype=jnp.float32) * s
    b2 = jnp.zeros((C,), dtype=jnp.float32)
    return {"x1": x1, "adj": adj, "W1": W1, "b1": b1, "W2": W2, "b2": b2}


def reference(x1, adj, W1, b1, W2, b2):
    num_nodes = x1.shape[0]
    # message: gather source-node features per edge
    edge_x = x1[adj[0]]
    # aggregate: scatter-max over destination nodes
    agg = jax.ops.segment_max(edge_x, adj[1], num_segments=num_nodes)
    # torch_scatter fills empty segments with 0; segment_max yields -inf
    agg = jnp.where(jnp.isneginf(agg), 0.0, agg)
    # combine: MLP(x1 + agg) with a 2-layer MLP (Linear -> ReLU -> Linear)
    h = x1 + agg
    h = jax.nn.relu(h @ W1 + b1)
    out = h @ W2 + b2
    return out

if __name__ == "__main__":
    import jax
    _d = setup_inputs()
    print(jax.jit(kernel)(*tuple(_d.values())))

</pallas_src>

<mosaic_0001>
#map = affine_map<(d0, d1) -> (0, 0)>
#map1 = affine_map<(d0, d1) -> (0)>
module attributes {stable_mosaic.version = 14 : i64} {
  func.func @k(%arg0: i32, %arg1: i32, %arg2: memref<32x40000xf32, #tpu.memory_space<hbm>>, %arg3: memref<320000xi32, #tpu.memory_space<hbm>>, %arg4: memref<320000xi32, #tpu.memory_space<hbm>>, %arg5: memref<32x40000xf32, #tpu.memory_space<hbm>>, %arg6: memref<40000xf32, #tpu.memory_space<vmem>>, %arg7: memref<40000xf32, #tpu.memory_space<vmem>>, %arg8: memref<10000xi32, #tpu.memory_space<vmem>>, %arg9: memref<6400xi32, #tpu.memory_space<vmem>>, %arg10: memref<6400xi32, #tpu.memory_space<vmem>>, %arg11: memref<6400xi32, #tpu.memory_space<vmem>>, %arg12: memref<6400xi32, #tpu.memory_space<vmem>>, %arg13: memref<!tpu.dma_semaphore, #tpu.memory_space<semaphore_mem>>, %arg14: memref<!tpu.dma_semaphore, #tpu.memory_space<semaphore_mem>>, %arg15: memref<!tpu.dma_semaphore, #tpu.memory_space<semaphore_mem>>, %arg16: memref<!tpu.dma_semaphore, #tpu.memory_space<semaphore_mem>>) attributes {dimension_semantics = [#tpu.dimension_semantics<core_parallel>, #tpu.dimension_semantics<subcore_parallel>], iteration_bounds = array<i64: 2, 16>, scalar_prefetch = 0 : i64, scratch_operands = 11 : i64, tpu.core_type = #tpu.core_type<sc_vector_subcore>, window_params = [{transform_indices = #map}, {transform_indices = #map1}, {transform_indices = #map1}, {transform_indices = #map}]} {
    %mul3A = arith.constant 2 : i32
    %mul3A_0 = arith.muli %arg1, %mul3A : i32
    %add3A = arith.addi %mul3A_0, %arg0 : i32
    %dma_start3A = arith.constant 0 : i32
    %dma_start3A_1 = tpu.memref_slice %arg3[%dma_start3A] : memref<320000xi32, #tpu.memory_space<hbm>> -> memref<6400xi32, #tpu.memory_space<hbm>>
    %dma_start3A_2 = arith.constant 0 : i32
    %dma_start3A_3 = tpu.memref_slice %arg3[%dma_start3A_2] : memref<320000xi32, #tpu.memory_space<hbm>> -> memref<6400xi32, #tpu.memory_space<hbm>>
    tpu.enqueue_dma source(%dma_start3A_3 : memref<6400xi32, #tpu.memory_space<hbm>>) target(%arg9 : memref<6400xi32, #tpu.memory_space<vmem>>) target_semaphore(%arg13 : memref<!tpu.dma_semaphore, #tpu.memory_space<semaphore_mem>>)
    %dma_start3A_4 = arith.constant 0 : i32
    %dma_start3A_5 = tpu.memref_slice %arg4[%dma_start3A_4] : memref<320000xi32, #tpu.memory_space<hbm>> -> memref<6400xi32, #tpu.memory_space<hbm>>
    %dma_start3A_6 = arith.constant 0 : i32
    %dma_start3A_7 = tpu.memref_slice %arg4[%dma_start3A_6] : memref<320000xi32, #tpu.memory_space<hbm>> -> memref<6400xi32, #tpu.memory_space<hbm>>
    tpu.enqueue_dma source(%dma_start3A_7 : memref<6400xi32, #tpu.memory_space<hbm>>) target(%arg11 : memref<6400xi32, #tpu.memory_space<vmem>>) target_semaphore(%arg15 : memref<!tpu.dma_semaphore, #tpu.memory_space<semaphore_mem>>)
    "tpu.region"() ({
      %run_scoped3A = tpu.sem_alloc : memref<!tpu.dma_semaphore, #tpu.memory_space<semaphore_mem>>
      %dma_start3A_26 = arith.constant 0 : i32
      %dma_start3A_27 = tpu.memref_slice %arg2[%add3A, %dma_start3A_26] : memref<32x40000xf32, #tpu.memory_space<hbm>> -> memref<1x40000xf32, #tpu.memory_space<hbm>>
      %dma_start3A_28 = tpu.memref_squeeze %dma_start3A_27 : memref<1x40000xf32, #tpu.memory_space<hbm>> -> memref<40000xf32, #tpu.memory_space<hbm>>
      %dma_start3A_29 = arith.constant 0 : i32
      %dma_start3A_30 = tpu.memref_slice %arg2[%add3A, %dma_start3A_29] : memref<32x40000xf32, #tpu.memory_space<hbm>> -> memref<1x40000xf32, #tpu.memory_space<hbm>>
      %dma_start3A_31 = tpu.memref_squeeze %dma_start3A_30 : memref<1x40000xf32, #tpu.memory_space<hbm>> -> memref<40000xf32, #tpu.memory_space<hbm>>
      tpu.enqueue_dma source(%dma_start3A_31 : memref<40000xf32, #tpu.memory_space<hbm>>) target(%arg6 : memref<40000xf32, #tpu.memory_space<vmem>>) target_semaphore(%run_scoped3A : memref<!tpu.dma_semaphore, #tpu.memory_space<semaphore_mem>>)
      %dma_wait3A = arith.constant 0 : i32
      %dma_wait3A_32 = tpu.memref_slice %arg2[%add3A, %dma_wait3A] : memref<32x40000xf32, #tpu.memory_space<hbm>> -> memref<1x40000xf32, #tpu.memory_space<hbm>>
      %dma_wait3A_33 = tpu.memref_squeeze %dma_wait3A_32 : memref<1x40000xf32, #tpu.memory_space<hbm>> -> memref<40000xf32, #tpu.memory_space<hbm>>
      %dma_wait3A_34 = arith.constant 0 : i32
      %dma_wait3A_35 = tpu.memref_slice %arg2[%add3A, %dma_wait3A_34] : memref<32x40000xf32, #tpu.memory_space<hbm>> -> memref<1x40000xf32, #tpu.memory_space<hbm>>
      %dma_wait3A_36 = tpu.memref_squeeze %dma_wait3A_35 : memref<1x40000xf32, #tpu.memory_space<hbm>> -> memref<40000xf32, #tpu.memory_space<hbm>>
      tpu.wait_dma2 semaphore(%run_scoped3A : memref<!tpu.dma_semaphore, #tpu.memory_space<semaphore_mem>>) src(%dma_wait3A_36 : memref<40000xf32, #tpu.memory_space<hbm>>) dst(%arg6 : memref<40000xf32, #tpu.memory_space<vmem>>)
      tpu.yield
    }) : () -> ()
    %broadcast_in_dim3A = arith.constant 0xFF800000 : f32
    %broadcast_in_dim3A_8 = vector.broadcast %broadcast_in_dim3A : f32 to vector<16xf32>
    %scan3A = arith.constant 0 : i32
    %scan3A_9 = arith.constant 0 : i32
    %scan3A_10 = arith.constant 2500 : i32
    %scan3A_11 = arith.addi %scan3A_9, %scan3A_10 : i32
    %scan3A_12 = arith.constant 1 : i32
    scf.for %scan3A_26 = %scan3A_9 to %scan3A_11 step %scan3A_12  : i32 {
      %mul3A_27 = arith.constant 16 : i32
      %mul3A_28 = arith.muli %scan3A_26, %mul3A_27 : i32
      %swap3A = arith.index_cast %mul3A_28 : i32 to index
      %swap3A_29 = tpu.vector_load %arg7[%swap3A] {strides = array<i32>} : memref<40000xf32, #tpu.memory_space<vmem>>, vector<16xf32>,
      tpu.vector_store %arg7[%swap3A], %broadcast_in_dim3A_8 {strides = array<i32>} : memref<40000xf32, #tpu.memory_space<vmem>>, vector<16xf32>,
    }
    %scan3A_13 = arith.constant 2500 : i32
    %iota3A = tpu.iota {dimensions = array<i32: 0>} : vector<16xi32>
    %scan3A_14 = arith.constant 0 : i32
    %scan3A_15 = arith.constant 0 : i32
    %scan3A_16 = arith.constant 25 : i32
    %scan3A_17 = arith.addi %scan3A_15, %scan3A_16 : i32
    %scan3A_18 = arith.constant 1 : i32
    scf.for %scan3A_26 = %scan3A_15 to %scan3A_17 step %scan3A_18  : i32 {
      %mul3A_27 = arith.constant 2 : i32
      %mul3A_28 = arith.muli %scan3A_26, %mul3A_27 : i32
      %add3A_29 = arith.constant 1 : i32
      %add3A_30 = arith.addi %mul3A_28, %add3A_29 : i32
      %mul3A_31 = arith.constant 6400 : i32
      %mul3A_32 = arith.muli %add3A_30, %mul3A_31 : i32
      %dma_start3A_33 = tpu.memref_slice %arg3[%mul3A_32] : memref<320000xi32, #tpu.memory_space<hbm>> -> memref<6400xi32, #tpu.memory_space<hbm>>
      %dma_start3A_34 = tpu.memref_slice %arg3[%mul3A_32] : memref<320000xi32, #tpu.memory_space<hbm>> -> memref<6400xi32, #tpu.memory_space<hbm>>
      tpu.enqueue_dma source(%dma_start3A_34 : memref<6400xi32, #tpu.memory_space<hbm>>) target(%arg10 : memref<6400xi32, #tpu.memory_space<vmem>>) target_semaphore(%arg14 : memref<!tpu.dma_semaphore, #tpu.memory_space<semaphore_mem>>)
      %dma_start3A_35 = tpu.memref_slice %arg4[%mul3A_32] : memref<320000xi32, #tpu.memory_space<hbm>> -> memref<6400xi32, #tpu.memory_space<hbm>>
      %dma_start3A_36 = tpu.memref_slice %arg4[%mul3A_32] : memref<320000xi32, #tpu.memory_space<hbm>> -> memref<6400xi32, #tpu.memory_space<hbm>>
      tpu.enqueue_dma source(%dma_start3A_36 : memref<6400xi32, #tpu.memory_space<hbm>>) target(%arg12 : memref<6400xi32, #tpu.memory_space<vmem>>) target_semaphore(%arg16 : memref<!tpu.dma_semaphore, #tpu.memory_space<semaphore_mem>>)
      %mul3A_37 = arith.constant 6400 : i32
      %mul3A_38 = arith.muli %mul3A_28, %mul3A_37 : i32
      %dma_wait3A = tpu.memref_slice %arg3[%mul3A_38] : memref<320000xi32, #tpu.memory_space<hbm>> -> memref<6400xi32, #tpu.memory_space<hbm>>
      %dma_wait3A_39 = tpu.memref_slice %arg3[%mul3A_38] : memref<320000xi32, #tpu.memory_space<hbm>> -> memref<6400xi32, #tpu.memory_space<hbm>>
      tpu.wait_dma2 semaphore(%arg13 : memref<!tpu.dma_semaphore, #tpu.memory_space<semaphore_mem>>) src(%dma_wait3A_39 : memref<6400xi32, #tpu.memory_space<hbm>>) dst(%arg9 : memref<6400xi32, #tpu.memory_space<vmem>>)
      %dma_wait3A_40 = tpu.memref_slice %arg4[%mul3A_38] : memref<320000xi32, #tpu.memory_space<hbm>> -> memref<6400xi32, #tpu.memory_space<hbm>>
      %dma_wait3A_41 = tpu.memref_slice %arg4[%mul3A_38] : memref<320000xi32, #tpu.memory_space<hbm>> -> memref<6400xi32, #tpu.memory_space<hbm>>
      tpu.wait_dma2 semaphore(%arg15 : memref<!tpu.dma_semaphore, #tpu.memory_space<semaphore_mem>>) src(%dma_wait3A_41 : memref<6400xi32, #tpu.memory_space<hbm>>) dst(%arg11 : memref<6400xi32, #tpu.memory_space<vmem>>)
      %scan3A_42 = arith.constant 0 : i32
      %scan3A_43 = arith.constant 0 : i32
      %scan3A_44 = arith.constant 50 : i32
      %scan3A_45 = arith.addi %scan3A_43, %scan3A_44 : i32
      %scan3A_46 = arith.constant 1 : i32
      scf.for %scan3A_68 = %scan3A_43 to %scan3A_45 step %scan3A_46  : i32 {
        %mul3A_69 = arith.constant 8 : i32
        %mul3A_70 = arith.muli %scan3A_68, %mul3A_69 : i32
        %add3A_71 = arith.constant 0 : i32
        %add3A_72 = arith.addi %mul3A_70, %add3A_71 : i32
        %mul3A_73 = arith.constant 16 : i32
        %mul3A_74 = arith.muli %add3A_72, %mul3A_73 : i32
        %get3A = arith.index_cast %mul3A_74 : i32 to index
        %get3A_75 = tpu.vector_load %arg9[%get3A] {strides = array<i32>} : memref<6400xi32, #tpu.memory_space<vmem>>, vector<16xi32>,
        %get3A_76 = arith.index_cast %mul3A_74 : i32 to index
        %get3A_77 = tpu.vector_load %arg11[%get3A_76] {strides = array<i32>} : memref<6400xi32, #tpu.memory_space<vmem>>, vector<16xi32>,
        %mul3A_78 = arith.constant 8 : i32
        %mul3A_79 = arith.muli %scan3A_68, %mul3A_78 : i32
        %add3A_80 = arith.constant 1 : i32
        %add3A_81 = arith.addi %mul3A_79, %add3A_80 : i32
        %mul3A_82 = arith.constant 16 : i32
        %mul3A_83 = arith.muli %add3A_81, %mul3A_82 : i32
        %get3A_84 = arith.index_cast %mul3A_83 : i32 to index
        %get3A_85 = tpu.vector_load %arg9[%get3A_84] {strides = array<i32>} : memref<6400xi32, #tpu.memory_space<vmem>>, vector<16xi32>,
        %get3A_86 = arith.index_cast %mul3A_83 : i32 to index
        %get3A_87 = tpu.vector_load %arg11[%get3A_86] {strides = array<i32>} : memref<6400xi32, #tpu.memory_space<vmem>>, vector<16xi32>,
        %mul3A_88 = arith.constant 8 : i32
        %mul3A_89 = arith.muli %scan3A_68, %mul3A_88 : i32
        %add3A_90 = arith.constant 2 : i32
        %add3A_91 = arith.addi %mul3A_89, %add3A_90 : i32
        %mul3A_92 = arith.constant 16 : i32
        %mul3A_93 = arith.muli %add3A_91, %mul3A_92 : i32
        %get3A_94 = arith.index_cast %mul3A_93 : i32 to index
        %get3A_95 = tpu.vector_load %arg9[%get3A_94] {strides = array<i32>} : memref<6400xi32, #tpu.memory_space<vmem>>, vector<16xi32>,
        %get3A_96 = arith.index_cast %mul3A_93 : i32 to index
        %get3A_97 = tpu.vector_load %arg11[%get3A_96] {strides = array<i32>} : memref<6400xi32, #tpu.memory_space<vmem>>, vector<16xi32>,
        %mul3A_98 = arith.constant 8 : i32
        %mul3A_99 = arith.muli %scan3A_68, %mul3A_98 : i32
        %add3A_100 = arith.constant 3 : i32
        %add3A_101 = arith.addi %mul3A_99, %add3A_100 : i32
        %mul3A_102 = arith.constant 16 : i32
        %mul3A_103 = arith.muli %add3A_101, %mul3A_102 : i32
        %get3A_104 = arith.index_cast %mul3A_103 : i32 to index
        %get3A_105 = tpu.vector_load %arg9[%get3A_104] {strides = array<i32>} : memref<6400xi32, #tpu.memory_space<vmem>>, vector<16xi32>,
        %get3A_106 = arith.index_cast %mul3A_103 : i32 to index
        %get3A_107 = tpu.vector_load %arg11[%get3A_106] {strides = array<i32>} : memref<6400xi32, #tpu.memory_space<vmem>>, vector<16xi32>,
        %mul3A_108 = arith.constant 8 : i32
        %mul3A_109 = arith.muli %scan3A_68, %mul3A_108 : i32
        %add3A_110 = arith.constant 4 : i32
        %add3A_111 = arith.addi %mul3A_109, %add3A_110 : i32
        %mul3A_112 = arith.constant 16 : i32
        %mul3A_113 = arith.muli %add3A_111, %mul3A_112 : i32
        %get3A_114 = arith.index_cast %mul3A_113 : i32 to index
        %get3A_115 = tpu.vector_load %arg9[%get3A_114] {strides = array<i32>} : memref<6400xi32, #tpu.memory_space<vmem>>, vector<16xi32>,
        %get3A_116 = arith.index_cast %mul3A_113 : i32 to index
        %get3A_117 = tpu.vector_load %arg11[%get3A_116] {strides = array<i32>} : memref<6400xi32, #tpu.memory_space<vmem>>, vector<16xi32>,
        %mul3A_118 = arith.constant 8 : i32
        %mul3A_119 = arith.muli %scan3A_68, %mul3A_118 : i32
        %add3A_120 = arith.constant 5 : i32
        %add3A_121 = arith.addi %mul3A_119, %add3A_120 : i32
        %mul3A_122 = arith.constant 16 : i32
        %mul3A_123 = arith.muli %add3A_121, %mul3A_122 : i32
        %get3A_124 = arith.index_cast %mul3A_123 : i32 to index
        %get3A_125 = tpu.vector_load %arg9[%get3A_124] {strides = array<i32>} : memref<6400xi32, #tpu.memory_space<vmem>>, vector<16xi32>,
        %get3A_126 = arith.index_cast %mul3A_123 : i32 to index
        %get3A_127 = tpu.vector_load %arg11[%get3A_126] {strides = array<i32>} : memref<6400xi32, #tpu.memory_space<vmem>>, vector<16xi32>,
        %mul3A_128 = arith.constant 8 : i32
        %mul3A_129 = arith.muli %scan3A_68, %mul3A_128 : i32
        %add3A_130 = arith.constant 6 : i32
        %add3A_131 = arith.addi %mul3A_129, %add3A_130 : i32
        %mul3A_132 = arith.constant 16 : i32
        %mul3A_133 = arith.muli %add3A_131, %mul3A_132 : i32
        %get3A_134 = arith.index_cast %mul3A_133 : i32 to index
        %get3A_135 = tpu.vector_load %arg9[%get3A_134] {strides = array<i32>} : memref<6400xi32, #tpu.memory_space<vmem>>, vector<16xi32>,
        %get3A_136 = arith.index_cast %mul3A_133 : i32 to index
        %get3A_137 = tpu.vector_load %arg11[%get3A_136] {strides = array<i32>} : memref<6400xi32, #tpu.memory_space<vmem>>, vector<16xi32>,
        %mul3A_138 = arith.constant 8 : i32
        %mul3A_139 = arith.muli %scan3A_68, %mul3A_138 : i32
        %add3A_140 = arith.constant 7 : i32
        %add3A_141 = arith.addi %mul3A_139, %add3A_140 : i32
        %mul3A_142 = arith.constant 16 : i32
        %mul3A_143 = arith.muli %add3A_141, %mul3A_142 : i32
        %get3A_144 = arith.index_cast %mul3A_143 : i32 to index
        %get3A_145 = tpu.vector_load %arg9[%get3A_144] {strides = array<i32>} : memref<6400xi32, #tpu.memory_space<vmem>>, vector<16xi32>,
        %get3A_146 = arith.index_cast %mul3A_143 : i32 to index
        %get3A_147 = tpu.vector_load %arg11[%get3A_146] {strides = array<i32>} : memref<6400xi32, #tpu.memory_space<vmem>>, vector<16xi32>,
        %broadcast_in_dim3A_148 = arith.constant true
        %broadcast_in_dim3A_149 = vector.broadcast %broadcast_in_dim3A_148 : i1 to vector<16xi1>
        %unique3A, %unique3A_150 = tpu.scan_count mask(%broadcast_in_dim3A_149 : vector<16xi1>) value(%get3A_77 : vector<16xi32>) : vector<16xi1>, vector<16xi32>
        %not3A = arith.constant dense<true> : vector<16xi1>
        %not3A_151 = arith.xori %unique3A, %not3A : vector<16xi1>
        %add3A_152 = arith.constant 0 : i32
        %add3A_153 = vector.broadcast %add3A_152 : i32 to vector<16xi32>
        %add3A_154 = arith.addi %get3A_75, %add3A_153 : vector<16xi32>
        %gather3A = tpu.vector_load_idx %arg6[%add3A_154] : memref<40000xf32, #tpu.memory_space<vmem>>[vector<16xi32>], vector<16xf32>,
        %add3A_155 = arith.constant 10000 : i32
        %add3A_156 = vector.broadcast %add3A_155 : i32 to vector<16xi32>
        %add3A_157 = arith.addi %get3A_75, %add3A_156 : vector<16xi32>
        %gather3A_158 = tpu.vector_load_idx %arg6[%add3A_157] : memref<40000xf32, #tpu.memory_space<vmem>>[vector<16xi32>], vector<16xf32>,
        %add3A_159 = arith.constant 20000 : i32
        %add3A_160 = vector.broadcast %add3A_159 : i32 to vector<16xi32>
        %add3A_161 = arith.addi %get3A_75, %add3A_160 : vector<16xi32>
        %gather3A_162 = tpu.vector_load_idx %arg6[%add3A_161] : memref<40000xf32, #tpu.memory_space<vmem>>[vector<16xi32>], vector<16xf32>,
        %add3A_163 = arith.constant 30000 : i32
        %add3A_164 = vector.broadcast %add3A_163 : i32 to vector<16xi32>
        %add3A_165 = arith.addi %get3A_75, %add3A_164 : vector<16xi32>
        %gather3A_166 = tpu.vector_load_idx %arg6[%add3A_165] : memref<40000xf32, #tpu.memory_space<vmem>>[vector<16xi32>], vector<16xf32>,
        %add3A_167 = arith.constant 0 : i32
        %add3A_168 = vector.broadcast %add3A_167 : i32 to vector<16xi32>
        %add3A_169 = arith.addi %get3A_77, %add3A_168 : vector<16xi32>
        %gather3A_170 = tpu.vector_load_idx %arg7[%add3A_169] : memref<40000xf32, #tpu.memory_space<vmem>>[vector<16xi32>], vector<16xf32>,
        %add3A_171 = arith.constant 10000 : i32
        %add3A_172 = vector.broadcast %add3A_171 : i32 to vector<16xi32>
        %add3A_173 = arith.addi %get3A_77, %add3A_172 : vector<16xi32>
        %gather3A_174 = tpu.vector_load_idx %arg7[%add3A_173] : memref<40000xf32, #tpu.memory_space<vmem>>[vector<16xi32>], vector<16xf32>,
        %add3A_175 = arith.constant 20000 : i32
        %add3A_176 = vector.broadcast %add3A_175 : i32 to vector<16xi32>
        %add3A_177 = arith.addi %get3A_77, %add3A_176 : vector<16xi32>
        %gather3A_178 = tpu.vector_load_idx %arg7[%add3A_177] : memref<40000xf32, #tpu.memory_space<vmem>>[vector<16xi32>], vector<16xf32>,
        %add3A_179 = arith.constant 30000 : i32
        %add3A_180 = vector.broadcast %add3A_179 : i32 to vector<16xi32>
        %add3A_181 = arith.addi %get3A_77, %add3A_180 : vector<16xi32>
        %gather3A_182 = tpu.vector_load_idx %arg7[%add3A_181] : memref<40000xf32, #tpu.memory_space<vmem>>[vector<16xi32>], vector<16xf32>,
        %add3A_183 = arith.constant 0 : i32
        %add3A_184 = vector.broadcast %add3A_183 : i32 to vector<16xi32>
        %add3A_185 = arith.addi %get3A_77, %add3A_184 : vector<16xi32>
        %max3A = arith.maximumf %gather3A_170, %gather3A : vector<16xf32>
        tpu.vector_store_idx %arg7[%add3A_185], %max3A : memref<40000xf32, #tpu.memory_space<vmem>>[vector<16xi32>], vector<16xf32>,
        %add3A_186 = arith.constant 10000 : i32
        %add3A_187 = vector.broadcast %add3A_186 : i32 to vector<16xi32>
        %add3A_188 = arith.addi %get3A_77, %add3A_187 : vector<16xi32>
        %max3A_189 = arith.maximumf %gather3A_174, %gather3A_158 : vector<16xf32>
        tpu.vector_store_idx %arg7[%add3A_188], %max3A_189 : memref<40000xf32, #tpu.memory_space<vmem>>[vector<16xi32>], vector<16xf32>,
        %add3A_190 = arith.constant 20000 : i32
        %add3A_191 = vector.broadcast %add3A_190 : i32 to vector<16xi32>
        %add3A_192 = arith.addi %get3A_77, %add3A_191 : vector<16xi32>
        %max3A_193 = arith.maximumf %gather3A_178, %gather3A_162 : vector<16xf32>
        tpu.vector_store_idx %arg7[%add3A_192], %max3A_193 : memref<40000xf32, #tpu.memory_space<vmem>>[vector<16xi32>], vector<16xf32>,
        %add3A_194 = arith.constant 30000 : i32
        %add3A_195 = vector.broadcast %add3A_194 : i32 to vector<16xi32>
        %add3A_196 = arith.addi %get3A_77, %add3A_195 : vector<16xi32>
        %max3A_197 = arith.maximumf %gather3A_182, %gather3A_166 : vector<16xf32>
        tpu.vector_store_idx %arg7[%add3A_196], %max3A_197 : memref<40000xf32, #tpu.memory_space<vmem>>[vector<16xi32>], vector<16xf32>,
        %broadcast_in_dim3A_198 = arith.constant true
        %broadcast_in_dim3A_199 = vector.broadcast %broadcast_in_dim3A_198 : i1 to vector<16xi1>
        %unique3A_200, %unique3A_201 = tpu.scan_count mask(%broadcast_in_dim3A_199 : vector<16xi1>) value(%get3A_87 : vector<16xi32>) : vector<16xi1>, vector<16xi32>
        %not3A_202 = arith.constant dense<true> : vector<16xi1>
        %not3A_203 = arith.xori %unique3A_200, %not3A_202 : vector<16xi1>
        %add3A_204 = arith.constant 0 : i32
        %add3A_205 = vector.broadcast %add3A_204 : i32 to vector<16xi32>
        %add3A_206 = arith.addi %get3A_85, %add3A_205 : vector<16xi32>
        %gather3A_207 = tpu.vector_load_idx %arg6[%add3A_206] : memref<40000xf32, #tpu.memory_space<vmem>>[vector<16xi32>], vector<16xf32>,
        %add3A_208 = arith.constant 10000 : i32
        %add3A_209 = vector.broadcast %add3A_208 : i32 to vector<16xi32>
        %add3A_210 = arith.addi %get3A_85, %add3A_209 : vector<16xi32>
        %gather3A_211 = tpu.vector_load_idx %arg6[%add3A_210] : memref<40000xf32, #tpu.memory_space<vmem>>[vector<16xi32>], vector<16xf32>,
        %add3A_212 = arith.constant 20000 : i32
        %add3A_213 = vector.broadcast %add3A_212 : i32 to vector<16xi32>
        %add3A_214 = arith.addi %get3A_85, %add3A_213 : vector<16xi32>
        %gather3A_215 = tpu.vector_load_idx %arg6[%add3A_214] : memref<40000xf32, #tpu.memory_space<vmem>>[vector<16xi32>], vector<16xf32>,
        %add3A_216 = arith.constant 30000 : i32
        %add3A_217 = vector.broadcast %add3A_216 : i32 to vector<16xi32>
        %add3A_218 = arith.addi %get3A_85, %add3A_217 : vector<16xi32>
        %gather3A_219 = tpu.vector_load_idx %arg6[%add3A_218] : memref<40000xf32, #tpu.memory_space<vmem>>[vector<16xi32>], vector<16xf32>,
        %add3A_220 = arith.constant 0 : i32
        %add3A_221 = vector.broadcast %add3A_220 : i32 to vector<16xi32>
        %add3A_222 = arith.addi %get3A_87, %add3A_221 : vector<16xi32>
        %gather3A_223 = tpu.vector_load_idx %arg7[%add3A_222] : memref<40000xf32, #tpu.memory_space<vmem>>[vector<16xi32>], vector<16xf32>,
        %add3A_224 = arith.constant 10000 : i32
        %add3A_225 = vector.broadcast %add3A_224 : i32 to vector<16xi32>
        %add3A_226 = arith.addi %get3A_87, %add3A_225 : vector<16xi32>
        %gather3A_227 = tpu.vector_load_idx %arg7[%add3A_226] : memref<40000xf32, #tpu.memory_space<vmem>>[vector<16xi32>], vector<16xf32>,
        %add3A_228 = arith.constant 20000 : i32
        %add3A_229 = vector.broadcast %add3A_228 : i32 to vector<16xi32>
        %add3A_230 = arith.addi %get3A_87, %add3A_229 : vector<16xi32>
        %gather3A_231 = tpu.vector_load_idx %arg7[%add3A_230] : memref<40000xf32, #tpu.memory_space<vmem>>[vector<16xi32>], vector<16xf32>,
        %add3A_232 = arith.constant 30000 : i32
        %add3A_233 = vector.broadcast %add3A_232 : i32 to vector<16xi32>
        %add3A_234 = arith.addi %get3A_87, %add3A_233 : vector<16xi32>
        %gather3A_235 = tpu.vector_load_idx %arg7[%add3A_234] : memref<40000xf32, #tpu.memory_space<vmem>>[vector<16xi32>], vector<16xf32>,
        %add3A_236 = arith.constant 0 : i32
        %add3A_237 = vector.broadcast %add3A_236 : i32 to vector<16xi32>
        %add3A_238 = arith.addi %get3A_87, %add3A_237 : vector<16xi32>
        %max3A_239 = arith.maximumf %gather3A_223, %gather3A_207 : vector<16xf32>
        tpu.vector_store_idx %arg7[%add3A_238], %max3A_239 : memref<40000xf32, #tpu.memory_space<vmem>>[vector<16xi32>], vector<16xf32>,
        %add3A_240 = arith.constant 10000 : i32
        %add3A_241 = vector.broadcast %add3A_240 : i32 to vector<16xi32>
        %add3A_242 = arith.addi %get3A_87, %add3A_241 : vector<16xi32>
        %max3A_243 = arith.maximumf %gather3A_227, %gather3A_211 : vector<16xf32>
        tpu.vector_store_idx %arg7[%add3A_242], %max3A_243 : memref<40000xf32, #tpu.memory_space<vmem>>[vector<16xi32>], vector<16xf32>,
        %add3A_244 = arith.constant 20000 : i32
        %add3A_245 = vector.broadcast %add3A_244 : i32 to vector<16xi32>
        %add3A_246 = arith.addi %get3A_87, %add3A_245 : vector<16xi32>
        %max3A_247 = arith.maximumf %gather3A_231, %gather3A_215 : vector<16xf32>
        tpu.vector_store_idx %arg7[%add3A_246], %max3A_247 : memref<40000xf32, #tpu.memory_space<vmem>>[vector<16xi32>], vector<16xf32>,
        %add3A_248 = arith.constant 30000 : i32
        %add3A_249 = vector.broadcast %add3A_248 : i32 to vector<16xi32>
        %add3A_250 = arith.addi %get3A_87, %add3A_249 : vector<16xi32>
        %max3A_251 = arith.maximumf %gather3A_235, %gather3A_219 : vector<16xf32>
        tpu.vector_store_idx %arg7[%add3A_250], %max3A_251 : memref<40000xf32, #tpu.memory_space<vmem>>[vector<16xi32>], vector<16xf32>,
        %broadcast_in_dim3A_252 = arith.constant true
        %broadcast_in_dim3A_253 = vector.broadcast %broadcast_in_dim3A_252 : i1 to vector<16xi1>
        %unique3A_254, %unique3A_255 = tpu.scan_count mask(%broadcast_in_dim3A_253 : vector<16xi1>) value(%get3A_97 : vector<16xi32>) : vector<16xi1>, vector<16xi32>
        %not3A_256 = arith.constant dense<true> : vector<16xi1>
        %not3A_257 = arith.xori %unique3A_254, %not3A_256 : vector<16xi1>
        %add3A_258 = arith.constant 0 : i32
        %add3A_259 = vector.broadcast %add3A_258 : i32 to vector<16xi32>
        %add3A_260 = arith.addi %get3A_95, %add3A_259 : vector<16xi32>
        %gather3A_261 = tpu.vector_load_idx %arg6[%add3A_260] : memref<40000xf32, #tpu.memory_space<vmem>>[vector<16xi32>], vector<16xf32>,
        %add3A_262 = arith.constant 10000 : i32
        %add3A_263 = vector.broadcast %add3A_262 : i32 to vector<16xi32>
        %add3A_264 = arith.addi %get3A_95, %add3A_263 : vector<16xi32>
        %gather3A_265 = tpu.vector_load_idx %arg6[%add3A_264] : memref<40000xf32, #tpu.memory_space<vmem>>[vector<16xi32>], vector<16xf32>,
        %add3A_266 = arith.constant 20000 : i32
        %add3A_267 = vector.broadcast %add3A_266 : i32 to vector<16xi32>
        %add3A_268 = arith.addi %get3A_95, %add3A_267 : vector<16xi32>
        %gather3A_269 = tpu.vector_load_idx %arg6[%add3A_268] : memref<40000xf32, #tpu.memory_space<vmem>>[vector<16xi32>], vector<16xf32>,
        %add3A_270 = arith.constant 30000 : i32
        %add3A_271 = vector.broadcast %add3A_270 : i32 to vector<16xi32>
        %add3A_272 = arith.addi %get3A_95, %add3A_271 : vector<16xi32>
        %gather3A_273 = tpu.vector_load_idx %arg6[%add3A_272] : memref<40000xf32, #tpu.memory_space<vmem>>[vector<16xi32>], vector<16xf32>,
        %add3A_274 = arith.constant 0 : i32
        %add3A_275 = vector.broadcast %add3A_274 : i32 to vector<16xi32>
        %add3A_276 = arith.addi %get3A_97, %add3A_275 : vector<16xi32>
        %gather3A_277 = tpu.vector_load_idx %arg7[%add3A_276] : memref<40000xf32, #tpu.memory_space<vmem>>[vector<16xi32>], vector<16xf32>,
        %add3A_278 = arith.constant 10000 : i32
        %add3A_279 = vector.broadcast %add3A_278 : i32 to vector<16xi32>
        %add3A_280 = arith.addi %get3A_97, %add3A_279 : vector<16xi32>
        %gather3A_281 = tpu.vector_load_idx %arg7[%add3A_280] : memref<40000xf32, #tpu.memory_space<vmem>>[vector<16xi32>], vector<16xf32>,
        %add3A_282 = arith.constant 20000 : i32
        %add3A_283 = vector.broadcast %add3A_282 : i32 to vector<16xi32>
        %add3A_284 = arith.addi %get3A_97, %add3A_283 : vector<16xi32>
        %gather3A_285 = tpu.vector_load_idx %arg7[%add3A_284] : memref<40000xf32, #tpu.memory_space<vmem>>[vector<16xi32>], vector<16xf32>,
        %add3A_286 = arith.constant 30000 : i32
        %add3A_287 = vector.broadcast %add3A_286 : i32 to vector<16xi32>
        %add3A_288 = arith.addi %get3A_97, %add3A_287 : vector<16xi32>
        %gather3A_289 = tpu.vector_load_idx %arg7[%add3A_288] : memref<40000xf32, #tpu.memory_space<vmem>>[vector<16xi32>], vector<16xf32>,
        %add3A_290 = arith.constant 0 : i32
        %add3A_291 = vector.broadcast %add3A_290 : i32 to vector<16xi32>
        %add3A_292 = arith.addi %get3A_97, %add3A_291 : vector<16xi32>
        %max3A_293 = arith.maximumf %gather3A_277, %gather3A_261 : vector<16xf32>
        tpu.vector_store_idx %arg7[%add3A_292], %max3A_293 : memref<40000xf32, #tpu.memory_space<vmem>>[vector<16xi32>], vector<16xf32>,
        %add3A_294 = arith.constant 10000 : i32
        %add3A_295 = vector.broadcast %add3A_294 : i32 to vector<16xi32>
        %add3A_296 = arith.addi %get3A_97, %add3A_295 : vector<16xi32>
        %max3A_297 = arith.maximumf %gather3A_281, %gather3A_265 : vector<16xf32>
        tpu.vector_store_idx %arg7[%add3A_296], %max3A_297 : memref<40000xf32, #tpu.memory_space<vmem>>[vector<16xi32>], vector<16xf32>,
        %add3A_298 = arith.constant 20000 : i32
        %add3A_299 = vector.broadcast %add3A_298 : i32 to vector<16xi32>
        %add3A_300 = arith.addi %get3A_97, %add3A_299 : vector<16xi32>
        %max3A_301 = arith.maximumf %gather3A_285, %gather3A_269 : vector<16xf32>
        tpu.vector_store_idx %arg7[%add3A_300], %max3A_301 : memref<40000xf32, #tpu.memory_space<vmem>>[vector<16xi32>], vector<16xf32>,
        %add3A_302 = arith.constant 30000 : i32
        %add3A_303 = vector.broadcast %add3A_302 : i32 to vector<16xi32>
        %add3A_304 = arith.addi %get3A_97, %add3A_303 : vector<16xi32>
        %max3A_305 = arith.maximumf %gather3A_289, %gather3A_273 : vector<16xf32>
        tpu.vector_store_idx %arg7[%add3A_304], %max3A_305 : memref<40000xf32, #tpu.memory_space<vmem>>[vector<16xi32>], vector<16xf32>,
        %broadcast_in_dim3A_306 = arith.constant true
        %broadcast_in_dim3A_307 = vector.broadcast %broadcast_in_dim3A_306 : i1 to vector<16xi1>
        %unique3A_308, %unique3A_309 = tpu.scan_count mask(%broadcast_in_dim3A_307 : vector<16xi1>) value(%get3A_107 : vector<16xi32>) : vector<16xi1>, vector<16xi32>
        %not3A_310 = arith.constant dense<true> : vector<16xi1>
        %not3A_311 = arith.xori %unique3A_308, %not3A_310 : vector<16xi1>
        %add3A_312 = arith.constant 0 : i32
        %add3A_313 = vector.broadcast %add3A_312 : i32 to vector<16xi32>
        %add3A_314 = arith.addi %get3A_105, %add3A_313 : vector<16xi32>
        %gather3A_315 = tpu.vector_load_idx %arg6[%add3A_314] : memref<40000xf32, #tpu.memory_space<vmem>>[vector<16xi32>], vector<16xf32>,
        %add3A_316 = arith.constant 10000 : i32
        %add3A_317 = vector.broadcast %add3A_316 : i32 to vector<16xi32>
        %add3A_318 = arith.addi %get3A_105, %add3A_317 : vector<16xi32>
        %gather3A_319 = tpu.vector_load_idx %arg6[%add3A_318] : memref<40000xf32, #tpu.memory_space<vmem>>[vector<16xi32>], vector<16xf32>,
        %add3A_320 = arith.constant 20000 : i32
        %add3A_321 = vector.broadcast %add3A_320 : i32 to vector<16xi32>
        %add3A_322 = arith.addi %get3A_105, %add3A_321 : vector<16xi32>
        %gather3A_323 = tpu.vector_load_idx %arg6[%add3A_322] : memref<40000xf32, #tpu.memory_space<vmem>>[vector<16xi32>], vector<16xf32>,
        %add3A_324 = arith.constant 30000 : i32
        %add3A_325 = vector.broadcast %add3A_324 : i32 to vector<16xi32>
        %add3A_326 = arith.addi %get3A_105, %add3A_325 : vector<16xi32>
        %gather3A_327 = tpu.vector_load_idx %arg6[%add3A_326] : memref<40000xf32, #tpu.memory_space<vmem>>[vector<16xi32>], vector<16xf32>,
        %add3A_328 = arith.constant 0 : i32
        %add3A_329 = vector.broadcast %add3A_328 : i32 to vector<16xi32>
        %add3A_330 = arith.addi %get3A_107, %add3A_329 : vector<16xi32>
        %gather3A_331 = tpu.vector_load_idx %arg7[%add3A_330] : memref<40000xf32, #tpu.memory_space<vmem>>[vector<16xi32>], vector<16xf32>,
        %add3A_332 = arith.constant 10000 : i32
        %add3A_333 = vector.broadcast %add3A_332 : i32 to vector<16xi32>
        %add3A_334 = arith.addi %get3A_107, %add3A_333 : vector<16xi32>
        %gather3A_335 = tpu.vector_load_idx %arg7[%add3A_334] : memref<40000xf32, #tpu.memory_space<vmem>>[vector<16xi32>], vector<16xf32>,
        %add3A_336 = arith.constant 20000 : i32
        %add3A_337 = vector.broadcast %add3A_336 : i32 to vector<16xi32>
        %add3A_338 = arith.addi %get3A_107, %add3A_337 : vector<16xi32>
        %gather3A_339 = tpu.vector_load_idx %arg7[%add3A_338] : memref<40000xf32, #tpu.memory_space<vmem>>[vector<16xi32>], vector<16xf32>,
        %add3A_340 = arith.constant 30000 : i32
        %add3A_341 = vector.broadcast %add3A_340 : i32 to vector<16xi32>
        %add3A_342 = arith.addi %get3A_107, %add3A_341 : vector<16xi32>
        %gather3A_343 = tpu.vector_load_idx %arg7[%add3A_342] : memref<40000xf32, #tpu.memory_space<vmem>>[vector<16xi32>], vector<16xf32>,
        %add3A_344 = arith.constant 0 : i32
        %add3A_345 = vector.broadcast %add3A_344 : i32 to vector<16xi32>
        %add3A_346 = arith.addi %get3A_107, %add3A_345 : vector<16xi32>
        %max3A_347 = arith.maximumf %gather3A_331, %gather3A_315 : vector<16xf32>
        tpu.vector_store_idx %arg7[%add3A_346], %max3A_347 : memref<40000xf32, #tpu.memory_space<vmem>>[vector<16xi32>], vector<16xf32>,
        %add3A_348 = arith.constant 10000 : i32
        %add3A_349 = vector.broadcast %add3A_348 : i32 to vector<16xi32>
        %add3A_350 = arith.addi %get3A_107, %add3A_349 : vector<16xi32>
        %max3A_351 = arith.maximumf %gather3A_335, %gather3A_319 : vector<16xf32>
        tpu.vector_store_idx %arg7[%add3A_350], %max3A_351 : memref<40000xf32, #tpu.memory_space<vmem>>[vector<16xi32>], vector<16xf32>,
        %add3A_352 = arith.constant 20000 : i32
        %add3A_353 = vector.broadcast %add3A_352 : i32 to vector<16xi32>
        %add3A_354 = arith.addi %get3A_107, %add3A_353 : vector<16xi32>
        %max3A_355 = arith.maximumf %gather3A_339, %gather3A_323 : vector<16xf32>
        tpu.vector_store_idx %arg7[%add3A_354], %max3A_355 : memref<40000xf32, #tpu.memory_space<vmem>>[vector<16xi32>], vector<16xf32>,
        %add3A_356 = arith.constant 30000 : i32
        %add3A_357 = vector.broadcast %add3A_356 : i32 to vector<16xi32>
        %add3A_358 = arith.addi %get3A_107, %add3A_357 : vector<16xi32>
        %max3A_359 = arith.maximumf %gather3A_343, %gather3A_327 : vector<16xf32>
        tpu.vector_store_idx %arg7[%add3A_358], %max3A_359 : memref<40000xf32, #tpu.memory_space<vmem>>[vector<16xi32>], vector<16xf32>,
        %broadcast_in_dim3A_360 = arith.constant true
        %broadcast_in_dim3A_361 = vector.broadcast %broadcast_in_dim3A_360 : i1 to vector<16xi1>
        %unique3A_362, %unique3A_363 = tpu.scan_count mask(%broadcast_in_dim3A_361 : vector<16xi1>) value(%get3A_117 : vector<16xi32>) : vector<16xi1>, vector<16xi32>
        %not3A_364 = arith.constant dense<true> : vector<16xi1>
        %not3A_365 = arith.xori %unique3A_362, %not3A_364 : vector<16xi1>
        %add3A_366 = arith.constant 0 : i32
        %add3A_367 = vector.broadcast %add3A_366 : i32 to vector<16xi32>
        %add3A_368 = arith.addi %get3A_115, %add3A_367 : vector<16xi32>
        %gather3A_369 = tpu.vector_load_idx %arg6[%add3A_368] : memref<40000xf32, #tpu.memory_space<vmem>>[vector<16xi32>], vector<16xf32>,
        %add3A_370 = arith.constant 10000 : i32
        %add3A_371 = vector.broadcast %add3A_370 : i32 to vector<16xi32>
        %add3A_372 = arith.addi %get3A_115, %add3A_371 : vector<16xi32>
        %gather3A_373 = tpu.vector_load_idx %arg6[%add3A_372] : memref<40000xf32, #tpu.memory_space<vmem>>[vector<16xi32>], vector<16xf32>,
        %add3A_374 = arith.constant 20000 : i32
        %add3A_375 = vector.broadcast %add3A_374 : i32 to vector<16xi32>
        %add3A_376 = arith.addi %get3A_115, %add3A_375 : vector<16xi32>
        %gather3A_377 = tpu.vector_load_idx %arg6[%add3A_376] : memref<40000xf32, #tpu.memory_space<vmem>>[vector<16xi32>], vector<16xf32>,
        %add3A_378 = arith.constant 30000 : i32
        %add3A_379 = vector.broadcast %add3A_378 : i32 to vector<16xi32>
        %add3A_380 = arith.addi %get3A_115, %add3A_379 : vector<16xi32>
        %gather3A_381 = tpu.vector_load_idx %arg6[%add3A_380] : memref<40000xf32, #tpu.memory_space<vmem>>[vector<16xi32>], vector<16xf32>,
        %add3A_382 = arith.constant 0 : i32
        %add3A_383 = vector.broadcast %add3A_382 : i32 to vector<16xi32>
        %add3A_384 = arith.addi %get3A_117, %add3A_383 : vector<16xi32>
        %gather3A_385 = tpu.vector_load_idx %arg7[%add3A_384] : memref<40000xf32, #tpu.memory_space<vmem>>[vector<16xi32>], vector<16xf32>,
        %add3A_386 = arith.constant 10000 : i32
        %add3A_387 = vector.broadcast %add3A_386 : i32 to vector<16xi32>
        %add3A_388 = arith.addi %get3A_117, %add3A_387 : vector<16xi32>
        %gather3A_389 = tpu.vector_load_idx %arg7[%add3A_388] : memref<40000xf32, #tpu.memory_space<vmem>>[vector<16xi32>], vector<16xf32>,
        %add3A_390 = arith.constant 20000 : i32
        %add3A_391 = vector.broadcast %add3A_390 : i32 to vector<16xi32>
        %add3A_392 = arith.addi %get3A_117, %add3A_391 : vector<16xi32>
        %gather3A_393 = tpu.vector_load_idx %arg7[%add3A_392] : memref<40000xf32, #tpu.memory_space<vmem>>[vector<16xi32>], vector<16xf32>,
        %add3A_394 = arith.constant 30000 : i32
        %add3A_395 = vector.broadcast %add3A_394 : i32 to vector<16xi32>
        %add3A_396 = arith.addi %get3A_117, %add3A_395 : vector<16xi32>
        %gather3A_397 = tpu.vector_load_idx %arg7[%add3A_396] : memref<40000xf32, #tpu.memory_space<vmem>>[vector<16xi32>], vector<16xf32>,
        %add3A_398 = arith.constant 0 : i32
        %add3A_399 = vector.broadcast %add3A_398 : i32 to vector<16xi32>
        %add3A_400 = arith.addi %get3A_117, %add3A_399 : vector<16xi32>
        %max3A_401 = arith.maximumf %gather3A_385, %gather3A_369 : vector<16xf32>
        tpu.vector_store_idx %arg7[%add3A_400], %max3A_401 : memref<40000xf32, #tpu.memory_space<vmem>>[vector<16xi32>], vector<16xf32>,
        %add3A_402 = arith.constant 10000 : i32
        %add3A_403 = vector.broadcast %add3A_402 : i32 to vector<16xi32>
        %add3A_404 = arith.addi %get3A_117, %add3A_403 : vector<16xi32>
        %max3A_405 = arith.maximumf %gather3A_389, %gather3A_373 : vector<16xf32>
        tpu.vector_store_idx %arg7[%add3A_404], %max3A_405 : memref<40000xf32, #tpu.memory_space<vmem>>[vector<16xi32>], vector<16xf32>,
        %add3A_406 = arith.constant 20000 : i32
        %add3A_407 = vector.broadcast %add3A_406 : i32 to vector<16xi32>
        %add3A_408 = arith.addi %get3A_117, %add3A_407 : vector<16xi32>
        %max3A_409 = arith.maximumf %gather3A_393, %gather3A_377 : vector<16xf32>
        tpu.vector_store_idx %arg7[%add3A_408], %max3A_409 : memref<40000xf32, #tpu.memory_space<vmem>>[vector<16xi32>], vector<16xf32>,
        %add3A_410 = arith.constant 30000 : i32
        %add3A_411 = vector.broadcast %add3A_410 : i32 to vector<16xi32>
        %add3A_412 = arith.addi %get3A_117, %add3A_411 : vector<16xi32>
        %max3A_413 = arith.maximumf %gather3A_397, %gather3A_381 : vector<16xf32>
        tpu.vector_store_idx %arg7[%add3A_412], %max3A_413 : memref<40000xf32, #tpu.memory_space<vmem>>[vector<16xi32>], vector<16xf32>,
        %broadcast_in_dim3A_414 = arith.constant true
        %broadcast_in_dim3A_415 = vector.broadcast %broadcast_in_dim3A_414 : i1 to vector<16xi1>
        %unique3A_416, %unique3A_417 = tpu.scan_count mask(%broadcast_in_dim3A_415 : vector<16xi1>) value(%get3A_127 : vector<16xi32>) : vector<16xi1>, vector<16xi32>
        %not3A_418 = arith.constant dense<true> : vector<16xi1>
        %not3A_419 = arith.xori %unique3A_416, %not3A_418 : vector<16xi1>
        %add3A_420 = arith.constant 0 : i32
        %add3A_421 = vector.broadcast %add3A_420 : i32 to vector<16xi32>
        %add3A_422 = arith.addi %get3A_125, %add3A_421 : vector<16xi32>
        %gather3A_423 = tpu.vector_load_idx %arg6[%add3A_422] : memref<40000xf32, #tpu.memory_space<vmem>>[vector<16xi32>], vector<16xf32>,
        %add3A_424 = arith.constant 10000 : i32
        %add3A_425 = vector.broadcast %add3A_424 : i32 to vector<16xi32>
        %add3A_426 = arith.addi %get3A_125, %add3A_425 : vector<16xi32>
        %gather3A_427 = tpu.vector_load_idx %arg6[%add3A_426] : memref<40000xf32, #tpu.memory_space<vmem>>[vector<16xi32>], vector<16xf32>,
        %add3A_428 = arith.constant 20000 : i32
        %add3A_429 = vector.broadcast %add3A_428 : i32 to vector<16xi32>
        %add3A_430 = arith.addi %get3A_125, %add3A_429 : vector<16xi32>
        %gather3A_431 = tpu.vector_load_idx %arg6[%add3A_430] : memref<40000xf32, #tpu.memory_space<vmem>>[vector<16xi32>], vector<16xf32>,
        %add3A_432 = arith.constant 30000 : i32
        %add3A_433 = vector.broadcast %add3A_432 : i32 to vector<16xi32>
        %add3A_434 = arith.addi %get3A_125, %add3A_433 : vector<16xi32>
        %gather3A_435 = tpu.vector_load_idx %arg6[%add3A_434] : memref<40000xf32, #tpu.memory_space<vmem>>[vector<16xi32>], vector<16xf32>,
        %add3A_436 = arith.constant 0 : i32
        %add3A_437 = vector.broadcast %add3A_436 : i32 to vector<16xi32>
        %add3A_438 = arith.addi %get3A_127, %add3A_437 : vector<16xi32>
        %gather3A_439 = tpu.vector_load_idx %arg7[%add3A_438] : memref<40000xf32, #tpu.memory_space<vmem>>[vector<16xi32>], vector<16xf32>,
        %add3A_440 = arith.constant 10000 : i32
        %add3A_441 = vector.broadcast %add3A_440 : i32 to vector<16xi32>
        %add3A_442 = arith.addi %get3A_127, %add3A_441 : vector<16xi32>
        %gather3A_443 = tpu.vector_load_idx %arg7[%add3A_442] : memref<40000xf32, #tpu.memory_space<vmem>>[vector<16xi32>], vector<16xf32>,
        %add3A_444 = arith.constant 20000 : i32
        %add3A_445 = vector.broadcast %add3A_444 : i32 to vector<16xi32>
        %add3A_446 = arith.addi %get3A_127, %add3A_445 : vector<16xi32>
        %gather3A_447 = tpu.vector_load_idx %arg7[%add3A_446] : memref<40000xf32, #tpu.memory_space<vmem>>[vector<16xi32>], vector<16xf32>,
        %add3A_448 = arith.constant 30000 : i32
        %add3A_449 = vector.broadcast %add3A_448 : i32 to vector<16xi32>
        %add3A_450 = arith.addi %get3A_127, %add3A_449 : vector<16xi32>
        %gather3A_451 = tpu.vector_load_idx %arg7[%add3A_450] : memref<40000xf32, #tpu.memory_space<vmem>>[vector<16xi32>], vector<16xf32>,
        %add3A_452 = arith.constant 0 : i32
        %add3A_453 = vector.broadcast %add3A_452 : i32 to vector<16xi32>
        %add3A_454 = arith.addi %get3A_127, %add3A_453 : vector<16xi32>
        %max3A_455 = arith.maximumf %gather3A_439, %gather3A_423 : vector<16xf32>
        tpu.vector_store_idx %arg7[%add3A_454], %max3A_455 : memref<40000xf32, #tpu.memory_space<vmem>>[vector<16xi32>], vector<16xf32>,
        %add3A_456 = arith.constant 10000 : i32
        %add3A_457 = vector.broadcast %add3A_456 : i32 to vector<16xi32>
        %add3A_458 = arith.addi %get3A_127, %add3A_457 : vector<16xi32>
        %max3A_459 = arith.maximumf %gather3A_443, %gather3A_427 : vector<16xf32>
        tpu.vector_store_idx %arg7[%add3A_458], %max3A_459 : memref<40000xf32, #tpu.memory_space<vmem>>[vector<16xi32>], vector<16xf32>,
        %add3A_460 = arith.constant 20000 : i32
        %add3A_461 = vector.broadcast %add3A_460 : i32 to vector<16xi32>
        %add3A_462 = arith.addi %get3A_127, %add3A_461 : vector<16xi32>
        %max3A_463 = arith.maximumf %gather3A_447, %gather3A_431 : vector<16xf32>
        tpu.vector_store_idx %arg7[%add3A_462], %max3A_463 : memref<40000xf32, #tpu.memory_space<vmem>>[vector<16xi32>], vector<16xf32>,
        %add3A_464 = arith.constant 30000 : i32
        %add3A_465 = vector.broadcast %add3A_464 : i32 to vector<16xi32>
        %add3A_466 = arith.addi %get3A_127, %add3A_465 : vector<16xi32>
        %max3A_467 = arith.maximumf %gather3A_451, %gather3A_435 : vector<16xf32>
        tpu.vector_store_idx %arg7[%add3A_466], %max3A_467 : memref<40000xf32, #tpu.memory_space<vmem>>[vector<16xi32>], vector<16xf32>,
        %broadcast_in_dim3A_468 = arith.constant true
        %broadcast_in_dim3A_469 = vector.broadcast %broadcast_in_dim3A_468 : i1 to vector<16xi1>
        %unique3A_470, %unique3A_471 = tpu.scan_count mask(%broadcast_in_dim3A_469 : vector<16xi1>) value(%get3A_137 : vector<16xi32>) : vector<16xi1>, vector<16xi32>
        %not3A_472 = arith.constant dense<true> : vector<16xi1>
        %not3A_473 = arith.xori %unique3A_470, %not3A_472 : vector<16xi1>
        %add3A_474 = arith.constant 0 : i32
        %add3A_475 = vector.broadcast %add3A_474 : i32 to vector<16xi32>
        %add3A_476 = arith.addi %get3A_135, %add3A_475 : vector<16xi32>
        %gather3A_477 = tpu.vector_load_idx %arg6[%add3A_476] : memref<40000xf32, #tpu.memory_space<vmem>>[vector<16xi32>], vector<16xf32>,
        %add3A_478 = arith.constant 10000 : i32
        %add3A_479 = vector.broadcast %add3A_478 : i32 to vector<16xi32>
        %add3A_480 = arith.addi %get3A_135, %add3A_479 : vector<16xi32>
        %gather3A_481 = tpu.vector_load_idx %arg6[%add3A_480] : memref<40000xf32, #tpu.memory_space<vmem>>[vector<16xi32>], vector<16xf32>,
        %add3A_482 = arith.constant 20000 : i32
        %add3A_483 = vector.broadcast %add3A_482 : i32 to vector<16xi32>
        %add3A_484 = arith.addi %get3A_135, %add3A_483 : vector<16xi32>
        %gather3A_485 = tpu.vector_load_idx %arg6[%add3A_484] : memref<40000xf32, #tpu.memory_space<vmem>>[vector<16xi32>], vector<16xf32>,
        %add3A_486 = arith.constant 30000 : i32
        %add3A_487 = vector.broadcast %add3A_486 : i32 to vector<16xi32>
        %add3A_488 = arith.addi %get3A_135, %add3A_487 : vector<16xi32>
        %gather3A_489 = tpu.vector_load_idx %arg6[%add3A_488] : memref<40000xf32, #tpu.memory_space<vmem>>[vector<16xi32>], vector<16xf32>,
        %add3A_490 = arith.constant 0 : i32
        %add3A_491 = vector.broadcast %add3A_490 : i32 to vector<16xi32>
        %add3A_492 = arith.addi %get3A_137, %add3A_491 : vector<16xi32>
        %gather3A_493 = tpu.vector_load_idx %arg7[%add3A_492] : memref<40000xf32, #tpu.memory_space<vmem>>[vector<16xi32>], vector<16xf32>,
        %add3A_494 = arith.constant 10000 : i32
        %add3A_495 = vector.broadcast %add3A_494 : i32 to vector<16xi32>
        %add3A_496 = arith.addi %get3A_137, %add3A_495 : vector<16xi32>
        %gather3A_497 = tpu.vector_load_idx %arg7[%add3A_496] : memref<40000xf32, #tpu.memory_space<vmem>>[vector<16xi32>], vector<16xf32>,
        %add3A_498 = arith.constant 20000 : i32
        %add3A_499 = vector.broadcast %add3A_498 : i32 to vector<16xi32>
        %add3A_500 = arith.addi %get3A_137, %add3A_499 : vector<16xi32>
        %gather3A_501 = tpu.vector_load_idx %arg7[%add3A_500] : memref<40000xf32, #tpu.memory_space<vmem>>[vector<16xi32>], vector<16xf32>,
        %add3A_502 = arith.constant 30000 : i32
        %add3A_503 = vector.broadcast %add3A_502 : i32 to vector<16xi32>
        %add3A_504 = arith.addi %get3A_137, %add3A_503 : vector<16xi32>
        %gather3A_505 = tpu.vector_load_idx %arg7[%add3A_504] : memref<40000xf32, #tpu.memory_space<vmem>>[vector<16xi32>], vector<16xf32>,
        %add3A_506 = arith.constant 0 : i32
        %add3A_507 = vector.broadcast %add3A_506 : i32 to vector<16xi32>
        %add3A_508 = arith.addi %get3A_137, %add3A_507 : vector<16xi32>
        %max3A_509 = arith.maximumf %gather3A_493, %gather3A_477 : vector<16xf32>
        tpu.vector_store_idx %arg7[%add3A_508], %max3A_509 : memref<40000xf32, #tpu.memory_space<vmem>>[vector<16xi32>], vector<16xf32>,
        %add3A_510 = arith.constant 10000 : i32
        %add3A_511 = vector.broadcast %add3A_510 : i32 to vector<16xi32>
        %add3A_512 = arith.addi %get3A_137, %add3A_511 : vector<16xi32>
        %max3A_513 = arith.maximumf %gather3A_497, %gather3A_481 : vector<16xf32>
        tpu.vector_store_idx %arg7[%add3A_512], %max3A_513 : memref<40000xf32, #tpu.memory_space<vmem>>[vector<16xi32>], vector<16xf32>,
        %add3A_514 = arith.constant 20000 : i32
        %add3A_515 = vector.broadcast %add3A_514 : i32 to vector<16xi32>
        %add3A_516 = arith.addi %get3A_137, %add3A_515 : vector<16xi32>
        %max3A_517 = arith.maximumf %gather3A_501, %gather3A_485 : vector<16xf32>
        tpu.vector_store_idx %arg7[%add3A_516], %max3A_517 : memref<40000xf32, #tpu.memory_space<vmem>>[vector<16xi32>], vector<16xf32>,
        %add3A_518 = arith.constant 30000 : i32
        %add3A_519 = vector.broadcast %add3A_518 : i32 to vector<16xi32>
        %add3A_520 = arith.addi %get3A_137, %add3A_519 : vector<16xi32>
        %max3A_521 = arith.maximumf %gather3A_505, %gather3A_489 : vector<16xf32>
        tpu.vector_store_idx %arg7[%add3A_520], %max3A_521 : memref<40000xf32, #tpu.memory_space<vmem>>[vector<16xi32>], vector<16xf32>,
        %broadcast_in_dim3A_522 = arith.constant true
        %broadcast_in_dim3A_523 = vector.broadcast %broadcast_in_dim3A_522 : i1 to vector<16xi1>
        %unique3A_524, %unique3A_525 = tpu.scan_count mask(%broadcast_in_dim3A_523 : vector<16xi1>) value(%get3A_147 : vector<16xi32>) : vector<16xi1>, vector<16xi32>
        %not3A_526 = arith.constant dense<true> : vector<16xi1>
        %not3A_527 = arith.xori %unique3A_524, %not3A_526 : vector<16xi1>
        %add3A_528 = arith.constant 0 : i32
        %add3A_529 = vector.broadcast %add3A_528 : i32 to vector<16xi32>
        %add3A_530 = arith.addi %get3A_145, %add3A_529 : vector<16xi32>
        %gather3A_531 = tpu.vector_load_idx %arg6[%add3A_530] : memref<40000xf32, #tpu.memory_space<vmem>>[vector<16xi32>], vector<16xf32>,
        %add3A_532 = arith.constant 10000 : i32
        %add3A_533 = vector.broadcast %add3A_532 : i32 to vector<16xi32>
        %add3A_534 = arith.addi %get3A_145, %add3A_533 : vector<16xi32>
        %gather3A_535 = tpu.vector_load_idx %arg6[%add3A_534] : memref<40000xf32, #tpu.memory_space<vmem>>[vector<16xi32>], vector<16xf32>,
        %add3A_536 = arith.constant 20000 : i32
        %add3A_537 = vector.broadcast %add3A_536 : i32 to vector<16xi32>
        %add3A_538 = arith.addi %get3A_145, %add3A_537 : vector<16xi32>
        %gather3A_539 = tpu.vector_load_idx %arg6[%add3A_538] : memref<40000xf32, #tpu.memory_space<vmem>>[vector<16xi32>], vector<16xf32>,
        %add3A_540 = arith.constant 30000 : i32
        %add3A_541 = vector.broadcast %add3A_540 : i32 to vector<16xi32>
        %add3A_542 = arith.addi %get3A_145, %add3A_541 : vector<16xi32>
        %gather3A_543 = tpu.vector_load_idx %arg6[%add3A_542] : memref<40000xf32, #tpu.memory_space<vmem>>[vector<16xi32>], vector<16xf32>,
        %add3A_544 = arith.constant 0 : i32
        %add3A_545 = vector.broadcast %add3A_544 : i32 to vector<16xi32>
        %add3A_546 = arith.addi %get3A_147, %add3A_545 : vector<16xi32>
        %gather3A_547 = tpu.vector_load_idx %arg7[%add3A_546] : memref<40000xf32, #tpu.memory_space<vmem>>[vector<16xi32>], vector<16xf32>,
        %add3A_548 = arith.constant 10000 : i32
        %add3A_549 = vector.broadcast %add3A_548 : i32 to vector<16xi32>
        %add3A_550 = arith.addi %get3A_147, %add3A_549 : vector<16xi32>
        %gather3A_551 = tpu.vector_load_idx %arg7[%add3A_550] : memref<40000xf32, #tpu.memory_space<vmem>>[vector<16xi32>], vector<16xf32>,
        %add3A_552 = arith.constant 20000 : i32
        %add3A_553 = vector.broadcast %add3A_552 : i32 to vector<16xi32>
        %add3A_554 = arith.addi %get3A_147, %add3A_553 : vector<16xi32>
        %gather3A_555 = tpu.vector_load_idx %arg7[%add3A_554] : memref<40000xf32, #tpu.memory_space<vmem>>[vector<16xi32>], vector<16xf32>,
        %add3A_556 = arith.constant 30000 : i32
        %add3A_557 = vector.broadcast %add3A_556 : i32 to vector<16xi32>
        %add3A_558 = arith.addi %get3A_147, %add3A_557 : vector<16xi32>
        %gather3A_559 = tpu.vector_load_idx %arg7[%add3A_558] : memref<40000xf32, #tpu.memory_space<vmem>>[vector<16xi32>], vector<16xf32>,
        %add3A_560 = arith.constant 0 : i32
        %add3A_561 = vector.broadcast %add3A_560 : i32 to vector<16xi32>
        %add3A_562 = arith.addi %get3A_147, %add3A_561 : vector<16xi32>
        %max3A_563 = arith.maximumf %gather3A_547, %gather3A_531 : vector<16xf32>
        tpu.vector_store_idx %arg7[%add3A_562], %max3A_563 : memref<40000xf32, #tpu.memory_space<vmem>>[vector<16xi32>], vector<16xf32>,
        %add3A_564 = arith.constant 10000 : i32
        %add3A_565 = vector.broadcast %add3A_564 : i32 to vector<16xi32>
        %add3A_566 = arith.addi %get3A_147, %add3A_565 : vector<16xi32>
        %max3A_567 = arith.maximumf %gather3A_551, %gather3A_535 : vector<16xf32>
        tpu.vector_store_idx %arg7[%add3A_566], %max3A_567 : memref<40000xf32, #tpu.memory_space<vmem>>[vector<16xi32>], vector<16xf32>,
        %add3A_568 = arith.constant 20000 : i32
        %add3A_569 = vector.broadcast %add3A_568 : i32 to vector<16xi32>
        %add3A_570 = arith.addi %get3A_147, %add3A_569 : vector<16xi32>
        %max3A_571 = arith.maximumf %gather3A_555, %gather3A_539 : vector<16xf32>
        tpu.vector_store_idx %arg7[%add3A_570], %max3A_571 : memref<40000xf32, #tpu.memory_space<vmem>>[vector<16xi32>], vector<16xf32>,
        %add3A_572 = arith.constant 30000 : i32
        %add3A_573 = vector.broadcast %add3A_572 : i32 to vector<16xi32>
        %add3A_574 = arith.addi %get3A_147, %add3A_573 : vector<16xi32>
        %max3A_575 = arith.maximumf %gather3A_559, %gather3A_543 : vector<16xf32>
        tpu.vector_store_idx %arg7[%add3A_574], %max3A_575 : memref<40000xf32, #tpu.memory_space<vmem>>[vector<16xi32>], vector<16xf32>,
        %or3A = arith.ori %not3A_151, %not3A_203 : vector<16xi1>
        %or3A_576 = arith.ori %or3A, %not3A_257 : vector<16xi1>
        %or3A_577 = arith.ori %or3A_576, %not3A_311 : vector<16xi1>
        %or3A_578 = arith.ori %or3A_577, %not3A_365 : vector<16xi1>
        %or3A_579 = arith.ori %or3A_578, %not3A_419 : vector<16xi1>
        %or3A_580 = arith.ori %or3A_579, %not3A_473 : vector<16xi1>
        %or3A_581 = arith.ori %or3A_580, %not3A_527 : vector<16xi1>
        %all_reduce_population_count3A = tpu.all_reduce %or3A_581 {dim = 0 : i64, kind = #tpu.reduction_kind<sum>} : vector<16xi1> -> vector<16xi32>
        %slice3A = vector.extract_strided_slice %all_reduce_population_count3A {offsets = [0], sizes = [1], strides = [1]} : vector<16xi32> to vector<1xi32>
        %squeeze3A = vector.extract %slice3A[0] : i32 from vector<1xi32>
        %gt3A = arith.constant 0 : i32
        %gt3A_582 = arith.cmpi sgt, %squeeze3A, %gt3A : i32
        %convert_element_type3A_583 = arith.extui %gt3A_582 : i1 to i32
        %cond3A_584 = arith.constant 0 : i32
        %cond3A_585 = arith.cmpi ne, %convert_element_type3A_583, %cond3A_584 : i32
        scf.if %cond3A_585 {
          %convert_element_type3A_586 = arith.extui %not3A_151 : vector<16xi1> to vector<16xi32>
          %reduce_max3A = arith.constant true
          %reduce_max3A_587 = vector.broadcast %reduce_max3A : i1 to vector<16xi1>
          %reduce_max3A_588 = arith.constant -2147483648 : i32
          %reduce_max3A_589 = vector.broadcast %reduce_max3A_588 : i32 to vector<16xi32>
          %reduce_max3A_590 = arith.xori %convert_element_type3A_586, %reduce_max3A_589 : vector<16xi32>
          %reduce_max3A_591 = tpu.scan <max>, %reduce_max3A_590 masked %reduce_max3A_587 : vector<16xi32>, vector<16xi1> -> vector<16xi32>
          %reduce_max3A_592 = arith.xori %reduce_max3A_591, %reduce_max3A_589 : vector<16xi32>
          %reduce_max3A_593 = vector.extract %reduce_max3A_592[15] : i32 from vector<16xi32>
          %gt3A_594 = arith.constant 0 : i32
          %gt3A_595 = arith.cmpi sgt, %reduce_max3A_593, %gt3A_594 : i32
          %convert_element_type3A_596 = arith.extui %gt3A_595 : i1 to i32
          %cond3A_597 = arith.constant 0 : i32
          %cond3A_598 = arith.cmpi ne, %convert_element_type3A_596, %cond3A_597 : i32
          scf.if %cond3A_598 {
            %mul3A_697 = arith.constant 8 : i32
            %mul3A_698 = arith.muli %scan3A_68, %mul3A_697 : i32
            %add3A_699 = arith.constant 0 : i32
            %add3A_700 = arith.addi %mul3A_698, %add3A_699 : i32
            %mul3A_701 = arith.constant 16 : i32
            %mul3A_702 = arith.muli %add3A_700, %mul3A_701 : i32
            %get3A_703 = arith.index_cast %mul3A_702 : i32 to index
            %get3A_704 = tpu.vector_load %arg9[%get3A_703] {strides = array<i32>} : memref<6400xi32, #tpu.memory_space<vmem>>, vector<16xi32>,
            %get3A_705 = arith.index_cast %mul3A_702 : i32 to index
            %get3A_706 = tpu.vector_load %arg11[%get3A_705] {strides = array<i32>} : memref<6400xi32, #tpu.memory_space<vmem>>, vector<16xi32>,
            %broadcast_in_dim3A_707 = arith.constant 1 : i32
            %broadcast_in_dim3A_708 = vector.broadcast %broadcast_in_dim3A_707 : i32 to vector<16xi32>
            %while3A = arith.constant 1 : i32
            %while3A_709:2 = scf.while (%while3A_710 = %while3A, %while3A_711 = %broadcast_in_dim3A_708) : (i32, vector<16xi32>) -> (i32, vector<16xi32>) {
              %gt3A_712 = arith.constant 0 : i32
              %gt3A_713 = arith.cmpi sgt, %while3A_710, %gt3A_712 : i32
              scf.condition(%gt3A_713) %while3A_710, %while3A_711 : i32, vector<16xi32>
            } do {
            ^bb0(%while3A_710: i32, %while3A_711: vector<16xi32>):
              %gt3A_712 = arith.constant 0 : i32
              %gt3A_713 = vector.broadcast %gt3A_712 : i32 to vector<16xi32>
              %gt3A_714 = arith.cmpi sgt, %while3A_711, %gt3A_713 : vector<16xi32>
              tpu.vector_store_idx %arg8[%get3A_706], %iota3A masked %gt3A_714 : memref<10000xi32, #tpu.memory_space<vmem>>[vector<16xi32>], vector<16xi32>, vector<16xi1>
              %gather3A_715 = tpu.vector_load_idx %arg8[%get3A_706] : memref<10000xi32, #tpu.memory_space<vmem>>[vector<16xi32>], vector<16xi32>,
              %eq3A = arith.cmpi eq, %gather3A_715, %iota3A : vector<16xi32>
              %and3A = arith.andi %gt3A_714, %eq3A : vector<16xi1>
              %add3A_716 = arith.constant 0 : i32
              %add3A_717 = vector.broadcast %add3A_716 : i32 to vector<16xi32>
              %add3A_718 = arith.addi %get3A_704, %add3A_717 : vector<16xi32>
              %gather3A_719 = tpu.vector_load_idx %arg6[%add3A_718] : memref<40000xf32, #tpu.memory_space<vmem>>[vector<16xi32>], vector<16xf32>,
              %add3A_720 = arith.constant 0 : i32
              %add3A_721 = vector.broadcast %add3A_720 : i32 to vector<16xi32>
              %add3A_722 = arith.addi %get3A_706, %add3A_721 : vector<16xi32>
              %gather3A_723 = tpu.vector_load_idx %arg7[%add3A_722] : memref<40000xf32, #tpu.memory_space<vmem>>[vector<16xi32>], vector<16xf32>,
              %add3A_724 = arith.constant 0 : i32
              %add3A_725 = vector.broadcast %add3A_724 : i32 to vector<16xi32>
              %add3A_726 = arith.addi %get3A_706, %add3A_725 : vector<16xi32>
              %max3A_727 = arith.maximumf %gather3A_723, %gather3A_719 : vector<16xf32>
              tpu.vector_store_idx %arg7[%add3A_726], %max3A_727 masked %and3A : memref<40000xf32, #tpu.memory_space<vmem>>[vector<16xi32>], vector<16xf32>, vector<16xi1>
              %add3A_728 = arith.constant 10000 : i32
              %add3A_729 = vector.broadcast %add3A_728 : i32 to vector<16xi32>
              %add3A_730 = arith.addi %get3A_704, %add3A_729 : vector<16xi32>
              %gather3A_731 = tpu.vector_load_idx %arg6[%add3A_730] : memref<40000xf32, #tpu.memory_space<vmem>>[vector<16xi32>], vector<16xf32>,
              %add3A_732 = arith.constant 10000 : i32
              %add3A_733 = vector.broadcast %add3A_732 : i32 to vector<16xi32>
              %add3A_734 = arith.addi %get3A_706, %add3A_733 : vector<16xi32>
              %gather3A_735 = tpu.vector_load_idx %arg7[%add3A_734] : memref<40000xf32, #tpu.memory_space<vmem>>[vector<16xi32>], vector<16xf32>,
              %add3A_736 = arith.constant 10000 : i32
              %add3A_737 = vector.broadcast %add3A_736 : i32 to vector<16xi32>
              %add3A_738 = arith.addi %get3A_706, %add3A_737 : vector<16xi32>
              %max3A_739 = arith.maximumf %gather3A_735, %gather3A_731 : vector<16xf32>
              tpu.vector_store_idx %arg7[%add3A_738], %max3A_739 masked %and3A : memref<40000xf32, #tpu.memory_space<vmem>>[vector<16xi32>], vector<16xf32>, vector<16xi1>
              %add3A_740 = arith.constant 20000 : i32
              %add3A_741 = vector.broadcast %add3A_740 : i32 to vector<16xi32>
              %add3A_742 = arith.addi %get3A_704, %add3A_741 : vector<16xi32>
              %gather3A_743 = tpu.vector_load_idx %arg6[%add3A_742] : memref<40000xf32, #tpu.memory_space<vmem>>[vector<16xi32>], vector<16xf32>,
              %add3A_744 = arith.constant 20000 : i32
              %add3A_745 = vector.broadcast %add3A_744 : i32 to vector<16xi32>
              %add3A_746 = arith.addi %get3A_706, %add3A_745 : vector<16xi32>
              %gather3A_747 = tpu.vector_load_idx %arg7[%add3A_746] : memref<40000xf32, #tpu.memory_space<vmem>>[vector<16xi32>], vector<16xf32>,
              %add3A_748 = arith.constant 20000 : i32
              %add3A_749 = vector.broadcast %add3A_748 : i32 to vector<16xi32>
              %add3A_750 = arith.addi %get3A_706, %add3A_749 : vector<16xi32>
              %max3A_751 = arith.maximumf %gather3A_747, %gather3A_743 : vector<16xf32>
              tpu.vector_store_idx %arg7[%add3A_750], %max3A_751 masked %and3A : memref<40000xf32, #tpu.memory_space<vmem>>[vector<16xi32>], vector<16xf32>, vector<16xi1>
              %add3A_752 = arith.constant 30000 : i32
              %add3A_753 = vector.broadcast %add3A_752 : i32 to vector<16xi32>
              %add3A_754 = arith.addi %get3A_704, %add3A_753 : vector<16xi32>
              %gather3A_755 = tpu.vector_load_idx %arg6[%add3A_754] : memref<40000xf32, #tpu.memory_space<vmem>>[vector<16xi32>], vector<16xf32>,
              %add3A_756 = arith.constant 30000 : i32
              %add3A_757 = vector.broadcast %add3A_756 : i32 to vector<16xi32>
              %add3A_758 = arith.addi %get3A_706, %add3A_757 : vector<16xi32>
              %gather3A_759 = tpu.vector_load_idx %arg7[%add3A_758] : memref<40000xf32, #tpu.memory_space<vmem>>[vector<16xi32>], vector<16xf32>,
              %add3A_760 = arith.constant 30000 : i32
              %add3A_761 = vector.broadcast %add3A_760 : i32 to vector<16xi32>
              %add3A_762 = arith.addi %get3A_706, %add3A_761 : vector<16xi32>
              %max3A_763 = arith.maximumf %gather3A_759, %gather3A_755 : vector<16xf32>
              tpu.vector_store_idx %arg7[%add3A_762], %max3A_763 masked %and3A : memref<40000xf32, #tpu.memory_space<vmem>>[vector<16xi32>], vector<16xf32>, vector<16xi1>
              %jit3A = arith.constant 0 : i32
              %broadcast_in_dim3A_764 = vector.broadcast %jit3A : i32 to vector<16xi32>
              %select_n3A = arith.select %and3A, %broadcast_in_dim3A_764, %while3A_711 : vector<16xi1>, vector<16xi32>
              %reduce_max3A_765 = arith.constant true
              %reduce_max3A_766 = vector.broadcast %reduce_max3A_765 : i1 to vector<16xi1>
              %reduce_max3A_767 = arith.constant -2147483648 : i32
              %reduce_max3A_768 = vector.broadcast %reduce_max3A_767 : i32 to vector<16xi32>
              %reduce_max3A_769 = arith.xori %select_n3A, %reduce_max3A_768 : vector<16xi32>
              %reduce_max3A_770 = tpu.scan <max>, %reduce_max3A_769 masked %reduce_max3A_766 : vector<16xi32>, vector<16xi1> -> vector<16xi32>
              %reduce_max3A_771 = arith.xori %reduce_max3A_770, %reduce_max3A_768 : vector<16xi32>
              %reduce_max3A_772 = vector.extract %reduce_max3A_771[15] : i32 from vector<16xi32>
              scf.yield %reduce_max3A_772, %select_n3A : i32, vector<16xi32>
            }
          } else {
          }
          %convert_element_type3A_599 = arith.extui %not3A_203 : vector<16xi1> to vector<16xi32>
          %reduce_max3A_600 = arith.constant true
          %reduce_max3A_601 = vector.broadcast %reduce_max3A_600 : i1 to vector<16xi1>
          %reduce_max3A_602 = arith.constant -2147483648 : i32
          %reduce_max3A_603 = vector.broadcast %reduce_max3A_602 : i32 to vector<16xi32>
          %reduce_max3A_604 = arith.xori %convert_element_type3A_599, %reduce_max3A_603 : vector<16xi32>
          %reduce_max3A_605 = tpu.scan <max>, %reduce_max3A_604 masked %reduce_max3A_601 : vector<16xi32>, vector<16xi1> -> vector<16xi32>
          %reduce_max3A_606 = arith.xori %reduce_max3A_605, %reduce_max3A_603 : vector<16xi32>
          %reduce_max3A_607 = vector.extract %reduce_max3A_606[15] : i32 from vector<16xi32>
          %gt3A_608 = arith.constant 0 : i32
          %gt3A_609 = arith.cmpi sgt, %reduce_max3A_607, %gt3A_608 : i32
          %convert_element_type3A_610 = arith.extui %gt3A_609 : i1 to i32
          %cond3A_611 = arith.constant 0 : i32
          %cond3A_612 = arith.cmpi ne, %convert_element_type3A_610, %cond3A_611 : i32
          scf.if %cond3A_612 {
            %mul3A_697 = arith.constant 8 : i32
            %mul3A_698 = arith.muli %scan3A_68, %mul3A_697 : i32
            %add3A_699 = arith.constant 1 : i32
            %add3A_700 = arith.addi %mul3A_698, %add3A_699 : i32
            %mul3A_701 = arith.constant 16 : i32
            %mul3A_702 = arith.muli %add3A_700, %mul3A_701 : i32
            %get3A_703 = arith.index_cast %mul3A_702 : i32 to index
            %get3A_704 = tpu.vector_load %arg9[%get3A_703] {strides = array<i32>} : memref<6400xi32, #tpu.memory_space<vmem>>, vector<16xi32>,
            %get3A_705 = arith.index_cast %mul3A_702 : i32 to index
            %get3A_706 = tpu.vector_load %arg11[%get3A_705] {strides = array<i32>} : memref<6400xi32, #tpu.memory_space<vmem>>, vector<16xi32>,
            %broadcast_in_dim3A_707 = arith.constant 1 : i32
            %broadcast_in_dim3A_708 = vector.broadcast %broadcast_in_dim3A_707 : i32 to vector<16xi32>
            %while3A = arith.constant 1 : i32
            %while3A_709:2 = scf.while (%while3A_710 = %while3A, %while3A_711 = %broadcast_in_dim3A_708) : (i32, vector<16xi32>) -> (i32, vector<16xi32>) {
              %gt3A_712 = arith.constant 0 : i32
              %gt3A_713 = arith.cmpi sgt, %while3A_710, %gt3A_712 : i32
              scf.condition(%gt3A_713) %while3A_710, %while3A_711 : i32, vector<16xi32>
            } do {
            ^bb0(%while3A_710: i32, %while3A_711: vector<16xi32>):
              %gt3A_712 = arith.constant 0 : i32
              %gt3A_713 = vector.broadcast %gt3A_712 : i32 to vector<16xi32>
              %gt3A_714 = arith.cmpi sgt, %while3A_711, %gt3A_713 : vector<16xi32>
              tpu.vector_store_idx %arg8[%get3A_706], %iota3A masked %gt3A_714 : memref<10000xi32, #tpu.memory_space<vmem>>[vector<16xi32>], vector<16xi32>, vector<16xi1>
              %gather3A_715 = tpu.vector_load_idx %arg8[%get3A_706] : memref<10000xi32, #tpu.memory_space<vmem>>[vector<16xi32>], vector<16xi32>,
              %eq3A = arith.cmpi eq, %gather3A_715, %iota3A : vector<16xi32>
              %and3A = arith.andi %gt3A_714, %eq3A : vector<16xi1>
              %add3A_716 = arith.constant 0 : i32
              %add3A_717 = vector.broadcast %add3A_716 : i32 to vector<16xi32>
              %add3A_718 = arith.addi %get3A_704, %add3A_717 : vector<16xi32>
              %gather3A_719 = tpu.vector_load_idx %arg6[%add3A_718] : memref<40000xf32, #tpu.memory_space<vmem>>[vector<16xi32>], vector<16xf32>,
              %add3A_720 = arith.constant 0 : i32
              %add3A_721 = vector.broadcast %add3A_720 : i32 to vector<16xi32>
              %add3A_722 = arith.addi %get3A_706, %add3A_721 : vector<16xi32>
              %gather3A_723 = tpu.vector_load_idx %arg7[%add3A_722] : memref<40000xf32, #tpu.memory_space<vmem>>[vector<16xi32>], vector<16xf32>,
              %add3A_724 = arith.constant 0 : i32
              %add3A_725 = vector.broadcast %add3A_724 : i32 to vector<16xi32>
              %add3A_726 = arith.addi %get3A_706, %add3A_725 : vector<16xi32>
              %max3A_727 = arith.maximumf %gather3A_723, %gather3A_719 : vector<16xf32>
              tpu.vector_store_idx %arg7[%add3A_726], %max3A_727 masked %and3A : memref<40000xf32, #tpu.memory_space<vmem>>[vector<16xi32>], vector<16xf32>, vector<16xi1>
              %add3A_728 = arith.constant 10000 : i32
              %add3A_729 = vector.broadcast %add3A_728 : i32 to vector<16xi32>
              %add3A_730 = arith.addi %get3A_704, %add3A_729 : vector<16xi32>
              %gather3A_731 = tpu.vector_load_idx %arg6[%add3A_730] : memref<40000xf32, #tpu.memory_space<vmem>>[vector<16xi32>], vector<16xf32>,
              %add3A_732 = arith.constant 10000 : i32
              %add3A_733 = vector.broadcast %add3A_732 : i32 to vector<16xi32>
              %add3A_734 = arith.addi %get3A_706, %add3A_733 : vector<16xi32>
              %gather3A_735 = tpu.vector_load_idx %arg7[%add3A_734] : memref<40000xf32, #tpu.memory_space<vmem>>[vector<16xi32>], vector<16xf32>,
              %add3A_736 = arith.constant 10000 : i32
              %add3A_737 = vector.broadcast %add3A_736 : i32 to vector<16xi32>
              %add3A_738 = arith.addi %get3A_706, %add3A_737 : vector<16xi32>
              %max3A_739 = arith.maximumf %gather3A_735, %gather3A_731 : vector<16xf32>
              tpu.vector_store_idx %arg7[%add3A_738], %max3A_739 masked %and3A : memref<40000xf32, #tpu.memory_space<vmem>>[vector<16xi32>], vector<16xf32>, vector<16xi1>
              %add3A_740 = arith.constant 20000 : i32
              %add3A_741 = vector.broadcast %add3A_740 : i32 to vector<16xi32>
              %add3A_742 = arith.addi %get3A_704, %add3A_741 : vector<16xi32>
              %gather3A_743 = tpu.vector_load_idx %arg6[%add3A_742] : memref<40000xf32, #tpu.memory_space<vmem>>[vector<16xi32>], vector<16xf32>,
              %add3A_744 = arith.constant 20000 : i32
              %add3A_745 = vector.broadcast %add3A_744 : i32 to vector<16xi32>
              %add3A_746 = arith.addi %get3A_706, %add3A_745 : vector<16xi32>
              %gather3A_747 = tpu.vector_load_idx %arg7[%add3A_746] : memref<40000xf32, #tpu.memory_space<vmem>>[vector<16xi32>], vector<16xf32>,
              %add3A_748 = arith.constant 20000 : i32
              %add3A_749 = vector.broadcast %add3A_748 : i32 to vector<16xi32>
              %add3A_750 = arith.addi %get3A_706, %add3A_749 : vector<16xi32>
              %max3A_751 = arith.maximumf %gather3A_747, %gather3A_743 : vector<16xf32>
              tpu.vector_store_idx %arg7[%add3A_750], %max3A_751 masked %and3A : memref<40000xf32, #tpu.memory_space<vmem>>[vector<16xi32>], vector<16xf32>, vector<16xi1>
              %add3A_752 = arith.constant 30000 : i32
              %add3A_753 = vector.broadcast %add3A_752 : i32 to vector<16xi32>
              %add3A_754 = arith.addi %get3A_704, %add3A_753 : vector<16xi32>
              %gather3A_755 = tpu.vector_load_idx %arg6[%add3A_754] : memref<40000xf32, #tpu.memory_space<vmem>>[vector<16xi32>], vector<16xf32>,
              %add3A_756 = arith.constant 30000 : i32
              %add3A_757 = vector.broadcast %add3A_756 : i32 to vector<16xi32>
              %add3A_758 = arith.addi %get3A_706, %add3A_757 : vector<16xi32>
              %gather3A_759 = tpu.vector_load_idx %arg7[%add3A_758] : memref<40000xf32, #tpu.memory_space<vmem>>[vector<16xi32>], vector<16xf32>,
              %add3A_760 = arith.constant 30000 : i32
              %add3A_761 = vector.broadcast %add3A_760 : i32 to vector<16xi32>
              %add3A_762 = arith.addi %get3A_706, %add3A_761 : vector<16xi32>
              %max3A_763 = arith.maximumf %gather3A_759, %gather3A_755 : vector<16xf32>
              tpu.vector_store_idx %arg7[%add3A_762], %max3A_763 masked %and3A : memref<40000xf32, #tpu.memory_space<vmem>>[vector<16xi32>], vector<16xf32>, vector<16xi1>
              %jit3A = arith.constant 0 : i32
              %broadcast_in_dim3A_764 = vector.broadcast %jit3A : i32 to vector<16xi32>
              %select_n3A = arith.select %and3A, %broadcast_in_dim3A_764, %while3A_711 : vector<16xi1>, vector<16xi32>
              %reduce_max3A_765 = arith.constant true
              %reduce_max3A_766 = vector.broadcast %reduce_max3A_765 : i1 to vector<16xi1>
              %reduce_max3A_767 = arith.constant -2147483648 : i32
              %reduce_max3A_768 = vector.broadcast %reduce_max3A_767 : i32 to vector<16xi32>
              %reduce_max3A_769 = arith.xori %select_n3A, %reduce_max3A_768 : vector<16xi32>
              %reduce_max3A_770 = tpu.scan <max>, %reduce_max3A_769 masked %reduce_max3A_766 : vector<16xi32>, vector<16xi1> -> vector<16xi32>
              %reduce_max3A_771 = arith.xori %reduce_max3A_770, %reduce_max3A_768 : vector<16xi32>
              %reduce_max3A_772 = vector.extract %reduce_max3A_771[15] : i32 from vector<16xi32>
              scf.yield %reduce_max3A_772, %select_n3A : i32, vector<16xi32>
            }
          } else {
          }
          %convert_element_type3A_613 = arith.extui %not3A_257 : vector<16xi1> to vector<16xi32>
          %reduce_max3A_614 = arith.constant true
          %reduce_max3A_615 = vector.broadcast %reduce_max3A_614 : i1 to vector<16xi1>
          %reduce_max3A_616 = arith.constant -2147483648 : i32
          %reduce_max3A_617 = vector.broadcast %reduce_max3A_616 : i32 to vector<16xi32>
          %reduce_max3A_618 = arith.xori %convert_element_type3A_613, %reduce_max3A_617 : vector<16xi32>
          %reduce_max3A_619 = tpu.scan <max>, %reduce_max3A_618 masked %reduce_max3A_615 : vector<16xi32>, vector<16xi1> -> vector<16xi32>
          %reduce_max3A_620 = arith.xori %reduce_max3A_619, %reduce_max3A_617 : vector<16xi32>
          %reduce_max3A_621 = vector.extract %reduce_max3A_620[15] : i32 from vector<16xi32>
          %gt3A_622 = arith.constant 0 : i32
          %gt3A_623 = arith.cmpi sgt, %reduce_max3A_621, %gt3A_622 : i32
          %convert_element_type3A_624 = arith.extui %gt3A_623 : i1 to i32
          %cond3A_625 = arith.constant 0 : i32
          %cond3A_626 = arith.cmpi ne, %convert_element_type3A_624, %cond3A_625 : i32
          scf.if %cond3A_626 {
            %mul3A_697 = arith.constant 8 : i32
            %mul3A_698 = arith.muli %scan3A_68, %mul3A_697 : i32
            %add3A_699 = arith.constant 2 : i32
            %add3A_700 = arith.addi %mul3A_698, %add3A_699 : i32
            %mul3A_701 = arith.constant 16 : i32
            %mul3A_702 = arith.muli %add3A_700, %mul3A_701 : i32
            %get3A_703 = arith.index_cast %mul3A_702 : i32 to index
            %get3A_704 = tpu.vector_load %arg9[%get3A_703] {strides = array<i32>} : memref<6400xi32, #tpu.memory_space<vmem>>, vector<16xi32>,
            %get3A_705 = arith.index_cast %mul3A_702 : i32 to index
            %get3A_706 = tpu.vector_load %arg11[%get3A_705] {strides = array<i32>} : memref<6400xi32, #tpu.memory_space<vmem>>, vector<16xi32>,
            %broadcast_in_dim3A_707 = arith.constant 1 : i32
            %broadcast_in_dim3A_708 = vector.broadcast %broadcast_in_dim3A_707 : i32 to vector<16xi32>
            %while3A = arith.constant 1 : i32
            %while3A_709:2 = scf.while (%while3A_710 = %while3A, %while3A_711 = %broadcast_in_dim3A_708) : (i32, vector<16xi32>) -> (i32, vector<16xi32>) {
              %gt3A_712 = arith.constant 0 : i32
              %gt3A_713 = arith.cmpi sgt, %while3A_710, %gt3A_712 : i32
              scf.condition(%gt3A_713) %while3A_710, %while3A_711 : i32, vector<16xi32>
            } do {
            ^bb0(%while3A_710: i32, %while3A_711: vector<16xi32>):
              %gt3A_712 = arith.constant 0 : i32
              %gt3A_713 = vector.broadcast %gt3A_712 : i32 to vector<16xi32>
              %gt3A_714 = arith.cmpi sgt, %while3A_711, %gt3A_713 : vector<16xi32>
              tpu.vector_store_idx %arg8[%get3A_706], %iota3A masked %gt3A_714 : memref<10000xi32, #tpu.memory_space<vmem>>[vector<16xi32>], vector<16xi32>, vector<16xi1>
              %gather3A_715 = tpu.vector_load_idx %arg8[%get3A_706] : memref<10000xi32, #tpu.memory_space<vmem>>[vector<16xi32>], vector<16xi32>,
              %eq3A = arith.cmpi eq, %gather3A_715, %iota3A : vector<16xi32>
              %and3A = arith.andi %gt3A_714, %eq3A : vector<16xi1>
              %add3A_716 = arith.constant 0 : i32
              %add3A_717 = vector.broadcast %add3A_716 : i32 to vector<16xi32>
              %add3A_718 = arith.addi %get3A_704, %add3A_717 : vector<16xi32>
              %gather3A_719 = tpu.vector_load_idx %arg6[%add3A_718] : memref<40000xf32, #tpu.memory_space<vmem>>[vector<16xi32>], vector<16xf32>,
              %add3A_720 = arith.constant 0 : i32
              %add3A_721 = vector.broadcast %add3A_720 : i32 to vector<16xi32>
              %add3A_722 = arith.addi %get3A_706, %add3A_721 : vector<16xi32>
              %gather3A_723 = tpu.vector_load_idx %arg7[%add3A_722] : memref<40000xf32, #tpu.memory_space<vmem>>[vector<16xi32>], vector<16xf32>,
              %add3A_724 = arith.constant 0 : i32
              %add3A_725 = vector.broadcast %add3A_724 : i32 to vector<16xi32>
              %add3A_726 = arith.addi %get3A_706, %add3A_725 : vector<16xi32>
              %max3A_727 = arith.maximumf %gather3A_723, %gather3A_719 : vector<16xf32>
              tpu.vector_store_idx %arg7[%add3A_726], %max3A_727 masked %and3A : memref<40000xf32, #tpu.memory_space<vmem>>[vector<16xi32>], vector<16xf32>, vector<16xi1>
              %add3A_728 = arith.constant 10000 : i32
              %add3A_729 = vector.broadcast %add3A_728 : i32 to vector<16xi32>
              %add3A_730 = arith.addi %get3A_704, %add3A_729 : vector<16xi32>
              %gather3A_731 = tpu.vector_load_idx %arg6[%add3A_730] : memref<40000xf32, #tpu.memory_space<vmem>>[vector<16xi32>], vector<16xf32>,
              %add3A_732 = arith.constant 10000 : i32
              %add3A_733 = vector.broadcast %add3A_732 : i32 to vector<16xi32>
              %add3A_734 = arith.addi %get3A_706, %add3A_733 : vector<16xi32>
              %gather3A_735 = tpu.vector_load_idx %arg7[%add3A_734] : memref<40000xf32, #tpu.memory_space<vmem>>[vector<16xi32>], vector<16xf32>,
              %add3A_736 = arith.constant 10000 : i32
              %add3A_737 = vector.broadcast %add3A_736 : i32 to vector<16xi32>
              %add3A_738 = arith.addi %get3A_706, %add3A_737 : vector<16xi32>
              %max3A_739 = arith.maximumf %gather3A_735, %gather3A_731 : vector<16xf32>
              tpu.vector_store_idx %arg7[%add3A_738], %max3A_739 masked %and3A : memref<40000xf32, #tpu.memory_space<vmem>>[vector<16xi32>], vector<16xf32>, vector<16xi1>
              %add3A_740 = arith.constant 20000 : i32
              %add3A_741 = vector.broadcast %add3A_740 : i32 to vector<16xi32>
              %add3A_742 = arith.addi %get3A_704, %add3A_741 : vector<16xi32>
              %gather3A_743 = tpu.vector_load_idx %arg6[%add3A_742] : memref<40000xf32, #tpu.memory_space<vmem>>[vector<16xi32>], vector<16xf32>,
              %add3A_744 = arith.constant 20000 : i32
              %add3A_745 = vector.broadcast %add3A_744 : i32 to vector<16xi32>
              %add3A_746 = arith.addi %get3A_706, %add3A_745 : vector<16xi32>
              %gather3A_747 = tpu.vector_load_idx %arg7[%add3A_746] : memref<40000xf32, #tpu.memory_space<vmem>>[vector<16xi32>], vector<16xf32>,
              %add3A_748 = arith.constant 20000 : i32
              %add3A_749 = vector.broadcast %add3A_748 : i32 to vector<16xi32>
              %add3A_750 = arith.addi %get3A_706, %add3A_749 : vector<16xi32>
              %max3A_751 = arith.maximumf %gather3A_747, %gather3A_743 : vector<16xf32>
              tpu.vector_store_idx %arg7[%add3A_750], %max3A_751 masked %and3A : memref<40000xf32, #tpu.memory_space<vmem>>[vector<16xi32>], vector<16xf32>, vector<16xi1>
              %add3A_752 = arith.constant 30000 : i32
              %add3A_753 = vector.broadcast %add3A_752 : i32 to vector<16xi32>
              %add3A_754 = arith.addi %get3A_704, %add3A_753 : vector<16xi32>
              %gather3A_755 = tpu.vector_load_idx %arg6[%add3A_754] : memref<40000xf32, #tpu.memory_space<vmem>>[vector<16xi32>], vector<16xf32>,
              %add3A_756 = arith.constant 30000 : i32
              %add3A_757 = vector.broadcast %add3A_756 : i32 to vector<16xi32>
              %add3A_758 = arith.addi %get3A_706, %add3A_757 : vector<16xi32>
              %gather3A_759 = tpu.vector_load_idx %arg7[%add3A_758] : memref<40000xf32, #tpu.memory_space<vmem>>[vector<16xi32>], vector<16xf32>,
              %add3A_760 = arith.constant 30000 : i32
              %add3A_761 = vector.broadcast %add3A_760 : i32 to vector<16xi32>
              %add3A_762 = arith.addi %get3A_706, %add3A_761 : vector<16xi32>
              %max3A_763 = arith.maximumf %gather3A_759, %gather3A_755 : vector<16xf32>
              tpu.vector_store_idx %arg7[%add3A_762], %max3A_763 masked %and3A : memref<40000xf32, #tpu.memory_space<vmem>>[vector<16xi32>], vector<16xf32>, vector<16xi1>
              %jit3A = arith.constant 0 : i32
              %broadcast_in_dim3A_764 = vector.broadcast %jit3A : i32 to vector<16xi32>
              %select_n3A = arith.select %and3A, %broadcast_in_dim3A_764, %while3A_711 : vector<16xi1>, vector<16xi32>
              %reduce_max3A_765 = arith.constant true
              %reduce_max3A_766 = vector.broadcast %reduce_max3A_765 : i1 to vector<16xi1>
              %reduce_max3A_767 = arith.constant -2147483648 : i32
              %reduce_max3A_768 = vector.broadcast %reduce_max3A_767 : i32 to vector<16xi32>
              %reduce_max3A_769 = arith.xori %select_n3A, %reduce_max3A_768 : vector<16xi32>
              %reduce_max3A_770 = tpu.scan <max>, %reduce_max3A_769 masked %reduce_max3A_766 : vector<16xi32>, vector<16xi1> -> vector<16xi32>
              %reduce_max3A_771 = arith.xori %reduce_max3A_770, %reduce_max3A_768 : vector<16xi32>
              %reduce_max3A_772 = vector.extract %reduce_max3A_771[15] : i32 from vector<16xi32>
              scf.yield %reduce_max3A_772, %select_n3A : i32, vector<16xi32>
            }
          } else {
          }
          %convert_element_type3A_627 = arith.extui %not3A_311 : vector<16xi1> to vector<16xi32>
          %reduce_max3A_628 = arith.constant true
          %reduce_max3A_629 = vector.broadcast %reduce_max3A_628 : i1 to vector<16xi1>
          %reduce_max3A_630 = arith.constant -2147483648 : i32
          %reduce_max3A_631 = vector.broadcast %reduce_max3A_630 : i32 to vector<16xi32>
          %reduce_max3A_632 = arith.xori %convert_element_type3A_627, %reduce_max3A_631 : vector<16xi32>
          %reduce_max3A_633 = tpu.scan <max>, %reduce_max3A_632 masked %reduce_max3A_629 : vector<16xi32>, vector<16xi1> -> vector<16xi32>
          %reduce_max3A_634 = arith.xori %reduce_max3A_633, %reduce_max3A_631 : vector<16xi32>
          %reduce_max3A_635 = vector.extract %reduce_max3A_634[15] : i32 from vector<16xi32>
          %gt3A_636 = arith.constant 0 : i32
          %gt3A_637 = arith.cmpi sgt, %reduce_max3A_635, %gt3A_636 : i32
          %convert_element_type3A_638 = arith.extui %gt3A_637 : i1 to i32
          %cond3A_639 = arith.constant 0 : i32
          %cond3A_640 = arith.cmpi ne, %convert_element_type3A_638, %cond3A_639 : i32
          scf.if %cond3A_640 {
            %mul3A_697 = arith.constant 8 : i32
            %mul3A_698 = arith.muli %scan3A_68, %mul3A_697 : i32
            %add3A_699 = arith.constant 3 : i32
            %add3A_700 = arith.addi %mul3A_698, %add3A_699 : i32
            %mul3A_701 = arith.constant 16 : i32
            %mul3A_702 = arith.muli %add3A_700, %mul3A_701 : i32
            %get3A_703 = arith.index_cast %mul3A_702 : i32 to index
            %get3A_704 = tpu.vector_load %arg9[%get3A_703] {strides = array<i32>} : memref<6400xi32, #tpu.memory_space<vmem>>, vector<16xi32>,
            %get3A_705 = arith.index_cast %mul3A_702 : i32 to index
            %get3A_706 = tpu.vector_load %arg11[%get3A_705] {strides = array<i32>} : memref<6400xi32, #tpu.memory_space<vmem>>, vector<16xi32>,
            %broadcast_in_dim3A_707 = arith.constant 1 : i32
            %broadcast_in_dim3A_708 = vector.broadcast %broadcast_in_dim3A_707 : i32 to vector<16xi32>
            %while3A = arith.constant 1 : i32
            %while3A_709:2 = scf.while (%while3A_710 = %while3A, %while3A_711 = %broadcast_in_dim3A_708) : (i32, vector<16xi32>) -> (i32, vector<16xi32>) {
              %gt3A_712 = arith.constant 0 : i32
              %gt3A_713 = arith.cmpi sgt, %while3A_710, %gt3A_712 : i32
              scf.condition(%gt3A_713) %while3A_710, %while3A_711 : i32, vector<16xi32>
            } do {
            ^bb0(%while3A_710: i32, %while3A_711: vector<16xi32>):
              %gt3A_712 = arith.constant 0 : i32
              %gt3A_713 = vector.broadcast %gt3A_712 : i32 to vector<16xi32>
              %gt3A_714 = arith.cmpi sgt, %while3A_711, %gt3A_713 : vector<16xi32>
              tpu.vector_store_idx %arg8[%get3A_706], %iota3A masked %gt3A_714 : memref<10000xi32, #tpu.memory_space<vmem>>[vector<16xi32>], vector<16xi32>, vector<16xi1>
              %gather3A_715 = tpu.vector_load_idx %arg8[%get3A_706] : memref<10000xi32, #tpu.memory_space<vmem>>[vector<16xi32>], vector<16xi32>,
              %eq3A = arith.cmpi eq, %gather3A_715, %iota3A : vector<16xi32>
              %and3A = arith.andi %gt3A_714, %eq3A : vector<16xi1>
              %add3A_716 = arith.constant 0 : i32
              %add3A_717 = vector.broadcast %add3A_716 : i32 to vector<16xi32>
              %add3A_718 = arith.addi %get3A_704, %add3A_717 : vector<16xi32>
              %gather3A_719 = tpu.vector_load_idx %arg6[%add3A_718] : memref<40000xf32, #tpu.memory_space<vmem>>[vector<16xi32>], vector<16xf32>,
              %add3A_720 = arith.constant 0 : i32
              %add3A_721 = vector.broadcast %add3A_720 : i32 to vector<16xi32>
              %add3A_722 = arith.addi %get3A_706, %add3A_721 : vector<16xi32>
              %gather3A_723 = tpu.vector_load_idx %arg7[%add3A_722] : memref<40000xf32, #tpu.memory_space<vmem>>[vector<16xi32>], vector<16xf32>,
              %add3A_724 = arith.constant 0 : i32
              %add3A_725 = vector.broadcast %add3A_724 : i32 to vector<16xi32>
              %add3A_726 = arith.addi %get3A_706, %add3A_725 : vector<16xi32>
              %max3A_727 = arith.maximumf %gather3A_723, %gather3A_719 : vector<16xf32>
              tpu.vector_store_idx %arg7[%add3A_726], %max3A_727 masked %and3A : memref<40000xf32, #tpu.memory_space<vmem>>[vector<16xi32>], vector<16xf32>, vector<16xi1>
              %add3A_728 = arith.constant 10000 : i32
              %add3A_729 = vector.broadcast %add3A_728 : i32 to vector<16xi32>
              %add3A_730 = arith.addi %get3A_704, %add3A_729 : vector<16xi32>
              %gather3A_731 = tpu.vector_load_idx %arg6[%add3A_730] : memref<40000xf32, #tpu.memory_space<vmem>>[vector<16xi32>], vector<16xf32>,
              %add3A_732 = arith.constant 10000 : i32
              %add3A_733 = vector.broadcast %add3A_732 : i32 to vector<16xi32>
              %add3A_734 = arith.addi %get3A_706, %add3A_733 : vector<16xi32>
              %gather3A_735 = tpu.vector_load_idx %arg7[%add3A_734] : memref<40000xf32, #tpu.memory_space<vmem>>[vector<16xi32>], vector<16xf32>,
              %add3A_736 = arith.constant 10000 : i32
              %add3A_737 = vector.broadcast %add3A_736 : i32 to vector<16xi32>
              %add3A_738 = arith.addi %get3A_706, %add3A_737 : vector<16xi32>
              %max3A_739 = arith.maximumf %gather3A_735, %gather3A_731 : vector<16xf32>
              tpu.vector_store_idx %arg7[%add3A_738], %max3A_739 masked %and3A : memref<40000xf32, #tpu.memory_space<vmem>>[vector<16xi32>], vector<16xf32>, vector<16xi1>
              %add3A_740 = arith.constant 20000 : i32
              %add3A_741 = vector.broadcast %add3A_740 : i32 to vector<16xi32>
              %add3A_742 = arith.addi %get3A_704, %add3A_741 : vector<16xi32>
              %gather3A_743 = tpu.vector_load_idx %arg6[%add3A_742] : memref<40000xf32, #tpu.memory_space<vmem>>[vector<16xi32>], vector<16xf32>,
              %add3A_744 = arith.constant 20000 : i32
              %add3A_745 = vector.broadcast %add3A_744 : i32 to vector<16xi32>
              %add3A_746 = arith.addi %get3A_706, %add3A_745 : vector<16xi32>
              %gather3A_747 = tpu.vector_load_idx %arg7[%add3A_746] : memref<40000xf32, #tpu.memory_space<vmem>>[vector<16xi32>], vector<16xf32>,
              %add3A_748 = arith.constant 20000 : i32
              %add3A_749 = vector.broadcast %add3A_748 : i32 to vector<16xi32>
              %add3A_750 = arith.addi %get3A_706, %add3A_749 : vector<16xi32>
              %max3A_751 = arith.maximumf %gather3A_747, %gather3A_743 : vector<16xf32>
              tpu.vector_store_idx %arg7[%add3A_750], %max3A_751 masked %and3A : memref<40000xf32, #tpu.memory_space<vmem>>[vector<16xi32>], vector<16xf32>, vector<16xi1>
              %add3A_752 = arith.constant 30000 : i32
              %add3A_753 = vector.broadcast %add3A_752 : i32 to vector<16xi32>
              %add3A_754 = arith.addi %get3A_704, %add3A_753 : vector<16xi32>
              %gather3A_755 = tpu.vector_load_idx %arg6[%add3A_754] : memref<40000xf32, #tpu.memory_space<vmem>>[vector<16xi32>], vector<16xf32>,
              %add3A_756 = arith.constant 30000 : i32
              %add3A_757 = vector.broadcast %add3A_756 : i32 to vector<16xi32>
              %add3A_758 = arith.addi %get3A_706, %add3A_757 : vector<16xi32>
              %gather3A_759 = tpu.vector_load_idx %arg7[%add3A_758] : memref<40000xf32, #tpu.memory_space<vmem>>[vector<16xi32>], vector<16xf32>,
              %add3A_760 = arith.constant 30000 : i32
              %add3A_761 = vector.broadcast %add3A_760 : i32 to vector<16xi32>
              %add3A_762 = arith.addi %get3A_706, %add3A_761 : vector<16xi32>
              %max3A_763 = arith.maximumf %gather3A_759, %gather3A_755 : vector<16xf32>
              tpu.vector_store_idx %arg7[%add3A_762], %max3A_763 masked %and3A : memref<40000xf32, #tpu.memory_space<vmem>>[vector<16xi32>], vector<16xf32>, vector<16xi1>
              %jit3A = arith.constant 0 : i32
              %broadcast_in_dim3A_764 = vector.broadcast %jit3A : i32 to vector<16xi32>
              %select_n3A = arith.select %and3A, %broadcast_in_dim3A_764, %while3A_711 : vector<16xi1>, vector<16xi32>
              %reduce_max3A_765 = arith.constant true
              %reduce_max3A_766 = vector.broadcast %reduce_max3A_765 : i1 to vector<16xi1>
              %reduce_max3A_767 = arith.constant -2147483648 : i32
              %reduce_max3A_768 = vector.broadcast %reduce_max3A_767 : i32 to vector<16xi32>
              %reduce_max3A_769 = arith.xori %select_n3A, %reduce_max3A_768 : vector<16xi32>
              %reduce_max3A_770 = tpu.scan <max>, %reduce_max3A_769 masked %reduce_max3A_766 : vector<16xi32>, vector<16xi1> -> vector<16xi32>
              %reduce_max3A_771 = arith.xori %reduce_max3A_770, %reduce_max3A_768 : vector<16xi32>
              %reduce_max3A_772 = vector.extract %reduce_max3A_771[15] : i32 from vector<16xi32>
              scf.yield %reduce_max3A_772, %select_n3A : i32, vector<16xi32>
            }
          } else {
          }
          %convert_element_type3A_641 = arith.extui %not3A_365 : vector<16xi1> to vector<16xi32>
          %reduce_max3A_642 = arith.constant true
          %reduce_max3A_643 = vector.broadcast %reduce_max3A_642 : i1 to vector<16xi1>
          %reduce_max3A_644 = arith.constant -2147483648 : i32
          %reduce_max3A_645 = vector.broadcast %reduce_max3A_644 : i32 to vector<16xi32>
          %reduce_max3A_646 = arith.xori %convert_element_type3A_641, %reduce_max3A_645 : vector<16xi32>
          %reduce_max3A_647 = tpu.scan <max>, %reduce_max3A_646 masked %reduce_max3A_643 : vector<16xi32>, vector<16xi1> -> vector<16xi32>
          %reduce_max3A_648 = arith.xori %reduce_max3A_647, %reduce_max3A_645 : vector<16xi32>
          %reduce_max3A_649 = vector.extract %reduce_max3A_648[15] : i32 from vector<16xi32>
          %gt3A_650 = arith.constant 0 : i32
          %gt3A_651 = arith.cmpi sgt, %reduce_max3A_649, %gt3A_650 : i32
          %convert_element_type3A_652 = arith.extui %gt3A_651 : i1 to i32
          %cond3A_653 = arith.constant 0 : i32
          %cond3A_654 = arith.cmpi ne, %convert_element_type3A_652, %cond3A_653 : i32
          scf.if %cond3A_654 {
            %mul3A_697 = arith.constant 8 : i32
            %mul3A_698 = arith.muli %scan3A_68, %mul3A_697 : i32
            %add3A_699 = arith.constant 4 : i32
            %add3A_700 = arith.addi %mul3A_698, %add3A_699 : i32
            %mul3A_701 = arith.constant 16 : i32
            %mul3A_702 = arith.muli %add3A_700, %mul3A_701 : i32
            %get3A_703 = arith.index_cast %mul3A_702 : i32 to index
            %get3A_704 = tpu.vector_load %arg9[%get3A_703] {strides = array<i32>} : memref<6400xi32, #tpu.memory_space<vmem>>, vector<16xi32>,
            %get3A_705 = arith.index_cast %mul3A_702 : i32 to index
            %get3A_706 = tpu.vector_load %arg11[%get3A_705] {strides = array<i32>} : memref<6400xi32, #tpu.memory_space<vmem>>, vector<16xi32>,
            %broadcast_in_dim3A_707 = arith.constant 1 : i32
            %broadcast_in_dim3A_708 = vector.broadcast %broadcast_in_dim3A_707 : i32 to vector<16xi32>
            %while3A = arith.constant 1 : i32
            %while3A_709:2 = scf.while (%while3A_710 = %while3A, %while3A_711 = %broadcast_in_dim3A_708) : (i32, vector<16xi32>) -> (i32, vector<16xi32>) {
              %gt3A_712 = arith.constant 0 : i32
              %gt3A_713 = arith.cmpi sgt, %while3A_710, %gt3A_712 : i32
              scf.condition(%gt3A_713) %while3A_710, %while3A_711 : i32, vector<16xi32>
            } do {
            ^bb0(%while3A_710: i32, %while3A_711: vector<16xi32>):
              %gt3A_712 = arith.constant 0 : i32
              %gt3A_713 = vector.broadcast %gt3A_712 : i32 to vector<16xi32>
              %gt3A_714 = arith.cmpi sgt, %while3A_711, %gt3A_713 : vector<16xi32>
              tpu.vector_store_idx %arg8[%get3A_706], %iota3A masked %gt3A_714 : memref<10000xi32, #tpu.memory_space<vmem>>[vector<16xi32>], vector<16xi32>, vector<16xi1>
              %gather3A_715 = tpu.vector_load_idx %arg8[%get3A_706] : memref<10000xi32, #tpu.memory_space<vmem>>[vector<16xi32>], vector<16xi32>,
              %eq3A = arith.cmpi eq, %gather3A_715, %iota3A : vector<16xi32>
              %and3A = arith.andi %gt3A_714, %eq3A : vector<16xi1>
              %add3A_716 = arith.constant 0 : i32
              %add3A_717 = vector.broadcast %add3A_716 : i32 to vector<16xi32>
              %add3A_718 = arith.addi %get3A_704, %add3A_717 : vector<16xi32>
              %gather3A_719 = tpu.vector_load_idx %arg6[%add3A_718] : memref<40000xf32, #tpu.memory_space<vmem>>[vector<16xi32>], vector<16xf32>,
              %add3A_720 = arith.constant 0 : i32
              %add3A_721 = vector.broadcast %add3A_720 : i32 to vector<16xi32>
              %add3A_722 = arith.addi %get3A_706, %add3A_721 : vector<16xi32>
              %gather3A_723 = tpu.vector_load_idx %arg7[%add3A_722] : memref<40000xf32, #tpu.memory_space<vmem>>[vector<16xi32>], vector<16xf32>,
              %add3A_724 = arith.constant 0 : i32
              %add3A_725 = vector.broadcast %add3A_724 : i32 to vector<16xi32>
              %add3A_726 = arith.addi %get3A_706, %add3A_725 : vector<16xi32>
              %max3A_727 = arith.maximumf %gather3A_723, %gather3A_719 : vector<16xf32>
              tpu.vector_store_idx %arg7[%add3A_726], %max3A_727 masked %and3A : memref<40000xf32, #tpu.memory_space<vmem>>[vector<16xi32>], vector<16xf32>, vector<16xi1>
              %add3A_728 = arith.constant 10000 : i32
              %add3A_729 = vector.broadcast %add3A_728 : i32 to vector<16xi32>
              %add3A_730 = arith.addi %get3A_704, %add3A_729 : vector<16xi32>
              %gather3A_731 = tpu.vector_load_idx %arg6[%add3A_730] : memref<40000xf32, #tpu.memory_space<vmem>>[vector<16xi32>], vector<16xf32>,
              %add3A_732 = arith.constant 10000 : i32
              %add3A_733 = vector.broadcast %add3A_732 : i32 to vector<16xi32>
              %add3A_734 = arith.addi %get3A_706, %add3A_733 : vector<16xi32>
              %gather3A_735 = tpu.vector_load_idx %arg7[%add3A_734] : memref<40000xf32, #tpu.memory_space<vmem>>[vector<16xi32>], vector<16xf32>,
              %add3A_736 = arith.constant 10000 : i32
              %add3A_737 = vector.broadcast %add3A_736 : i32 to vector<16xi32>
              %add3A_738 = arith.addi %get3A_706, %add3A_737 : vector<16xi32>
              %max3A_739 = arith.maximumf %gather3A_735, %gather3A_731 : vector<16xf32>
              tpu.vector_store_idx %arg7[%add3A_738], %max3A_739 masked %and3A : memref<40000xf32, #tpu.memory_space<vmem>>[vector<16xi32>], vector<16xf32>, vector<16xi1>
              %add3A_740 = arith.constant 20000 : i32
              %add3A_741 = vector.broadcast %add3A_740 : i32 to vector<16xi32>
              %add3A_742 = arith.addi %get3A_704, %add3A_741 : vector<16xi32>
              %gather3A_743 = tpu.vector_load_idx %arg6[%add3A_742] : memref<40000xf32, #tpu.memory_space<vmem>>[vector<16xi32>], vector<16xf32>,
              %add3A_744 = arith.constant 20000 : i32
              %add3A_745 = vector.broadcast %add3A_744 : i32 to vector<16xi32>
              %add3A_746 = arith.addi %get3A_706, %add3A_745 : vector<16xi32>
              %gather3A_747 = tpu.vector_load_idx %arg7[%add3A_746] : memref<40000xf32, #tpu.memory_space<vmem>>[vector<16xi32>], vector<16xf32>,
              %add3A_748 = arith.constant 20000 : i32
              %add3A_749 = vector.broadcast %add3A_748 : i32 to vector<16xi32>
              %add3A_750 = arith.addi %get3A_706, %add3A_749 : vector<16xi32>
              %max3A_751 = arith.maximumf %gather3A_747, %gather3A_743 : vector<16xf32>
              tpu.vector_store_idx %arg7[%add3A_750], %max3A_751 masked %and3A : memref<40000xf32, #tpu.memory_space<vmem>>[vector<16xi32>], vector<16xf32>, vector<16xi1>
              %add3A_752 = arith.constant 30000 : i32
              %add3A_753 = vector.broadcast %add3A_752 : i32 to vector<16xi32>
              %add3A_754 = arith.addi %get3A_704, %add3A_753 : vector<16xi32>
              %gather3A_755 = tpu.vector_load_idx %arg6[%add3A_754] : memref<40000xf32, #tpu.memory_space<vmem>>[vector<16xi32>], vector<16xf32>,
              %add3A_756 = arith.constant 30000 : i32
              %add3A_757 = vector.broadcast %add3A_756 : i32 to vector<16xi32>
              %add3A_758 = arith.addi %get3A_706, %add3A_757 : vector<16xi32>
              %gather3A_759 = tpu.vector_load_idx %arg7[%add3A_758] : memref<40000xf32, #tpu.memory_space<vmem>>[vector<16xi32>], vector<16xf32>,
              %add3A_760 = arith.constant 30000 : i32
              %add3A_761 = vector.broadcast %add3A_760 : i32 to vector<16xi32>
              %add3A_762 = arith.addi %get3A_706, %add3A_761 : vector<16xi32>
              %max3A_763 = arith.maximumf %gather3A_759, %gather3A_755 : vector<16xf32>
              tpu.vector_store_idx %arg7[%add3A_762], %max3A_763 masked %and3A : memref<40000xf32, #tpu.memory_space<vmem>>[vector<16xi32>], vector<16xf32>, vector<16xi1>
              %jit3A = arith.constant 0 : i32
              %broadcast_in_dim3A_764 = vector.broadcast %jit3A : i32 to vector<16xi32>
              %select_n3A = arith.select %and3A, %broadcast_in_dim3A_764, %while3A_711 : vector<16xi1>, vector<16xi32>
              %reduce_max3A_765 = arith.constant true
              %reduce_max3A_766 = vector.broadcast %reduce_max3A_765 : i1 to vector<16xi1>
              %reduce_max3A_767 = arith.constant -2147483648 : i32
              %reduce_max3A_768 = vector.broadcast %reduce_max3A_767 : i32 to vector<16xi32>
              %reduce_max3A_769 = arith.xori %select_n3A, %reduce_max3A_768 : vector<16xi32>
              %reduce_max3A_770 = tpu.scan <max>, %reduce_max3A_769 masked %reduce_max3A_766 : vector<16xi32>, vector<16xi1> -> vector<16xi32>
              %reduce_max3A_771 = arith.xori %reduce_max3A_770, %reduce_max3A_768 : vector<16xi32>
              %reduce_max3A_772 = vector.extract %reduce_max3A_771[15] : i32 from vector<16xi32>
              scf.yield %reduce_max3A_772, %select_n3A : i32, vector<16xi32>
            }
          } else {
          }
          %convert_element_type3A_655 = arith.extui %not3A_419 : vector<16xi1> to vector<16xi32>
          %reduce_max3A_656 = arith.constant true
          %reduce_max3A_657 = vector.broadcast %reduce_max3A_656 : i1 to vector<16xi1>
          %reduce_max3A_658 = arith.constant -2147483648 : i32
          %reduce_max3A_659 = vector.broadcast %reduce_max3A_658 : i32 to vector<16xi32>
          %reduce_max3A_660 = arith.xori %convert_element_type3A_655, %reduce_max3A_659 : vector<16xi32>
          %reduce_max3A_661 = tpu.scan <max>, %reduce_max3A_660 masked %reduce_max3A_657 : vector<16xi32>, vector<16xi1> -> vector<16xi32>
          %reduce_max3A_662 = arith.xori %reduce_max3A_661, %reduce_max3A_659 : vector<16xi32>
          %reduce_max3A_663 = vector.extract %reduce_max3A_662[15] : i32 from vector<16xi32>
          %gt3A_664 = arith.constant 0 : i32
          %gt3A_665 = arith.cmpi sgt, %reduce_max3A_663, %gt3A_664 : i32
          %convert_element_type3A_666 = arith.extui %gt3A_665 : i1 to i32
          %cond3A_667 = arith.constant 0 : i32
          %cond3A_668 = arith.cmpi ne, %convert_element_type3A_666, %cond3A_667 : i32
          scf.if %cond3A_668 {
            %mul3A_697 = arith.constant 8 : i32
            %mul3A_698 = arith.muli %scan3A_68, %mul3A_697 : i32
            %add3A_699 = arith.constant 5 : i32
            %add3A_700 = arith.addi %mul3A_698, %add3A_699 : i32
            %mul3A_701 = arith.constant 16 : i32
            %mul3A_702 = arith.muli %add3A_700, %mul3A_701 : i32
            %get3A_703 = arith.index_cast %mul3A_702 : i32 to index
            %get3A_704 = tpu.vector_load %arg9[%get3A_703] {strides = array<i32>} : memref<6400xi32, #tpu.memory_space<vmem>>, vector<16xi32>,
            %get3A_705 = arith.index_cast %mul3A_702 : i32 to index
            %get3A_706 = tpu.vector_load %arg11[%get3A_705] {strides = array<i32>} : memref<6400xi32, #tpu.memory_space<vmem>>, vector<16xi32>,
            %broadcast_in_dim3A_707 = arith.constant 1 : i32
            %broadcast_in_dim3A_708 = vector.broadcast %broadcast_in_dim3A_707 : i32 to vector<16xi32>
            %while3A = arith.constant 1 : i32
            %while3A_709:2 = scf.while (%while3A_710 = %while3A, %while3A_711 = %broadcast_in_dim3A_708) : (i32, vector<16xi32>) -> (i32, vector<16xi32>) {
              %gt3A_712 = arith.constant 0 : i32
              %gt3A_713 = arith.cmpi sgt, %while3A_710, %gt3A_712 : i32
              scf.condition(%gt3A_713) %while3A_710, %while3A_711 : i32, vector<16xi32>
            } do {
            ^bb0(%while3A_710: i32, %while3A_711: vector<16xi32>):
              %gt3A_712 = arith.constant 0 : i32
              %gt3A_713 = vector.broadcast %gt3A_712 : i32 to vector<16xi32>
              %gt3A_714 = arith.cmpi sgt, %while3A_711, %gt3A_713 : vector<16xi32>
              tpu.vector_store_idx %arg8[%get3A_706], %iota3A masked %gt3A_714 : memref<10000xi32, #tpu.memory_space<vmem>>[vector<16xi32>], vector<16xi32>, vector<16xi1>
              %gather3A_715 = tpu.vector_load_idx %arg8[%get3A_706] : memref<10000xi32, #tpu.memory_space<vmem>>[vector<16xi32>], vector<16xi32>,
              %eq3A = arith.cmpi eq, %gather3A_715, %iota3A : vector<16xi32>
              %and3A = arith.andi %gt3A_714, %eq3A : vector<16xi1>
              %add3A_716 = arith.constant 0 : i32
              %add3A_717 = vector.broadcast %add3A_716 : i32 to vector<16xi32>
              %add3A_718 = arith.addi %get3A_704, %add3A_717 : vector<16xi32>
              %gather3A_719 = tpu.vector_load_idx %arg6[%add3A_718] : memref<40000xf32, #tpu.memory_space<vmem>>[vector<16xi32>], vector<16xf32>,
              %add3A_720 = arith.constant 0 : i32
              %add3A_721 = vector.broadcast %add3A_720 : i32 to vector<16xi32>
              %add3A_722 = arith.addi %get3A_706, %add3A_721 : vector<16xi32>
              %gather3A_723 = tpu.vector_load_idx %arg7[%add3A_722] : memref<40000xf32, #tpu.memory_space<vmem>>[vector<16xi32>], vector<16xf32>,
              %add3A_724 = arith.constant 0 : i32
              %add3A_725 = vector.broadcast %add3A_724 : i32 to vector<16xi32>
              %add3A_726 = arith.addi %get3A_706, %add3A_725 : vector<16xi32>
              %max3A_727 = arith.maximumf %gather3A_723, %gather3A_719 : vector<16xf32>
              tpu.vector_store_idx %arg7[%add3A_726], %max3A_727 masked %and3A : memref<40000xf32, #tpu.memory_space<vmem>>[vector<16xi32>], vector<16xf32>, vector<16xi1>
              %add3A_728 = arith.constant 10000 : i32
              %add3A_729 = vector.broadcast %add3A_728 : i32 to vector<16xi32>
              %add3A_730 = arith.addi %get3A_704, %add3A_729 : vector<16xi32>
              %gather3A_731 = tpu.vector_load_idx %arg6[%add3A_730] : memref<40000xf32, #tpu.memory_space<vmem>>[vector<16xi32>], vector<16xf32>,
              %add3A_732 = arith.constant 10000 : i32
              %add3A_733 = vector.broadcast %add3A_732 : i32 to vector<16xi32>
              %add3A_734 = arith.addi %get3A_706, %add3A_733 : vector<16xi32>
              %gather3A_735 = tpu.vector_load_idx %arg7[%add3A_734] : memref<40000xf32, #tpu.memory_space<vmem>>[vector<16xi32>], vector<16xf32>,
              %add3A_736 = arith.constant 10000 : i32
              %add3A_737 = vector.broadcast %add3A_736 : i32 to vector<16xi32>
              %add3A_738 = arith.addi %get3A_706, %add3A_737 : vector<16xi32>
              %max3A_739 = arith.maximumf %gather3A_735, %gather3A_731 : vector<16xf32>
              tpu.vector_store_idx %arg7[%add3A_738], %max3A_739 masked %and3A : memref<40000xf32, #tpu.memory_space<vmem>>[vector<16xi32>], vector<16xf32>, vector<16xi1>
              %add3A_740 = arith.constant 20000 : i32
              %add3A_741 = vector.broadcast %add3A_740 : i32 to vector<16xi32>
              %add3A_742 = arith.addi %get3A_704, %add3A_741 : vector<16xi32>
              %gather3A_743 = tpu.vector_load_idx %arg6[%add3A_742] : memref<40000xf32, #tpu.memory_space<vmem>>[vector<16xi32>], vector<16xf32>,
              %add3A_744 = arith.constant 20000 : i32
              %add3A_745 = vector.broadcast %add3A_744 : i32 to vector<16xi32>
              %add3A_746 = arith.addi %get3A_706, %add3A_745 : vector<16xi32>
              %gather3A_747 = tpu.vector_load_idx %arg7[%add3A_746] : memref<40000xf32, #tpu.memory_space<vmem>>[vector<16xi32>], vector<16xf32>,
              %add3A_748 = arith.constant 20000 : i32
              %add3A_749 = vector.broadcast %add3A_748 : i32 to vector<16xi32>
              %add3A_750 = arith.addi %get3A_706, %add3A_749 : vector<16xi32>
              %max3A_751 = arith.maximumf %gather3A_747, %gather3A_743 : vector<16xf32>
              tpu.vector_store_idx %arg7[%add3A_750], %max3A_751 masked %and3A : memref<40000xf32, #tpu.memory_space<vmem>>[vector<16xi32>], vector<16xf32>, vector<16xi1>
              %add3A_752 = arith.constant 30000 : i32
              %add3A_753 = vector.broadcast %add3A_752 : i32 to vector<16xi32>
              %add3A_754 = arith.addi %get3A_704, %add3A_753 : vector<16xi32>
              %gather3A_755 = tpu.vector_load_idx %arg6[%add3A_754] : memref<40000xf32, #tpu.memory_space<vmem>>[vector<16xi32>], vector<16xf32>,
              %add3A_756 = arith.constant 30000 : i32
              %add3A_757 = vector.broadcast %add3A_756 : i32 to vector<16xi32>
              %add3A_758 = arith.addi %get3A_706, %add3A_757 : vector<16xi32>
              %gather3A_759 = tpu.vector_load_idx %arg7[%add3A_758] : memref<40000xf32, #tpu.memory_space<vmem>>[vector<16xi32>], vector<16xf32>,
              %add3A_760 = arith.constant 30000 : i32
              %add3A_761 = vector.broadcast %add3A_760 : i32 to vector<16xi32>
              %add3A_762 = arith.addi %get3A_706, %add3A_761 : vector<16xi32>
              %max3A_763 = arith.maximumf %gather3A_759, %gather3A_755 : vector<16xf32>
              tpu.vector_store_idx %arg7[%add3A_762], %max3A_763 masked %and3A : memref<40000xf32, #tpu.memory_space<vmem>>[vector<16xi32>], vector<16xf32>, vector<16xi1>
              %jit3A = arith.constant 0 : i32
              %broadcast_in_dim3A_764 = vector.broadcast %jit3A : i32 to vector<16xi32>
              %select_n3A = arith.select %and3A, %broadcast_in_dim3A_764, %while3A_711 : vector<16xi1>, vector<16xi32>
              %reduce_max3A_765 = arith.constant true
              %reduce_max3A_766 = vector.broadcast %reduce_max3A_765 : i1 to vector<16xi1>
              %reduce_max3A_767 = arith.constant -2147483648 : i32
              %reduce_max3A_768 = vector.broadcast %reduce_max3A_767 : i32 to vector<16xi32>
              %reduce_max3A_769 = arith.xori %select_n3A, %reduce_max3A_768 : vector<16xi32>
              %reduce_max3A_770 = tpu.scan <max>, %reduce_max3A_769 masked %reduce_max3A_766 : vector<16xi32>, vector<16xi1> -> vector<16xi32>
              %reduce_max3A_771 = arith.xori %reduce_max3A_770, %reduce_max3A_768 : vector<16xi32>
              %reduce_max3A_772 = vector.extract %reduce_max3A_771[15] : i32 from vector<16xi32>
              scf.yield %reduce_max3A_772, %select_n3A : i32, vector<16xi32>
            }
          } else {
          }
          %convert_element_type3A_669 = arith.extui %not3A_473 : vector<16xi1> to vector<16xi32>
          %reduce_max3A_670 = arith.constant true
          %reduce_max3A_671 = vector.broadcast %reduce_max3A_670 : i1 to vector<16xi1>
          %reduce_max3A_672 = arith.constant -2147483648 : i32
          %reduce_max3A_673 = vector.broadcast %reduce_max3A_672 : i32 to vector<16xi32>
          %reduce_max3A_674 = arith.xori %convert_element_type3A_669, %reduce_max3A_673 : vector<16xi32>
          %reduce_max3A_675 = tpu.scan <max>, %reduce_max3A_674 masked %reduce_max3A_671 : vector<16xi32>, vector<16xi1> -> vector<16xi32>
          %reduce_max3A_676 = arith.xori %reduce_max3A_675, %reduce_max3A_673 : vector<16xi32>
          %reduce_max3A_677 = vector.extract %reduce_max3A_676[15] : i32 from vector<16xi32>
          %gt3A_678 = arith.constant 0 : i32
          %gt3A_679 = arith.cmpi sgt, %reduce_max3A_677, %gt3A_678 : i32
          %convert_element_type3A_680 = arith.extui %gt3A_679 : i1 to i32
          %cond3A_681 = arith.constant 0 : i32
          %cond3A_682 = arith.cmpi ne, %convert_element_type3A_680, %cond3A_681 : i32
          scf.if %cond3A_682 {
            %mul3A_697 = arith.constant 8 : i32
            %mul3A_698 = arith.muli %scan3A_68, %mul3A_697 : i32
            %add3A_699 = arith.constant 6 : i32
            %add3A_700 = arith.addi %mul3A_698, %add3A_699 : i32
            %mul3A_701 = arith.constant 16 : i32
            %mul3A_702 = arith.muli %add3A_700, %mul3A_701 : i32
            %get3A_703 = arith.index_cast %mul3A_702 : i32 to index
            %get3A_704 = tpu.vector_load %arg9[%get3A_703] {strides = array<i32>} : memref<6400xi32, #tpu.memory_space<vmem>>, vector<16xi32>,
            %get3A_705 = arith.index_cast %mul3A_702 : i32 to index
            %get3A_706 = tpu.vector_load %arg11[%get3A_705] {strides = array<i32>} : memref<6400xi32, #tpu.memory_space<vmem>>, vector<16xi32>,
            %broadcast_in_dim3A_707 = arith.constant 1 : i32
            %broadcast_in_dim3A_708 = vector.broadcast %broadcast_in_dim3A_707 : i32 to vector<16xi32>
            %while3A = arith.constant 1 : i32
            %while3A_709:2 = scf.while (%while3A_710 = %while3A, %while3A_711 = %broadcast_in_dim3A_708) : (i32, vector<16xi32>) -> (i32, vector<16xi32>) {
              %gt3A_712 = arith.constant 0 : i32
              %gt3A_713 = arith.cmpi sgt, %while3A_710, %gt3A_712 : i32
              scf.condition(%gt3A_713) %while3A_710, %while3A_711 : i32, vector<16xi32>
            } do {
            ^bb0(%while3A_710: i32, %while3A_711: vector<16xi32>):
              %gt3A_712 = arith.constant 0 : i32
              %gt3A_713 = vector.broadcast %gt3A_712 : i32 to vector<16xi32>
              %gt3A_714 = arith.cmpi sgt, %while3A_711, %gt3A_713 : vector<16xi32>
              tpu.vector_store_idx %arg8[%get3A_706], %iota3A masked %gt3A_714 : memref<10000xi32, #tpu.memory_space<vmem>>[vector<16xi32>], vector<16xi32>, vector<16xi1>
              %gather3A_715 = tpu.vector_load_idx %arg8[%get3A_706] : memref<10000xi32, #tpu.memory_space<vmem>>[vector<16xi32>], vector<16xi32>,
              %eq3A = arith.cmpi eq, %gather3A_715, %iota3A : vector<16xi32>
              %and3A = arith.andi %gt3A_714, %eq3A : vector<16xi1>
              %add3A_716 = arith.constant 0 : i32
              %add3A_717 = vector.broadcast %add3A_716 : i32 to vector<16xi32>
              %add3A_718 = arith.addi %get3A_704, %add3A_717 : vector<16xi32>
              %gather3A_719 = tpu.vector_load_idx %arg6[%add3A_718] : memref<40000xf32, #tpu.memory_space<vmem>>[vector<16xi32>], vector<16xf32>,
              %add3A_720 = arith.constant 0 : i32
              %add3A_721 = vector.broadcast %add3A_720 : i32 to vector<16xi32>
              %add3A_722 = arith.addi %get3A_706, %add3A_721 : vector<16xi32>
              %gather3A_723 = tpu.vector_load_idx %arg7[%add3A_722] : memref<40000xf32, #tpu.memory_space<vmem>>[vector<16xi32>], vector<16xf32>,
              %add3A_724 = arith.constant 0 : i32
              %add3A_725 = vector.broadcast %add3A_724 : i32 to vector<16xi32>
              %add3A_726 = arith.addi %get3A_706, %add3A_725 : vector<16xi32>
              %max3A_727 = arith.maximumf %gather3A_723, %gather3A_719 : vector<16xf32>
              tpu.vector_store_idx %arg7[%add3A_726], %max3A_727 masked %and3A : memref<40000xf32, #tpu.memory_space<vmem>>[vector<16xi32>], vector<16xf32>, vector<16xi1>
              %add3A_728 = arith.constant 10000 : i32
              %add3A_729 = vector.broadcast %add3A_728 : i32 to vector<16xi32>
              %add3A_730 = arith.addi %get3A_704, %add3A_729 : vector<16xi32>
              %gather3A_731 = tpu.vector_load_idx %arg6[%add3A_730] : memref<40000xf32, #tpu.memory_space<vmem>>[vector<16xi32>], vector<16xf32>,
              %add3A_732 = arith.constant 10000 : i32
              %add3A_733 = vector.broadcast %add3A_732 : i32 to vector<16xi32>
              %add3A_734 = arith.addi %get3A_706, %add3A_733 : vector<16xi32>
              %gather3A_735 = tpu.vector_load_idx %arg7[%add3A_734] : memref<40000xf32, #tpu.memory_space<vmem>>[vector<16xi32>], vector<16xf32>,
              %add3A_736 = arith.constant 10000 : i32
              %add3A_737 = vector.broadcast %add3A_736 : i32 to vector<16xi32>
              %add3A_738 = arith.addi %get3A_706, %add3A_737 : vector<16xi32>
              %max3A_739 = arith.maximumf %gather3A_735, %gather3A_731 : vector<16xf32>
              tpu.vector_store_idx %arg7[%add3A_738], %max3A_739 masked %and3A : memref<40000xf32, #tpu.memory_space<vmem>>[vector<16xi32>], vector<16xf32>, vector<16xi1>
              %add3A_740 = arith.constant 20000 : i32
              %add3A_741 = vector.broadcast %add3A_740 : i32 to vector<16xi32>
              %add3A_742 = arith.addi %get3A_704, %add3A_741 : vector<16xi32>
              %gather3A_743 = tpu.vector_load_idx %arg6[%add3A_742] : memref<40000xf32, #tpu.memory_space<vmem>>[vector<16xi32>], vector<16xf32>,
              %add3A_744 = arith.constant 20000 : i32
              %add3A_745 = vector.broadcast %add3A_744 : i32 to vector<16xi32>
              %add3A_746 = arith.addi %get3A_706, %add3A_745 : vector<16xi32>
              %gather3A_747 = tpu.vector_load_idx %arg7[%add3A_746] : memref<40000xf32, #tpu.memory_space<vmem>>[vector<16xi32>], vector<16xf32>,
              %add3A_748 = arith.constant 20000 : i32
              %add3A_749 = vector.broadcast %add3A_748 : i32 to vector<16xi32>
              %add3A_750 = arith.addi %get3A_706, %add3A_749 : vector<16xi32>
              %max3A_751 = arith.maximumf %gather3A_747, %gather3A_743 : vector<16xf32>
              tpu.vector_store_idx %arg7[%add3A_750], %max3A_751 masked %and3A : memref<40000xf32, #tpu.memory_space<vmem>>[vector<16xi32>], vector<16xf32>, vector<16xi1>
              %add3A_752 = arith.constant 30000 : i32
              %add3A_753 = vector.broadcast %add3A_752 : i32 to vector<16xi32>
              %add3A_754 = arith.addi %get3A_704, %add3A_753 : vector<16xi32>
              %gather3A_755 = tpu.vector_load_idx %arg6[%add3A_754] : memref<40000xf32, #tpu.memory_space<vmem>>[vector<16xi32>], vector<16xf32>,
              %add3A_756 = arith.constant 30000 : i32
              %add3A_757 = vector.broadcast %add3A_756 : i32 to vector<16xi32>
              %add3A_758 = arith.addi %get3A_706, %add3A_757 : vector<16xi32>
              %gather3A_759 = tpu.vector_load_idx %arg7[%add3A_758] : memref<40000xf32, #tpu.memory_space<vmem>>[vector<16xi32>], vector<16xf32>,
              %add3A_760 = arith.constant 30000 : i32
              %add3A_761 = vector.broadcast %add3A_760 : i32 to vector<16xi32>
              %add3A_762 = arith.addi %get3A_706, %add3A_761 : vector<16xi32>
              %max3A_763 = arith.maximumf %gather3A_759, %gather3A_755 : vector<16xf32>
              tpu.vector_store_idx %arg7[%add3A_762], %max3A_763 masked %and3A : memref<40000xf32, #tpu.memory_space<vmem>>[vector<16xi32>], vector<16xf32>, vector<16xi1>
              %jit3A = arith.constant 0 : i32
              %broadcast_in_dim3A_764 = vector.broadcast %jit3A : i32 to vector<16xi32>
              %select_n3A = arith.select %and3A, %broadcast_in_dim3A_764, %while3A_711 : vector<16xi1>, vector<16xi32>
              %reduce_max3A_765 = arith.constant true
              %reduce_max3A_766 = vector.broadcast %reduce_max3A_765 : i1 to vector<16xi1>
              %reduce_max3A_767 = arith.constant -2147483648 : i32
              %reduce_max3A_768 = vector.broadcast %reduce_max3A_767 : i32 to vector<16xi32>
              %reduce_max3A_769 = arith.xori %select_n3A, %reduce_max3A_768 : vector<16xi32>
              %reduce_max3A_770 = tpu.scan <max>, %reduce_max3A_769 masked %reduce_max3A_766 : vector<16xi32>, vector<16xi1> -> vector<16xi32>
              %reduce_max3A_771 = arith.xori %reduce_max3A_770, %reduce_max3A_768 : vector<16xi32>
              %reduce_max3A_772 = vector.extract %reduce_max3A_771[15] : i32 from vector<16xi32>
              scf.yield %reduce_max3A_772, %select_n3A : i32, vector<16xi32>
            }
          } else {
          }
          %convert_element_type3A_683 = arith.extui %not3A_527 : vector<16xi1> to vector<16xi32>
          %reduce_max3A_684 = arith.constant true
          %reduce_max3A_685 = vector.broadcast %reduce_max3A_684 : i1 to vector<16xi1>
          %reduce_max3A_686 = arith.constant -2147483648 : i32
          %reduce_max3A_687 = vector.broadcast %reduce_max3A_686 : i32 to vector<16xi32>
          %reduce_max3A_688 = arith.xori %convert_element_type3A_683, %reduce_max3A_687 : vector<16xi32>
          %reduce_max3A_689 = tpu.scan <max>, %reduce_max3A_688 masked %reduce_max3A_685 : vector<16xi32>, vector<16xi1> -> vector<16xi32>
          %reduce_max3A_690 = arith.xori %reduce_max3A_689, %reduce_max3A_687 : vector<16xi32>
          %reduce_max3A_691 = vector.extract %reduce_max3A_690[15] : i32 from vector<16xi32>
          %gt3A_692 = arith.constant 0 : i32
          %gt3A_693 = arith.cmpi sgt, %reduce_max3A_691, %gt3A_692 : i32
          %convert_element_type3A_694 = arith.extui %gt3A_693 : i1 to i32
          %cond3A_695 = arith.constant 0 : i32
          %cond3A_696 = arith.cmpi ne, %convert_element_type3A_694, %cond3A_695 : i32
          scf.if %cond3A_696 {
            %mul3A_697 = arith.constant 8 : i32
            %mul3A_698 = arith.muli %scan3A_68, %mul3A_697 : i32
            %add3A_699 = arith.constant 7 : i32
            %add3A_700 = arith.addi %mul3A_698, %add3A_699 : i32
            %mul3A_701 = arith.constant 16 : i32
            %mul3A_702 = arith.muli %add3A_700, %mul3A_701 : i32
            %get3A_703 = arith.index_cast %mul3A_702 : i32 to index
            %get3A_704 = tpu.vector_load %arg9[%get3A_703] {strides = array<i32>} : memref<6400xi32, #tpu.memory_space<vmem>>, vector<16xi32>,
            %get3A_705 = arith.index_cast %mul3A_702 : i32 to index
            %get3A_706 = tpu.vector_load %arg11[%get3A_705] {strides = array<i32>} : memref<6400xi32, #tpu.memory_space<vmem>>, vector<16xi32>,
            %broadcast_in_dim3A_707 = arith.constant 1 : i32
            %broadcast_in_dim3A_708 = vector.broadcast %broadcast_in_dim3A_707 : i32 to vector<16xi32>
            %while3A = arith.constant 1 : i32
            %while3A_709:2 = scf.while (%while3A_710 = %while3A, %while3A_711 = %broadcast_in_dim3A_708) : (i32, vector<16xi32>) -> (i32, vector<16xi32>) {
              %gt3A_712 = arith.constant 0 : i32
              %gt3A_713 = arith.cmpi sgt, %while3A_710, %gt3A_712 : i32
              scf.condition(%gt3A_713) %while3A_710, %while3A_711 : i32, vector<16xi32>
            } do {
            ^bb0(%while3A_710: i32, %while3A_711: vector<16xi32>):
              %gt3A_712 = arith.constant 0 : i32
              %gt3A_713 = vector.broadcast %gt3A_712 : i32 to vector<16xi32>
              %gt3A_714 = arith.cmpi sgt, %while3A_711, %gt3A_713 : vector<16xi32>
              tpu.vector_store_idx %arg8[%get3A_706], %iota3A masked %gt3A_714 : memref<10000xi32, #tpu.memory_space<vmem>>[vector<16xi32>], vector<16xi32>, vector<16xi1>
              %gather3A_715 = tpu.vector_load_idx %arg8[%get3A_706] : memref<10000xi32, #tpu.memory_space<vmem>>[vector<16xi32>], vector<16xi32>,
              %eq3A = arith.cmpi eq, %gather3A_715, %iota3A : vector<16xi32>
              %and3A = arith.andi %gt3A_714, %eq3A : vector<16xi1>
              %add3A_716 = arith.constant 0 : i32
              %add3A_717 = vector.broadcast %add3A_716 : i32 to vector<16xi32>
              %add3A_718 = arith.addi %get3A_704, %add3A_717 : vector<16xi32>
              %gather3A_719 = tpu.vector_load_idx %arg6[%add3A_718] : memref<40000xf32, #tpu.memory_space<vmem>>[vector<16xi32>], vector<16xf32>,
              %add3A_720 = arith.constant 0 : i32
              %add3A_721 = vector.broadcast %add3A_720 : i32 to vector<16xi32>
              %add3A_722 = arith.addi %get3A_706, %add3A_721 : vector<16xi32>
              %gather3A_723 = tpu.vector_load_idx %arg7[%add3A_722] : memref<40000xf32, #tpu.memory_space<vmem>>[vector<16xi32>], vector<16xf32>,
              %add3A_724 = arith.constant 0 : i32
              %add3A_725 = vector.broadcast %add3A_724 : i32 to vector<16xi32>
              %add3A_726 = arith.addi %get3A_706, %add3A_725 : vector<16xi32>
              %max3A_727 = arith.maximumf %gather3A_723, %gather3A_719 : vector<16xf32>
              tpu.vector_store_idx %arg7[%add3A_726], %max3A_727 masked %and3A : memref<40000xf32, #tpu.memory_space<vmem>>[vector<16xi32>], vector<16xf32>, vector<16xi1>
              %add3A_728 = arith.constant 10000 : i32
              %add3A_729 = vector.broadcast %add3A_728 : i32 to vector<16xi32>
              %add3A_730 = arith.addi %get3A_704, %add3A_729 : vector<16xi32>
              %gather3A_731 = tpu.vector_load_idx %arg6[%add3A_730] : memref<40000xf32, #tpu.memory_space<vmem>>[vector<16xi32>], vector<16xf32>,
              %add3A_732 = arith.constant 10000 : i32
              %add3A_733 = vector.broadcast %add3A_732 : i32 to vector<16xi32>
              %add3A_734 = arith.addi %get3A_706, %add3A_733 : vector<16xi32>
              %gather3A_735 = tpu.vector_load_idx %arg7[%add3A_734] : memref<40000xf32, #tpu.memory_space<vmem>>[vector<16xi32>], vector<16xf32>,
              %add3A_736 = arith.constant 10000 : i32
              %add3A_737 = vector.broadcast %add3A_736 : i32 to vector<16xi32>
              %add3A_738 = arith.addi %get3A_706, %add3A_737 : vector<16xi32>
              %max3A_739 = arith.maximumf %gather3A_735, %gather3A_731 : vector<16xf32>
              tpu.vector_store_idx %arg7[%add3A_738], %max3A_739 masked %and3A : memref<40000xf32, #tpu.memory_space<vmem>>[vector<16xi32>], vector<16xf32>, vector<16xi1>
              %add3A_740 = arith.constant 20000 : i32
              %add3A_741 = vector.broadcast %add3A_740 : i32 to vector<16xi32>
              %add3A_742 = arith.addi %get3A_704, %add3A_741 : vector<16xi32>
              %gather3A_743 = tpu.vector_load_idx %arg6[%add3A_742] : memref<40000xf32, #tpu.memory_space<vmem>>[vector<16xi32>], vector<16xf32>,
              %add3A_744 = arith.constant 20000 : i32
              %add3A_745 = vector.broadcast %add3A_744 : i32 to vector<16xi32>
              %add3A_746 = arith.addi %get3A_706, %add3A_745 : vector<16xi32>
              %gather3A_747 = tpu.vector_load_idx %arg7[%add3A_746] : memref<40000xf32, #tpu.memory_space<vmem>>[vector<16xi32>], vector<16xf32>,
              %add3A_748 = arith.constant 20000 : i32
              %add3A_749 = vector.broadcast %add3A_748 : i32 to vector<16xi32>
              %add3A_750 = arith.addi %get3A_706, %add3A_749 : vector<16xi32>
              %max3A_751 = arith.maximumf %gather3A_747, %gather3A_743 : vector<16xf32>
              tpu.vector_store_idx %arg7[%add3A_750], %max3A_751 masked %and3A : memref<40000xf32, #tpu.memory_space<vmem>>[vector<16xi32>], vector<16xf32>, vector<16xi1>
              %add3A_752 = arith.constant 30000 : i32
              %add3A_753 = vector.broadcast %add3A_752 : i32 to vector<16xi32>
              %add3A_754 = arith.addi %get3A_704, %add3A_753 : vector<16xi32>
              %gather3A_755 = tpu.vector_load_idx %arg6[%add3A_754] : memref<40000xf32, #tpu.memory_space<vmem>>[vector<16xi32>], vector<16xf32>,
              %add3A_756 = arith.constant 30000 : i32
              %add3A_757 = vector.broadcast %add3A_756 : i32 to vector<16xi32>
              %add3A_758 = arith.addi %get3A_706, %add3A_757 : vector<16xi32>
              %gather3A_759 = tpu.vector_load_idx %arg7[%add3A_758] : memref<40000xf32, #tpu.memory_space<vmem>>[vector<16xi32>], vector<16xf32>,
              %add3A_760 = arith.constant 30000 : i32
              %add3A_761 = vector.broadcast %add3A_760 : i32 to vector<16xi32>
              %add3A_762 = arith.addi %get3A_706, %add3A_761 : vector<16xi32>
              %max3A_763 = arith.maximumf %gather3A_759, %gather3A_755 : vector<16xf32>
              tpu.vector_store_idx %arg7[%add3A_762], %max3A_763 masked %and3A : memref<40000xf32, #tpu.memory_space<vmem>>[vector<16xi32>], vector<16xf32>, vector<16xi1>
              %jit3A = arith.constant 0 : i32
              %broadcast_in_dim3A_764 = vector.broadcast %jit3A : i32 to vector<16xi32>
              %select_n3A = arith.select %and3A, %broadcast_in_dim3A_764, %while3A_711 : vector<16xi1>, vector<16xi32>
              %reduce_max3A_765 = arith.constant true
              %reduce_max3A_766 = vector.broadcast %reduce_max3A_765 : i1 to vector<16xi1>
              %reduce_max3A_767 = arith.constant -2147483648 : i32
              %reduce_max3A_768 = vector.broadcast %reduce_max3A_767 : i32 to vector<16xi32>
              %reduce_max3A_769 = arith.xori %select_n3A, %reduce_max3A_768 : vector<16xi32>
              %reduce_max3A_770 = tpu.scan <max>, %reduce_max3A_769 masked %reduce_max3A_766 : vector<16xi32>, vector<16xi1> -> vector<16xi32>
              %reduce_max3A_771 = arith.xori %reduce_max3A_770, %reduce_max3A_768 : vector<16xi32>
              %reduce_max3A_772 = vector.extract %reduce_max3A_771[15] : i32 from vector<16xi32>
              scf.yield %reduce_max3A_772, %select_n3A : i32, vector<16xi32>
            }
          } else {
          }
        } else {
        }
      }
      %scan3A_47 = arith.constant 50 : i32
      %add3A_48 = arith.constant 2 : i32
      %add3A_49 = arith.addi %mul3A_28, %add3A_48 : i32
      %lt3A = arith.constant 50 : i32
      %lt3A_50 = arith.cmpi slt, %add3A_49, %lt3A : i32
      %convert_element_type3A = arith.extui %lt3A_50 : i1 to i32
      %cond3A = arith.constant 0 : i32
      %cond3A_51 = arith.cmpi ne, %convert_element_type3A, %cond3A : i32
      scf.if %cond3A_51 {
        %add3A_68 = arith.constant 2 : i32
        %add3A_69 = arith.addi %mul3A_28, %add3A_68 : i32
        %mul3A_70 = arith.constant 6400 : i32
        %mul3A_71 = arith.muli %add3A_69, %mul3A_70 : i32
        %dma_start3A_72 = tpu.memref_slice %arg3[%mul3A_71] : memref<320000xi32, #tpu.memory_space<hbm>> -> memref<6400xi32, #tpu.memory_space<hbm>>
        %dma_start3A_73 = tpu.memref_slice %arg3[%mul3A_71] : memref<320000xi32, #tpu.memory_space<hbm>> -> memref<6400xi32, #tpu.memory_space<hbm>>
        tpu.enqueue_dma source(%dma_start3A_73 : memref<6400xi32, #tpu.memory_space<hbm>>) target(%arg9 : memref<6400xi32, #tpu.memory_space<vmem>>) target_semaphore(%arg13 : memref<!tpu.dma_semaphore, #tpu.memory_space<semaphore_mem>>)
        %dma_start3A_74 = tpu.memref_slice %arg4[%mul3A_71] : memref<320000xi32, #tpu.memory_space<hbm>> -> memref<6400xi32, #tpu.memory_space<hbm>>
        %dma_start3A_75 = tpu.memref_slice %arg4[%mul3A_71] : memref<320000xi32, #tpu.memory_space<hbm>> -> memref<6400xi32, #tpu.memory_space<hbm>>
        tpu.enqueue_dma source(%dma_start3A_75 : memref<6400xi32, #tpu.memory_space<hbm>>) target(%arg11 : memref<6400xi32, #tpu.memory_space<vmem>>) target_semaphore(%arg15 : memref<!tpu.dma_semaphore, #tpu.memory_space<semaphore_mem>>)
      } else {
      }
      %add3A_52 = arith.constant 1 : i32
      %add3A_53 = arith.addi %mul3A_28, %add3A_52 : i32
      %mul3A_54 = arith.constant 6400 : i32
      %mul3A_55 = arith.muli %add3A_53, %mul3A_54 : i32
      %dma_wait3A_56 = tpu.memref_slice %arg3[%mul3A_55] : memref<320000xi32, #tpu.memory_space<hbm>> -> memref<6400xi32, #tpu.memory_space<hbm>>
      %dma_wait3A_57 = tpu.memref_slice %arg3[%mul3A_55] : memref<320000xi32, #tpu.memory_space<hbm>> -> memref<6400xi32, #tpu.memory_space<hbm>>
      tpu.wait_dma2 semaphore(%arg14 : memref<!tpu.dma_semaphore, #tpu.memory_space<semaphore_mem>>) src(%dma_wait3A_57 : memref<6400xi32, #tpu.memory_space<hbm>>) dst(%arg10 : memref<6400xi32, #tpu.memory_space<vmem>>)
      %dma_wait3A_58 = tpu.memref_slice %arg4[%mul3A_55] : memref<320000xi32, #tpu.memory_space<hbm>> -> memref<6400xi32, #tpu.memory_space<hbm>>
      %dma_wait3A_59 = tpu.memref_slice %arg4[%mul3A_55] : memref<320000xi32, #tpu.memory_space<hbm>> -> memref<6400xi32, #tpu.memory_space<hbm>>
      tpu.wait_dma2 semaphore(%arg16 : memref<!tpu.dma_semaphore, #tpu.memory_space<semaphore_mem>>) src(%dma_wait3A_59 : memref<6400xi32, #tpu.memory_space<hbm>>) dst(%arg12 : memref<6400xi32, #tpu.memory_space<vmem>>)
      %add3A_60 = arith.constant 1 : i32
      %add3A_61 = arith.addi %mul3A_28, %add3A_60 : i32
      %scan3A_62 = arith.constant 0 : i32
      %scan3A_63 = arith.constant 0 : i32
      %scan3A_64 = arith.constant 50 : i32
      %scan3A_65 = arith.addi %scan3A_63, %scan3A_64 : i32
      %scan3A_66 = arith.constant 1 : i32
      scf.for %scan3A_68 = %scan3A_63 to %scan3A_65 step %scan3A_66  : i32 {
        %mul3A_69 = arith.constant 8 : i32
        %mul3A_70 = arith.muli %scan3A_68, %mul3A_69 : i32
        %add3A_71 = arith.constant 0 : i32
        %add3A_72 = arith.addi %mul3A_70, %add3A_71 : i32
        %mul3A_73 = arith.constant 16 : i32
        %mul3A_74 = arith.muli %add3A_72, %mul3A_73 : i32
        %get3A = arith.index_cast %mul3A_74 : i32 to index
        %get3A_75 = tpu.vector_load %arg10[%get3A] {strides = array<i32>} : memref<6400xi32, #tpu.memory_space<vmem>>, vector<16xi32>,
        %get3A_76 = arith.index_cast %mul3A_74 : i32 to index
        %get3A_77 = tpu.vector_load %arg12[%get3A_76] {strides = array<i32>} : memref<6400xi32, #tpu.memory_space<vmem>>, vector<16xi32>,
        %mul3A_78 = arith.constant 8 : i32
        %mul3A_79 = arith.muli %scan3A_68, %mul3A_78 : i32
        %add3A_80 = arith.constant 1 : i32
        %add3A_81 = arith.addi %mul3A_79, %add3A_80 : i32
        %mul3A_82 = arith.constant 16 : i32
        %mul3A_83 = arith.muli %add3A_81, %mul3A_82 : i32
        %get3A_84 = arith.index_cast %mul3A_83 : i32 to index
        %get3A_85 = tpu.vector_load %arg10[%get3A_84] {strides = array<i32>} : memref<6400xi32, #tpu.memory_space<vmem>>, vector<16xi32>,
        %get3A_86 = arith.index_cast %mul3A_83 : i32 to index
        %get3A_87 = tpu.vector_load %arg12[%get3A_86] {strides = array<i32>} : memref<6400xi32, #tpu.memory_space<vmem>>, vector<16xi32>,
        %mul3A_88 = arith.constant 8 : i32
        %mul3A_89 = arith.muli %scan3A_68, %mul3A_88 : i32
        %add3A_90 = arith.constant 2 : i32
        %add3A_91 = arith.addi %mul3A_89, %add3A_90 : i32
        %mul3A_92 = arith.constant 16 : i32
        %mul3A_93 = arith.muli %add3A_91, %mul3A_92 : i32
        %get3A_94 = arith.index_cast %mul3A_93 : i32 to index
        %get3A_95 = tpu.vector_load %arg10[%get3A_94] {strides = array<i32>} : memref<6400xi32, #tpu.memory_space<vmem>>, vector<16xi32>,
        %get3A_96 = arith.index_cast %mul3A_93 : i32 to index
        %get3A_97 = tpu.vector_load %arg12[%get3A_96] {strides = array<i32>} : memref<6400xi32, #tpu.memory_space<vmem>>, vector<16xi32>,
        %mul3A_98 = arith.constant 8 : i32
        %mul3A_99 = arith.muli %scan3A_68, %mul3A_98 : i32
        %add3A_100 = arith.constant 3 : i32
        %add3A_101 = arith.addi %mul3A_99, %add3A_100 : i32
        %mul3A_102 = arith.constant 16 : i32
        %mul3A_103 = arith.muli %add3A_101, %mul3A_102 : i32
        %get3A_104 = arith.index_cast %mul3A_103 : i32 to index
        %get3A_105 = tpu.vector_load %arg10[%get3A_104] {strides = array<i32>} : memref<6400xi32, #tpu.memory_space<vmem>>, vector<16xi32>,
        %get3A_106 = arith.index_cast %mul3A_103 : i32 to index
        %get3A_107 = tpu.vector_load %arg12[%get3A_106] {strides = array<i32>} : memref<6400xi32, #tpu.memory_space<vmem>>, vector<16xi32>,
        %mul3A_108 = arith.constant 8 : i32
        %mul3A_109 = arith.muli %scan3A_68, %mul3A_108 : i32
        %add3A_110 = arith.constant 4 : i32
        %add3A_111 = arith.addi %mul3A_109, %add3A_110 : i32
        %mul3A_112 = arith.constant 16 : i32
        %mul3A_113 = arith.muli %add3A_111, %mul3A_112 : i32
        %get3A_114 = arith.index_cast %mul3A_113 : i32 to index
        %get3A_115 = tpu.vector_load %arg10[%get3A_114] {strides = array<i32>} : memref<6400xi32, #tpu.memory_space<vmem>>, vector<16xi32>,
        %get3A_116 = arith.index_cast %mul3A_113 : i32 to index
        %get3A_117 = tpu.vector_load %arg12[%get3A_116] {strides = array<i32>} : memref<6400xi32, #tpu.memory_space<vmem>>, vector<16xi32>,
        %mul3A_118 = arith.constant 8 : i32
        %mul3A_119 = arith.muli %scan3A_68, %mul3A_118 : i32
        %add3A_120 = arith.constant 5 : i32
        %add3A_121 = arith.addi %mul3A_119, %add3A_120 : i32
        %mul3A_122 = arith.constant 16 : i32
        %mul3A_123 = arith.muli %add3A_121, %mul3A_122 : i32
        %get3A_124 = arith.index_cast %mul3A_123 : i32 to index
        %get3A_125 = tpu.vector_load %arg10[%get3A_124] {strides = array<i32>} : memref<6400xi32, #tpu.memory_space<vmem>>, vector<16xi32>,
        %get3A_126 = arith.index_cast %mul3A_123 : i32 to index
        %get3A_127 = tpu.vector_load %arg12[%get3A_126] {strides = array<i32>} : memref<6400xi32, #tpu.memory_space<vmem>>, vector<16xi32>,
        %mul3A_128 = arith.constant 8 : i32
        %mul3A_129 = arith.muli %scan3A_68, %mul3A_128 : i32
        %add3A_130 = arith.constant 6 : i32
        %add3A_131 = arith.addi %mul3A_129, %add3A_130 : i32
        %mul3A_132 = arith.constant 16 : i32
        %mul3A_133 = arith.muli %add3A_131, %mul3A_132 : i32
        %get3A_134 = arith.index_cast %mul3A_133 : i32 to index
        %get3A_135 = tpu.vector_load %arg10[%get3A_134] {strides = array<i32>} : memref<6400xi32, #tpu.memory_space<vmem>>, vector<16xi32>,
        %get3A_136 = arith.index_cast %mul3A_133 : i32 to index
        %get3A_137 = tpu.vector_load %arg12[%get3A_136] {strides = array<i32>} : memref<6400xi32, #tpu.memory_space<vmem>>, vector<16xi32>,
        %mul3A_138 = arith.constant 8 : i32
        %mul3A_139 = arith.muli %scan3A_68, %mul3A_138 : i32
        %add3A_140 = arith.constant 7 : i32
        %add3A_141 = arith.addi %mul3A_139, %add3A_140 : i32
        %mul3A_142 = arith.constant 16 : i32
        %mul3A_143 = arith.muli %add3A_141, %mul3A_142 : i32
        %get3A_144 = arith.index_cast %mul3A_143 : i32 to index
        %get3A_145 = tpu.vector_load %arg10[%get3A_144] {strides = array<i32>} : memref<6400xi32, #tpu.memory_space<vmem>>, vector<16xi32>,
        %get3A_146 = arith.index_cast %mul3A_143 : i32 to index
        %get3A_147 = tpu.vector_load %arg12[%get3A_146] {strides = array<i32>} : memref<6400xi32, #tpu.memory_space<vmem>>, vector<16xi32>,
        %broadcast_in_dim3A_148 = arith.constant true
        %broadcast_in_dim3A_149 = vector.broadcast %broadcast_in_dim3A_148 : i1 to vector<16xi1>
        %unique3A, %unique3A_150 = tpu.scan_count mask(%broadcast_in_dim3A_149 : vector<16xi1>) value(%get3A_77 : vector<16xi32>) : vector<16xi1>, vector<16xi32>
        %not3A = arith.constant dense<true> : vector<16xi1>
        %not3A_151 = arith.xori %unique3A, %not3A : vector<16xi1>
        %add3A_152 = arith.constant 0 : i32
        %add3A_153 = vector.broadcast %add3A_152 : i32 to vector<16xi32>
        %add3A_154 = arith.addi %get3A_75, %add3A_153 : vector<16xi32>
        %gather3A = tpu.vector_load_idx %arg6[%add3A_154] : memref<40000xf32, #tpu.memory_space<vmem>>[vector<16xi32>], vector<16xf32>,
        %add3A_155 = arith.constant 10000 : i32
        %add3A_156 = vector.broadcast %add3A_155 : i32 to vector<16xi32>
        %add3A_157 = arith.addi %get3A_75, %add3A_156 : vector<16xi32>
        %gather3A_158 = tpu.vector_load_idx %arg6[%add3A_157] : memref<40000xf32, #tpu.memory_space<vmem>>[vector<16xi32>], vector<16xf32>,
        %add3A_159 = arith.constant 20000 : i32
        %add3A_160 = vector.broadcast %add3A_159 : i32 to vector<16xi32>
        %add3A_161 = arith.addi %get3A_75, %add3A_160 : vector<16xi32>
        %gather3A_162 = tpu.vector_load_idx %arg6[%add3A_161] : memref<40000xf32, #tpu.memory_space<vmem>>[vector<16xi32>], vector<16xf32>,
        %add3A_163 = arith.constant 30000 : i32
        %add3A_164 = vector.broadcast %add3A_163 : i32 to vector<16xi32>
        %add3A_165 = arith.addi %get3A_75, %add3A_164 : vector<16xi32>
        %gather3A_166 = tpu.vector_load_idx %arg6[%add3A_165] : memref<40000xf32, #tpu.memory_space<vmem>>[vector<16xi32>], vector<16xf32>,
        %add3A_167 = arith.constant 0 : i32
        %add3A_168 = vector.broadcast %add3A_167 : i32 to vector<16xi32>
        %add3A_169 = arith.addi %get3A_77, %add3A_168 : vector<16xi32>
        %gather3A_170 = tpu.vector_load_idx %arg7[%add3A_169] : memref<40000xf32, #tpu.memory_space<vmem>>[vector<16xi32>], vector<16xf32>,
        %add3A_171 = arith.constant 10000 : i32
        %add3A_172 = vector.broadcast %add3A_171 : i32 to vector<16xi32>
        %add3A_173 = arith.addi %get3A_77, %add3A_172 : vector<16xi32>
        %gather3A_174 = tpu.vector_load_idx %arg7[%add3A_173] : memref<40000xf32, #tpu.memory_space<vmem>>[vector<16xi32>], vector<16xf32>,
        %add3A_175 = arith.constant 20000 : i32
        %add3A_176 = vector.broadcast %add3A_175 : i32 to vector<16xi32>
        %add3A_177 = arith.addi %get3A_77, %add3A_176 : vector<16xi32>
        %gather3A_178 = tpu.vector_load_idx %arg7[%add3A_177] : memref<40000xf32, #tpu.memory_space<vmem>>[vector<16xi32>], vector<16xf32>,
        %add3A_179 = arith.constant 30000 : i32
        %add3A_180 = vector.broadcast %add3A_179 : i32 to vector<16xi32>
        %add3A_181 = arith.addi %get3A_77, %add3A_180 : vector<16xi32>
        %gather3A_182 = tpu.vector_load_idx %arg7[%add3A_181] : memref<40000xf32, #tpu.memory_space<vmem>>[vector<16xi32>], vector<16xf32>,
        %add3A_183 = arith.constant 0 : i32
        %add3A_184 = vector.broadcast %add3A_183 : i32 to vector<16xi32>
        %add3A_185 = arith.addi %get3A_77, %add3A_184 : vector<16xi32>
        %max3A = arith.maximumf %gather3A_170, %gather3A : vector<16xf32>
        tpu.vector_store_idx %arg7[%add3A_185], %max3A : memref<40000xf32, #tpu.memory_space<vmem>>[vector<16xi32>], vector<16xf32>,
        %add3A_186 = arith.constant 10000 : i32
        %add3A_187 = vector.broadcast %add3A_186 : i32 to vector<16xi32>
        %add3A_188 = arith.addi %get3A_77, %add3A_187 : vector<16xi32>
        %max3A_189 = arith.maximumf %gather3A_174, %gather3A_158 : vector<16xf32>
        tpu.vector_store_idx %arg7[%add3A_188], %max3A_189 : memref<40000xf32, #tpu.memory_space<vmem>>[vector<16xi32>], vector<16xf32>,
        %add3A_190 = arith.constant 20000 : i32
        %add3A_191 = vector.broadcast %add3A_190 : i32 to vector<16xi32>
        %add3A_192 = arith.addi %get3A_77, %add3A_191 : vector<16xi32>
        %max3A_193 = arith.maximumf %gather3A_178, %gather3A_162 : vector<16xf32>
        tpu.vector_store_idx %arg7[%add3A_192], %max3A_193 : memref<40000xf32, #tpu.memory_space<vmem>>[vector<16xi32>], vector<16xf32>,
        %add3A_194 = arith.constant 30000 : i32
        %add3A_195 = vector.broadcast %add3A_194 : i32 to vector<16xi32>
        %add3A_196 = arith.addi %get3A_77, %add3A_195 : vector<16xi32>
        %max3A_197 = arith.maximumf %gather3A_182, %gather3A_166 : vector<16xf32>
        tpu.vector_store_idx %arg7[%add3A_196], %max3A_197 : memref<40000xf32, #tpu.memory_space<vmem>>[vector<16xi32>], vector<16xf32>,
        %broadcast_in_dim3A_198 = arith.constant true
        %broadcast_in_dim3A_199 = vector.broadcast %broadcast_in_dim3A_198 : i1 to vector<16xi1>
        %unique3A_200, %unique3A_201 = tpu.scan_count mask(%broadcast_in_dim3A_199 : vector<16xi1>) value(%get3A_87 : vector<16xi32>) : vector<16xi1>, vector<16xi32>
        %not3A_202 = arith.constant dense<true> : vector<16xi1>
        %not3A_203 = arith.xori %unique3A_200, %not3A_202 : vector<16xi1>
        %add3A_204 = arith.constant 0 : i32
        %add3A_205 = vector.broadcast %add3A_204 : i32 to vector<16xi32>
        %add3A_206 = arith.addi %get3A_85, %add3A_205 : vector<16xi32>
        %gather3A_207 = tpu.vector_load_idx %arg6[%add3A_206] : memref<40000xf32, #tpu.memory_space<vmem>>[vector<16xi32>], vector<16xf32>,
        %add3A_208 = arith.constant 10000 : i32
        %add3A_209 = vector.broadcast %add3A_208 : i32 to vector<16xi32>
        %add3A_210 = arith.addi %get3A_85, %add3A_209 : vector<16xi32>
        %gather3A_211 = tpu.vector_load_idx %arg6[%add3A_210] : memref<40000xf32, #tpu.memory_space<vmem>>[vector<16xi32>], vector<16xf32>,
        %add3A_212 = arith.constant 20000 : i32
        %add3A_213 = vector.broadcast %add3A_212 : i32 to vector<16xi32>
        %add3A_214 = arith.addi %get3A_85, %add3A_213 : vector<16xi32>
        %gather3A_215 = tpu.vector_load_idx %arg6[%add3A_214] : memref<40000xf32, #tpu.memory_space<vmem>>[vector<16xi32>], vector<16xf32>,
        %add3A_216 = arith.constant 30000 : i32
        %add3A_217 = vector.broadcast %add3A_216 : i32 to vector<16xi32>
        %add3A_218 = arith.addi %get3A_85, %add3A_217 : vector<16xi32>
        %gather3A_219 = tpu.vector_load_idx %arg6[%add3A_218] : memref<40000xf32, #tpu.memory_space<vmem>>[vector<16xi32>], vector<16xf32>,
        %add3A_220 = arith.constant 0 : i32
        %add3A_221 = vector.broadcast %add3A_220 : i32 to vector<16xi32>
        %add3A_222 = arith.addi %get3A_87, %add3A_221 : vector<16xi32>
        %gather3A_223 = tpu.vector_load_idx %arg7[%add3A_222] : memref<40000xf32, #tpu.memory_space<vmem>>[vector<16xi32>], vector<16xf32>,
        %add3A_224 = arith.constant 10000 : i32
        %add3A_225 = vector.broadcast %add3A_224 : i32 to vector<16xi32>
        %add3A_226 = arith.addi %get3A_87, %add3A_225 : vector<16xi32>
        %gather3A_227 = tpu.vector_load_idx %arg7[%add3A_226] : memref<40000xf32, #tpu.memory_space<vmem>>[vector<16xi32>], vector<16xf32>,
        %add3A_228 = arith.constant 20000 : i32
        %add3A_229 = vector.broadcast %add3A_228 : i32 to vector<16xi32>
        %add3A_230 = arith.addi %get3A_87, %add3A_229 : vector<16xi32>
        %gather3A_231 = tpu.vector_load_idx %arg7[%add3A_230] : memref<40000xf32, #tpu.memory_space<vmem>>[vector<16xi32>], vector<16xf32>,
        %add3A_232 = arith.constant 30000 : i32
        %add3A_233 = vector.broadcast %add3A_232 : i32 to vector<16xi32>
        %add3A_234 = arith.addi %get3A_87, %add3A_233 : vector<16xi32>
        %gather3A_235 = tpu.vector_load_idx %arg7[%add3A_234] : memref<40000xf32, #tpu.memory_space<vmem>>[vector<16xi32>], vector<16xf32>,
        %add3A_236 = arith.constant 0 : i32
        %add3A_237 = vector.broadcast %add3A_236 : i32 to vector<16xi32>
        %add3A_238 = arith.addi %get3A_87, %add3A_237 : vector<16xi32>
        %max3A_239 = arith.maximumf %gather3A_223, %gather3A_207 : vector<16xf32>
        tpu.vector_store_idx %arg7[%add3A_238], %max3A_239 : memref<40000xf32, #tpu.memory_space<vmem>>[vector<16xi32>], vector<16xf32>,
        %add3A_240 = arith.constant 10000 : i32
        %add3A_241 = vector.broadcast %add3A_240 : i32 to vector<16xi32>
        %add3A_242 = arith.addi %get3A_87, %add3A_241 : vector<16xi32>
        %max3A_243 = arith.maximumf %gather3A_227, %gather3A_211 : vector<16xf32>
        tpu.vector_store_idx %arg7[%add3A_242], %max3A_243 : memref<40000xf32, #tpu.memory_space<vmem>>[vector<16xi32>], vector<16xf32>,
        %add3A_244 = arith.constant 20000 : i32
        %add3A_245 = vector.broadcast %add3A_244 : i32 to vector<16xi32>
        %add3A_246 = arith.addi %get3A_87, %add3A_245 : vector<16xi32>
        %max3A_247 = arith.maximumf %gather3A_231, %gather3A_215 : vector<16xf32>
        tpu.vector_store_idx %arg7[%add3A_246], %max3A_247 : memref<40000xf32, #tpu.memory_space<vmem>>[vector<16xi32>], vector<16xf32>,
        %add3A_248 = arith.constant 30000 : i32
        %add3A_249 = vector.broadcast %add3A_248 : i32 to vector<16xi32>
        %add3A_250 = arith.addi %get3A_87, %add3A_249 : vector<16xi32>
        %max3A_251 = arith.maximumf %gather3A_235, %gather3A_219 : vector<16xf32>
        tpu.vector_store_idx %arg7[%add3A_250], %max3A_251 : memref<40000xf32, #tpu.memory_space<vmem>>[vector<16xi32>], vector<16xf32>,
        %broadcast_in_dim3A_252 = arith.constant true
        %broadcast_in_dim3A_253 = vector.broadcast %broadcast_in_dim3A_252 : i1 to vector<16xi1>
        %unique3A_254, %unique3A_255 = tpu.scan_count mask(%broadcast_in_dim3A_253 : vector<16xi1>) value(%get3A_97 : vector<16xi32>) : vector<16xi1>, vector<16xi32>
        %not3A_256 = arith.constant dense<true> : vector<16xi1>
        %not3A_257 = arith.xori %unique3A_254, %not3A_256 : vector<16xi1>
        %add3A_258 = arith.constant 0 : i32
        %add3A_259 = vector.broadcast %add3A_258 : i32 to vector<16xi32>
        %add3A_260 = arith.addi %get3A_95, %add3A_259 : vector<16xi32>
        %gather3A_261 = tpu.vector_load_idx %arg6[%add3A_260] : memref<40000xf32, #tpu.memory_space<vmem>>[vector<16xi32>], vector<16xf32>,
        %add3A_262 = arith.constant 10000 : i32
        %add3A_263 = vector.broadcast %add3A_262 : i32 to vector<16xi32>
        %add3A_264 = arith.addi %get3A_95, %add3A_263 : vector<16xi32>
        %gather3A_265 = tpu.vector_load_idx %arg6[%add3A_264] : memref<40000xf32, #tpu.memory_space<vmem>>[vector<16xi32>], vector<16xf32>,
        %add3A_266 = arith.constant 20000 : i32
        %add3A_267 = vector.broadcast %add3A_266 : i32 to vector<16xi32>
        %add3A_268 = arith.addi %get3A_95, %add3A_267 : vector<16xi32>
        %gather3A_269 = tpu.vector_load_idx %arg6[%add3A_268] : memref<40000xf32, #tpu.memory_space<vmem>>[vector<16xi32>], vector<16xf32>,
        %add3A_270 = arith.constant 30000 : i32
        %add3A_271 = vector.broadcast %add3A_270 : i32 to vector<16xi32>
        %add3A_272 = arith.addi %get3A_95, %add3A_271 : vector<16xi32>
        %gather3A_273 = tpu.vector_load_idx %arg6[%add3A_272] : memref<40000xf32, #tpu.memory_space<vmem>>[vector<16xi32>], vector<16xf32>,
        %add3A_274 = arith.constant 0 : i32
        %add3A_275 = vector.broadcast %add3A_274 : i32 to vector<16xi32>
        %add3A_276 = arith.addi %get3A_97, %add3A_275 : vector<16xi32>
        %gather3A_277 = tpu.vector_load_idx %arg7[%add3A_276] : memref<40000xf32, #tpu.memory_space<vmem>>[vector<16xi32>], vector<16xf32>,
        %add3A_278 = arith.constant 10000 : i32
        %add3A_279 = vector.broadcast %add3A_278 : i32 to vector<16xi32>
        %add3A_280 = arith.addi %get3A_97, %add3A_279 : vector<16xi32>
        %gather3A_281 = tpu.vector_load_idx %arg7[%add3A_280] : memref<40000xf32, #tpu.memory_space<vmem>>[vector<16xi32>], vector<16xf32>,
        %add3A_282 = arith.constant 20000 : i32
        %add3A_283 = vector.broadcast %add3A_282 : i32 to vector<16xi32>
        %add3A_284 = arith.addi %get3A_97, %add3A_283 : vector<16xi32>
        %gather3A_285 = tpu.vector_load_idx %arg7[%add3A_284] : memref<40000xf32, #tpu.memory_space<vmem>>[vector<16xi32>], vector<16xf32>,
        %add3A_286 = arith.constant 30000 : i32
        %add3A_287 = vector.broadcast %add3A_286 : i32 to vector<16xi32>
        %add3A_288 = arith.addi %get3A_97, %add3A_287 : vector<16xi32>
        %gather3A_289 = tpu.vector_load_idx %arg7[%add3A_288] : memref<40000xf32, #tpu.memory_space<vmem>>[vector<16xi32>], vector<16xf32>,
        %add3A_290 = arith.constant 0 : i32
        %add3A_291 = vector.broadcast %add3A_290 : i32 to vector<16xi32>
        %add3A_292 = arith.addi %get3A_97, %add3A_291 : vector<16xi32>
        %max3A_293 = arith.maximumf %gather3A_277, %gather3A_261 : vector<16xf32>
        tpu.vector_store_idx %arg7[%add3A_292], %max3A_293 : memref<40000xf32, #tpu.memory_space<vmem>>[vector<16xi32>], vector<16xf32>,
        %add3A_294 = arith.constant 10000 : i32
        %add3A_295 = vector.broadcast %add3A_294 : i32 to vector<16xi32>
        %add3A_296 = arith.addi %get3A_97, %add3A_295 : vector<16xi32>
        %max3A_297 = arith.maximumf %gather3A_281, %gather3A_265 : vector<16xf32>
        tpu.vector_store_idx %arg7[%add3A_296], %max3A_297 : memref<40000xf32, #tpu.memory_space<vmem>>[vector<16xi32>], vector<16xf32>,
        %add3A_298 = arith.constant 20000 : i32
        %add3A_299 = vector.broadcast %add3A_298 : i32 to vector<16xi32>
        %add3A_300 = arith.addi %get3A_97, %add3A_299 : vector<16xi32>
        %max3A_301 = arith.maximumf %gather3A_285, %gather3A_269 : vector<16xf32>
        tpu.vector_store_idx %arg7[%add3A_300], %max3A_301 : memref<40000xf32, #tpu.memory_space<vmem>>[vector<16xi32>], vector<16xf32>,
        %add3A_302 = arith.constant 30000 : i32
        %add3A_303 = vector.broadcast %add3A_302 : i32 to vector<16xi32>
        %add3A_304 = arith.addi %get3A_97, %add3A_303 : vector<16xi32>
        %max3A_305 = arith.maximumf %gather3A_289, %gather3A_273 : vector<16xf32>
        tpu.vector_store_idx %arg7[%add3A_304], %max3A_305 : memref<40000xf32, #tpu.memory_space<vmem>>[vector<16xi32>], vector<16xf32>,
        %broadcast_in_dim3A_306 = arith.constant true
        %broadcast_in_dim3A_307 = vector.broadcast %broadcast_in_dim3A_306 : i1 to vector<16xi1>
        %unique3A_308, %unique3A_309 = tpu.scan_count mask(%broadcast_in_dim3A_307 : vector<16xi1>) value(%get3A_107 : vector<16xi32>) : vector<16xi1>, vector<16xi32>
        %not3A_310 = arith.constant dense<true> : vector<16xi1>
        %not3A_311 = arith.xori %unique3A_308, %not3A_310 : vector<16xi1>
        %add3A_312 = arith.constant 0 : i32
        %add3A_313 = vector.broadcast %add3A_312 : i32 to vector<16xi32>
        %add3A_314 = arith.addi %get3A_105, %add3A_313 : vector<16xi32>
        %gather3A_315 = tpu.vector_load_idx %arg6[%add3A_314] : memref<40000xf32, #tpu.memory_space<vmem>>[vector<16xi32>], vector<16xf32>,
        %add3A_316 = arith.constant 10000 : i32
        %add3A_317 = vector.broadcast %add3A_316 : i32 to vector<16xi32>
        %add3A_318 = arith.addi %get3A_105, %add3A_317 : vector<16xi32>
        %gather3A_319 = tpu.vector_load_idx %arg6[%add3A_318] : memref<40000xf32, #tpu.memory_space<vmem>>[vector<16xi32>], vector<16xf32>,
        %add3A_320 = arith.constant 20000 : i32
        %add3A_321 = vector.broadcast %add3A_320 : i32 to vector<16xi32>
        %add3A_322 = arith.addi %get3A_105, %add3A_321 : vector<16xi32>
        %gather3A_323 = tpu.vector_load_idx %arg6[%add3A_322] : memref<40000xf32, #tpu.memory_space<vmem>>[vector<16xi32>], vector<16xf32>,
        %add3A_324 = arith.constant 30000 : i32
        %add3A_325 = vector.broadcast %add3A_324 : i32 to vector<16xi32>
        %add3A_326 = arith.addi %get3A_105, %add3A_325 : vector<16xi32>
        %gather3A_327 = tpu.vector_load_idx %arg6[%add3A_326] : memref<40000xf32, #tpu.memory_space<vmem>>[vector<16xi32>], vector<16xf32>,
        %add3A_328 = arith.constant 0 : i32
        %add3A_329 = vector.broadcast %add3A_328 : i32 to vector<16xi32>
        %add3A_330 = arith.addi %get3A_107, %add3A_329 : vector<16xi32>
        %gather3A_331 = tpu.vector_load_idx %arg7[%add3A_330] : memref<40000xf32, #tpu.memory_space<vmem>>[vector<16xi32>], vector<16xf32>,
        %add3A_332 = arith.constant 10000 : i32
        %add3A_333 = vector.broadcast %add3A_332 : i32 to vector<16xi32>
        %add3A_334 = arith.addi %get3A_107, %add3A_333 : vector<16xi32>
        %gather3A_335 = tpu.vector_load_idx %arg7[%add3A_334] : memref<40000xf32, #tpu.memory_space<vmem>>[vector<16xi32>], vector<16xf32>,
        %add3A_336 = arith.constant 20000 : i32
        %add3A_337 = vector.broadcast %add3A_336 : i32 to vector<16xi32>
        %add3A_338 = arith.addi %get3A_107, %add3A_337 : vector<16xi32>
        %gather3A_339 = tpu.vector_load_idx %arg7[%add3A_338] : memref<40000xf32, #tpu.memory_space<vmem>>[vector<16xi32>], vector<16xf32>,
        %add3A_340 = arith.constant 30000 : i32
        %add3A_341 = vector.broadcast %add3A_340 : i32 to vector<16xi32>
        %add3A_342 = arith.addi %get3A_107, %add3A_341 : vector<16xi32>
        %gather3A_343 = tpu.vector_load_idx %arg7[%add3A_342] : memref<40000xf32, #tpu.memory_space<vmem>>[vector<16xi32>], vector<16xf32>,
        %add3A_344 = arith.constant 0 : i32
        %add3A_345 = vector.broadcast %add3A_344 : i32 to vector<16xi32>
        %add3A_346 = arith.addi %get3A_107, %add3A_345 : vector<16xi32>
        %max3A_347 = arith.maximumf %gather3A_331, %gather3A_315 : vector<16xf32>
        tpu.vector_store_idx %arg7[%add3A_346], %max3A_347 : memref<40000xf32, #tpu.memory_space<vmem>>[vector<16xi32>], vector<16xf32>,
        %add3A_348 = arith.constant 10000 : i32
        %add3A_349 = vector.broadcast %add3A_348 : i32 to vector<16xi32>
        %add3A_350 = arith.addi %get3A_107, %add3A_349 : vector<16xi32>
        %max3A_351 = arith.maximumf %gather3A_335, %gather3A_319 : vector<16xf32>
        tpu.vector_store_idx %arg7[%add3A_350], %max3A_351 : memref<40000xf32, #tpu.memory_space<vmem>>[vector<16xi32>], vector<16xf32>,
        %add3A_352 = arith.constant 20000 : i32
        %add3A_353 = vector.broadcast %add3A_352 : i32 to vector<16xi32>
        %add3A_354 = arith.addi %get3A_107, %add3A_353 : vector<16xi32>
        %max3A_355 = arith.maximumf %gather3A_339, %gather3A_323 : vector<16xf32>
        tpu.vector_store_idx %arg7[%add3A_354], %max3A_355 : memref<40000xf32, #tpu.memory_space<vmem>>[vector<16xi32>], vector<16xf32>,
        %add3A_356 = arith.constant 30000 : i32
        %add3A_357 = vector.broadcast %add3A_356 : i32 to vector<16xi32>
        %add3A_358 = arith.addi %get3A_107, %add3A_357 : vector<16xi32>
        %max3A_359 = arith.maximumf %gather3A_343, %gather3A_327 : vector<16xf32>
        tpu.vector_store_idx %arg7[%add3A_358], %max3A_359 : memref<40000xf32, #tpu.memory_space<vmem>>[vector<16xi32>], vector<16xf32>,
        %broadcast_in_dim3A_360 = arith.constant true
        %broadcast_in_dim3A_361 = vector.broadcast %broadcast_in_dim3A_360 : i1 to vector<16xi1>
        %unique3A_362, %unique3A_363 = tpu.scan_count mask(%broadcast_in_dim3A_361 : vector<16xi1>) value(%get3A_117 : vector<16xi32>) : vector<16xi1>, vector<16xi32>
        %not3A_364 = arith.constant dense<true> : vector<16xi1>
        %not3A_365 = arith.xori %unique3A_362, %not3A_364 : vector<16xi1>
        %add3A_366 = arith.constant 0 : i32
        %add3A_367 = vector.broadcast %add3A_366 : i32 to vector<16xi32>
        %add3A_368 = arith.addi %get3A_115, %add3A_367 : vector<16xi32>
        %gather3A_369 = tpu.vector_load_idx %arg6[%add3A_368] : memref<40000xf32, #tpu.memory_space<vmem>>[vector<16xi32>], vector<16xf32>,
        %add3A_370 = arith.constant 10000 : i32
        %add3A_371 = vector.broadcast %add3A_370 : i32 to vector<16xi32>
        %add3A_372 = arith.addi %get3A_115, %add3A_371 : vector<16xi32>
        %gather3A_373 = tpu.vector_load_idx %arg6[%add3A_372] : memref<40000xf32, #tpu.memory_space<vmem>>[vector<16xi32>], vector<16xf32>,
        %add3A_374 = arith.constant 20000 : i32
        %add3A_375 = vector.broadcast %add3A_374 : i32 to vector<16xi32>
        %add3A_376 = arith.addi %get3A_115, %add3A_375 : vector<16xi32>
        %gather3A_377 = tpu.vector_load_idx %arg6[%add3A_376] : memref<40000xf32, #tpu.memory_space<vmem>>[vector<16xi32>], vector<16xf32>,
        %add3A_378 = arith.constant 30000 : i32
        %add3A_379 = vector.broadcast %add3A_378 : i32 to vector<16xi32>
        %add3A_380 = arith.addi %get3A_115, %add3A_379 : vector<16xi32>
        %gather3A_381 = tpu.vector_load_idx %arg6[%add3A_380] : memref<40000xf32, #tpu.memory_space<vmem>>[vector<16xi32>], vector<16xf32>,
        %add3A_382 = arith.constant 0 : i32
        %add3A_383 = vector.broadcast %add3A_382 : i32 to vector<16xi32>
        %add3A_384 = arith.addi %get3A_117, %add3A_383 : vector<16xi32>
        %gather3A_385 = tpu.vector_load_idx %arg7[%add3A_384] : memref<40000xf32, #tpu.memory_space<vmem>>[vector<16xi32>], vector<16xf32>,
        %add3A_386 = arith.constant 10000 : i32
        %add3A_387 = vector.broadcast %add3A_386 : i32 to vector<16xi32>
        %add3A_388 = arith.addi %get3A_117, %add3A_387 : vector<16xi32>
        %gather3A_389 = tpu.vector_load_idx %arg7[%add3A_388] : memref<40000xf32, #tpu.memory_space<vmem>>[vector<16xi32>], vector<16xf32>,
        %add3A_390 = arith.constant 20000 : i32
        %add3A_391 = vector.broadcast %add3A_390 : i32 to vector<16xi32>
        %add3A_392 = arith.addi %get3A_117, %add3A_391 : vector<16xi32>
        %gather3A_393 = tpu.vector_load_idx %arg7[%add3A_392] : memref<40000xf32, #tpu.memory_space<vmem>>[vector<16xi32>], vector<16xf32>,
        %add3A_394 = arith.constant 30000 : i32
        %add3A_395 = vector.broadcast %add3A_394 : i32 to vector<16xi32>
        %add3A_396 = arith.addi %get3A_117, %add3A_395 : vector<16xi32>
        %gather3A_397 = tpu.vector_load_idx %arg7[%add3A_396] : memref<40000xf32, #tpu.memory_space<vmem>>[vector<16xi32>], vector<16xf32>,
        %add3A_398 = arith.constant 0 : i32
        %add3A_399 = vector.broadcast %add3A_398 : i32 to vector<16xi32>
        %add3A_400 = arith.addi %get3A_117, %add3A_399 : vector<16xi32>
        %max3A_401 = arith.maximumf %gather3A_385, %gather3A_369 : vector<16xf32>
        tpu.vector_store_idx %arg7[%add3A_400], %max3A_401 : memref<40000xf32, #tpu.memory_space<vmem>>[vector<16xi32>], vector<16xf32>,
        %add3A_402 = arith.constant 10000 : i32
        %add3A_403 = vector.broadcast %add3A_402 : i32 to vector<16xi32>
        %add3A_404 = arith.addi %get3A_117, %add3A_403 : vector<16xi32>
        %max3A_405 = arith.maximumf %gather3A_389, %gather3A_373 : vector<16xf32>
        tpu.vector_store_idx %arg7[%add3A_404], %max3A_405 : memref<40000xf32, #tpu.memory_space<vmem>>[vector<16xi32>], vector<16xf32>,
        %add3A_406 = arith.constant 20000 : i32
        %add3A_407 = vector.broadcast %add3A_406 : i32 to vector<16xi32>
        %add3A_408 = arith.addi %get3A_117, %add3A_407 : vector<16xi32>
        %max3A_409 = arith.maximumf %gather3A_393, %gather3A_377 : vector<16xf32>
        tpu.vector_store_idx %arg7[%add3A_408], %max3A_409 : memref<40000xf32, #tpu.memory_space<vmem>>[vector<16xi32>], vector<16xf32>,
        %add3A_410 = arith.constant 30000 : i32
        %add3A_411 = vector.broadcast %add3A_410 : i32 to vector<16xi32>
        %add3A_412 = arith.addi %get3A_117, %add3A_411 : vector<16xi32>
        %max3A_413 = arith.maximumf %gather3A_397, %gather3A_381 : vector<16xf32>
        tpu.vector_store_idx %arg7[%add3A_412], %max3A_413 : memref<40000xf32, #tpu.memory_space<vmem>>[vector<16xi32>], vector<16xf32>,
        %broadcast_in_dim3A_414 = arith.constant true
        %broadcast_in_dim3A_415 = vector.broadcast %broadcast_in_dim3A_414 : i1 to vector<16xi1>
        %unique3A_416, %unique3A_417 = tpu.scan_count mask(%broadcast_in_dim3A_415 : vector<16xi1>) value(%get3A_127 : vector<16xi32>) : vector<16xi1>, vector<16xi32>
        %not3A_418 = arith.constant dense<true> : vector<16xi1>
        %not3A_419 = arith.xori %unique3A_416, %not3A_418 : vector<16xi1>
        %add3A_420 = arith.constant 0 : i32
        %add3A_421 = vector.broadcast %add3A_420 : i32 to vector<16xi32>
        %add3A_422 = arith.addi %get3A_125, %add3A_421 : vector<16xi32>
        %gather3A_423 = tpu.vector_load_idx %arg6[%add3A_422] : memref<40000xf32, #tpu.memory_space<vmem>>[vector<16xi32>], vector<16xf32>,
        %add3A_424 = arith.constant 10000 : i32
        %add3A_425 = vector.broadcast %add3A_424 : i32 to vector<16xi32>
        %add3A_426 = arith.addi %get3A_125, %add3A_425 : vector<16xi32>
        %gather3A_427 = tpu.vector_load_idx %arg6[%add3A_426] : memref<40000xf32, #tpu.memory_space<vmem>>[vector<16xi32>], vector<16xf32>,
        %add3A_428 = arith.constant 20000 : i32
        %add3A_429 = vector.broadcast %add3A_428 : i32 to vector<16xi32>
        %add3A_430 = arith.addi %get3A_125, %add3A_429 : vector<16xi32>
        %gather3A_431 = tpu.vector_load_idx %arg6[%add3A_430] : memref<40000xf32, #tpu.memory_space<vmem>>[vector<16xi32>], vector<16xf32>,
        %add3A_432 = arith.constant 30000 : i32
        %add3A_433 = vector.broadcast %add3A_432 : i32 to vector<16xi32>
        %add3A_434 = arith.addi %get3A_125, %add3A_433 : vector<16xi32>
        %gather3A_435 = tpu.vector_load_idx %arg6[%add3A_434] : memref<40000xf32, #tpu.memory_space<vmem>>[vector<16xi32>], vector<16xf32>,
        %add3A_436 = arith.constant 0 : i32
        %add3A_437 = vector.broadcast %add3A_436 : i32 to vector<16xi32>
        %add3A_438 = arith.addi %get3A_127, %add3A_437 : vector<16xi32>
        %gather3A_439 = tpu.vector_load_idx %arg7[%add3A_438] : memref<40000xf32, #tpu.memory_space<vmem>>[vector<16xi32>], vector<16xf32>,
        %add3A_440 = arith.constant 10000 : i32
        %add3A_441 = vector.broadcast %add3A_440 : i32 to vector<16xi32>
        %add3A_442 = arith.addi %get3A_127, %add3A_441 : vector<16xi32>
        %gather3A_443 = tpu.vector_load_idx %arg7[%add3A_442] : memref<40000xf32, #tpu.memory_space<vmem>>[vector<16xi32>], vector<16xf32>,
        %add3A_444 = arith.constant 20000 : i32
        %add3A_445 = vector.broadcast %add3A_444 : i32 to vector<16xi32>
        %add3A_446 = arith.addi %get3A_127, %add3A_445 : vector<16xi32>
        %gather3A_447 = tpu.vector_load_idx %arg7[%add3A_446] : memref<40000xf32, #tpu.memory_space<vmem>>[vector<16xi32>], vector<16xf32>,
        %add3A_448 = arith.constant 30000 : i32
        %add3A_449 = vector.broadcast %add3A_448 : i32 to vector<16xi32>
        %add3A_450 = arith.addi %get3A_127, %add3A_449 : vector<16xi32>
        %gather3A_451 = tpu.vector_load_idx %arg7[%add3A_450] : memref<40000xf32, #tpu.memory_space<vmem>>[vector<16xi32>], vector<16xf32>,
        %add3A_452 = arith.constant 0 : i32
        %add3A_453 = vector.broadcast %add3A_452 : i32 to vector<16xi32>
        %add3A_454 = arith.addi %get3A_127, %add3A_453 : vector<16xi32>
        %max3A_455 = arith.maximumf %gather3A_439, %gather3A_423 : vector<16xf32>
        tpu.vector_store_idx %arg7[%add3A_454], %max3A_455 : memref<40000xf32, #tpu.memory_space<vmem>>[vector<16xi32>], vector<16xf32>,
        %add3A_456 = arith.constant 10000 : i32
        %add3A_457 = vector.broadcast %add3A_456 : i32 to vector<16xi32>
        %add3A_458 = arith.addi %get3A_127, %add3A_457 : vector<16xi32>
        %max3A_459 = arith.maximumf %gather3A_443, %gather3A_427 : vector<16xf32>
        tpu.vector_store_idx %arg7[%add3A_458], %max3A_459 : memref<40000xf32, #tpu.memory_space<vmem>>[vector<16xi32>], vector<16xf32>,
        %add3A_460 = arith.constant 20000 : i32
        %add3A_461 = vector.broadcast %add3A_460 : i32 to vector<16xi32>
        %add3A_462 = arith.addi %get3A_127, %add3A_461 : vector<16xi32>
        %max3A_463 = arith.maximumf %gather3A_447, %gather3A_431 : vector<16xf32>
        tpu.vector_store_idx %arg7[%add3A_462], %max3A_463 : memref<40000xf32, #tpu.memory_space<vmem>>[vector<16xi32>], vector<16xf32>,
        %add3A_464 = arith.constant 30000 : i32
        %add3A_465 = vector.broadcast %add3A_464 : i32 to vector<16xi32>
        %add3A_466 = arith.addi %get3A_127, %add3A_465 : vector<16xi32>
        %max3A_467 = arith.maximumf %gather3A_451, %gather3A_435 : vector<16xf32>
        tpu.vector_store_idx %arg7[%add3A_466], %max3A_467 : memref<40000xf32, #tpu.memory_space<vmem>>[vector<16xi32>], vector<16xf32>,
        %broadcast_in_dim3A_468 = arith.constant true
        %broadcast_in_dim3A_469 = vector.broadcast %broadcast_in_dim3A_468 : i1 to vector<16xi1>
        %unique3A_470, %unique3A_471 = tpu.scan_count mask(%broadcast_in_dim3A_469 : vector<16xi1>) value(%get3A_137 : vector<16xi32>) : vector<16xi1>, vector<16xi32>
        %not3A_472 = arith.constant dense<true> : vector<16xi1>
        %not3A_473 = arith.xori %unique3A_470, %not3A_472 : vector<16xi1>
        %add3A_474 = arith.constant 0 : i32
        %add3A_475 = vector.broadcast %add3A_474 : i32 to vector<16xi32>
        %add3A_476 = arith.addi %get3A_135, %add3A_475 : vector<16xi32>
        %gather3A_477 = tpu.vector_load_idx %arg6[%add3A_476] : memref<40000xf32, #tpu.memory_space<vmem>>[vector<16xi32>], vector<16xf32>,
        %add3A_478 = arith.constant 10000 : i32
        %add3A_479 = vector.broadcast %add3A_478 : i32 to vector<16xi32>
        %add3A_480 = arith.addi %get3A_135, %add3A_479 : vector<16xi32>
        %gather3A_481 = tpu.vector_load_idx %arg6[%add3A_480] : memref<40000xf32, #tpu.memory_space<vmem>>[vector<16xi32>], vector<16xf32>,
        %add3A_482 = arith.constant 20000 : i32
        %add3A_483 = vector.broadcast %add3A_482 : i32 to vector<16xi32>
        %add3A_484 = arith.addi %get3A_135, %add3A_483 : vector<16xi32>
        %gather3A_485 = tpu.vector_load_idx %arg6[%add3A_484] : memref<40000xf32, #tpu.memory_space<vmem>>[vector<16xi32>], vector<16xf32>,
        %add3A_486 = arith.constant 30000 : i32
        %add3A_487 = vector.broadcast %add3A_486 : i32 to vector<16xi32>
        %add3A_488 = arith.addi %get3A_135, %add3A_487 : vector<16xi32>
        %gather3A_489 = tpu.vector_load_idx %arg6[%add3A_488] : memref<40000xf32, #tpu.memory_space<vmem>>[vector<16xi32>], vector<16xf32>,
        %add3A_490 = arith.constant 0 : i32
        %add3A_491 = vector.broadcast %add3A_490 : i32 to vector<16xi32>
        %add3A_492 = arith.addi %get3A_137, %add3A_491 : vector<16xi32>
        %gather3A_493 = tpu.vector_load_idx %arg7[%add3A_492] : memref<40000xf32, #tpu.memory_space<vmem>>[vector<16xi32>], vector<16xf32>,
        %add3A_494 = arith.constant 10000 : i32
        %add3A_495 = vector.broadcast %add3A_494 : i32 to vector<16xi32>
        %add3A_496 = arith.addi %get3A_137, %add3A_495 : vector<16xi32>
        %gather3A_497 = tpu.vector_load_idx %arg7[%add3A_496] : memref<40000xf32, #tpu.memory_space<vmem>>[vector<16xi32>], vector<16xf32>,
        %add3A_498 = arith.constant 20000 : i32
        %add3A_499 = vector.broadcast %add3A_498 : i32 to vector<16xi32>
        %add3A_500 = arith.addi %get3A_137, %add3A_499 : vector<16xi32>
        %gather3A_501 = tpu.vector_load_idx %arg7[%add3A_500] : memref<40000xf32, #tpu.memory_space<vmem>>[vector<16xi32>], vector<16xf32>,
        %add3A_502 = arith.constant 30000 : i32
        %add3A_503 = vector.broadcast %add3A_502 : i32 to vector<16xi32>
        %add3A_504 = arith.addi %get3A_137, %add3A_503 : vector<16xi32>
        %gather3A_505 = tpu.vector_load_idx %arg7[%add3A_504] : memref<40000xf32, #tpu.memory_space<vmem>>[vector<16xi32>], vector<16xf32>,
        %add3A_506 = arith.constant 0 : i32
        %add3A_507 = vector.broadcast %add3A_506 : i32 to vector<16xi32>
        %add3A_508 = arith.addi %get3A_137, %add3A_507 : vector<16xi32>
        %max3A_509 = arith.maximumf %gather3A_493, %gather3A_477 : vector<16xf32>
        tpu.vector_store_idx %arg7[%add3A_508], %max3A_509 : memref<40000xf32, #tpu.memory_space<vmem>>[vector<16xi32>], vector<16xf32>,
        %add3A_510 = arith.constant 10000 : i32
        %add3A_511 = vector.broadcast %add3A_510 : i32 to vector<16xi32>
        %add3A_512 = arith.addi %get3A_137, %add3A_511 : vector<16xi32>
        %max3A_513 = arith.maximumf %gather3A_497, %gather3A_481 : vector<16xf32>
        tpu.vector_store_idx %arg7[%add3A_512], %max3A_513 : memref<40000xf32, #tpu.memory_space<vmem>>[vector<16xi32>], vector<16xf32>,
        %add3A_514 = arith.constant 20000 : i32
        %add3A_515 = vector.broadcast %add3A_514 : i32 to vector<16xi32>
        %add3A_516 = arith.addi %get3A_137, %add3A_515 : vector<16xi32>
        %max3A_517 = arith.maximumf %gather3A_501, %gather3A_485 : vector<16xf32>
        tpu.vector_store_idx %arg7[%add3A_516], %max3A_517 : memref<40000xf32, #tpu.memory_space<vmem>>[vector<16xi32>], vector<16xf32>,
        %add3A_518 = arith.constant 30000 : i32
        %add3A_519 = vector.broadcast %add3A_518 : i32 to vector<16xi32>
        %add3A_520 = arith.addi %get3A_137, %add3A_519 : vector<16xi32>
        %max3A_521 = arith.maximumf %gather3A_505, %gather3A_489 : vector<16xf32>
        tpu.vector_store_idx %arg7[%add3A_520], %max3A_521 : memref<40000xf32, #tpu.memory_space<vmem>>[vector<16xi32>], vector<16xf32>,
        %broadcast_in_dim3A_522 = arith.constant true
        %broadcast_in_dim3A_523 = vector.broadcast %broadcast_in_dim3A_522 : i1 to vector<16xi1>
        %unique3A_524, %unique3A_525 = tpu.scan_count mask(%broadcast_in_dim3A_523 : vector<16xi1>) value(%get3A_147 : vector<16xi32>) : vector<16xi1>, vector<16xi32>
        %not3A_526 = arith.constant dense<true> : vector<16xi1>
        %not3A_527 = arith.xori %unique3A_524, %not3A_526 : vector<16xi1>
        %add3A_528 = arith.constant 0 : i32
        %add3A_529 = vector.broadcast %add3A_528 : i32 to vector<16xi32>
        %add3A_530 = arith.addi %get3A_145, %add3A_529 : vector<16xi32>
        %gather3A_531 = tpu.vector_load_idx %arg6[%add3A_530] : memref<40000xf32, #tpu.memory_space<vmem>>[vector<16xi32>], vector<16xf32>,
        %add3A_532 = arith.constant 10000 : i32
        %add3A_533 = vector.broadcast %add3A_532 : i32 to vector<16xi32>
        %add3A_534 = arith.addi %get3A_145, %add3A_533 : vector<16xi32>
        %gather3A_535 = tpu.vector_load_idx %arg6[%add3A_534] : memref<40000xf32, #tpu.memory_space<vmem>>[vector<16xi32>], vector<16xf32>,
        %add3A_536 = arith.constant 20000 : i32
        %add3A_537 = vector.broadcast %add3A_536 : i32 to vector<16xi32>
        %add3A_538 = arith.addi %get3A_145, %add3A_537 : vector<16xi32>
        %gather3A_539 = tpu.vector_load_idx %arg6[%add3A_538] : memref<40000xf32, #tpu.memory_space<vmem>>[vector<16xi32>], vector<16xf32>,
        %add3A_540 = arith.constant 30000 : i32
        %add3A_541 = vector.broadcast %add3A_540 : i32 to vector<16xi32>
        %add3A_542 = arith.addi %get3A_145, %add3A_541 : vector<16xi32>
        %gather3A_543 = tpu.vector_load_idx %arg6[%add3A_542] : memref<40000xf32, #tpu.memory_space<vmem>>[vector<16xi32>], vector<16xf32>,
        %add3A_544 = arith.constant 0 : i32
        %add3A_545 = vector.broadcast %add3A_544 : i32 to vector<16xi32>
        %add3A_546 = arith.addi %get3A_147, %add3A_545 : vector<16xi32>
        %gather3A_547 = tpu.vector_load_idx %arg7[%add3A_546] : memref<40000xf32, #tpu.memory_space<vmem>>[vector<16xi32>], vector<16xf32>,
        %add3A_548 = arith.constant 10000 : i32
        %add3A_549 = vector.broadcast %add3A_548 : i32 to vector<16xi32>
        %add3A_550 = arith.addi %get3A_147, %add3A_549 : vector<16xi32>
        %gather3A_551 = tpu.vector_load_idx %arg7[%add3A_550] : memref<40000xf32, #tpu.memory_space<vmem>>[vector<16xi32>], vector<16xf32>,
        %add3A_552 = arith.constant 20000 : i32
        %add3A_553 = vector.broadcast %add3A_552 : i32 to vector<16xi32>
        %add3A_554 = arith.addi %get3A_147, %add3A_553 : vector<16xi32>
        %gather3A_555 = tpu.vector_load_idx %arg7[%add3A_554] : memref<40000xf32, #tpu.memory_space<vmem>>[vector<16xi32>], vector<16xf32>,
        %add3A_556 = arith.constant 30000 : i32
        %add3A_557 = vector.broadcast %add3A_556 : i32 to vector<16xi32>
        %add3A_558 = arith.addi %get3A_147, %add3A_557 : vector<16xi32>
        %gather3A_559 = tpu.vector_load_idx %arg7[%add3A_558] : memref<40000xf32, #tpu.memory_space<vmem>>[vector<16xi32>], vector<16xf32>,
        %add3A_560 = arith.constant 0 : i32
        %add3A_561 = vector.broadcast %add3A_560 : i32 to vector<16xi32>
        %add3A_562 = arith.addi %get3A_147, %add3A_561 : vector<16xi32>
        %max3A_563 = arith.maximumf %gather3A_547, %gather3A_531 : vector<16xf32>
        tpu.vector_store_idx %arg7[%add3A_562], %max3A_563 : memref<40000xf32, #tpu.memory_space<vmem>>[vector<16xi32>], vector<16xf32>,
        %add3A_564 = arith.constant 10000 : i32
        %add3A_565 = vector.broadcast %add3A_564 : i32 to vector<16xi32>
        %add3A_566 = arith.addi %get3A_147, %add3A_565 : vector<16xi32>
        %max3A_567 = arith.maximumf %gather3A_551, %gather3A_535 : vector<16xf32>
        tpu.vector_store_idx %arg7[%add3A_566], %max3A_567 : memref<40000xf32, #tpu.memory_space<vmem>>[vector<16xi32>], vector<16xf32>,
        %add3A_568 = arith.constant 20000 : i32
        %add3A_569 = vector.broadcast %add3A_568 : i32 to vector<16xi32>
        %add3A_570 = arith.addi %get3A_147, %add3A_569 : vector<16xi32>
        %max3A_571 = arith.maximumf %gather3A_555, %gather3A_539 : vector<16xf32>
        tpu.vector_store_idx %arg7[%add3A_570], %max3A_571 : memref<40000xf32, #tpu.memory_space<vmem>>[vector<16xi32>], vector<16xf32>,
        %add3A_572 = arith.constant 30000 : i32
        %add3A_573 = vector.broadcast %add3A_572 : i32 to vector<16xi32>
        %add3A_574 = arith.addi %get3A_147, %add3A_573 : vector<16xi32>
        %max3A_575 = arith.maximumf %gather3A_559, %gather3A_543 : vector<16xf32>
        tpu.vector_store_idx %arg7[%add3A_574], %max3A_575 : memref<40000xf32, #tpu.memory_space<vmem>>[vector<16xi32>], vector<16xf32>,
        %or3A = arith.ori %not3A_151, %not3A_203 : vector<16xi1>
        %or3A_576 = arith.ori %or3A, %not3A_257 : vector<16xi1>
        %or3A_577 = arith.ori %or3A_576, %not3A_311 : vector<16xi1>
        %or3A_578 = arith.ori %or3A_577, %not3A_365 : vector<16xi1>
        %or3A_579 = arith.ori %or3A_578, %not3A_419 : vector<16xi1>
        %or3A_580 = arith.ori %or3A_579, %not3A_473 : vector<16xi1>
        %or3A_581 = arith.ori %or3A_580, %not3A_527 : vector<16xi1>
        %all_reduce_population_count3A = tpu.all_reduce %or3A_581 {dim = 0 : i64, kind = #tpu.reduction_kind<sum>} : vector<16xi1> -> vector<16xi32>
        %slice3A = vector.extract_strided_slice %all_reduce_population_count3A {offsets = [0], sizes = [1], strides = [1]} : vector<16xi32> to vector<1xi32>
        %squeeze3A = vector.extract %slice3A[0] : i32 from vector<1xi32>
        %gt3A = arith.constant 0 : i32
        %gt3A_582 = arith.cmpi sgt, %squeeze3A, %gt3A : i32
        %convert_element_type3A_583 = arith.extui %gt3A_582 : i1 to i32
        %cond3A_584 = arith.constant 0 : i32
        %cond3A_585 = arith.cmpi ne, %convert_element_type3A_583, %cond3A_584 : i32
        scf.if %cond3A_585 {
          %convert_element_type3A_586 = arith.extui %not3A_151 : vector<16xi1> to vector<16xi32>
          %reduce_max3A = arith.constant true
          %reduce_max3A_587 = vector.broadcast %reduce_max3A : i1 to vector<16xi1>
          %reduce_max3A_588 = arith.constant -2147483648 : i32
          %reduce_max3A_589 = vector.broadcast %reduce_max3A_588 : i32 to vector<16xi32>
          %reduce_max3A_590 = arith.xori %convert_element_type3A_586, %reduce_max3A_589 : vector<16xi32>
          %reduce_max3A_591 = tpu.scan <max>, %reduce_max3A_590 masked %reduce_max3A_587 : vector<16xi32>, vector<16xi1> -> vector<16xi32>
          %reduce_max3A_592 = arith.xori %reduce_max3A_591, %reduce_max3A_589 : vector<16xi32>
          %reduce_max3A_593 = vector.extract %reduce_max3A_592[15] : i32 from vector<16xi32>
          %gt3A_594 = arith.constant 0 : i32
          %gt3A_595 = arith.cmpi sgt, %reduce_max3A_593, %gt3A_594 : i32
          %convert_element_type3A_596 = arith.extui %gt3A_595 : i1 to i32
          %cond3A_597 = arith.constant 0 : i32
          %cond3A_598 = arith.cmpi ne, %convert_element_type3A_596, %cond3A_597 : i32
          scf.if %cond3A_598 {
            %mul3A_697 = arith.constant 8 : i32
            %mul3A_698 = arith.muli %scan3A_68, %mul3A_697 : i32
            %add3A_699 = arith.constant 0 : i32
            %add3A_700 = arith.addi %mul3A_698, %add3A_699 : i32
            %mul3A_701 = arith.constant 16 : i32
            %mul3A_702 = arith.muli %add3A_700, %mul3A_701 : i32
            %get3A_703 = arith.index_cast %mul3A_702 : i32 to index
            %get3A_704 = tpu.vector_load %arg10[%get3A_703] {strides = array<i32>} : memref<6400xi32, #tpu.memory_space<vmem>>, vector<16xi32>,
            %get3A_705 = arith.index_cast %mul3A_702 : i32 to index
            %get3A_706 = tpu.vector_load %arg12[%get3A_705] {strides = array<i32>} : memref<6400xi32, #tpu.memory_space<vmem>>, vector<16xi32>,
            %broadcast_in_dim3A_707 = arith.constant 1 : i32
            %broadcast_in_dim3A_708 = vector.broadcast %broadcast_in_dim3A_707 : i32 to vector<16xi32>
            %while3A = arith.constant 1 : i32
            %while3A_709:2 = scf.while (%while3A_710 = %while3A, %while3A_711 = %broadcast_in_dim3A_708) : (i32, vector<16xi32>) -> (i32, vector<16xi32>) {
              %gt3A_712 = arith.constant 0 : i32
              %gt3A_713 = arith.cmpi sgt, %while3A_710, %gt3A_712 : i32
              scf.condition(%gt3A_713) %while3A_710, %while3A_711 : i32, vector<16xi32>
            } do {
            ^bb0(%while3A_710: i32, %while3A_711: vector<16xi32>):
              %gt3A_712 = arith.constant 0 : i32
              %gt3A_713 = vector.broadcast %gt3A_712 : i32 to vector<16xi32>
              %gt3A_714 = arith.cmpi sgt, %while3A_711, %gt3A_713 : vector<16xi32>
              tpu.vector_store_idx %arg8[%get3A_706], %iota3A masked %gt3A_714 : memref<10000xi32, #tpu.memory_space<vmem>>[vector<16xi32>], vector<16xi32>, vector<16xi1>
              %gather3A_715 = tpu.vector_load_idx %arg8[%get3A_706] : memref<10000xi32, #tpu.memory_space<vmem>>[vector<16xi32>], vector<16xi32>,
              %eq3A = arith.cmpi eq, %gather3A_715, %iota3A : vector<16xi32>
              %and3A = arith.andi %gt3A_714, %eq3A : vector<16xi1>
              %add3A_716 = arith.constant 0 : i32
              %add3A_717 = vector.broadcast %add3A_716 : i32 to vector<16xi32>
              %add3A_718 = arith.addi %get3A_704, %add3A_717 : vector<16xi32>
              %gather3A_719 = tpu.vector_load_idx %arg6[%add3A_718] : memref<40000xf32, #tpu.memory_space<vmem>>[vector<16xi32>], vector<16xf32>,
              %add3A_720 = arith.constant 0 : i32
              %add3A_721 = vector.broadcast %add3A_720 : i32 to vector<16xi32>
              %add3A_722 = arith.addi %get3A_706, %add3A_721 : vector<16xi32>
              %gather3A_723 = tpu.vector_load_idx %arg7[%add3A_722] : memref<40000xf32, #tpu.memory_space<vmem>>[vector<16xi32>], vector<16xf32>,
              %add3A_724 = arith.constant 0 : i32
              %add3A_725 = vector.broadcast %add3A_724 : i32 to vector<16xi32>
              %add3A_726 = arith.addi %get3A_706, %add3A_725 : vector<16xi32>
              %max3A_727 = arith.maximumf %gather3A_723, %gather3A_719 : vector<16xf32>
              tpu.vector_store_idx %arg7[%add3A_726], %max3A_727 masked %and3A : memref<40000xf32, #tpu.memory_space<vmem>>[vector<16xi32>], vector<16xf32>, vector<16xi1>
              %add3A_728 = arith.constant 10000 : i32
              %add3A_729 = vector.broadcast %add3A_728 : i32 to vector<16xi32>
              %add3A_730 = arith.addi %get3A_704, %add3A_729 : vector<16xi32>
              %gather3A_731 = tpu.vector_load_idx %arg6[%add3A_730] : memref<40000xf32, #tpu.memory_space<vmem>>[vector<16xi32>], vector<16xf32>,
              %add3A_732 = arith.constant 10000 : i32
              %add3A_733 = vector.broadcast %add3A_732 : i32 to vector<16xi32>
              %add3A_734 = arith.addi %get3A_706, %add3A_733 : vector<16xi32>
              %gather3A_735 = tpu.vector_load_idx %arg7[%add3A_734] : memref<40000xf32, #tpu.memory_space<vmem>>[vector<16xi32>], vector<16xf32>,
              %add3A_736 = arith.constant 10000 : i32
              %add3A_737 = vector.broadcast %add3A_736 : i32 to vector<16xi32>
              %add3A_738 = arith.addi %get3A_706, %add3A_737 : vector<16xi32>
              %max3A_739 = arith.maximumf %gather3A_735, %gather3A_731 : vector<16xf32>
              tpu.vector_store_idx %arg7[%add3A_738], %max3A_739 masked %and3A : memref<40000xf32, #tpu.memory_space<vmem>>[vector<16xi32>], vector<16xf32>, vector<16xi1>
              %add3A_740 = arith.constant 20000 : i32
              %add3A_741 = vector.broadcast %add3A_740 : i32 to vector<16xi32>
              %add3A_742 = arith.addi %get3A_704, %add3A_741 : vector<16xi32>
              %gather3A_743 = tpu.vector_load_idx %arg6[%add3A_742] : memref<40000xf32, #tpu.memory_space<vmem>>[vector<16xi32>], vector<16xf32>,
              %add3A_744 = arith.constant 20000 : i32
              %add3A_745 = vector.broadcast %add3A_744 : i32 to vector<16xi32>
              %add3A_746 = arith.addi %get3A_706, %add3A_745 : vector<16xi32>
              %gather3A_747 = tpu.vector_load_idx %arg7[%add3A_746] : memref<40000xf32, #tpu.memory_space<vmem>>[vector<16xi32>], vector<16xf32>,
              %add3A_748 = arith.constant 20000 : i32
              %add3A_749 = vector.broadcast %add3A_748 : i32 to vector<16xi32>
              %add3A_750 = arith.addi %get3A_706, %add3A_749 : vector<16xi32>
              %max3A_751 = arith.maximumf %gather3A_747, %gather3A_743 : vector<16xf32>
              tpu.vector_store_idx %arg7[%add3A_750], %max3A_751 masked %and3A : memref<40000xf32, #tpu.memory_space<vmem>>[vector<16xi32>], vector<16xf32>, vector<16xi1>
              %add3A_752 = arith.constant 30000 : i32
              %add3A_753 = vector.broadcast %add3A_752 : i32 to vector<16xi32>
              %add3A_754 = arith.addi %get3A_704, %add3A_753 : vector<16xi32>
              %gather3A_755 = tpu.vector_load_idx %arg6[%add3A_754] : memref<40000xf32, #tpu.memory_space<vmem>>[vector<16xi32>], vector<16xf32>,
              %add3A_756 = arith.constant 30000 : i32
              %add3A_757 = vector.broadcast %add3A_756 : i32 to vector<16xi32>
              %add3A_758 = arith.addi %get3A_706, %add3A_757 : vector<16xi32>
              %gather3A_759 = tpu.vector_load_idx %arg7[%add3A_758] : memref<40000xf32, #tpu.memory_space<vmem>>[vector<16xi32>], vector<16xf32>,
              %add3A_760 = arith.constant 30000 : i32
              %add3A_761 = vector.broadcast %add3A_760 : i32 to vector<16xi32>
              %add3A_762 = arith.addi %get3A_706, %add3A_761 : vector<16xi32>
              %max3A_763 = arith.maximumf %gather3A_759, %gather3A_755 : vector<16xf32>
              tpu.vector_store_idx %arg7[%add3A_762], %max3A_763 masked %and3A : memref<40000xf32, #tpu.memory_space<vmem>>[vector<16xi32>], vector<16xf32>, vector<16xi1>
              %jit3A = arith.constant 0 : i32
              %broadcast_in_dim3A_764 = vector.broadcast %jit3A : i32 to vector<16xi32>
              %select_n3A = arith.select %and3A, %broadcast_in_dim3A_764, %while3A_711 : vector<16xi1>, vector<16xi32>
              %reduce_max3A_765 = arith.constant true
              %reduce_max3A_766 = vector.broadcast %reduce_max3A_765 : i1 to vector<16xi1>
              %reduce_max3A_767 = arith.constant -2147483648 : i32
              %reduce_max3A_768 = vector.broadcast %reduce_max3A_767 : i32 to vector<16xi32>
              %reduce_max3A_769 = arith.xori %select_n3A, %reduce_max3A_768 : vector<16xi32>
              %reduce_max3A_770 = tpu.scan <max>, %reduce_max3A_769 masked %reduce_max3A_766 : vector<16xi32>, vector<16xi1> -> vector<16xi32>
              %reduce_max3A_771 = arith.xori %reduce_max3A_770, %reduce_max3A_768 : vector<16xi32>
              %reduce_max3A_772 = vector.extract %reduce_max3A_771[15] : i32 from vector<16xi32>
              scf.yield %reduce_max3A_772, %select_n3A : i32, vector<16xi32>
            }
          } else {
          }
          %convert_element_type3A_599 = arith.extui %not3A_203 : vector<16xi1> to vector<16xi32>
          %reduce_max3A_600 = arith.constant true
          %reduce_max3A_601 = vector.broadcast %reduce_max3A_600 : i1 to vector<16xi1>
          %reduce_max3A_602 = arith.constant -2147483648 : i32
          %reduce_max3A_603 = vector.broadcast %reduce_max3A_602 : i32 to vector<16xi32>
          %reduce_max3A_604 = arith.xori %convert_element_type3A_599, %reduce_max3A_603 : vector<16xi32>
          %reduce_max3A_605 = tpu.scan <max>, %reduce_max3A_604 masked %reduce_max3A_601 : vector<16xi32>, vector<16xi1> -> vector<16xi32>
          %reduce_max3A_606 = arith.xori %reduce_max3A_605, %reduce_max3A_603 : vector<16xi32>
          %reduce_max3A_607 = vector.extract %reduce_max3A_606[15] : i32 from vector<16xi32>
          %gt3A_608 = arith.constant 0 : i32
          %gt3A_609 = arith.cmpi sgt, %reduce_max3A_607, %gt3A_608 : i32
          %convert_element_type3A_610 = arith.extui %gt3A_609 : i1 to i32
          %cond3A_611 = arith.constant 0 : i32
          %cond3A_612 = arith.cmpi ne, %convert_element_type3A_610, %cond3A_611 : i32
          scf.if %cond3A_612 {
            %mul3A_697 = arith.constant 8 : i32
            %mul3A_698 = arith.muli %scan3A_68, %mul3A_697 : i32
            %add3A_699 = arith.constant 1 : i32
            %add3A_700 = arith.addi %mul3A_698, %add3A_699 : i32
            %mul3A_701 = arith.constant 16 : i32
            %mul3A_702 = arith.muli %add3A_700, %mul3A_701 : i32
            %get3A_703 = arith.index_cast %mul3A_702 : i32 to index
            %get3A_704 = tpu.vector_load %arg10[%get3A_703] {strides = array<i32>} : memref<6400xi32, #tpu.memory_space<vmem>>, vector<16xi32>,
            %get3A_705 = arith.index_cast %mul3A_702 : i32 to index
            %get3A_706 = tpu.vector_load %arg12[%get3A_705] {strides = array<i32>} : memref<6400xi32, #tpu.memory_space<vmem>>, vector<16xi32>,
            %broadcast_in_dim3A_707 = arith.constant 1 : i32
            %broadcast_in_dim3A_708 = vector.broadcast %broadcast_in_dim3A_707 : i32 to vector<16xi32>
            %while3A = arith.constant 1 : i32
            %while3A_709:2 = scf.while (%while3A_710 = %while3A, %while3A_711 = %broadcast_in_dim3A_708) : (i32, vector<16xi32>) -> (i32, vector<16xi32>) {
              %gt3A_712 = arith.constant 0 : i32
              %gt3A_713 = arith.cmpi sgt, %while3A_710, %gt3A_712 : i32
              scf.condition(%gt3A_713) %while3A_710, %while3A_711 : i32, vector<16xi32>
            } do {
            ^bb0(%while3A_710: i32, %while3A_711: vector<16xi32>):
              %gt3A_712 = arith.constant 0 : i32
              %gt3A_713 = vector.broadcast %gt3A_712 : i32 to vector<16xi32>
              %gt3A_714 = arith.cmpi sgt, %while3A_711, %gt3A_713 : vector<16xi32>
              tpu.vector_store_idx %arg8[%get3A_706], %iota3A masked %gt3A_714 : memref<10000xi32, #tpu.memory_space<vmem>>[vector<16xi32>], vector<16xi32>, vector<16xi1>
              %gather3A_715 = tpu.vector_load_idx %arg8[%get3A_706] : memref<10000xi32, #tpu.memory_space<vmem>>[vector<16xi32>], vector<16xi32>,
              %eq3A = arith.cmpi eq, %gather3A_715, %iota3A : vector<16xi32>
              %and3A = arith.andi %gt3A_714, %eq3A : vector<16xi1>
              %add3A_716 = arith.constant 0 : i32
              %add3A_717 = vector.broadcast %add3A_716 : i32 to vector<16xi32>
              %add3A_718 = arith.addi %get3A_704, %add3A_717 : vector<16xi32>
              %gather3A_719 = tpu.vector_load_idx %arg6[%add3A_718] : memref<40000xf32, #tpu.memory_space<vmem>>[vector<16xi32>], vector<16xf32>,
              %add3A_720 = arith.constant 0 : i32
              %add3A_721 = vector.broadcast %add3A_720 : i32 to vector<16xi32>
              %add3A_722 = arith.addi %get3A_706, %add3A_721 : vector<16xi32>
              %gather3A_723 = tpu.vector_load_idx %arg7[%add3A_722] : memref<40000xf32, #tpu.memory_space<vmem>>[vector<16xi32>], vector<16xf32>,
              %add3A_724 = arith.constant 0 : i32
              %add3A_725 = vector.broadcast %add3A_724 : i32 to vector<16xi32>
              %add3A_726 = arith.addi %get3A_706, %add3A_725 : vector<16xi32>
              %max3A_727 = arith.maximumf %gather3A_723, %gather3A_719 : vector<16xf32>
              tpu.vector_store_idx %arg7[%add3A_726], %max3A_727 masked %and3A : memref<40000xf32, #tpu.memory_space<vmem>>[vector<16xi32>], vector<16xf32>, vector<16xi1>
              %add3A_728 = arith.constant 10000 : i32
              %add3A_729 = vector.broadcast %add3A_728 : i32 to vector<16xi32>
              %add3A_730 = arith.addi %get3A_704, %add3A_729 : vector<16xi32>
              %gather3A_731 = tpu.vector_load_idx %arg6[%add3A_730] : memref<40000xf32, #tpu.memory_space<vmem>>[vector<16xi32>], vector<16xf32>,
              %add3A_732 = arith.constant 10000 : i32
              %add3A_733 = vector.broadcast %add3A_732 : i32 to vector<16xi32>
              %add3A_734 = arith.addi %get3A_706, %add3A_733 : vector<16xi32>
              %gather3A_735 = tpu.vector_load_idx %arg7[%add3A_734] : memref<40000xf32, #tpu.memory_space<vmem>>[vector<16xi32>], vector<16xf32>,
              %add3A_736 = arith.constant 10000 : i32
              %add3A_737 = vector.broadcast %add3A_736 : i32 to vector<16xi32>
              %add3A_738 = arith.addi %get3A_706, %add3A_737 : vector<16xi32>
              %max3A_739 = arith.maximumf %gather3A_735, %gather3A_731 : vector<16xf32>
              tpu.vector_store_idx %arg7[%add3A_738], %max3A_739 masked %and3A : memref<40000xf32, #tpu.memory_space<vmem>>[vector<16xi32>], vector<16xf32>, vector<16xi1>
              %add3A_740 = arith.constant 20000 : i32
              %add3A_741 = vector.broadcast %add3A_740 : i32 to vector<16xi32>
              %add3A_742 = arith.addi %get3A_704, %add3A_741 : vector<16xi32>
              %gather3A_743 = tpu.vector_load_idx %arg6[%add3A_742] : memref<40000xf32, #tpu.memory_space<vmem>>[vector<16xi32>], vector<16xf32>,
              %add3A_744 = arith.constant 20000 : i32
              %add3A_745 = vector.broadcast %add3A_744 : i32 to vector<16xi32>
              %add3A_746 = arith.addi %get3A_706, %add3A_745 : vector<16xi32>
              %gather3A_747 = tpu.vector_load_idx %arg7[%add3A_746] : memref<40000xf32, #tpu.memory_space<vmem>>[vector<16xi32>], vector<16xf32>,
              %add3A_748 = arith.constant 20000 : i32
              %add3A_749 = vector.broadcast %add3A_748 : i32 to vector<16xi32>
              %add3A_750 = arith.addi %get3A_706, %add3A_749 : vector<16xi32>
              %max3A_751 = arith.maximumf %gather3A_747, %gather3A_743 : vector<16xf32>
              tpu.vector_store_idx %arg7[%add3A_750], %max3A_751 masked %and3A : memref<40000xf32, #tpu.memory_space<vmem>>[vector<16xi32>], vector<16xf32>, vector<16xi1>
              %add3A_752 = arith.constant 30000 : i32
              %add3A_753 = vector.broadcast %add3A_752 : i32 to vector<16xi32>
              %add3A_754 = arith.addi %get3A_704, %add3A_753 : vector<16xi32>
              %gather3A_755 = tpu.vector_load_idx %arg6[%add3A_754] : memref<40000xf32, #tpu.memory_space<vmem>>[vector<16xi32>], vector<16xf32>,
              %add3A_756 = arith.constant 30000 : i32
              %add3A_757 = vector.broadcast %add3A_756 : i32 to vector<16xi32>
              %add3A_758 = arith.addi %get3A_706, %add3A_757 : vector<16xi32>
              %gather3A_759 = tpu.vector_load_idx %arg7[%add3A_758] : memref<40000xf32, #tpu.memory_space<vmem>>[vector<16xi32>], vector<16xf32>,
              %add3A_760 = arith.constant 30000 : i32
              %add3A_761 = vector.broadcast %add3A_760 : i32 to vector<16xi32>
              %add3A_762 = arith.addi %get3A_706, %add3A_761 : vector<16xi32>
              %max3A_763 = arith.maximumf %gather3A_759, %gather3A_755 : vector<16xf32>
              tpu.vector_store_idx %arg7[%add3A_762], %max3A_763 masked %and3A : memref<40000xf32, #tpu.memory_space<vmem>>[vector<16xi32>], vector<16xf32>, vector<16xi1>
              %jit3A = arith.constant 0 : i32
              %broadcast_in_dim3A_764 = vector.broadcast %jit3A : i32 to vector<16xi32>
              %select_n3A = arith.select %and3A, %broadcast_in_dim3A_764, %while3A_711 : vector<16xi1>, vector<16xi32>
              %reduce_max3A_765 = arith.constant true
              %reduce_max3A_766 = vector.broadcast %reduce_max3A_765 : i1 to vector<16xi1>
              %reduce_max3A_767 = arith.constant -2147483648 : i32
              %reduce_max3A_768 = vector.broadcast %reduce_max3A_767 : i32 to vector<16xi32>
              %reduce_max3A_769 = arith.xori %select_n3A, %reduce_max3A_768 : vector<16xi32>
              %reduce_max3A_770 = tpu.scan <max>, %reduce_max3A_769 masked %reduce_max3A_766 : vector<16xi32>, vector<16xi1> -> vector<16xi32>
              %reduce_max3A_771 = arith.xori %reduce_max3A_770, %reduce_max3A_768 : vector<16xi32>
              %reduce_max3A_772 = vector.extract %reduce_max3A_771[15] : i32 from vector<16xi32>
              scf.yield %reduce_max3A_772, %select_n3A : i32, vector<16xi32>
            }
          } else {
          }
          %convert_element_type3A_613 = arith.extui %not3A_257 : vector<16xi1> to vector<16xi32>
          %reduce_max3A_614 = arith.constant true
          %reduce_max3A_615 = vector.broadcast %reduce_max3A_614 : i1 to vector<16xi1>
          %reduce_max3A_616 = arith.constant -2147483648 : i32
          %reduce_max3A_617 = vector.broadcast %reduce_max3A_616 : i32 to vector<16xi32>
          %reduce_max3A_618 = arith.xori %convert_element_type3A_613, %reduce_max3A_617 : vector<16xi32>
          %reduce_max3A_619 = tpu.scan <max>, %reduce_max3A_618 masked %reduce_max3A_615 : vector<16xi32>, vector<16xi1> -> vector<16xi32>
          %reduce_max3A_620 = arith.xori %reduce_max3A_619, %reduce_max3A_617 : vector<16xi32>
          %reduce_max3A_621 = vector.extract %reduce_max3A_620[15] : i32 from vector<16xi32>
          %gt3A_622 = arith.constant 0 : i32
          %gt3A_623 = arith.cmpi sgt, %reduce_max3A_621, %gt3A_622 : i32
          %convert_element_type3A_624 = arith.extui %gt3A_623 : i1 to i32
          %cond3A_625 = arith.constant 0 : i32
          %cond3A_626 = arith.cmpi ne, %convert_element_type3A_624, %cond3A_625 : i32
          scf.if %cond3A_626 {
            %mul3A_697 = arith.constant 8 : i32
            %mul3A_698 = arith.muli %scan3A_68, %mul3A_697 : i32
            %add3A_699 = arith.constant 2 : i32
            %add3A_700 = arith.addi %mul3A_698, %add3A_699 : i32
            %mul3A_701 = arith.constant 16 : i32
            %mul3A_702 = arith.muli %add3A_700, %mul3A_701 : i32
            %get3A_703 = arith.index_cast %mul3A_702 : i32 to index
            %get3A_704 = tpu.vector_load %arg10[%get3A_703] {strides = array<i32>} : memref<6400xi32, #tpu.memory_space<vmem>>, vector<16xi32>,
            %get3A_705 = arith.index_cast %mul3A_702 : i32 to index
            %get3A_706 = tpu.vector_load %arg12[%get3A_705] {strides = array<i32>} : memref<6400xi32, #tpu.memory_space<vmem>>, vector<16xi32>,
            %broadcast_in_dim3A_707 = arith.constant 1 : i32
            %broadcast_in_dim3A_708 = vector.broadcast %broadcast_in_dim3A_707 : i32 to vector<16xi32>
            %while3A = arith.constant 1 : i32
            %while3A_709:2 = scf.while (%while3A_710 = %while3A, %while3A_711 = %broadcast_in_dim3A_708) : (i32, vector<16xi32>) -> (i32, vector<16xi32>) {
              %gt3A_712 = arith.constant 0 : i32
              %gt3A_713 = arith.cmpi sgt, %while3A_710, %gt3A_712 : i32
              scf.condition(%gt3A_713) %while3A_710, %while3A_711 : i32, vector<16xi32>
            } do {
            ^bb0(%while3A_710: i32, %while3A_711: vector<16xi32>):
              %gt3A_712 = arith.constant 0 : i32
              %gt3A_713 = vector.broadcast %gt3A_712 : i32 to vector<16xi32>
              %gt3A_714 = arith.cmpi sgt, %while3A_711, %gt3A_713 : vector<16xi32>
              tpu.vector_store_idx %arg8[%get3A_706], %iota3A masked %gt3A_714 : memref<10000xi32, #tpu.memory_space<vmem>>[vector<16xi32>], vector<16xi32>, vector<16xi1>
              %gather3A_715 = tpu.vector_load_idx %arg8[%get3A_706] : memref<10000xi32, #tpu.memory_space<vmem>>[vector<16xi32>], vector<16xi32>,
              %eq3A = arith.cmpi eq, %gather3A_715, %iota3A : vector<16xi32>
              %and3A = arith.andi %gt3A_714, %eq3A : vector<16xi1>
              %add3A_716 = arith.constant 0 : i32
              %add3A_717 = vector.broadcast %add3A_716 : i32 to vector<16xi32>
              %add3A_718 = arith.addi %get3A_704, %add3A_717 : vector<16xi32>
              %gather3A_719 = tpu.vector_load_idx %arg6[%add3A_718] : memref<40000xf32, #tpu.memory_space<vmem>>[vector<16xi32>], vector<16xf32>,
              %add3A_720 = arith.constant 0 : i32
              %add3A_721 = vector.broadcast %add3A_720 : i32 to vector<16xi32>
              %add3A_722 = arith.addi %get3A_706, %add3A_721 : vector<16xi32>
              %gather3A_723 = tpu.vector_load_idx %arg7[%add3A_722] : memref<40000xf32, #tpu.memory_space<vmem>>[vector<16xi32>], vector<16xf32>,
              %add3A_724 = arith.constant 0 : i32
              %add3A_725 = vector.broadcast %add3A_724 : i32 to vector<16xi32>
              %add3A_726 = arith.addi %get3A_706, %add3A_725 : vector<16xi32>
              %max3A_727 = arith.maximumf %gather3A_723, %gather3A_719 : vector<16xf32>
              tpu.vector_store_idx %arg7[%add3A_726], %max3A_727 masked %and3A : memref<40000xf32, #tpu.memory_space<vmem>>[vector<16xi32>], vector<16xf32>, vector<16xi1>
              %add3A_728 = arith.constant 10000 : i32
              %add3A_729 = vector.broadcast %add3A_728 : i32 to vector<16xi32>
              %add3A_730 = arith.addi %get3A_704, %add3A_729 : vector<16xi32>
              %gather3A_731 = tpu.vector_load_idx %arg6[%add3A_730] : memref<40000xf32, #tpu.memory_space<vmem>>[vector<16xi32>], vector<16xf32>,
              %add3A_732 = arith.constant 10000 : i32
              %add3A_733 = vector.broadcast %add3A_732 : i32 to vector<16xi32>
              %add3A_734 = arith.addi %get3A_706, %add3A_733 : vector<16xi32>
              %gather3A_735 = tpu.vector_load_idx %arg7[%add3A_734] : memref<40000xf32, #tpu.memory_space<vmem>>[vector<16xi32>], vector<16xf32>,
              %add3A_736 = arith.constant 10000 : i32
              %add3A_737 = vector.broadcast %add3A_736 : i32 to vector<16xi32>
              %add3A_738 = arith.addi %get3A_706, %add3A_737 : vector<16xi32>
              %max3A_739 = arith.maximumf %gather3A_735, %gather3A_731 : vector<16xf32>
              tpu.vector_store_idx %arg7[%add3A_738], %max3A_739 masked %and3A : memref<40000xf32, #tpu.memory_space<vmem>>[vector<16xi32>], vector<16xf32>, vector<16xi1>
              %add3A_740 = arith.constant 20000 : i32
              %add3A_741 = vector.broadcast %add3A_740 : i32 to vector<16xi32>
              %add3A_742 = arith.addi %get3A_704, %add3A_741 : vector<16xi32>
              %gather3A_743 = tpu.vector_load_idx %arg6[%add3A_742] : memref<40000xf32, #tpu.memory_space<vmem>>[vector<16xi32>], vector<16xf32>,
              %add3A_744 = arith.constant 20000 : i32
              %add3A_745 = vector.broadcast %add3A_744 : i32 to vector<16xi32>
              %add3A_746 = arith.addi %get3A_706, %add3A_745 : vector<16xi32>
              %gather3A_747 = tpu.vector_load_idx %arg7[%add3A_746] : memref<40000xf32, #tpu.memory_space<vmem>>[vector<16xi32>], vector<16xf32>,
              %add3A_748 = arith.constant 20000 : i32
              %add3A_749 = vector.broadcast %add3A_748 : i32 to vector<16xi32>
              %add3A_750 = arith.addi %get3A_706, %add3A_749 : vector<16xi32>
              %max3A_751 = arith.maximumf %gather3A_747, %gather3A_743 : vector<16xf32>
              tpu.vector_store_idx %arg7[%add3A_750], %max3A_751 masked %and3A : memref<40000xf32, #tpu.memory_space<vmem>>[vector<16xi32>], vector<16xf32>, vector<16xi1>
              %add3A_752 = arith.constant 30000 : i32
              %add3A_753 = vector.broadcast %add3A_752 : i32 to vector<16xi32>
              %add3A_754 = arith.addi %get3A_704, %add3A_753 : vector<16xi32>
              %gather3A_755 = tpu.vector_load_idx %arg6[%add3A_754] : memref<40000xf32, #tpu.memory_space<vmem>>[vector<16xi32>], vector<16xf32>,
              %add3A_756 = arith.constant 30000 : i32
              %add3A_757 = vector.broadcast %add3A_756 : i32 to vector<16xi32>
              %add3A_758 = arith.addi %get3A_706, %add3A_757 : vector<16xi32>
              %gather3A_759 = tpu.vector_load_idx %arg7[%add3A_758] : memref<40000xf32, #tpu.memory_space<vmem>>[vector<16xi32>], vector<16xf32>,
              %add3A_760 = arith.constant 30000 : i32
              %add3A_761 = vector.broadcast %add3A_760 : i32 to vector<16xi32>
              %add3A_762 = arith.addi %get3A_706, %add3A_761 : vector<16xi32>
              %max3A_763 = arith.maximumf %gather3A_759, %gather3A_755 : vector<16xf32>
              tpu.vector_store_idx %arg7[%add3A_762], %max3A_763 masked %and3A : memref<40000xf32, #tpu.memory_space<vmem>>[vector<16xi32>], vector<16xf32>, vector<16xi1>
              %jit3A = arith.constant 0 : i32
              %broadcast_in_dim3A_764 = vector.broadcast %jit3A : i32 to vector<16xi32>
              %select_n3A = arith.select %and3A, %broadcast_in_dim3A_764, %while3A_711 : vector<16xi1>, vector<16xi32>
              %reduce_max3A_765 = arith.constant true
              %reduce_max3A_766 = vector.broadcast %reduce_max3A_765 : i1 to vector<16xi1>
              %reduce_max3A_767 = arith.constant -2147483648 : i32
              %reduce_max3A_768 = vector.broadcast %reduce_max3A_767 : i32 to vector<16xi32>
              %reduce_max3A_769 = arith.xori %select_n3A, %reduce_max3A_768 : vector<16xi32>
              %reduce_max3A_770 = tpu.scan <max>, %reduce_max3A_769 masked %reduce_max3A_766 : vector<16xi32>, vector<16xi1> -> vector<16xi32>
              %reduce_max3A_771 = arith.xori %reduce_max3A_770, %reduce_max3A_768 : vector<16xi32>
              %reduce_max3A_772 = vector.extract %reduce_max3A_771[15] : i32 from vector<16xi32>
              scf.yield %reduce_max3A_772, %select_n3A : i32, vector<16xi32>
            }
          } else {
          }
          %convert_element_type3A_627 = arith.extui %not3A_311 : vector<16xi1> to vector<16xi32>
          %reduce_max3A_628 = arith.constant true
          %reduce_max3A_629 = vector.broadcast %reduce_max3A_628 : i1 to vector<16xi1>
          %reduce_max3A_630 = arith.constant -2147483648 : i32
          %reduce_max3A_631 = vector.broadcast %reduce_max3A_630 : i32 to vector<16xi32>
          %reduce_max3A_632 = arith.xori %convert_element_type3A_627, %reduce_max3A_631 : vector<16xi32>
          %reduce_max3A_633 = tpu.scan <max>, %reduce_max3A_632 masked %reduce_max3A_629 : vector<16xi32>, vector<16xi1> -> vector<16xi32>
          %reduce_max3A_634 = arith.xori %reduce_max3A_633, %reduce_max3A_631 : vector<16xi32>
          %reduce_max3A_635 = vector.extract %reduce_max3A_634[15] : i32 from vector<16xi32>
          %gt3A_636 = arith.constant 0 : i32
          %gt3A_637 = arith.cmpi sgt, %reduce_max3A_635, %gt3A_636 : i32
          %convert_element_type3A_638 = arith.extui %gt3A_637 : i1 to i32
          %cond3A_639 = arith.constant 0 : i32
          %cond3A_640 = arith.cmpi ne, %convert_element_type3A_638, %cond3A_639 : i32
          scf.if %cond3A_640 {
            %mul3A_697 = arith.constant 8 : i32
            %mul3A_698 = arith.muli %scan3A_68, %mul3A_697 : i32
            %add3A_699 = arith.constant 3 : i32
            %add3A_700 = arith.addi %mul3A_698, %add3A_699 : i32
            %mul3A_701 = arith.constant 16 : i32
            %mul3A_702 = arith.muli %add3A_700, %mul3A_701 : i32
            %get3A_703 = arith.index_cast %mul3A_702 : i32 to index
            %get3A_704 = tpu.vector_load %arg10[%get3A_703] {strides = array<i32>} : memref<6400xi32, #tpu.memory_space<vmem>>, vector<16xi32>,
            %get3A_705 = arith.index_cast %mul3A_702 : i32 to index
            %get3A_706 = tpu.vector_load %arg12[%get3A_705] {strides = array<i32>} : memref<6400xi32, #tpu.memory_space<vmem>>, vector<16xi32>,
            %broadcast_in_dim3A_707 = arith.constant 1 : i32
            %broadcast_in_dim3A_708 = vector.broadcast %broadcast_in_dim3A_707 : i32 to vector<16xi32>
            %while3A = arith.constant 1 : i32
            %while3A_709:2 = scf.while (%while3A_710 = %while3A, %while3A_711 = %broadcast_in_dim3A_708) : (i32, vector<16xi32>) -> (i32, vector<16xi32>) {
              %gt3A_712 = arith.constant 0 : i32
              %gt3A_713 = arith.cmpi sgt, %while3A_710, %gt3A_712 : i32
              scf.condition(%gt3A_713) %while3A_710, %while3A_711 : i32, vector<16xi32>
            } do {
            ^bb0(%while3A_710: i32, %while3A_711: vector<16xi32>):
              %gt3A_712 = arith.constant 0 : i32
              %gt3A_713 = vector.broadcast %gt3A_712 : i32 to vector<16xi32>
              %gt3A_714 = arith.cmpi sgt, %while3A_711, %gt3A_713 : vector<16xi32>
              tpu.vector_store_idx %arg8[%get3A_706], %iota3A masked %gt3A_714 : memref<10000xi32, #tpu.memory_space<vmem>>[vector<16xi32>], vector<16xi32>, vector<16xi1>
              %gather3A_715 = tpu.vector_load_idx %arg8[%get3A_706] : memref<10000xi32, #tpu.memory_space<vmem>>[vector<16xi32>], vector<16xi32>,
              %eq3A = arith.cmpi eq, %gather3A_715, %iota3A : vector<16xi32>
              %and3A = arith.andi %gt3A_714, %eq3A : vector<16xi1>
              %add3A_716 = arith.constant 0 : i32
              %add3A_717 = vector.broadcast %add3A_716 : i32 to vector<16xi32>
              %add3A_718 = arith.addi %get3A_704, %add3A_717 : vector<16xi32>
              %gather3A_719 = tpu.vector_load_idx %arg6[%add3A_718] : memref<40000xf32, #tpu.memory_space<vmem>>[vector<16xi32>], vector<16xf32>,
              %add3A_720 = arith.constant 0 : i32
              %add3A_721 = vector.broadcast %add3A_720 : i32 to vector<16xi32>
              %add3A_722 = arith.addi %get3A_706, %add3A_721 : vector<16xi32>
              %gather3A_723 = tpu.vector_load_idx %arg7[%add3A_722] : memref<40000xf32, #tpu.memory_space<vmem>>[vector<16xi32>], vector<16xf32>,
              %add3A_724 = arith.constant 0 : i32
              %add3A_725 = vector.broadcast %add3A_724 : i32 to vector<16xi32>
              %add3A_726 = arith.addi %get3A_706, %add3A_725 : vector<16xi32>
              %max3A_727 = arith.maximumf %gather3A_723, %gather3A_719 : vector<16xf32>
              tpu.vector_store_idx %arg7[%add3A_726], %max3A_727 masked %and3A : memref<40000xf32, #tpu.memory_space<vmem>>[vector<16xi32>], vector<16xf32>, vector<16xi1>
              %add3A_728 = arith.constant 10000 : i32
              %add3A_729 = vector.broadcast %add3A_728 : i32 to vector<16xi32>
              %add3A_730 = arith.addi %get3A_704, %add3A_729 : vector<16xi32>
              %gather3A_731 = tpu.vector_load_idx %arg6[%add3A_730] : memref<40000xf32, #tpu.memory_space<vmem>>[vector<16xi32>], vector<16xf32>,
              %add3A_732 = arith.constant 10000 : i32
              %add3A_733 = vector.broadcast %add3A_732 : i32 to vector<16xi32>
              %add3A_734 = arith.addi %get3A_706, %add3A_733 : vector<16xi32>
              %gather3A_735 = tpu.vector_load_idx %arg7[%add3A_734] : memref<40000xf32, #tpu.memory_space<vmem>>[vector<16xi32>], vector<16xf32>,
              %add3A_736 = arith.constant 10000 : i32
              %add3A_737 = vector.broadcast %add3A_736 : i32 to vector<16xi32>
              %add3A_738 = arith.addi %get3A_706, %add3A_737 : vector<16xi32>
              %max3A_739 = arith.maximumf %gather3A_735, %gather3A_731 : vector<16xf32>
              tpu.vector_store_idx %arg7[%add3A_738], %max3A_739 masked %and3A : memref<40000xf32, #tpu.memory_space<vmem>>[vector<16xi32>], vector<16xf32>, vector<16xi1>
              %add3A_740 = arith.constant 20000 : i32
              %add3A_741 = vector.broadcast %add3A_740 : i32 to vector<16xi32>
              %add3A_742 = arith.addi %get3A_704, %add3A_741 : vector<16xi32>
              %gather3A_743 = tpu.vector_load_idx %arg6[%add3A_742] : memref<40000xf32, #tpu.memory_space<vmem>>[vector<16xi32>], vector<16xf32>,
              %add3A_744 = arith.constant 20000 : i32
              %add3A_745 = vector.broadcast %add3A_744 : i32 to vector<16xi32>
              %add3A_746 = arith.addi %get3A_706, %add3A_745 : vector<16xi32>
              %gather3A_747 = tpu.vector_load_idx %arg7[%add3A_746] : memref<40000xf32, #tpu.memory_space<vmem>>[vector<16xi32>], vector<16xf32>,
              %add3A_748 = arith.constant 20000 : i32
              %add3A_749 = vector.broadcast %add3A_748 : i32 to vector<16xi32>
              %add3A_750 = arith.addi %get3A_706, %add3A_749 : vector<16xi32>
              %max3A_751 = arith.maximumf %gather3A_747, %gather3A_743 : vector<16xf32>
              tpu.vector_store_idx %arg7[%add3A_750], %max3A_751 masked %and3A : memref<40000xf32, #tpu.memory_space<vmem>>[vector<16xi32>], vector<16xf32>, vector<16xi1>
              %add3A_752 = arith.constant 30000 : i32
              %add3A_753 = vector.broadcast %add3A_752 : i32 to vector<16xi32>
              %add3A_754 = arith.addi %get3A_704, %add3A_753 : vector<16xi32>
              %gather3A_755 = tpu.vector_load_idx %arg6[%add3A_754] : memref<40000xf32, #tpu.memory_space<vmem>>[vector<16xi32>], vector<16xf32>,
              %add3A_756 = arith.constant 30000 : i32
              %add3A_757 = vector.broadcast %add3A_756 : i32 to vector<16xi32>
              %add3A_758 = arith.addi %get3A_706, %add3A_757 : vector<16xi32>
              %gather3A_759 = tpu.vector_load_idx %arg7[%add3A_758] : memref<40000xf32, #tpu.memory_space<vmem>>[vector<16xi32>], vector<16xf32>,
              %add3A_760 = arith.constant 30000 : i32
              %add3A_761 = vector.broadcast %add3A_760 : i32 to vector<16xi32>
              %add3A_762 = arith.addi %get3A_706, %add3A_761 : vector<16xi32>
              %max3A_763 = arith.maximumf %gather3A_759, %gather3A_755 : vector<16xf32>
              tpu.vector_store_idx %arg7[%add3A_762], %max3A_763 masked %and3A : memref<40000xf32, #tpu.memory_space<vmem>>[vector<16xi32>], vector<16xf32>, vector<16xi1>
              %jit3A = arith.constant 0 : i32
              %broadcast_in_dim3A_764 = vector.broadcast %jit3A : i32 to vector<16xi32>
              %select_n3A = arith.select %and3A, %broadcast_in_dim3A_764, %while3A_711 : vector<16xi1>, vector<16xi32>
              %reduce_max3A_765 = arith.constant true
              %reduce_max3A_766 = vector.broadcast %reduce_max3A_765 : i1 to vector<16xi1>
              %reduce_max3A_767 = arith.constant -2147483648 : i32
              %reduce_max3A_768 = vector.broadcast %reduce_max3A_767 : i32 to vector<16xi32>
              %reduce_max3A_769 = arith.xori %select_n3A, %reduce_max3A_768 : vector<16xi32>
              %reduce_max3A_770 = tpu.scan <max>, %reduce_max3A_769 masked %reduce_max3A_766 : vector<16xi32>, vector<16xi1> -> vector<16xi32>
              %reduce_max3A_771 = arith.xori %reduce_max3A_770, %reduce_max3A_768 : vector<16xi32>
              %reduce_max3A_772 = vector.extract %reduce_max3A_771[15] : i32 from vector<16xi32>
              scf.yield %reduce_max3A_772, %select_n3A : i32, vector<16xi32>
            }
          } else {
          }
          %convert_element_type3A_641 = arith.extui %not3A_365 : vector<16xi1> to vector<16xi32>
          %reduce_max3A_642 = arith.constant true
          %reduce_max3A_643 = vector.broadcast %reduce_max3A_642 : i1 to vector<16xi1>
          %reduce_max3A_644 = arith.constant -2147483648 : i32
          %reduce_max3A_645 = vector.broadcast %reduce_max3A_644 : i32 to vector<16xi32>
          %reduce_max3A_646 = arith.xori %convert_element_type3A_641, %reduce_max3A_645 : vector<16xi32>
          %reduce_max3A_647 = tpu.scan <max>, %reduce_max3A_646 masked %reduce_max3A_643 : vector<16xi32>, vector<16xi1> -> vector<16xi32>
          %reduce_max3A_648 = arith.xori %reduce_max3A_647, %reduce_max3A_645 : vector<16xi32>
          %reduce_max3A_649 = vector.extract %reduce_max3A_648[15] : i32 from vector<16xi32>
          %gt3A_650 = arith.constant 0 : i32
          %gt3A_651 = arith.cmpi sgt, %reduce_max3A_649, %gt3A_650 : i32
          %convert_element_type3A_652 = arith.extui %gt3A_651 : i1 to i32
          %cond3A_653 = arith.constant 0 : i32
          %cond3A_654 = arith.cmpi ne, %convert_element_type3A_652, %cond3A_653 : i32
          scf.if %cond3A_654 {
            %mul3A_697 = arith.constant 8 : i32
            %mul3A_698 = arith.muli %scan3A_68, %mul3A_697 : i32
            %add3A_699 = arith.constant 4 : i32
            %add3A_700 = arith.addi %mul3A_698, %add3A_699 : i32
            %mul3A_701 = arith.constant 16 : i32
            %mul3A_702 = arith.muli %add3A_700, %mul3A_701 : i32
            %get3A_703 = arith.index_cast %mul3A_702 : i32 to index
            %get3A_704 = tpu.vector_load %arg10[%get3A_703] {strides = array<i32>} : memref<6400xi32, #tpu.memory_space<vmem>>, vector<16xi32>,
            %get3A_705 = arith.index_cast %mul3A_702 : i32 to index
            %get3A_706 = tpu.vector_load %arg12[%get3A_705] {strides = array<i32>} : memref<6400xi32, #tpu.memory_space<vmem>>, vector<16xi32>,
            %broadcast_in_dim3A_707 = arith.constant 1 : i32
            %broadcast_in_dim3A_708 = vector.broadcast %broadcast_in_dim3A_707 : i32 to vector<16xi32>
            %while3A = arith.constant 1 : i32
            %while3A_709:2 = scf.while (%while3A_710 = %while3A, %while3A_711 = %broadcast_in_dim3A_708) : (i32, vector<16xi32>) -> (i32, vector<16xi32>) {
              %gt3A_712 = arith.constant 0 : i32
              %gt3A_713 = arith.cmpi sgt, %while3A_710, %gt3A_712 : i32
              scf.condition(%gt3A_713) %while3A_710, %while3A_711 : i32, vector<16xi32>
            } do {
            ^bb0(%while3A_710: i32, %while3A_711: vector<16xi32>):
              %gt3A_712 = arith.constant 0 : i32
              %gt3A_713 = vector.broadcast %gt3A_712 : i32 to vector<16xi32>
              %gt3A_714 = arith.cmpi sgt, %while3A_711, %gt3A_713 : vector<16xi32>
              tpu.vector_store_idx %arg8[%get3A_706], %iota3A masked %gt3A_714 : memref<10000xi32, #tpu.memory_space<vmem>>[vector<16xi32>], vector<16xi32>, vector<16xi1>
              %gather3A_715 = tpu.vector_load_idx %arg8[%get3A_706] : memref<10000xi32, #tpu.memory_space<vmem>>[vector<16xi32>], vector<16xi32>,
              %eq3A = arith.cmpi eq, %gather3A_715, %iota3A : vector<16xi32>
              %and3A = arith.andi %gt3A_714, %eq3A : vector<16xi1>
              %add3A_716 = arith.constant 0 : i32
              %add3A_717 = vector.broadcast %add3A_716 : i32 to vector<16xi32>
              %add3A_718 = arith.addi %get3A_704, %add3A_717 : vector<16xi32>
              %gather3A_719 = tpu.vector_load_idx %arg6[%add3A_718] : memref<40000xf32, #tpu.memory_space<vmem>>[vector<16xi32>], vector<16xf32>,
              %add3A_720 = arith.constant 0 : i32
              %add3A_721 = vector.broadcast %add3A_720 : i32 to vector<16xi32>
              %add3A_722 = arith.addi %get3A_706, %add3A_721 : vector<16xi32>
              %gather3A_723 = tpu.vector_load_idx %arg7[%add3A_722] : memref<40000xf32, #tpu.memory_space<vmem>>[vector<16xi32>], vector<16xf32>,
              %add3A_724 = arith.constant 0 : i32
              %add3A_725 = vector.broadcast %add3A_724 : i32 to vector<16xi32>
              %add3A_726 = arith.addi %get3A_706, %add3A_725 : vector<16xi32>
              %max3A_727 = arith.maximumf %gather3A_723, %gather3A_719 : vector<16xf32>
              tpu.vector_store_idx %arg7[%add3A_726], %max3A_727 masked %and3A : memref<40000xf32, #tpu.memory_space<vmem>>[vector<16xi32>], vector<16xf32>, vector<16xi1>
              %add3A_728 = arith.constant 10000 : i32
              %add3A_729 = vector.broadcast %add3A_728 : i32 to vector<16xi32>
              %add3A_730 = arith.addi %get3A_704, %add3A_729 : vector<16xi32>
              %gather3A_731 = tpu.vector_load_idx %arg6[%add3A_730] : memref<40000xf32, #tpu.memory_space<vmem>>[vector<16xi32>], vector<16xf32>,
              %add3A_732 = arith.constant 10000 : i32
              %add3A_733 = vector.broadcast %add3A_732 : i32 to vector<16xi32>
              %add3A_734 = arith.addi %get3A_706, %add3A_733 : vector<16xi32>
              %gather3A_735 = tpu.vector_load_idx %arg7[%add3A_734] : memref<40000xf32, #tpu.memory_space<vmem>>[vector<16xi32>], vector<16xf32>,
              %add3A_736 = arith.constant 10000 : i32
              %add3A_737 = vector.broadcast %add3A_736 : i32 to vector<16xi32>
              %add3A_738 = arith.addi %get3A_706, %add3A_737 : vector<16xi32>
              %max3A_739 = arith.maximumf %gather3A_735, %gather3A_731 : vector<16xf32>
              tpu.vector_store_idx %arg7[%add3A_738], %max3A_739 masked %and3A : memref<40000xf32, #tpu.memory_space<vmem>>[vector<16xi32>], vector<16xf32>, vector<16xi1>
              %add3A_740 = arith.constant 20000 : i32
              %add3A_741 = vector.broadcast %add3A_740 : i32 to vector<16xi32>
              %add3A_742 = arith.addi %get3A_704, %add3A_741 : vector<16xi32>
              %gather3A_743 = tpu.vector_load_idx %arg6[%add3A_742] : memref<40000xf32, #tpu.memory_space<vmem>>[vector<16xi32>], vector<16xf32>,
              %add3A_744 = arith.constant 20000 : i32
              %add3A_745 = vector.broadcast %add3A_744 : i32 to vector<16xi32>
              %add3A_746 = arith.addi %get3A_706, %add3A_745 : vector<16xi32>
              %gather3A_747 = tpu.vector_load_idx %arg7[%add3A_746] : memref<40000xf32, #tpu.memory_space<vmem>>[vector<16xi32>], vector<16xf32>,
              %add3A_748 = arith.constant 20000 : i32
              %add3A_749 = vector.broadcast %add3A_748 : i32 to vector<16xi32>
              %add3A_750 = arith.addi %get3A_706, %add3A_749 : vector<16xi32>
              %max3A_751 = arith.maximumf %gather3A_747, %gather3A_743 : vector<16xf32>
              tpu.vector_store_idx %arg7[%add3A_750], %max3A_751 masked %and3A : memref<40000xf32, #tpu.memory_space<vmem>>[vector<16xi32>], vector<16xf32>, vector<16xi1>
              %add3A_752 = arith.constant 30000 : i32
              %add3A_753 = vector.broadcast %add3A_752 : i32 to vector<16xi32>
              %add3A_754 = arith.addi %get3A_704, %add3A_753 : vector<16xi32>
              %gather3A_755 = tpu.vector_load_idx %arg6[%add3A_754] : memref<40000xf32, #tpu.memory_space<vmem>>[vector<16xi32>], vector<16xf32>,
              %add3A_756 = arith.constant 30000 : i32
              %add3A_757 = vector.broadcast %add3A_756 : i32 to vector<16xi32>
              %add3A_758 = arith.addi %get3A_706, %add3A_757 : vector<16xi32>
              %gather3A_759 = tpu.vector_load_idx %arg7[%add3A_758] : memref<40000xf32, #tpu.memory_space<vmem>>[vector<16xi32>], vector<16xf32>,
              %add3A_760 = arith.constant 30000 : i32
              %add3A_761 = vector.broadcast %add3A_760 : i32 to vector<16xi32>
              %add3A_762 = arith.addi %get3A_706, %add3A_761 : vector<16xi32>
              %max3A_763 = arith.maximumf %gather3A_759, %gather3A_755 : vector<16xf32>
              tpu.vector_store_idx %arg7[%add3A_762], %max3A_763 masked %and3A : memref<40000xf32, #tpu.memory_space<vmem>>[vector<16xi32>], vector<16xf32>, vector<16xi1>
              %jit3A = arith.constant 0 : i32
              %broadcast_in_dim3A_764 = vector.broadcast %jit3A : i32 to vector<16xi32>
              %select_n3A = arith.select %and3A, %broadcast_in_dim3A_764, %while3A_711 : vector<16xi1>, vector<16xi32>
              %reduce_max3A_765 = arith.constant true
              %reduce_max3A_766 = vector.broadcast %reduce_max3A_765 : i1 to vector<16xi1>
              %reduce_max3A_767 = arith.constant -2147483648 : i32
              %reduce_max3A_768 = vector.broadcast %reduce_max3A_767 : i32 to vector<16xi32>
              %reduce_max3A_769 = arith.xori %select_n3A, %reduce_max3A_768 : vector<16xi32>
              %reduce_max3A_770 = tpu.scan <max>, %reduce_max3A_769 masked %reduce_max3A_766 : vector<16xi32>, vector<16xi1> -> vector<16xi32>
              %reduce_max3A_771 = arith.xori %reduce_max3A_770, %reduce_max3A_768 : vector<16xi32>
              %reduce_max3A_772 = vector.extract %reduce_max3A_771[15] : i32 from vector<16xi32>
              scf.yield %reduce_max3A_772, %select_n3A : i32, vector<16xi32>
            }
          } else {
          }
          %convert_element_type3A_655 = arith.extui %not3A_419 : vector<16xi1> to vector<16xi32>
          %reduce_max3A_656 = arith.constant true
          %reduce_max3A_657 = vector.broadcast %reduce_max3A_656 : i1 to vector<16xi1>
          %reduce_max3A_658 = arith.constant -2147483648 : i32
          %reduce_max3A_659 = vector.broadcast %reduce_max3A_658 : i32 to vector<16xi32>
          %reduce_max3A_660 = arith.xori %convert_element_type3A_655, %reduce_max3A_659 : vector<16xi32>
          %reduce_max3A_661 = tpu.scan <max>, %reduce_max3A_660 masked %reduce_max3A_657 : vector<16xi32>, vector<16xi1> -> vector<16xi32>
          %reduce_max3A_662 = arith.xori %reduce_max3A_661, %reduce_max3A_659 : vector<16xi32>
          %reduce_max3A_663 = vector.extract %reduce_max3A_662[15] : i32 from vector<16xi32>
          %gt3A_664 = arith.constant 0 : i32
          %gt3A_665 = arith.cmpi sgt, %reduce_max3A_663, %gt3A_664 : i32
          %convert_element_type3A_666 = arith.extui %gt3A_665 : i1 to i32
          %cond3A_667 = arith.constant 0 : i32
          %cond3A_668 = arith.cmpi ne, %convert_element_type3A_666, %cond3A_667 : i32
          scf.if %cond3A_668 {
            %mul3A_697 = arith.constant 8 : i32
            %mul3A_698 = arith.muli %scan3A_68, %mul3A_697 : i32
            %add3A_699 = arith.constant 5 : i32
            %add3A_700 = arith.addi %mul3A_698, %add3A_699 : i32
            %mul3A_701 = arith.constant 16 : i32
            %mul3A_702 = arith.muli %add3A_700, %mul3A_701 : i32
            %get3A_703 = arith.index_cast %mul3A_702 : i32 to index
            %get3A_704 = tpu.vector_load %arg10[%get3A_703] {strides = array<i32>} : memref<6400xi32, #tpu.memory_space<vmem>>, vector<16xi32>,
            %get3A_705 = arith.index_cast %mul3A_702 : i32 to index
            %get3A_706 = tpu.vector_load %arg12[%get3A_705] {strides = array<i32>} : memref<6400xi32, #tpu.memory_space<vmem>>, vector<16xi32>,
            %broadcast_in_dim3A_707 = arith.constant 1 : i32
            %broadcast_in_dim3A_708 = vector.broadcast %broadcast_in_dim3A_707 : i32 to vector<16xi32>
            %while3A = arith.constant 1 : i32
            %while3A_709:2 = scf.while (%while3A_710 = %while3A, %while3A_711 = %broadcast_in_dim3A_708) : (i32, vector<16xi32>) -> (i32, vector<16xi32>) {
              %gt3A_712 = arith.constant 0 : i32
              %gt3A_713 = arith.cmpi sgt, %while3A_710, %gt3A_712 : i32
              scf.condition(%gt3A_713) %while3A_710, %while3A_711 : i32, vector<16xi32>
            } do {
            ^bb0(%while3A_710: i32, %while3A_711: vector<16xi32>):
              %gt3A_712 = arith.constant 0 : i32
              %gt3A_713 = vector.broadcast %gt3A_712 : i32 to vector<16xi32>
              %gt3A_714 = arith.cmpi sgt, %while3A_711, %gt3A_713 : vector<16xi32>
              tpu.vector_store_idx %arg8[%get3A_706], %iota3A masked %gt3A_714 : memref<10000xi32, #tpu.memory_space<vmem>>[vector<16xi32>], vector<16xi32>, vector<16xi1>
              %gather3A_715 = tpu.vector_load_idx %arg8[%get3A_706] : memref<10000xi32, #tpu.memory_space<vmem>>[vector<16xi32>], vector<16xi32>,
              %eq3A = arith.cmpi eq, %gather3A_715, %iota3A : vector<16xi32>
              %and3A = arith.andi %gt3A_714, %eq3A : vector<16xi1>
              %add3A_716 = arith.constant 0 : i32
              %add3A_717 = vector.broadcast %add3A_716 : i32 to vector<16xi32>
              %add3A_718 = arith.addi %get3A_704, %add3A_717 : vector<16xi32>
              %gather3A_719 = tpu.vector_load_idx %arg6[%add3A_718] : memref<40000xf32, #tpu.memory_space<vmem>>[vector<16xi32>], vector<16xf32>,
              %add3A_720 = arith.constant 0 : i32
              %add3A_721 = vector.broadcast %add3A_720 : i32 to vector<16xi32>
              %add3A_722 = arith.addi %get3A_706, %add3A_721 : vector<16xi32>
              %gather3A_723 = tpu.vector_load_idx %arg7[%add3A_722] : memref<40000xf32, #tpu.memory_space<vmem>>[vector<16xi32>], vector<16xf32>,
              %add3A_724 = arith.constant 0 : i32
              %add3A_725 = vector.broadcast %add3A_724 : i32 to vector<16xi32>
              %add3A_726 = arith.addi %get3A_706, %add3A_725 : vector<16xi32>
              %max3A_727 = arith.maximumf %gather3A_723, %gather3A_719 : vector<16xf32>
              tpu.vector_store_idx %arg7[%add3A_726], %max3A_727 masked %and3A : memref<40000xf32, #tpu.memory_space<vmem>>[vector<16xi32>], vector<16xf32>, vector<16xi1>
              %add3A_728 = arith.constant 10000 : i32
              %add3A_729 = vector.broadcast %add3A_728 : i32 to vector<16xi32>
              %add3A_730 = arith.addi %get3A_704, %add3A_729 : vector<16xi32>
              %gather3A_731 = tpu.vector_load_idx %arg6[%add3A_730] : memref<40000xf32, #tpu.memory_space<vmem>>[vector<16xi32>], vector<16xf32>,
              %add3A_732 = arith.constant 10000 : i32
              %add3A_733 = vector.broadcast %add3A_732 : i32 to vector<16xi32>
              %add3A_734 = arith.addi %get3A_706, %add3A_733 : vector<16xi32>
              %gather3A_735 = tpu.vector_load_idx %arg7[%add3A_734] : memref<40000xf32, #tpu.memory_space<vmem>>[vector<16xi32>], vector<16xf32>,
              %add3A_736 = arith.constant 10000 : i32
              %add3A_737 = vector.broadcast %add3A_736 : i32 to vector<16xi32>
              %add3A_738 = arith.addi %get3A_706, %add3A_737 : vector<16xi32>
              %max3A_739 = arith.maximumf %gather3A_735, %gather3A_731 : vector<16xf32>
              tpu.vector_store_idx %arg7[%add3A_738], %max3A_739 masked %and3A : memref<40000xf32, #tpu.memory_space<vmem>>[vector<16xi32>], vector<16xf32>, vector<16xi1>
              %add3A_740 = arith.constant 20000 : i32
              %add3A_741 = vector.broadcast %add3A_740 : i32 to vector<16xi32>
              %add3A_742 = arith.addi %get3A_704, %add3A_741 : vector<16xi32>
              %gather3A_743 = tpu.vector_load_idx %arg6[%add3A_742] : memref<40000xf32, #tpu.memory_space<vmem>>[vector<16xi32>], vector<16xf32>,
              %add3A_744 = arith.constant 20000 : i32
              %add3A_745 = vector.broadcast %add3A_744 : i32 to vector<16xi32>
              %add3A_746 = arith.addi %get3A_706, %add3A_745 : vector<16xi32>
              %gather3A_747 = tpu.vector_load_idx %arg7[%add3A_746] : memref<40000xf32, #tpu.memory_space<vmem>>[vector<16xi32>], vector<16xf32>,
              %add3A_748 = arith.constant 20000 : i32
              %add3A_749 = vector.broadcast %add3A_748 : i32 to vector<16xi32>
              %add3A_750 = arith.addi %get3A_706, %add3A_749 : vector<16xi32>
              %max3A_751 = arith.maximumf %gather3A_747, %gather3A_743 : vector<16xf32>
              tpu.vector_store_idx %arg7[%add3A_750], %max3A_751 masked %and3A : memref<40000xf32, #tpu.memory_space<vmem>>[vector<16xi32>], vector<16xf32>, vector<16xi1>
              %add3A_752 = arith.constant 30000 : i32
              %add3A_753 = vector.broadcast %add3A_752 : i32 to vector<16xi32>
              %add3A_754 = arith.addi %get3A_704, %add3A_753 : vector<16xi32>
              %gather3A_755 = tpu.vector_load_idx %arg6[%add3A_754] : memref<40000xf32, #tpu.memory_space<vmem>>[vector<16xi32>], vector<16xf32>,
              %add3A_756 = arith.constant 30000 : i32
              %add3A_757 = vector.broadcast %add3A_756 : i32 to vector<16xi32>
              %add3A_758 = arith.addi %get3A_706, %add3A_757 : vector<16xi32>
              %gather3A_759 = tpu.vector_load_idx %arg7[%add3A_758] : memref<40000xf32, #tpu.memory_space<vmem>>[vector<16xi32>], vector<16xf32>,
              %add3A_760 = arith.constant 30000 : i32
              %add3A_761 = vector.broadcast %add3A_760 : i32 to vector<16xi32>
              %add3A_762 = arith.addi %get3A_706, %add3A_761 : vector<16xi32>
              %max3A_763 = arith.maximumf %gather3A_759, %gather3A_755 : vector<16xf32>
              tpu.vector_store_idx %arg7[%add3A_762], %max3A_763 masked %and3A : memref<40000xf32, #tpu.memory_space<vmem>>[vector<16xi32>], vector<16xf32>, vector<16xi1>
              %jit3A = arith.constant 0 : i32
              %broadcast_in_dim3A_764 = vector.broadcast %jit3A : i32 to vector<16xi32>
              %select_n3A = arith.select %and3A, %broadcast_in_dim3A_764, %while3A_711 : vector<16xi1>, vector<16xi32>
              %reduce_max3A_765 = arith.constant true
              %reduce_max3A_766 = vector.broadcast %reduce_max3A_765 : i1 to vector<16xi1>
              %reduce_max3A_767 = arith.constant -2147483648 : i32
              %reduce_max3A_768 = vector.broadcast %reduce_max3A_767 : i32 to vector<16xi32>
              %reduce_max3A_769 = arith.xori %select_n3A, %reduce_max3A_768 : vector<16xi32>
              %reduce_max3A_770 = tpu.scan <max>, %reduce_max3A_769 masked %reduce_max3A_766 : vector<16xi32>, vector<16xi1> -> vector<16xi32>
              %reduce_max3A_771 = arith.xori %reduce_max3A_770, %reduce_max3A_768 : vector<16xi32>
              %reduce_max3A_772 = vector.extract %reduce_max3A_771[15] : i32 from vector<16xi32>
              scf.yield %reduce_max3A_772, %select_n3A : i32, vector<16xi32>
            }
          } else {
          }
          %convert_element_type3A_669 = arith.extui %not3A_473 : vector<16xi1> to vector<16xi32>
          %reduce_max3A_670 = arith.constant true
          %reduce_max3A_671 = vector.broadcast %reduce_max3A_670 : i1 to vector<16xi1>
          %reduce_max3A_672 = arith.constant -2147483648 : i32
          %reduce_max3A_673 = vector.broadcast %reduce_max3A_672 : i32 to vector<16xi32>
          %reduce_max3A_674 = arith.xori %convert_element_type3A_669, %reduce_max3A_673 : vector<16xi32>
          %reduce_max3A_675 = tpu.scan <max>, %reduce_max3A_674 masked %reduce_max3A_671 : vector<16xi32>, vector<16xi1> -> vector<16xi32>
          %reduce_max3A_676 = arith.xori %reduce_max3A_675, %reduce_max3A_673 : vector<16xi32>
          %reduce_max3A_677 = vector.extract %reduce_max3A_676[15] : i32 from vector<16xi32>
          %gt3A_678 = arith.constant 0 : i32
          %gt3A_679 = arith.cmpi sgt, %reduce_max3A_677, %gt3A_678 : i32
          %convert_element_type3A_680 = arith.extui %gt3A_679 : i1 to i32
          %cond3A_681 = arith.constant 0 : i32
          %cond3A_682 = arith.cmpi ne, %convert_element_type3A_680, %cond3A_681 : i32
          scf.if %cond3A_682 {
            %mul3A_697 = arith.constant 8 : i32
            %mul3A_698 = arith.muli %scan3A_68, %mul3A_697 : i32
            %add3A_699 = arith.constant 6 : i32
            %add3A_700 = arith.addi %mul3A_698, %add3A_699 : i32
            %mul3A_701 = arith.constant 16 : i32
            %mul3A_702 = arith.muli %add3A_700, %mul3A_701 : i32
            %get3A_703 = arith.index_cast %mul3A_702 : i32 to index
            %get3A_704 = tpu.vector_load %arg10[%get3A_703] {strides = array<i32>} : memref<6400xi32, #tpu.memory_space<vmem>>, vector<16xi32>,
            %get3A_705 = arith.index_cast %mul3A_702 : i32 to index
            %get3A_706 = tpu.vector_load %arg12[%get3A_705] {strides = array<i32>} : memref<6400xi32, #tpu.memory_space<vmem>>, vector<16xi32>,
            %broadcast_in_dim3A_707 = arith.constant 1 : i32
            %broadcast_in_dim3A_708 = vector.broadcast %broadcast_in_dim3A_707 : i32 to vector<16xi32>
            %while3A = arith.constant 1 : i32
            %while3A_709:2 = scf.while (%while3A_710 = %while3A, %while3A_711 = %broadcast_in_dim3A_708) : (i32, vector<16xi32>) -> (i32, vector<16xi32>) {
              %gt3A_712 = arith.constant 0 : i32
              %gt3A_713 = arith.cmpi sgt, %while3A_710, %gt3A_712 : i32
              scf.condition(%gt3A_713) %while3A_710, %while3A_711 : i32, vector<16xi32>
            } do {
            ^bb0(%while3A_710: i32, %while3A_711: vector<16xi32>):
              %gt3A_712 = arith.constant 0 : i32
              %gt3A_713 = vector.broadcast %gt3A_712 : i32 to vector<16xi32>
              %gt3A_714 = arith.cmpi sgt, %while3A_711, %gt3A_713 : vector<16xi32>
              tpu.vector_store_idx %arg8[%get3A_706], %iota3A masked %gt3A_714 : memref<10000xi32, #tpu.memory_space<vmem>>[vector<16xi32>], vector<16xi32>, vector<16xi1>
              %gather3A_715 = tpu.vector_load_idx %arg8[%get3A_706] : memref<10000xi32, #tpu.memory_space<vmem>>[vector<16xi32>], vector<16xi32>,
              %eq3A = arith.cmpi eq, %gather3A_715, %iota3A : vector<16xi32>
              %and3A = arith.andi %gt3A_714, %eq3A : vector<16xi1>
              %add3A_716 = arith.constant 0 : i32
              %add3A_717 = vector.broadcast %add3A_716 : i32 to vector<16xi32>
              %add3A_718 = arith.addi %get3A_704, %add3A_717 : vector<16xi32>
              %gather3A_719 = tpu.vector_load_idx %arg6[%add3A_718] : memref<40000xf32, #tpu.memory_space<vmem>>[vector<16xi32>], vector<16xf32>,
              %add3A_720 = arith.constant 0 : i32
              %add3A_721 = vector.broadcast %add3A_720 : i32 to vector<16xi32>
              %add3A_722 = arith.addi %get3A_706, %add3A_721 : vector<16xi32>
              %gather3A_723 = tpu.vector_load_idx %arg7[%add3A_722] : memref<40000xf32, #tpu.memory_space<vmem>>[vector<16xi32>], vector<16xf32>,
              %add3A_724 = arith.constant 0 : i32
              %add3A_725 = vector.broadcast %add3A_724 : i32 to vector<16xi32>
              %add3A_726 = arith.addi %get3A_706, %add3A_725 : vector<16xi32>
              %max3A_727 = arith.maximumf %gather3A_723, %gather3A_719 : vector<16xf32>
              tpu.vector_store_idx %arg7[%add3A_726], %max3A_727 masked %and3A : memref<40000xf32, #tpu.memory_space<vmem>>[vector<16xi32>], vector<16xf32>, vector<16xi1>
              %add3A_728 = arith.constant 10000 : i32
              %add3A_729 = vector.broadcast %add3A_728 : i32 to vector<16xi32>
              %add3A_730 = arith.addi %get3A_704, %add3A_729 : vector<16xi32>
              %gather3A_731 = tpu.vector_load_idx %arg6[%add3A_730] : memref<40000xf32, #tpu.memory_space<vmem>>[vector<16xi32>], vector<16xf32>,
              %add3A_732 = arith.constant 10000 : i32
              %add3A_733 = vector.broadcast %add3A_732 : i32 to vector<16xi32>
              %add3A_734 = arith.addi %get3A_706, %add3A_733 : vector<16xi32>
              %gather3A_735 = tpu.vector_load_idx %arg7[%add3A_734] : memref<40000xf32, #tpu.memory_space<vmem>>[vector<16xi32>], vector<16xf32>,
              %add3A_736 = arith.constant 10000 : i32
              %add3A_737 = vector.broadcast %add3A_736 : i32 to vector<16xi32>
              %add3A_738 = arith.addi %get3A_706, %add3A_737 : vector<16xi32>
              %max3A_739 = arith.maximumf %gather3A_735, %gather3A_731 : vector<16xf32>
              tpu.vector_store_idx %arg7[%add3A_738], %max3A_739 masked %and3A : memref<40000xf32, #tpu.memory_space<vmem>>[vector<16xi32>], vector<16xf32>, vector<16xi1>
              %add3A_740 = arith.constant 20000 : i32
              %add3A_741 = vector.broadcast %add3A_740 : i32 to vector<16xi32>
              %add3A_742 = arith.addi %get3A_704, %add3A_741 : vector<16xi32>
              %gather3A_743 = tpu.vector_load_idx %arg6[%add3A_742] : memref<40000xf32, #tpu.memory_space<vmem>>[vector<16xi32>], vector<16xf32>,
              %add3A_744 = arith.constant 20000 : i32
              %add3A_745 = vector.broadcast %add3A_744 : i32 to vector<16xi32>
              %add3A_746 = arith.addi %get3A_706, %add3A_745 : vector<16xi32>
              %gather3A_747 = tpu.vector_load_idx %arg7[%add3A_746] : memref<40000xf32, #tpu.memory_space<vmem>>[vector<16xi32>], vector<16xf32>,
              %add3A_748 = arith.constant 20000 : i32
              %add3A_749 = vector.broadcast %add3A_748 : i32 to vector<16xi32>
              %add3A_750 = arith.addi %get3A_706, %add3A_749 : vector<16xi32>
              %max3A_751 = arith.maximumf %gather3A_747, %gather3A_743 : vector<16xf32>
              tpu.vector_store_idx %arg7[%add3A_750], %max3A_751 masked %and3A : memref<40000xf32, #tpu.memory_space<vmem>>[vector<16xi32>], vector<16xf32>, vector<16xi1>
              %add3A_752 = arith.constant 30000 : i32
              %add3A_753 = vector.broadcast %add3A_752 : i32 to vector<16xi32>
              %add3A_754 = arith.addi %get3A_704, %add3A_753 : vector<16xi32>
              %gather3A_755 = tpu.vector_load_idx %arg6[%add3A_754] : memref<40000xf32, #tpu.memory_space<vmem>>[vector<16xi32>], vector<16xf32>,
              %add3A_756 = arith.constant 30000 : i32
              %add3A_757 = vector.broadcast %add3A_756 : i32 to vector<16xi32>
              %add3A_758 = arith.addi %get3A_706, %add3A_757 : vector<16xi32>
              %gather3A_759 = tpu.vector_load_idx %arg7[%add3A_758] : memref<40000xf32, #tpu.memory_space<vmem>>[vector<16xi32>], vector<16xf32>,
              %add3A_760 = arith.constant 30000 : i32
              %add3A_761 = vector.broadcast %add3A_760 : i32 to vector<16xi32>
              %add3A_762 = arith.addi %get3A_706, %add3A_761 : vector<16xi32>
              %max3A_763 = arith.maximumf %gather3A_759, %gather3A_755 : vector<16xf32>
              tpu.vector_store_idx %arg7[%add3A_762], %max3A_763 masked %and3A : memref<40000xf32, #tpu.memory_space<vmem>>[vector<16xi32>], vector<16xf32>, vector<16xi1>
              %jit3A = arith.constant 0 : i32
              %broadcast_in_dim3A_764 = vector.broadcast %jit3A : i32 to vector<16xi32>
              %select_n3A = arith.select %and3A, %broadcast_in_dim3A_764, %while3A_711 : vector<16xi1>, vector<16xi32>
              %reduce_max3A_765 = arith.constant true
              %reduce_max3A_766 = vector.broadcast %reduce_max3A_765 : i1 to vector<16xi1>
              %reduce_max3A_767 = arith.constant -2147483648 : i32
              %reduce_max3A_768 = vector.broadcast %reduce_max3A_767 : i32 to vector<16xi32>
              %reduce_max3A_769 = arith.xori %select_n3A, %reduce_max3A_768 : vector<16xi32>
              %reduce_max3A_770 = tpu.scan <max>, %reduce_max3A_769 masked %reduce_max3A_766 : vector<16xi32>, vector<16xi1> -> vector<16xi32>
              %reduce_max3A_771 = arith.xori %reduce_max3A_770, %reduce_max3A_768 : vector<16xi32>
              %reduce_max3A_772 = vector.extract %reduce_max3A_771[15] : i32 from vector<16xi32>
              scf.yield %reduce_max3A_772, %select_n3A : i32, vector<16xi32>
            }
          } else {
          }
          %convert_element_type3A_683 = arith.extui %not3A_527 : vector<16xi1> to vector<16xi32>
          %reduce_max3A_684 = arith.constant true
          %reduce_max3A_685 = vector.broadcast %reduce_max3A_684 : i1 to vector<16xi1>
          %reduce_max3A_686 = arith.constant -2147483648 : i32
          %reduce_max3A_687 = vector.broadcast %reduce_max3A_686 : i32 to vector<16xi32>
          %reduce_max3A_688 = arith.xori %convert_element_type3A_683, %reduce_max3A_687 : vector<16xi32>
          %reduce_max3A_689 = tpu.scan <max>, %reduce_max3A_688 masked %reduce_max3A_685 : vector<16xi32>, vector<16xi1> -> vector<16xi32>
          %reduce_max3A_690 = arith.xori %reduce_max3A_689, %reduce_max3A_687 : vector<16xi32>
          %reduce_max3A_691 = vector.extract %reduce_max3A_690[15] : i32 from vector<16xi32>
          %gt3A_692 = arith.constant 0 : i32
          %gt3A_693 = arith.cmpi sgt, %reduce_max3A_691, %gt3A_692 : i32
          %convert_element_type3A_694 = arith.extui %gt3A_693 : i1 to i32
          %cond3A_695 = arith.constant 0 : i32
          %cond3A_696 = arith.cmpi ne, %convert_element_type3A_694, %cond3A_695 : i32
          scf.if %cond3A_696 {
            %mul3A_697 = arith.constant 8 : i32
            %mul3A_698 = arith.muli %scan3A_68, %mul3A_697 : i32
            %add3A_699 = arith.constant 7 : i32
            %add3A_700 = arith.addi %mul3A_698, %add3A_699 : i32
            %mul3A_701 = arith.constant 16 : i32
            %mul3A_702 = arith.muli %add3A_700, %mul3A_701 : i32
            %get3A_703 = arith.index_cast %mul3A_702 : i32 to index
            %get3A_704 = tpu.vector_load %arg10[%get3A_703] {strides = array<i32>} : memref<6400xi32, #tpu.memory_space<vmem>>, vector<16xi32>,
            %get3A_705 = arith.index_cast %mul3A_702 : i32 to index
            %get3A_706 = tpu.vector_load %arg12[%get3A_705] {strides = array<i32>} : memref<6400xi32, #tpu.memory_space<vmem>>, vector<16xi32>,
            %broadcast_in_dim3A_707 = arith.constant 1 : i32
            %broadcast_in_dim3A_708 = vector.broadcast %broadcast_in_dim3A_707 : i32 to vector<16xi32>
            %while3A = arith.constant 1 : i32
            %while3A_709:2 = scf.while (%while3A_710 = %while3A, %while3A_711 = %broadcast_in_dim3A_708) : (i32, vector<16xi32>) -> (i32, vector<16xi32>) {
              %gt3A_712 = arith.constant 0 : i32
              %gt3A_713 = arith.cmpi sgt, %while3A_710, %gt3A_712 : i32
              scf.condition(%gt3A_713) %while3A_710, %while3A_711 : i32, vector<16xi32>
            } do {
            ^bb0(%while3A_710: i32, %while3A_711: vector<16xi32>):
              %gt3A_712 = arith.constant 0 : i32
              %gt3A_713 = vector.broadcast %gt3A_712 : i32 to vector<16xi32>
              %gt3A_714 = arith.cmpi sgt, %while3A_711, %gt3A_713 : vector<16xi32>
              tpu.vector_store_idx %arg8[%get3A_706], %iota3A masked %gt3A_714 : memref<10000xi32, #tpu.memory_space<vmem>>[vector<16xi32>], vector<16xi32>, vector<16xi1>
              %gather3A_715 = tpu.vector_load_idx %arg8[%get3A_706] : memref<10000xi32, #tpu.memory_space<vmem>>[vector<16xi32>], vector<16xi32>,
              %eq3A = arith.cmpi eq, %gather3A_715, %iota3A : vector<16xi32>
              %and3A = arith.andi %gt3A_714, %eq3A : vector<16xi1>
              %add3A_716 = arith.constant 0 : i32
              %add3A_717 = vector.broadcast %add3A_716 : i32 to vector<16xi32>
              %add3A_718 = arith.addi %get3A_704, %add3A_717 : vector<16xi32>
              %gather3A_719 = tpu.vector_load_idx %arg6[%add3A_718] : memref<40000xf32, #tpu.memory_space<vmem>>[vector<16xi32>], vector<16xf32>,
              %add3A_720 = arith.constant 0 : i32
              %add3A_721 = vector.broadcast %add3A_720 : i32 to vector<16xi32>
              %add3A_722 = arith.addi %get3A_706, %add3A_721 : vector<16xi32>
              %gather3A_723 = tpu.vector_load_idx %arg7[%add3A_722] : memref<40000xf32, #tpu.memory_space<vmem>>[vector<16xi32>], vector<16xf32>,
              %add3A_724 = arith.constant 0 : i32
              %add3A_725 = vector.broadcast %add3A_724 : i32 to vector<16xi32>
              %add3A_726 = arith.addi %get3A_706, %add3A_725 : vector<16xi32>
              %max3A_727 = arith.maximumf %gather3A_723, %gather3A_719 : vector<16xf32>
              tpu.vector_store_idx %arg7[%add3A_726], %max3A_727 masked %and3A : memref<40000xf32, #tpu.memory_space<vmem>>[vector<16xi32>], vector<16xf32>, vector<16xi1>
              %add3A_728 = arith.constant 10000 : i32
              %add3A_729 = vector.broadcast %add3A_728 : i32 to vector<16xi32>
              %add3A_730 = arith.addi %get3A_704, %add3A_729 : vector<16xi32>
              %gather3A_731 = tpu.vector_load_idx %arg6[%add3A_730] : memref<40000xf32, #tpu.memory_space<vmem>>[vector<16xi32>], vector<16xf32>,
              %add3A_732 = arith.constant 10000 : i32
              %add3A_733 = vector.broadcast %add3A_732 : i32 to vector<16xi32>
              %add3A_734 = arith.addi %get3A_706, %add3A_733 : vector<16xi32>
              %gather3A_735 = tpu.vector_load_idx %arg7[%add3A_734] : memref<40000xf32, #tpu.memory_space<vmem>>[vector<16xi32>], vector<16xf32>,
              %add3A_736 = arith.constant 10000 : i32
              %add3A_737 = vector.broadcast %add3A_736 : i32 to vector<16xi32>
              %add3A_738 = arith.addi %get3A_706, %add3A_737 : vector<16xi32>
              %max3A_739 = arith.maximumf %gather3A_735, %gather3A_731 : vector<16xf32>
              tpu.vector_store_idx %arg7[%add3A_738], %max3A_739 masked %and3A : memref<40000xf32, #tpu.memory_space<vmem>>[vector<16xi32>], vector<16xf32>, vector<16xi1>
              %add3A_740 = arith.constant 20000 : i32
              %add3A_741 = vector.broadcast %add3A_740 : i32 to vector<16xi32>
              %add3A_742 = arith.addi %get3A_704, %add3A_741 : vector<16xi32>
              %gather3A_743 = tpu.vector_load_idx %arg6[%add3A_742] : memref<40000xf32, #tpu.memory_space<vmem>>[vector<16xi32>], vector<16xf32>,
              %add3A_744 = arith.constant 20000 : i32
              %add3A_745 = vector.broadcast %add3A_744 : i32 to vector<16xi32>
              %add3A_746 = arith.addi %get3A_706, %add3A_745 : vector<16xi32>
              %gather3A_747 = tpu.vector_load_idx %arg7[%add3A_746] : memref<40000xf32, #tpu.memory_space<vmem>>[vector<16xi32>], vector<16xf32>,
              %add3A_748 = arith.constant 20000 : i32
              %add3A_749 = vector.broadcast %add3A_748 : i32 to vector<16xi32>
              %add3A_750 = arith.addi %get3A_706, %add3A_749 : vector<16xi32>
              %max3A_751 = arith.maximumf %gather3A_747, %gather3A_743 : vector<16xf32>
              tpu.vector_store_idx %arg7[%add3A_750], %max3A_751 masked %and3A : memref<40000xf32, #tpu.memory_space<vmem>>[vector<16xi32>], vector<16xf32>, vector<16xi1>
              %add3A_752 = arith.constant 30000 : i32
              %add3A_753 = vector.broadcast %add3A_752 : i32 to vector<16xi32>
              %add3A_754 = arith.addi %get3A_704, %add3A_753 : vector<16xi32>
              %gather3A_755 = tpu.vector_load_idx %arg6[%add3A_754] : memref<40000xf32, #tpu.memory_space<vmem>>[vector<16xi32>], vector<16xf32>,
              %add3A_756 = arith.constant 30000 : i32
              %add3A_757 = vector.broadcast %add3A_756 : i32 to vector<16xi32>
              %add3A_758 = arith.addi %get3A_706, %add3A_757 : vector<16xi32>
              %gather3A_759 = tpu.vector_load_idx %arg7[%add3A_758] : memref<40000xf32, #tpu.memory_space<vmem>>[vector<16xi32>], vector<16xf32>,
              %add3A_760 = arith.constant 30000 : i32
              %add3A_761 = vector.broadcast %add3A_760 : i32 to vector<16xi32>
              %add3A_762 = arith.addi %get3A_706, %add3A_761 : vector<16xi32>
              %max3A_763 = arith.maximumf %gather3A_759, %gather3A_755 : vector<16xf32>
              tpu.vector_store_idx %arg7[%add3A_762], %max3A_763 masked %and3A : memref<40000xf32, #tpu.memory_space<vmem>>[vector<16xi32>], vector<16xf32>, vector<16xi1>
              %jit3A = arith.constant 0 : i32
              %broadcast_in_dim3A_764 = vector.broadcast %jit3A : i32 to vector<16xi32>
              %select_n3A = arith.select %and3A, %broadcast_in_dim3A_764, %while3A_711 : vector<16xi1>, vector<16xi32>
              %reduce_max3A_765 = arith.constant true
              %reduce_max3A_766 = vector.broadcast %reduce_max3A_765 : i1 to vector<16xi1>
              %reduce_max3A_767 = arith.constant -2147483648 : i32
              %reduce_max3A_768 = vector.broadcast %reduce_max3A_767 : i32 to vector<16xi32>
              %reduce_max3A_769 = arith.xori %select_n3A, %reduce_max3A_768 : vector<16xi32>
              %reduce_max3A_770 = tpu.scan <max>, %reduce_max3A_769 masked %reduce_max3A_766 : vector<16xi32>, vector<16xi1> -> vector<16xi32>
              %reduce_max3A_771 = arith.xori %reduce_max3A_770, %reduce_max3A_768 : vector<16xi32>
              %reduce_max3A_772 = vector.extract %reduce_max3A_771[15] : i32 from vector<16xi32>
              scf.yield %reduce_max3A_772, %select_n3A : i32, vector<16xi32>
            }
          } else {
          }
        } else {
        }
      }
      %scan3A_67 = arith.constant 50 : i32
    }
    %scan3A_19 = arith.constant 25 : i32
    %scan3A_20 = arith.constant 0 : i32
    %scan3A_21 = arith.constant 0 : i32
    %scan3A_22 = arith.constant 2500 : i32
    %scan3A_23 = arith.addi %scan3A_21, %scan3A_22 : i32
    %scan3A_24 = arith.constant 1 : i32
    scf.for %scan3A_26 = %scan3A_21 to %scan3A_23 step %scan3A_24  : i32 {
      %mul3A_27 = arith.constant 16 : i32
      %mul3A_28 = arith.muli %scan3A_26, %mul3A_27 : i32
      %get3A = arith.index_cast %mul3A_28 : i32 to index
      %get3A_29 = tpu.vector_load %arg7[%get3A] {strides = array<i32>} : memref<40000xf32, #tpu.memory_space<vmem>>, vector<16xf32>,
      %eq3A = arith.constant 0xFF800000 : f32
      %eq3A_30 = vector.broadcast %eq3A : f32 to vector<16xf32>
      %eq3A_31 = arith.cmpf oeq, %get3A_29, %eq3A_30 : vector<16xf32>
      %jit3A = arith.constant 0.000000e+00 : f32
      %broadcast_in_dim3A_32 = vector.broadcast %jit3A : f32 to vector<16xf32>
      %select_n3A = arith.select %eq3A_31, %broadcast_in_dim3A_32, %get3A_29 : vector<16xi1>, vector<16xf32>
      %get3A_33 = arith.index_cast %mul3A_28 : i32 to index
      %get3A_34 = tpu.vector_load %arg6[%get3A_33] {strides = array<i32>} : memref<40000xf32, #tpu.memory_space<vmem>>, vector<16xf32>,
      %add3A_35 = arith.addf %select_n3A, %get3A_34 : vector<16xf32>
      %swap3A = arith.index_cast %mul3A_28 : i32 to index
      %swap3A_36 = tpu.vector_load %arg7[%swap3A] {strides = array<i32>} : memref<40000xf32, #tpu.memory_space<vmem>>, vector<16xf32>,
      tpu.vector_store %arg7[%swap3A], %add3A_35 {strides = array<i32>} : memref<40000xf32, #tpu.memory_space<vmem>>, vector<16xf32>,
    }
    %scan3A_25 = arith.constant 2500 : i32
    "tpu.region"() ({
      %run_scoped3A = tpu.sem_alloc : memref<!tpu.dma_semaphore, #tpu.memory_space<semaphore_mem>>
      %dma_start3A_26 = arith.constant 0 : i32
      %dma_start3A_27 = tpu.memref_slice %arg5[%add3A, %dma_start3A_26] : memref<32x40000xf32, #tpu.memory_space<hbm>> -> memref<1x40000xf32, #tpu.memory_space<hbm>>
      %dma_start3A_28 = tpu.memref_squeeze %dma_start3A_27 : memref<1x40000xf32, #tpu.memory_space<hbm>> -> memref<40000xf32, #tpu.memory_space<hbm>>
      %dma_start3A_29 = arith.constant 0 : i32
      %dma_start3A_30 = tpu.memref_slice %arg5[%add3A, %dma_start3A_29] : memref<32x40000xf32, #tpu.memory_space<hbm>> -> memref<1x40000xf32, #tpu.memory_space<hbm>>
      %dma_start3A_31 = tpu.memref_squeeze %dma_start3A_30 : memref<1x40000xf32, #tpu.memory_space<hbm>> -> memref<40000xf32, #tpu.memory_space<hbm>>
      tpu.enqueue_dma source(%arg7 : memref<40000xf32, #tpu.memory_space<vmem>>) target(%dma_start3A_31 : memref<40000xf32, #tpu.memory_space<hbm>>) target_semaphore(%run_scoped3A : memref<!tpu.dma_semaphore, #tpu.memory_space<semaphore_mem>>)
      %dma_wait3A = arith.constant 0 : i32
      %dma_wait3A_32 = tpu.memref_slice %arg5[%add3A, %dma_wait3A] : memref<32x40000xf32, #tpu.memory_space<hbm>> -> memref<1x40000xf32, #tpu.memory_space<hbm>>
      %dma_wait3A_33 = tpu.memref_squeeze %dma_wait3A_32 : memref<1x40000xf32, #tpu.memory_space<hbm>> -> memref<40000xf32, #tpu.memory_space<hbm>>
      %dma_wait3A_34 = arith.constant 0 : i32
      %dma_wait3A_35 = tpu.memref_slice %arg5[%add3A, %dma_wait3A_34] : memref<32x40000xf32, #tpu.memory_space<hbm>> -> memref<1x40000xf32, #tpu.memory_space<hbm>>
      %dma_wait3A_36 = tpu.memref_squeeze %dma_wait3A_35 : memref<1x40000xf32, #tpu.memory_space<hbm>> -> memref<40000xf32, #tpu.memory_space<hbm>>
      tpu.wait_dma2 semaphore(%run_scoped3A : memref<!tpu.dma_semaphore, #tpu.memory_space<semaphore_mem>>) src(%arg7 : memref<40000xf32, #tpu.memory_space<vmem>>) dst(%dma_wait3A_36 : memref<40000xf32, #tpu.memory_space<hbm>>)
      tpu.yield
    }) : () -> ()
    return
  }
}

module attributes {stable_mosaic.version = 14 : i64} {
  func.func @mlp_body(%arg0: memref<128x10000xf32, #tpu.memory_space<vmem>>, %arg1: memref<128x128xf32, #tpu.memory_space<vmem>>, %arg2: memref<1x128xf32, #tpu.memory_space<vmem>>, %arg3: memref<128x128xf32, #tpu.memory_space<vmem>>, %arg4: memref<1x128xf32, #tpu.memory_space<vmem>>, %arg5: memref<10000x128xf32, #tpu.memory_space<vmem>>) attributes {dimension_semantics = [], scalar_prefetch = 0 : i64, scratch_operands = 0 : i64, tpu.core_type = #tpu.core_type<tc>} {
    %get3A = arith.constant 0 : index
    %get3A_0 = arith.constant 0 : index
    %get3A_1 = vector.load %arg0[%get3A, %get3A_0] : memref<128x10000xf32, #tpu.memory_space<vmem>>, vector<128x10000xf32>
    %transpose3A = tpu.transpose %get3A_1, [1, 0] : vector<128x10000xf32> -> vector<10000x128xf32>
    %get3A_2 = arith.constant 0 : index
    %get3A_3 = arith.constant 0 : index
    %get3A_4 = vector.load %arg1[%get3A_2, %get3A_3] : memref<128x128xf32, #tpu.memory_space<vmem>>, vector<128x128xf32>
    %dot_general3A = arith.constant dense<0.000000e+00> : vector<10000x128xf32>
    %dot_general3A_5 = tpu.matmul %transpose3A, %get3A_4, %dot_general3A {dimension_numbers = #tpu.dot_dimension_numbers<[1], [0], [0], [1], [0, 0, 1, 1], [], []>, transpose_lhs_hint = false} : vector<10000x128xf32>, vector<128x128xf32>, vector<10000x128xf32> -> vector<10000x128xf32>
    %get3A_6 = arith.constant 0 : index
    %get3A_7 = arith.constant 0 : index
    %get3A_8 = vector.load %arg2[%get3A_6, %get3A_7] : memref<1x128xf32, #tpu.memory_space<vmem>>, vector<1x128xf32>
    %add3A = vector.broadcast %get3A_8 : vector<1x128xf32> to vector<10000x128xf32>
    %add3A_9 = arith.addf %dot_general3A_5, %add3A : vector<10000x128xf32>
    %max3A = arith.constant 0.000000e+00 : f32
    %max3A_10 = vector.broadcast %max3A : f32 to vector<10000x128xf32>
    %max3A_11 = arith.maximumf %add3A_9, %max3A_10 : vector<10000x128xf32>
    %get3A_12 = arith.constant 0 : index
    %get3A_13 = arith.constant 0 : index
    %get3A_14 = vector.load %arg3[%get3A_12, %get3A_13] : memref<128x128xf32, #tpu.memory_space<vmem>>, vector<128x128xf32>
    %dot_general3A_15 = arith.constant dense<0.000000e+00> : vector<10000x128xf32>
    %dot_general3A_16 = tpu.matmul %max3A_11, %get3A_14, %dot_general3A_15 {dimension_numbers = #tpu.dot_dimension_numbers<[1], [0], [0], [1], [0, 0, 1, 1], [], []>, transpose_lhs_hint = false} : vector<10000x128xf32>, vector<128x128xf32>, vector<10000x128xf32> -> vector<10000x128xf32>
    %get3A_17 = arith.constant 0 : index
    %get3A_18 = arith.constant 0 : index
    %get3A_19 = vector.load %arg4[%get3A_17, %get3A_18] : memref<1x128xf32, #tpu.memory_space<vmem>>, vector<1x128xf32>
    %add3A_20 = vector.broadcast %get3A_19 : vector<1x128xf32> to vector<10000x128xf32>
    %add3A_21 = arith.addf %dot_general3A_16, %add3A_20 : vector<10000x128xf32>
    %swap3A = arith.constant 0 : index
    %swap3A_22 = arith.constant 0 : index
    %swap3A_23 = vector.load %arg5[%swap3A, %swap3A_22] : memref<10000x128xf32, #tpu.memory_space<vmem>>, vector<10000x128xf32>
    tpu.vector_store %arg5[%swap3A, %swap3A_22], %add3A_21 {strides = array<i32>} : memref<10000x128xf32, #tpu.memory_space<vmem>>, vector<10000x128xf32>,
    return
  }
}

</mosaic_0001>

<sc_bundles>
// kernel: kernel.4.cloned.1.call-start
scs
__scs_entry_jumppad:
0x0: {  	(pc) =	sbr.rel $0x88, $3  }
0x1: {  	(tag) =	ssettag $0x0;
	lr =	simm.s32 $0x1  }
0x2: {  	[smem:$0x3F9B] =	sst lr;
	_ =	strace $0xD0000000  }
0x3: {  	_ = 	snop  }
0x4: {  	_ = 	snop  }
0x5: {  	_ = 	snop  }
0x6: {  	_ = 	snop  }
0x7: {  	_ = 	snop  }
__scs_overlays_trampoline_lowered:
0x8: {  	[smem:$0x3FAA] =	sst s0  }
0x9: {  	[smem:$0x3FAB] =	sst s1  }
0xa: {  	[smem:$0x3FAC] =	sst s2  }
0xb: {  	[smem:$0x3FAD] =	sst s3  }
0xc: {  	[smem:$0x3FAE] =	sst s4  }
0xd: {  	[smem:$0x3FAF] =	sst s5  }
0xe: {  	[smem:$0x3FB0] =	sst s6  }
0xf: {  	[smem:$0x3FB1] =	sst s7  }
0x10: {  	[smem:$0x3FB2] =	sst s8  }
0x11: {  	[smem:$0x3FB3] =	sst s9;
	s0 =	simm.s32 @!p0 $0x0  }
0x12: {  	s1 =	sld [smem:$0x3F99];
	s0 =	simm.s32 @p0 $0x1  }
0x13: {  	[smem:$0x3FB4] =	sst s0;
	s0 =	simm.s32 @!p1 $0x0  }
0x14: {  	s2 =	sld [smem:$0x3F98];
	s0 =	simm.s32 @p1 $0x1  }
0x15: {  	[smem:$0x3FB5] =	sst s0;
	s0 =	simm.s32 @!p2 $0x0  }
0x16: {  	s3 =	sld [smem:$0x3FDB];
	s0 =	simm.s32 @p2 $0x1  }
0x17: {  	s4 =	simm.s32 $0x1BF5;
	[smem:$0x3FB7] =	sst s0  }
0x18: {  	s0 =	sld [smem:$0x3F9A];
	_ =	swait.ge [sflag:s4], $0x0  }
0x19: {  	s7 =	sld [smem:$0x3F9B]  }
0x1a: {  	s8 =	sadd.s32 $0xFFFFE003, lr  }
0x1b: {  	s9 =	sadd.s32 $0xFFFFFEF7, lr;
	s5 =	simm.s32 $0xFFFFFFFF;
	p2 =	slt.u32 s8, $0xFFFFF086  }
0x1c: {  	p1 =	slt.u32 s9, $0xF7A;
	s5 =	simm.s32 @!p2 $0x0  }
0x1d: {  	s5 =	simm.s32 @p1 $0x1;
	p0 =	seq.s32 s7, s2  }
0x1e: {  	s7 =	smul.u32 @!p0 $0xF7A, s2;
	p2 =	seq.s32 @!p0 s5, $0x0  }
0x1f: {  	s9 =	smul.u32 $0xF7A, s1;
	s8 =	simm.s32 @!p0 $0x1BF5;
	p2 =	por !p2, p0  }
0x20: {  	[sflag:s8] =	ssyncset.s32 @!p0 $0xFFFFF086;
	s6 =	sadd.s32 @!p0 s3, s7;
	s7 =	simm.s32 @!p0 $0x108  }
0x21: {  	s3 =	sadd.s32 s3, s9;
	s6 =	sadd.s32 @!p0 $0x88, s6;
	s7 =	simm.s32 @p2 $0x1082  }
0x22: {  	[simem:s7], [sflag:s8] =	dma.local @!p0 [hbm:s6], $0xF7A  }
0x23: {  	s9 =	sor.u32 $0xD0000000, s2;
	s6 =	simm.s32 $0x108;
	_ =	swait.ge @!p0 [sflag:s8], $0x0  }
0x24: {  	s3 =	sadd.s32 $0x88, s3;
	s6 =	simm.s32 @!p1 $0x1082;
	[sflag:s4] =	ssyncset.s32 $0xFFFFF086  }
0x25: {  	[simem:s6], [sflag:s4] =	dma.local [hbm:s3], $0xF7A  }
0x26: {  	[smem:$0x3F9B] =	sst s1;
	(tag) =	ssettag s2;
	_ =	strace s9  }
0x27: {  	s1 =	sld [smem:$0x3FAB]  }
0x28: {  	s2 =	sld [smem:$0x3FAC]  }
0x29: {  	s4 =	sld [smem:$0x3FAE]  }
0x2a: {  	p0 =	seq.s32 s5, $0x0;
	s5 =	sld [smem:$0x3FAF]  }
0x2b: {  	s6 =	sld [smem:$0x3FB0]  }
0x2c: {  	s7 =	sld [smem:$0x3FB1]  }
0x2d: {  	s3 =	simm.s32 $0x108;
	s8 =	sld [smem:$0x3FB2]  }
0x2e: {  	s3 =	simm.s32 @!p0 $0x1082;
	s9 =	sld [smem:$0x3FB3]  }
0x2f: {  	lr =	sadd.s32 s0, s3;
	s0 =	sld [smem:$0x3FAA]  }
0x30: {  	s3 =	sld [smem:$0x3FAD]  }
0x31: {  	[smem:$0x3FB6] =	sst s10  }
0x32: {  	s10 =	sld [smem:$0x3FB4];
	_ =	sdelay $0x3  }
0x33: {  	p0 =	seq.s32 s10, $0x1;
	s10 =	sld [smem:$0x3FB6];
	_ =	sdelay $0x3  }
0x34: {  	[smem:$0x3FB6] =	sst s10  }
0x35: {  	s10 =	sld [smem:$0x3FB5];
	_ =	sdelay $0x3  }
0x36: {  	p1 =	seq.s32 s10, $0x1;
	s10 =	sld [smem:$0x3FB6];
	_ =	sdelay $0x3  }
0x37: {  	[smem:$0x3FB6] =	sst s10  }
0x38: {  	s10 =	sld [smem:$0x3FB7]  }
0x39: {  	_ = 	snop;
	(pc) =	sbr.ind lr, $3  }
0x3a: {  	_ = 	snop  }
0x3b: {  	_ = 	snop  }
0x3c: {  	p2 =	seq.s32 s10, $0x1;
	s10 =	sld [smem:$0x3FB6]  }
0x3d: {  	_ =	shalt  }
0x3e: {  	_ =	shalt  }
0x3f: {  	_ =	shalt  }
0x40: {  	_ =	shalt  }
0x41: {  	_ =	shalt  }
0x42: {  	_ =	shalt  }
0x43: {  	_ =	shalt  }
0x44: {  	_ =	shalt  }
0x45: {  	_ =	shalt  }
0x46: {  	_ =	shalt  }
0x47: {  	_ =	shalt  }
0x48: {  	_ =	shalt  }
0x49: {  	_ =	shalt  }
0x4a: {  	_ =	shalt  }
0x4b: {  	_ =	shalt  }
0x4c: {  	_ =	shalt  }
0x4d: {  	_ =	shalt  }
0x4e: {  	_ =	shalt  }
0x4f: {  	_ =	shalt  }
0x50: {  	_ =	shalt  }
0x51: {  	_ =	shalt  }
0x52: {  	_ =	shalt  }
0x53: {  	_ =	shalt  }
0x54: {  	_ =	shalt  }
0x55: {  	_ =	shalt  }
0x56: {  	_ =	shalt  }
0x57: {  	_ =	shalt  }
0x58: {  	_ =	shalt  }
0x59: {  	_ =	shalt  }
0x5a: {  	_ =	shalt  }
0x5b: {  	_ =	shalt  }
0x5c: {  	_ =	shalt  }
0x5d: {  	_ =	shalt  }
0x5e: {  	_ =	shalt  }
0x5f: {  	_ =	shalt  }
0x60: {  	_ =	shalt  }
0x61: {  	_ =	shalt  }
0x62: {  	_ =	shalt  }
0x63: {  	_ =	shalt  }
0x64: {  	_ =	shalt  }
0x65: {  	_ =	shalt  }
0x66: {  	_ =	shalt  }
0x67: {  	_ =	shalt  }
0x68: {  	_ =	shalt  }
0x69: {  	_ =	shalt  }
0x6a: {  	_ =	shalt  }
0x6b: {  	_ =	shalt  }
0x6c: {  	_ =	shalt  }
0x6d: {  	_ =	shalt  }
0x6e: {  	_ =	shalt  }
0x6f: {  	_ =	shalt  }
0x70: {  	_ =	shalt  }
0x71: {  	_ =	shalt  }
0x72: {  	_ =	shalt  }
0x73: {  	_ =	shalt  }
0x74: {  	_ =	shalt  }
0x75: {  	_ =	shalt  }
0x76: {  	_ =	shalt  }
0x77: {  	_ =	shalt  }
0x78: {  	_ =	shalt  }
0x79: {  	_ =	shalt  }
0x7a: {  	_ =	shalt  }
0x7b: {  	_ =	shalt  }
0x7c: {  	_ =	shalt  }
0x7d: {  	_ =	shalt  }
0x7e: {  	_ =	shalt  }
0x7f: {  	_ =	shalt  }
0x80: {  	_ =	shalt  }
0x81: {  	_ =	shalt  }
0x82: {  	_ =	shalt  }
0x83: {  	_ =	shalt  }
0x84: {  	_ =	shalt  }
0x85: {  	_ =	shalt  }
0x86: {  	_ =	shalt  }
0x87: {  	_ =	shalt  }
.Lfunc_end0:
.L_simem_size_0:
called_computation_lowered:
.L_overlay_start_0:
0x88: {  	s2 =	sld [smem:$0x3FD9]  }
0x89: {  	s3 =	sld [smem:$0x3FFE];
	_ =	sdelay $0x1  }
0x8a: {  	s1 =	srdreg.scid  }
0x8b: {  	s0 =	sand.u32 $0x1, s1  }
0x8c: {  	s17 =	sshll.u32 s0, $0xA;
	s2 =	sadd.s32 s3, s2  }
0x8d: {  	s2 =	sadd.s32 s2, s17  }
0x8e: {  	[smem:$0x3FC2] =	sst s2  }
0x8f: {  	_ = 	snop  }
0x90: {  	s2 =	sld [smem:$0x3FD0];
	(tm) =	ssettm $0x1  }
0x91: {  	s18 =	sld [smem:$0x3FFB];
	_ =	sdelay $0x3  }
0x92: {  	_ =	strace s18  }
0x93: {  	s3 =	sld [smem:$0x3FFC];
	_ =	sdelay $0x3  }
0x94: {  	_ =	strace s3  }
0x95: {  	s3 =	sld [smem:$0x3FFD];
	_ =	sdelay $0x3  }
0x96: {  	_ =	strace s3  }
0x97: {  	_ =	strace $0x8FFFFFFF  }
0x98: {  	s19 =	sld [smem:$0x3FDB];
	_ =	sdelay $0x1  }
0x99: {  	s4 =	simm.s32 $_scs_section_size  }
0x9a: {  	s5 =	simm.s32 $_size__tile_overlayer_lowered;
	s6 =	simm.s32 $_tile_overlayer_lowered  }
0x9b: {  	s22 =	simm.s32 $0x1BFF;
	s21 =	sshll.u32 s6, $0x1;
	s3 =	sadd.s32 s4, s19  }
0x9c: {  	s7 =	simm.s32 $0x0;
	s20 =	sshll.u32 s5, $0x1;
	s5 =	sadd.s32 s21, s3  }
0x9d: {  	[timem:s7], [sflag:s22] =	dma.local [hbm:s5], s20  }
0x9e: {  	_ =	swait.ge [sflag:s22], s20  }
0x9f: {  	s4 =	ssub.s32 $0x0, s20;
	[sflag:s22] =	ssyncset.done $0x0  }
0xa0: {  	[sflag:s22] =	ssyncadd.s32 s4;
	_ =	sdelay $0x1  }
0xa1: {  	s23 =	simm.s32 $0x1B8B  }
0xa2: {  	_ =	swait.ge [sflag:s23], $0x1  }
0xa3: {  	[sflag:s23] =	ssyncset.done $0x0  }
0xa4: {  	s25 =	simm.s32 $0x1B8E;
	s24 =	sld [smem:$0x3FFE];
	[sflag:s23] =	ssyncadd.s32 $0xFFFFFFFF  }
0xa5: {  	s26 =	simm.s32 $execute0_lowered;
	[smem:$0x3FD2] =	sst s25  }
0xa6: {  	s5 =	sshll.u32 s26, $0x1;
	_ =	strace $0x80000046;
	[dreg:$0x1] =	wrdreg $0xFFFFFFFF  }
0xa7: {  	s28 =	simm.s32 $_size_execute0_lowered;
	s3 =	sadd.s32 s3, s5;
	[dreg:$0x0] =	wrdreg $0x0  }
0xa8: {  	s5 =	sshll.u32 s28, $0x1;
	[dreg:$0x2] =	wrdreg s3  }
0xa9: {  	[dreg:$0x3] =	wrdreg s5  }
0xaa: {  	[dreg:$0x4] =	wrdreg $0xC0  }
0xab: {  	_ =	task [dreg:s7], $0x5FFFF  }
0xac: {  	[dreg:$0x1] =	wrdreg $0xFFFFFFFF  }
0xad: {  	[dreg:$0x0] =	wrdreg $0x60  }
0xae: {  	[dreg:$0x2] =	wrdreg s24  }
0xaf: {  	[dreg:$0x3] =	wrdreg s2  }
0xb0: {  	[dreg:$0x4] =	wrdreg $0x9  }
0xb1: {  	_ =	task.clear_ibuf [dreg:s7], $0x5FFFF;
	_ =	strace $0x90000046  }
0xb2: {  	s29 =	simm.s32 $0x9;
	_ =	strace $0x80000048  }
0xb3: {  	_ =	swait.ge [sflag:s29], $0x1  }
0xb4: {  	[sflag:s29] =	ssyncadd.s32 $0xFFFFFFFF  }
0xb5: {  	_ =	strace $0x90000048  }
0xb6: {  	_ =	sfence  }
0xb7: {  	s30 =	sld [smem:$0x0];
	_ =	sdelay $0x2  }
0xb8: {  	s31 =	sshll.u32 s1, $0xD;
	s1 =	sshrl.u32 s1, $0x2  }
0xb9: {  	s3 =	sand.u32 $0x4000, s31;
	s1 =	sadd.s32 s1, s30  }
0xba: {  	s0 =	sor.u32 s3, s0;
	s1 =	sshll.u32 s1, $0x11  }
0xbb: {  	s0 =	sor.u32 s1, s0  }
0xbc: {  	s0 =	sadd.s32 $0x8F2B, s0  }
0xbd: {  	[sflag:s0] =	ssyncadd.remote.s32 $0x1  }
0xbe: {  	_ =	sfence.sel $0xFFFF  }
0xbf: {  	[dreg:$0x0] =	wrdreg $0xFFFFFFFF;
	(pc) =	sbr.abs _section_cstart, $3  }
0xc0: {  	[dreg:$0x1] =	wrdreg $0xFFFFFFFF  }
0xc1: {  	_ =	task.clear_ibuf [dreg:s7], $0x2FFFF;
	_ =	strace $0x9FFFFFFF  }
0xc2: {  	(tm) =	ssettm $0x7FFFFFFF  }
0xc3: {  	_ =	shalt  }
tec
execute0_lowered:
.L_overlay_start_1:
0x0: {  	(tag) =	ssettag $0x1  }
0x1: {  	s5 =	rddreg [dreg:$0x0]  }
0x2: {  	s1 =	rddreg [dreg:$0x1];
	s2 =	srdreg.scid  }
0x3: {  	s0 =	stileid.u32;
	s9 =	simm.s32 $0x19280;
	s10 =	simm.s32 $0x80  }
0x4: {  	s11 =	simm.s32 $0x400;
	s12 =	simm.s32 $0x5;
	s13 =	simm.s32 $0x17980  }
0x5: {  	s14 =	simm.s32 $0x1AB80;
	s15 =	simm.s32 $0x1;
	s16 =	simm.s32 $0x3  }
0x6: {  	s17 =	simm.s32 $0x9C80;
	s18 =	simm.s32 $0x13900;
	s19 =	simm.s32 $0x2  }
0x7: {  	s20 =	simm.s32 $0x4;
	s21 =	simm.s32 $0x0;
	s4 =	sand.u32 $0x1, s2  }
0x8: {  	s29 =	sshrl.u32 s0, $0x2;
	s3 =	sshll.u32 s0, $0x8;
	s2 =	rddreg [dreg:$0x2]  }
0x9: {  	s6 =	smul.u32 $0x4E400, s29;
	s7 =	sshll.u32 s4, $0x7;
	s8 =	sand.u32 $0x300, s3  }
0xa: {  	s3 =	simm.s32 $0x0;
	s30 =	ssub.s32 $0x2, s4;
	s7 =	sor.u32 s7, s8  }
0xb: {  	s4 =	sadd.s32 $0x27800, s5;
	[smem:$0x7FF] =	sst s3;
	s6 =	sor.u32 s6, s7  }
0xc: {  	s31 =	sshrl.u32 s30, $0x1;
	s8 =	simm.s32 $0x16080;
	s6 =	sshrl.u32 s6, $0x3  }
0xd: {  	_ =	strace $0x80000047;
	s7 =	ssub.s32 s30, s31;
	s6 =	sadd.s32 s6, s5  }
0xe: {  	v0 =	vimm.f32 $-Inf;
	v1 =	vimm.s32 $0x0;
	v2 =	vlaneseq.u32;
	s7 =	smax.u32 s7, $0x1;
	s5 =	sadd.s32 $0x600, s6;
	s6 =	sadd.s32 $0x31600, s6  }
.LBB2_1:
0xf: {  	[tilespmem:s8], [sflag:$0x1] =	stream.linear.gather [hbm4b:s4+s3], $0x1900, $0x38;
	[tilespmem:$0x1C480] =	vst v63  }
0x10: {  	_ = 	snop  }
0x11: {  	[tilespmem:s9], [sflag:$0x3] =	stream.linear.gather [hbm4b:s1+s3], $0x1900, $0x38;
	[tilespmem:$0x1C480] =	vst v63  }
0x12: {  	_ = 	snop  }
0x13: {  	[tilespmem:s3], [sflag:$0x5] =	stream.strided.gather [hbm4b:s5+s10], $0x9C80, s11, s10, $0x38;
	[tilespmem:$0x1C480] =	vst v63  }
0x14: {  	_ =	swait.ge [sflag:s12], $0x9C80  }
0x15: {  	[sflag:s12] =	ssyncset.done $0x0  }
0x16: {  	s22 =	simm.s32 $0x40;
	s23 =	simm.s32 $0x0;
	[sflag:s12] =	ssyncadd.s32 $0xFFFF6380  }
.LBB2_2:
0x17: {  	p0 =	sne.s32 s22, $0x270C0;
	[tilespmem:s23+$0x9C80] =	vst v0;
	s23 =	smov.u32 s22;
	s22 =	sadd.s32 $0x40, s22  }
.Ltmp0:
0x18: {  	(pc) =	sbr.rel @p0 .LBB2_2-.Ltmp0, $2  }
0x19: {  	_ =	sdelay $0x2  }
0x1a: {  	s23 =	sshra.s32 s23, $0x2  }
.Ltmp1:
0x1b: {  	(pc) =	sbr.rel .LBB2_4-.Ltmp1, $2  }
0x1c: {  	_ =	sdelay $0x2  }
0x1d: {  	[tilespmem:s23+$0x9C80] =	vst v0;
	s22 =	simm.s32 $0x0;
	s23 =	simm.s32 $0x0  }
.LBB2_58:
0x1e: {  	s23 =	sadd.s32 $0x1, s23  }
0x1f: {  	p0 =	sne.s32 s23, $0x19  }
.Ltmp2:
0x20: {  	_ = 	snop;
	(pc) =	sbr.rel @!p0 .LBB2_59-.Ltmp2, $1  }
0x21: {  	_ =	sdelay $0x3  }
.LBB2_4:
0x22: {  	s24 =	smul.u32 $0x3200, s23;
	_ =	sdelay $0x1  }
0x23: {  	s25 =	sshrl.u32 s24, $0x3  }
0x24: {  	s25 =	sadd.s32 $0x320, s25  }
0x25: {  	s26 =	sadd.s32 s4, s25  }
0x26: {  	[tilespmem:s13], [sflag:$0x2] =	stream.linear.gather [hbm4b:s26+s22], $0x1900, $0x38;
	[tilespmem:$0x1C480] =	vst v63  }
0x27: {  	s25 =	sadd.s32 s1, s25  }
0x28: {  	[tilespmem:s14], [sflag:$0x4] =	stream.linear.gather [hbm4b:s25+s22], $0x1900, $0x38;
	[tilespmem:$0x1C480] =	vst v63  }
0x29: {  	_ =	swait.ge [sflag:s15], $0x1900  }
.Ltmp3:
0x2a: {  	[sflag:s15] =	ssyncset.done $0x0;
	(pc) =	sbr.rel .LBB2_5-.Ltmp3, $4  }
0x2b: {  	[sflag:s15] =	ssyncadd.s32 $0xFFFFE700  }
0x2c: {  	_ =	swait.ge [sflag:s16], $0x1900  }
0x2d: {  	[sflag:s16] =	ssyncset.done $0x0  }
0x2e: {  	s25 =	simm.s32 $0x0;
	[sflag:s16] =	ssyncadd.s32 $0xFFFFE700  }
.LBB2_30:
0x2f: {  	s25 =	sadd.s32 $0x1, s25  }
0x30: {  	p0 =	sne.s32 s25, $0x32  }
.Ltmp4:
0x31: {  	_ = 	snop;
	(pc) =	sbr.rel @!p0 .LBB2_31-.Ltmp4, $1  }
0x32: {  	_ =	sdelay $0x3  }
.LBB2_5:
0x33: {  	s26 =	sshll.u32 s25, $0x7  }
0x34: {  	v3 =	vld [tilespmem:s26+$0x16080]  }
0x35: {  	v8 =	vld [tilespmem:s26+$0x19280]  }
0x36: {  	v9 =	vld [tilespmem:s26+$0x16090]  }
0x37: {  	v10 =	vld [tilespmem:s26+$0x19290]  }
0x38: {  	v11 =	vld [tilespmem:s26+$0x160A0]  }
0x39: {  	v12 =	vld [tilespmem:s26+$0x192A0]  }
0x3a: {  	v13 =	vld [tilespmem:s26+$0x160B0]  }
0x3b: {  	v14 =	vld [tilespmem:s26+$0x192B0]  }
0x3c: {  	v15 =	vld [tilespmem:s26+$0x160C0]  }
0x3d: {  	v16 =	vld [tilespmem:s26+$0x192C0]  }
0x3e: {  	v17 =	vld [tilespmem:s26+$0x160D0];
	v5 =	vadd.s32 $0x2710, v3  }
0x3f: {  	v7 =	vld [tilespmem:s26+$0x192D0];
	v18 =	vadd.s32 $0x4E20, v3  }
0x40: {  	v6 =	vld [tilespmem:s26+$0x160E0];
	v19 =	vadd.s32 $0x7530, v3  }
0x41: {  	v21 =	vadd.s32 $0x2710, v8;
	v20 =	vld.idx.msk [tilespmem:v3+s3+$0x0], $0xffff  }
0x42: {  	v23 =	vadd.s32 $0x4E20, v8;
	v25 =	vld.idx.msk [tilespmem:v8+s17+$0x0], $0xffff  }
0x43: {  	v24 =	vadd.s32 $0x7530, v8;
	v22 =	vld.idx.msk [tilespmem:v5+s3+$0x0], $0xffff  }
0x44: {  	v18 =	vld.idx.msk [tilespmem:v18+s3+$0x0], $0xffff  }
0x45: {  	v19 =	vld.idx.msk [tilespmem:v19+s3+$0x0], $0xffff  }
0x46: {  	v26 =	vld.idx.msk [tilespmem:v21+s17+$0x0], $0xffff  }
0x47: {  	v27 =	vld.idx.msk [tilespmem:v23+s17+$0x0], $0xffff  }
0x48: {  	v28 =	vld.idx.msk [tilespmem:v24+s17+$0x0], $0xffff  }
0x49: {  	v4 =	vld [tilespmem:s26+$0x192E0]  }
0x4a: {  	v3 =	vld [tilespmem:s26+$0x192F0];
	v20 =	vmax.f32 v25, v20  }
0x4b: {  	v54 =	vadd.s32 $0x2710, v9;
	v5 =	vld [tilespmem:s26+$0x160F0];
	[tilespmem:v8+s17+$0x0] =	vst.idx.msk $0xffff, v20;
	v53 =	vmax.f32 v26, v22  }
0x4c: {  	v55 =	vadd.s32 $0x4E20, v9;
	v18 =	vmax.f32 v27, v18;
	[tilespmem:v21+s17+$0x0] =	vst.idx.msk $0xffff, v53  }
0x4d: {  	v57 =	vadd.s32 $0x7530, v9;
	v56 =	vmax.f32 v28, v19;
	[tilespmem:v23+s17+$0x0] =	vst.idx.msk $0xffff, v18  }
0x4e: {  	[tilespmem:v24+s17+$0x0] =	vst.idx.msk $0xffff, v56  }
0x4f: {  	v58 =	vadd.s32 $0x2710, v10;
	v9 =	vld.idx.msk [tilespmem:v9+s3+$0x0], $0xffff  }
0x50: {  	v59 =	vadd.s32 $0x4E20, v10;
	v21 =	vld.idx.msk [tilespmem:v54+s3+$0x0], $0xffff  }
0x51: {  	v60 =	vadd.s32 $0x7530, v10;
	v20 =	vld.idx.msk [tilespmem:v55+s3+$0x0], $0xffff  }
0x52: {  	v19 =	vld.idx.msk [tilespmem:v57+s3+$0x0], $0xffff  }
0x53: {  	v24 =	vld.idx.msk [tilespmem:v10+s17+$0x0], $0xffff  }
0x54: {  	v61 =	vld.idx.msk [tilespmem:v58+s17+$0x0], $0xffff  }
0x55: {  	v62 =	vld.idx.msk [tilespmem:v59+s17+$0x0], $0xffff  }
0x56: {  	v63 =	vld.idx.msk [tilespmem:v60+s17+$0x0], $0xffff;
	_ =	sdelay $0x1  }
0x57: {  	v9 =	vmax.f32 v24, v9  }
0x58: {  	v25 =	vadd.s32 $0x2710, v11;
	v24 =	vmax.f32 v61, v21;
	[tilespmem:v10+s17+$0x0] =	vst.idx.msk $0xffff, v9  }
0x59: {  	v28 =	vadd.s32 $0x4E20, v11;
	v26 =	vmax.f32 v62, v20;
	[tilespmem:v58+s17+$0x0] =	vst.idx.msk $0xffff, v24  }
0x5a: {  	v30 =	vadd.s32 $0x7530, v11;
	v29 =	vmax.f32 v63, v19;
	[tilespmem:v59+s17+$0x0] =	vst.idx.msk $0xffff, v26  }
0x5b: {  	[tilespmem:v60+s17+$0x0] =	vst.idx.msk $0xffff, v29  }
0x5c: {  	v31 =	vadd.s32 $0x2710, v12;
	v9 =	vld.idx.msk [tilespmem:v11+s3+$0x0], $0xffff  }
0x5d: {  	v33 =	vadd.s32 $0x4E20, v12;
	v32 =	vld.idx.msk [tilespmem:v25+s3+$0x0], $0xffff  }
0x5e: {  	v34 =	vadd.s32 $0x7530, v12;
	v18 =	vld.idx.msk [tilespmem:v28+s3+$0x0], $0xffff  }
0x5f: {  	v19 =	vld.idx.msk [tilespmem:v30+s3+$0x0], $0xffff  }
0x60: {  	v23 =	vld.idx.msk [tilespmem:v12+s17+$0x0], $0xffff  }
0x61: {  	v35 =	vld.idx.msk [tilespmem:v31+s17+$0x0], $0xffff  }
0x62: {  	v36 =	vld.idx.msk [tilespmem:v33+s17+$0x0], $0xffff  }
0x63: {  	v37 =	vld.idx.msk [tilespmem:v34+s17+$0x0], $0xffff;
	_ =	sdelay $0x1  }
0x64: {  	v9 =	vmax.f32 v23, v9  }
0x65: {  	v39 =	vadd.s32 $0x2710, v13;
	v38 =	vmax.f32 v35, v32;
	[tilespmem:v12+s17+$0x0] =	vst.idx.msk $0xffff, v9  }
0x66: {  	v41 =	vadd.s32 $0x4E20, v13;
	v40 =	vmax.f32 v36, v18;
	[tilespmem:v31+s17+$0x0] =	vst.idx.msk $0xffff, v38  }
0x67: {  	v43 =	vadd.s32 $0x7530, v13;
	v42 =	vmax.f32 v37, v19;
	[tilespmem:v33+s17+$0x0] =	vst.idx.msk $0xffff, v40  }
0x68: {  	[tilespmem:v34+s17+$0x0] =	vst.idx.msk $0xffff, v42  }
0x69: {  	v44 =	vadd.s32 $0x2710, v14;
	v9 =	vld.idx.msk [tilespmem:v13+s3+$0x0], $0xffff  }
0x6a: {  	v46 =	vadd.s32 $0x4E20, v14;
	v45 =	vld.idx.msk [tilespmem:v39+s3+$0x0], $0xffff  }
0x6b: {  	v47 =	vadd.s32 $0x7530, v14;
	v11 =	vld.idx.msk [tilespmem:v41+s3+$0x0], $0xffff  }
0x6c: {  	v18 =	vld.idx.msk [tilespmem:v43+s3+$0x0], $0xffff  }
0x6d: {  	v22 =	vld.idx.msk [tilespmem:v14+s17+$0x0], $0xffff  }
0x6e: {  	v48 =	vld.idx.msk [tilespmem:v44+s17+$0x0], $0xffff  }
0x6f: {  	v49 =	vld.idx.msk [tilespmem:v46+s17+$0x0], $0xffff  }
0x70: {  	v50 =	vld.idx.msk [tilespmem:v47+s17+$0x0], $0xffff;
	_ =	sdelay $0x1  }
0x71: {  	v9 =	vmax.f32 v22, v9  }
0x72: {  	v52 =	vadd.s32 $0x2710, v15;
	v51 =	vmax.f32 v48, v45;
	[tilespmem:v14+s17+$0x0] =	vst.idx.msk $0xffff, v9  }
0x73: {  	v54 =	vadd.s32 $0x4E20, v15;
	v53 =	vmax.f32 v49, v11;
	[tilespmem:v44+s17+$0x0] =	vst.idx.msk $0xffff, v51  }
0x74: {  	v56 =	vadd.s32 $0x7530, v15;
	v55 =	vmax.f32 v50, v18;
	[tilespmem:v46+s17+$0x0] =	vst.idx.msk $0xffff, v53  }
0x75: {  	[tilespmem:v47+s17+$0x0] =	vst.idx.msk $0xffff, v55  }
0x76: {  	v57 =	vadd.s32 $0x2710, v16;
	v9 =	vld.idx.msk [tilespmem:v15+s3+$0x0], $0xffff  }
0x77: {  	v59 =	vadd.s32 $0x4E20, v16;
	v58 =	vld.idx.msk [tilespmem:v52+s3+$0x0], $0xffff  }
0x78: {  	v60 =	vadd.s32 $0x7530, v16;
	v11 =	vld.idx.msk [tilespmem:v54+s3+$0x0], $0xffff  }
0x79: {  	v13 =	vld.idx.msk [tilespmem:v56+s3+$0x0], $0xffff  }
0x7a: {  	v21 =	vld.idx.msk [tilespmem:v16+s17+$0x0], $0xffff  }
0x7b: {  	v61 =	vld.idx.msk [tilespmem:v57+s17+$0x0], $0xffff  }
0x7c: {  	v62 =	vld.idx.msk [tilespmem:v59+s17+$0x0], $0xffff  }
0x7d: {  	(xrf1) =	vunique.msk.u32 $0xffff, v8;
	v63 =	vld.idx.msk [tilespmem:v60+s17+$0x0], $0xffff  }
0x7e: {  	(xrf1) =	vunique.msk.u32 $0xffff, v10  }
0x7f: {  	(xrf1) =	vunique.msk.u32 $0xffff, v12;
	v9 =	vmax.f32 v21, v9  }
0x80: {  	(xrf1) =	vunique.msk.u32 $0xffff, v14;
	v22 =	vadd.s32 $0x2710, v17;
	v21 =	vmax.f32 v61, v58;
	[tilespmem:v16+s17+$0x0] =	vst.idx.msk $0xffff, v9  }
0x81: {  	(xrf1) =	vunique.msk.u32 $0xffff, v16;
	v26 =	vadd.s32 $0x4E20, v17;
	v25 =	vmax.f32 v62, v11;
	[tilespmem:v57+s17+$0x0] =	vst.idx.msk $0xffff, v21  }
0x82: {  	(xrf1) =	vunique.msk.u32 $0xffff, v7;
	v28 =	vadd.s32 $0x7530, v17;
	v27 =	vmax.f32 v63, v13;
	[tilespmem:v59+s17+$0x0] =	vst.idx.msk $0xffff, v25  }
0x83: {  	(xrf1) =	vunique.msk.u32 $0xffff, v4;
	[tilespmem:v60+s17+$0x0] =	vst.idx.msk $0xffff, v27  }
0x84: {  	(xrf1) =	vunique.msk.u32 $0xffff, v3;
	v29 =	vadd.s32 $0x2710, v7;
	v8 =	vld.idx.msk [tilespmem:v17+s3+$0x0], $0xffff  }
0x85: {  	v31 =	vadd.s32 $0x4E20, v7;
	v30 =	vld.idx.msk [tilespmem:v22+s3+$0x0], $0xffff  }
0x86: {  	v32 =	vadd.s32 $0x7530, v7;
	v9 =	vld.idx.msk [tilespmem:v26+s3+$0x0], $0xffff  }
0x87: {  	v10 =	vld.idx.msk [tilespmem:v28+s3+$0x0], $0xffff  }
0x88: {  	v15 =	vld.idx.msk [tilespmem:v7+s17+$0x0], $0xffff  }
0x89: {  	v33 =	vld.idx.msk [tilespmem:v29+s17+$0x0], $0xffff  }
0x8a: {  	v34 =	vld.idx.msk [tilespmem:v31+s17+$0x0], $0xffff  }
0x8b: {  	_, v38, vm7 =	vpop (xrf1);
	v35 =	vld.idx.msk [tilespmem:v32+s17+$0x0], $0xffff  }
0x8c: {  	_, v41, vm6 =	vpop (xrf1)  }
0x8d: {  	_, v44, vm5 =	vpop (xrf1);
	v8 =	vmax.f32 v15, v8  }
0x8e: {  	v37 =	vadd.s32 $0x2710, v6;
	_, v45, vm4 =	vpop (xrf1);
	vm0 =	vmand vm6, vm5;
	v36 =	vmax.f32 v33, v30;
	[tilespmem:v7+s17+$0x0] =	vst.idx.msk $0xffff, v8  }
0x8f: {  	v40 =	vadd.s32 $0x4E20, v6;
	_, v46, vm3 =	vpop (xrf1);
	vm0 =	vmand vm0, vm4;
	v39 =	vmax.f32 v34, v9;
	[tilespmem:v29+s17+$0x0] =	vst.idx.msk $0xffff, v36  }
0x90: {  	v43 =	vadd.s32 $0x7530, v6;
	_, v47, vm2 =	vpop (xrf1);
	vm0 =	vmand vm0, vm3;
	v42 =	vmax.f32 v35, v10;
	[tilespmem:v31+s17+$0x0] =	vst.idx.msk $0xffff, v39  }
0x91: {  	_, v48, vm1 =	vpop (xrf1);
	vm8 =	vmand vm0, vm2;
	[tilespmem:v32+s17+$0x0] =	vst.idx.msk $0xffff, v42  }
0x92: {  	_, v49, vm0 =	vpop (xrf1);
	vm8 =	vmand vm8, vm1;
	v7 =	vadd.s32 $0x2710, v4;
	v6 =	vld.idx.msk [tilespmem:v6+s3+$0x0], $0xffff  }
0x93: {  	vm8 =	vmand vm8, vm0;
	v11 =	vadd.s32 $0x4E20, v4;
	v8 =	vld.idx.msk [tilespmem:v37+s3+$0x0], $0xffff  }
0x94: {  	v12 =	vadd.s32 $0x7530, v4;
	vm7 =	vmneg vm7;
	vm8 =	vmneg vm8;
	v9 =	vld.idx.msk [tilespmem:v40+s3+$0x0], $0xffff  }
0x95: {  	vm8 =	vmor vm7, vm8;
	v10 =	vld.idx.msk [tilespmem:v43+s3+$0x0], $0xffff  }
0x96: {  	v52 =	vmpcnt.ones.xlane vm8;
	v13 =	vld.idx.msk [tilespmem:v4+s17+$0x0], $0xffff  }
0x97: {  	v14 =	vld.idx.msk [tilespmem:v7+s17+$0x0], $0xffff  }
0x98: {  	(v2sf) =	vpush v52, $0x0;
	v50 =	vld.idx.msk [tilespmem:v11+s17+$0x0], $0xffff  }
0x99: {  	v51 =	vld.idx.msk [tilespmem:v12+s17+$0x0], $0xffff;
	_ =	sdelay $0x1  }
0x9a: {  	v6 =	vmax.f32 v13, v6  }
0x9b: {  	v54 =	vadd.s32 $0x2710, v5;
	[tilespmem:v4+s17+$0x0] =	vst.idx.msk $0xffff, v6;
	v53 =	vmax.f32 v14, v8  }
0x9c: {  	v56 =	vadd.s32 $0x4E20, v5;
	v55 =	vmax.f32 v50, v9;
	[tilespmem:v7+s17+$0x0] =	vst.idx.msk $0xffff, v53  }
0x9d: {  	v58 =	vadd.s32 $0x7530, v5;
	v57 =	vmax.f32 v51, v10;
	[tilespmem:v11+s17+$0x0] =	vst.idx.msk $0xffff, v55  }
0x9e: {  	[tilespmem:v12+s17+$0x0] =	vst.idx.msk $0xffff, v57  }
0x9f: {  	v59 =	vadd.s32 $0x2710, v3;
	v4 =	vld.idx.msk [tilespmem:v5+s3+$0x0], $0xffff  }
0xa0: {  	v60 =	vadd.s32 $0x4E20, v3;
	v6 =	vld.idx.msk [tilespmem:v54+s3+$0x0], $0xffff  }
0xa1: {  	v61 =	vadd.s32 $0x7530, v3;
	v7 =	vld.idx.msk [tilespmem:v56+s3+$0x0], $0xffff  }
0xa2: {  	v8 =	vld.idx.msk [tilespmem:v58+s3+$0x0], $0xffff  }
0xa3: {  	v11 =	vld.idx.msk [tilespmem:v3+s17+$0x0], $0xffff  }
0xa4: {  	v12 =	vld.idx.msk [tilespmem:v59+s17+$0x0], $0xffff  }
0xa5: {  	v62 =	vld.idx.msk [tilespmem:v60+s17+$0x0], $0xffff  }
0xa6: {  	s28 =	spop (v2sf);
	v63 =	vld.idx.msk [tilespmem:v61+s17+$0x0], $0xffff  }
0xa7: {  	p0 =	slt.s32 s28, $0x1  }
.Ltmp5:
0xa8: {  	v4 =	vmax.f32 v11, v4;
	(pc) =	sbr.rel @p0 .LBB2_30-.Ltmp5, $4  }
0xa9: {  	[tilespmem:v3+s17+$0x0] =	vst.idx.msk $0xffff, v4;
	v3 =	vmax.f32 v12, v6  }
0xaa: {  	[tilespmem:v59+s17+$0x0] =	vst.idx.msk $0xffff, v3;
	v3 =	vmax.f32 v62, v7  }
0xab: {  	[tilespmem:v60+s17+$0x0] =	vst.idx.msk $0xffff, v3;
	v3 =	vmax.f32 v63, v8  }
0xac: {  	[tilespmem:v61+s17+$0x0] =	vst.idx.msk $0xffff, v3  }
0xad: {  	v3 =	vsel vm7, $0x1, v1  }
0xae: {  	v3 =	vor.u32 $0x80000000, v3  }
0xaf: {  	(xrf0) =	vmax.scan.msk.u32 $0xffff, v3;
	_ =	sdelay $0x5  }
0xb0: {  	v3, _, _ =	vpop (xrf0)  }
0xb1: {  	(v2sf) =	vpush v3, $0xF;
	_ =	sdelay $0xe  }
0xb2: {  	s28 =	spop (v2sf)  }
0xb3: {  	p0 =	slt.u32 s28, $0x80000001  }
.Ltmp6:
0xb4: {  	_ = 	snop;
	(pc) =	sbr.rel @p0 .LBB2_9-.Ltmp6, $1  }
0xb5: {  	_ =	sdelay $0x3  }
0xb6: {  	v3 =	vld [tilespmem:s26+$0x16080]  }
0xb7: {  	v4 =	vld [tilespmem:s26+$0x19280];
	_ =	sdelay $0x3  }
0xb8: {  	v11 =	vimm.s32 $0x1  }
0xb9: {  	v5 =	vadd.s32 $0x2710, v3;
	v6 =	vadd.s32 $0x2710, v4;
	v7 =	vadd.s32 $0x4E20, v3  }
0xba: {  	v8 =	vadd.s32 $0x4E20, v4;
	v9 =	vadd.s32 $0x7530, v3;
	v10 =	vadd.s32 $0x7530, v4  }
.LBB2_8:
0xbb: {  	vm7 =	vne.s32 v11, $0x0;
	_ =	sdelay $0x5  }
0xbc: {  	[tilespmem:v4+s18+$0x0] =	vst.idx.msk vm7, v2  }
0xbd: {  	v12 =	vld.idx.msk [tilespmem:v4+s18+$0x0], $0xffff;
	_ =	sdelay $0x4  }
0xbe: {  	v59 =	vld.idx.msk [tilespmem:v3+s3+$0x0], $0xffff;
	vm8 =	veq.s32 v12, v2  }
0xbf: {  	v13 =	vld.idx.msk [tilespmem:v4+s17+$0x0], $0xffff;
	vm7 =	vmand vm7, vm8;
	v11 =	vsel vm8, $0x0, v11  }
0xc0: {  	v60 =	vor.u32 $0x80000000, v11  }
0xc1: {  	(xrf0) =	vmax.scan.msk.u32 $0xffff, v60;
	_ =	sdelay $0x2  }
0xc2: {  	v12 =	vmax.f32 v13, v59  }
0xc3: {  	[tilespmem:v4+s17+$0x0] =	vst.idx.msk vm7, v12  }
0xc4: {  	v12 =	vld.idx.msk [tilespmem:v5+s3+$0x0], $0xffff  }
0xc5: {  	v61 =	vld.idx.msk [tilespmem:v6+s17+$0x0], $0xffff;
	v14, _, _ =	vpop (xrf0)  }
0xc6: {  	(v2sf) =	vpush v14, $0xF;
	_ =	sdelay $0x3  }
0xc7: {  	v12 =	vmax.f32 v61, v12  }
0xc8: {  	[tilespmem:v6+s17+$0x0] =	vst.idx.msk vm7, v12  }
0xc9: {  	v12 =	vld.idx.msk [tilespmem:v7+s3+$0x0], $0xffff  }
0xca: {  	v62 =	vld.idx.msk [tilespmem:v8+s17+$0x0], $0xffff;
	_ =	sdelay $0x4  }
0xcb: {  	v12 =	vmax.f32 v62, v12  }
0xcc: {  	[tilespmem:v8+s17+$0x0] =	vst.idx.msk vm7, v12  }
0xcd: {  	v12 =	vld.idx.msk [tilespmem:v9+s3+$0x0], $0xffff  }
0xce: {  	v63 =	vld.idx.msk [tilespmem:v10+s17+$0x0], $0xffff;
	s28 =	spop (v2sf)  }
0xcf: {  	p0 =	sgt.u32 s28, $0x80000000  }
.Ltmp7:
0xd0: {  	_ = 	snop;
	(pc) =	sbr.rel @p0 .LBB2_8-.Ltmp7, $3  }
0xd1: {  	_ =	sdelay $0x1  }
0xd2: {  	v12 =	vmax.f32 v63, v12  }
0xd3: {  	[tilespmem:v10+s17+$0x0] =	vst.idx.msk vm7, v12  }
.LBB2_9:
0xd4: {  	v3 =	vsel vm6, $0x1, v1  }
0xd5: {  	v3 =	vxor.u32 $0x80000001, v3  }
0xd6: {  	(xrf0) =	vmax.scan.msk.u32 $0xffff, v3;
	_ =	sdelay $0x5  }
0xd7: {  	v3, _, _ =	vpop (xrf0)  }
0xd8: {  	(v2sf) =	vpush v3, $0xF;
	_ =	sdelay $0xe  }
0xd9: {  	s28 =	spop (v2sf)  }
0xda: {  	p0 =	slt.u32 s28, $0x80000001  }
.Ltmp8:
0xdb: {  	_ = 	snop;
	(pc) =	sbr.rel @p0 .LBB2_12-.Ltmp8, $1  }
0xdc: {  	_ =	sdelay $0x3  }
0xdd: {  	s28 =	sor.u32 $0x10, s26  }
0xde: {  	v3 =	vld [tilespmem:s28+$0x16080]  }
0xdf: {  	v4 =	vld [tilespmem:s28+$0x19280];
	_ =	sdelay $0x3  }
0xe0: {  	v11 =	vimm.s32 $0x1  }
0xe1: {  	v5 =	vadd.s32 $0x2710, v3;
	v6 =	vadd.s32 $0x2710, v4;
	v7 =	vadd.s32 $0x4E20, v3  }
0xe2: {  	v8 =	vadd.s32 $0x4E20, v4;
	v9 =	vadd.s32 $0x7530, v3;
	v10 =	vadd.s32 $0x7530, v4  }
.LBB2_11:
0xe3: {  	vm6 =	vne.s32 v11, $0x0;
	_ =	sdelay $0x5  }
0xe4: {  	[tilespmem:v4+s18+$0x0] =	vst.idx.msk vm6, v2  }
0xe5: {  	v12 =	vld.idx.msk [tilespmem:v4+s18+$0x0], $0xffff;
	_ =	sdelay $0x4  }
0xe6: {  	v59 =	vld.idx.msk [tilespmem:v3+s3+$0x0], $0xffff;
	vm7 =	veq.s32 v12, v2  }
0xe7: {  	v13 =	vld.idx.msk [tilespmem:v4+s17+$0x0], $0xffff;
	vm6 =	vmand vm6, vm7;
	v11 =	vsel vm7, $0x0, v11  }
0xe8: {  	v60 =	vor.u32 $0x80000000, v11  }
0xe9: {  	(xrf0) =	vmax.scan.msk.u32 $0xffff, v60;
	_ =	sdelay $0x2  }
0xea: {  	v12 =	vmax.f32 v13, v59  }
0xeb: {  	[tilespmem:v4+s17+$0x0] =	vst.idx.msk vm6, v12  }
0xec: {  	v12 =	vld.idx.msk [tilespmem:v5+s3+$0x0], $0xffff  }
0xed: {  	v61 =	vld.idx.msk [tilespmem:v6+s17+$0x0], $0xffff;
	v14, _, _ =	vpop (xrf0)  }
0xee: {  	(v2sf) =	vpush v14, $0xF;
	_ =	sdelay $0x3  }
0xef: {  	v12 =	vmax.f32 v61, v12  }
0xf0: {  	[tilespmem:v6+s17+$0x0] =	vst.idx.msk vm6, v12  }
0xf1: {  	v12 =	vld.idx.msk [tilespmem:v7+s3+$0x0], $0xffff  }
0xf2: {  	v62 =	vld.idx.msk [tilespmem:v8+s17+$0x0], $0xffff;
	_ =	sdelay $0x4  }
0xf3: {  	v12 =	vmax.f32 v62, v12  }
0xf4: {  	[tilespmem:v8+s17+$0x0] =	vst.idx.msk vm6, v12  }
0xf5: {  	v12 =	vld.idx.msk [tilespmem:v9+s3+$0x0], $0xffff  }
0xf6: {  	v63 =	vld.idx.msk [tilespmem:v10+s17+$0x0], $0xffff;
	s28 =	spop (v2sf)  }
0xf7: {  	p0 =	sgt.u32 s28, $0x80000000  }
.Ltmp9:
0xf8: {  	_ = 	snop;
	(pc) =	sbr.rel @p0 .LBB2_11-.Ltmp9, $3  }
0xf9: {  	_ =	sdelay $0x1  }
0xfa: {  	v12 =	vmax.f32 v63, v12  }
0xfb: {  	[tilespmem:v10+s17+$0x0] =	vst.idx.msk vm6, v12  }
.LBB2_12:
0xfc: {  	v3 =	vsel vm5, $0x1, v1  }
0xfd: {  	v3 =	vxor.u32 $0x80000001, v3  }
0xfe: {  	(xrf0) =	vmax.scan.msk.u32 $0xffff, v3;
	_ =	sdelay $0x5  }
0xff: {  	v3, _, _ =	vpop (xrf0)  }
0x100: {  	(v2sf) =	vpush v3, $0xF;
	_ =	sdelay $0xe  }
0x101: {  	s28 =	spop (v2sf)  }
0x102: {  	p0 =	slt.u32 s28, $0x80000001  }
.Ltmp10:
0x103: {  	_ = 	snop;
	(pc) =	sbr.rel @p0 .LBB2_15-.Ltmp10, $1  }
0x104: {  	_ =	sdelay $0x3  }
0x105: {  	s28 =	sor.u32 $0x20, s26  }
0x106: {  	v3 =	vld [tilespmem:s28+$0x16080]  }
0x107: {  	v4 =	vld [tilespmem:s28+$0x19280];
	_ =	sdelay $0x3  }
0x108: {  	v11 =	vimm.s32 $0x1  }
0x109: {  	v5 =	vadd.s32 $0x2710, v3;
	v6 =	vadd.s32 $0x2710, v4;
	v7 =	vadd.s32 $0x4E20, v3  }
0x10a: {  	v8 =	vadd.s32 $0x4E20, v4;
	v9 =	vadd.s32 $0x7530, v3;
	v10 =	vadd.s32 $0x7530, v4  }
.LBB2_14:
0x10b: {  	vm5 =	vne.s32 v11, $0x0;
	_ =	sdelay $0x5  }
0x10c: {  	[tilespmem:v4+s18+$0x0] =	vst.idx.msk vm5, v2  }
0x10d: {  	v12 =	vld.idx.msk [tilespmem:v4+s18+$0x0], $0xffff;
	_ =	sdelay $0x4  }
0x10e: {  	v59 =	vld.idx.msk [tilespmem:v3+s3+$0x0], $0xffff;
	vm6 =	veq.s32 v12, v2  }
0x10f: {  	v13 =	vld.idx.msk [tilespmem:v4+s17+$0x0], $0xffff;
	vm5 =	vmand vm5, vm6;
	v11 =	vsel vm6, $0x0, v11  }
0x110: {  	v60 =	vor.u32 $0x80000000, v11  }
0x111: {  	(xrf0) =	vmax.scan.msk.u32 $0xffff, v60;
	_ =	sdelay $0x2  }
0x112: {  	v12 =	vmax.f32 v13, v59  }
0x113: {  	[tilespmem:v4+s17+$0x0] =	vst.idx.msk vm5, v12  }
0x114: {  	v12 =	vld.idx.msk [tilespmem:v5+s3+$0x0], $0xffff  }
0x115: {  	v61 =	vld.idx.msk [tilespmem:v6+s17+$0x0], $0xffff;
	v14, _, _ =	vpop (xrf0)  }
0x116: {  	(v2sf) =	vpush v14, $0xF;
	_ =	sdelay $0x3  }
0x117: {  	v12 =	vmax.f32 v61, v12  }
0x118: {  	[tilespmem:v6+s17+$0x0] =	vst.idx.msk vm5, v12  }
0x119: {  	v12 =	vld.idx.msk [tilespmem:v7+s3+$0x0], $0xffff  }
0x11a: {  	v62 =	vld.idx.msk [tilespmem:v8+s17+$0x0], $0xffff;
	_ =	sdelay $0x4  }
0x11b: {  	v12 =	vmax.f32 v62, v12  }
0x11c: {  	[tilespmem:v8+s17+$0x0] =	vst.idx.msk vm5, v12  }
0x11d: {  	v12 =	vld.idx.msk [tilespmem:v9+s3+$0x0], $0xffff  }
0x11e: {  	v63 =	vld.idx.msk [tilespmem:v10+s17+$0x0], $0xffff;
	s28 =	spop (v2sf)  }
0x11f: {  	p0 =	sgt.u32 s28, $0x80000000  }
.Ltmp11:
0x120: {  	_ = 	snop;
	(pc) =	sbr.rel @p0 .LBB2_14-.Ltmp11, $3  }
0x121: {  	_ =	sdelay $0x1  }
0x122: {  	v12 =	vmax.f32 v63, v12  }
0x123: {  	[tilespmem:v10+s17+$0x0] =	vst.idx.msk vm5, v12  }
.LBB2_15:
0x124: {  	v3 =	vsel vm4, $0x1, v1  }
0x125: {  	v3 =	vxor.u32 $0x80000001, v3  }
0x126: {  	(xrf0) =	vmax.scan.msk.u32 $0xffff, v3;
	_ =	sdelay $0x5  }
0x127: {  	v3, _, _ =	vpop (xrf0)  }
0x128: {  	(v2sf) =	vpush v3, $0xF;
	_ =	sdelay $0xe  }
0x129: {  	s28 =	spop (v2sf)  }
0x12a: {  	p0 =	slt.u32 s28, $0x80000001  }
.Ltmp12:
0x12b: {  	_ = 	snop;
	(pc) =	sbr.rel @p0 .LBB2_18-.Ltmp12, $1  }
0x12c: {  	_ =	sdelay $0x3  }
0x12d: {  	s28 =	sor.u32 $0x30, s26  }
0x12e: {  	v3 =	vld [tilespmem:s28+$0x16080]  }
0x12f: {  	v4 =	vld [tilespmem:s28+$0x19280];
	_ =	sdelay $0x3  }
0x130: {  	v11 =	vimm.s32 $0x1  }
0x131: {  	v5 =	vadd.s32 $0x2710, v3;
	v6 =	vadd.s32 $0x2710, v4;
	v7 =	vadd.s32 $0x4E20, v3  }
0x132: {  	v8 =	vadd.s32 $0x4E20, v4;
	v9 =	vadd.s32 $0x7530, v3;
	v10 =	vadd.s32 $0x7530, v4  }
.LBB2_17:
0x133: {  	vm4 =	vne.s32 v11, $0x0;
	_ =	sdelay $0x5  }
0x134: {  	[tilespmem:v4+s18+$0x0] =	vst.idx.msk vm4, v2  }
0x135: {  	v12 =	vld.idx.msk [tilespmem:v4+s18+$0x0], $0xffff;
	_ =	sdelay $0x4  }
0x136: {  	v59 =	vld.idx.msk [tilespmem:v3+s3+$0x0], $0xffff;
	vm5 =	veq.s32 v12, v2  }
0x137: {  	v13 =	vld.idx.msk [tilespmem:v4+s17+$0x0], $0xffff;
	vm4 =	vmand vm4, vm5;
	v11 =	vsel vm5, $0x0, v11  }
0x138: {  	v60 =	vor.u32 $0x80000000, v11  }
0x139: {  	(xrf0) =	vmax.scan.msk.u32 $0xffff, v60;
	_ =	sdelay $0x2  }
0x13a: {  	v12 =	vmax.f32 v13, v59  }
0x13b: {  	[tilespmem:v4+s17+$0x0] =	vst.idx.msk vm4, v12  }
0x13c: {  	v12 =	vld.idx.msk [tilespmem:v5+s3+$0x0], $0xffff  }
0x13d: {  	v61 =	vld.idx.msk [tilespmem:v6+s17+$0x0], $0xffff;
	v14, _, _ =	vpop (xrf0)  }
0x13e: {  	(v2sf) =	vpush v14, $0xF;
	_ =	sdelay $0x3  }
0x13f: {  	v12 =	vmax.f32 v61, v12  }
0x140: {  	[tilespmem:v6+s17+$0x0] =	vst.idx.msk vm4, v12  }
0x141: {  	v12 =	vld.idx.msk [tilespmem:v7+s3+$0x0], $0xffff  }
0x142: {  	v62 =	vld.idx.msk [tilespmem:v8+s17+$0x0], $0xffff;
	_ =	sdelay $0x4  }
0x143: {  	v12 =	vmax.f32 v62, v12  }
0x144: {  	[tilespmem:v8+s17+$0x0] =	vst.idx.msk vm4, v12  }
0x145: {  	v12 =	vld.idx.msk [tilespmem:v9+s3+$0x0], $0xffff  }
0x146: {  	v63 =	vld.idx.msk [tilespmem:v10+s17+$0x0], $0xffff;
	s28 =	spop (v2sf)  }
0x147: {  	p0 =	sgt.u32 s28, $0x80000000  }
.Ltmp13:
0x148: {  	_ = 	snop;
	(pc) =	sbr.rel @p0 .LBB2_17-.Ltmp13, $3  }
0x149: {  	_ =	sdelay $0x1  }
0x14a: {  	v12 =	vmax.f32 v63, v12  }
0x14b: {  	[tilespmem:v10+s17+$0x0] =	vst.idx.msk vm4, v12  }
.LBB2_18:
0x14c: {  	v3 =	vsel vm3, $0x1, v1  }
0x14d: {  	v3 =	vxor.u32 $0x80000001, v3  }
0x14e: {  	(xrf0) =	vmax.scan.msk.u32 $0xffff, v3;
	_ =	sdelay $0x5  }
0x14f: {  	v3, _, _ =	vpop (xrf0)  }
0x150: {  	(v2sf) =	vpush v3, $0xF;
	_ =	sdelay $0xe  }
0x151: {  	s28 =	spop (v2sf)  }
0x152: {  	p0 =	slt.u32 s28, $0x80000001  }
.Ltmp14:
0x153: {  	_ = 	snop;
	(pc) =	sbr.rel @p0 .LBB2_21-.Ltmp14, $1  }
0x154: {  	_ =	sdelay $0x3  }
0x155: {  	s28 =	sor.u32 $0x40, s26  }
0x156: {  	v3 =	vld [tilespmem:s28+$0x16080]  }
0x157: {  	v4 =	vld [tilespmem:s28+$0x19280];
	_ =	sdelay $0x3  }
0x158: {  	v11 =	vimm.s32 $0x1  }
0x159: {  	v5 =	vadd.s32 $0x2710, v3;
	v6 =	vadd.s32 $0x2710, v4;
	v7 =	vadd.s32 $0x4E20, v3  }
0x15a: {  	v8 =	vadd.s32 $0x4E20, v4;
	v9 =	vadd.s32 $0x7530, v3;
	v10 =	vadd.s32 $0x7530, v4  }
.LBB2_20:
0x15b: {  	vm3 =	vne.s32 v11, $0x0;
	_ =	sdelay $0x5  }
0x15c: {  	[tilespmem:v4+s18+$0x0] =	vst.idx.msk vm3, v2  }
0x15d: {  	v12 =	vld.idx.msk [tilespmem:v4+s18+$0x0], $0xffff;
	_ =	sdelay $0x4  }
0x15e: {  	v59 =	vld.idx.msk [tilespmem:v3+s3+$0x0], $0xffff;
	vm4 =	veq.s32 v12, v2  }
0x15f: {  	v13 =	vld.idx.msk [tilespmem:v4+s17+$0x0], $0xffff;
	vm3 =	vmand vm3, vm4;
	v11 =	vsel vm4, $0x0, v11  }
0x160: {  	v60 =	vor.u32 $0x80000000, v11  }
0x161: {  	(xrf0) =	vmax.scan.msk.u32 $0xffff, v60;
	_ =	sdelay $0x2  }
0x162: {  	v12 =	vmax.f32 v13, v59  }
0x163: {  	[tilespmem:v4+s17+$0x0] =	vst.idx.msk vm3, v12  }
0x164: {  	v12 =	vld.idx.msk [tilespmem:v5+s3+$0x0], $0xffff  }
0x165: {  	v61 =	vld.idx.msk [tilespmem:v6+s17+$0x0], $0xffff;
	v14, _, _ =	vpop (xrf0)  }
0x166: {  	(v2sf) =	vpush v14, $0xF;
	_ =	sdelay $0x3  }
0x167: {  	v12 =	vmax.f32 v61, v12  }
0x168: {  	[tilespmem:v6+s17+$0x0] =	vst.idx.msk vm3, v12  }
0x169: {  	v12 =	vld.idx.msk [tilespmem:v7+s3+$0x0], $0xffff  }
0x16a: {  	v62 =	vld.idx.msk [tilespmem:v8+s17+$0x0], $0xffff;
	_ =	sdelay $0x4  }
0x16b: {  	v12 =	vmax.f32 v62, v12  }
0x16c: {  	[tilespmem:v8+s17+$0x0] =	vst.idx.msk vm3, v12  }
0x16d: {  	v12 =	vld.idx.msk [tilespmem:v9+s3+$0x0], $0xffff  }
0x16e: {  	v63 =	vld.idx.msk [tilespmem:v10+s17+$0x0], $0xffff;
	s28 =	spop (v2sf)  }
0x16f: {  	p0 =	sgt.u32 s28, $0x80000000  }
.Ltmp15:
0x170: {  	_ = 	snop;
	(pc) =	sbr.rel @p0 .LBB2_20-.Ltmp15, $3  }
0x171: {  	_ =	sdelay $0x1  }
0x172: {  	v12 =	vmax.f32 v63, v12  }
0x173: {  	[tilespmem:v10+s17+$0x0] =	vst.idx.msk vm3, v12  }
.LBB2_21:
0x174: {  	v3 =	vsel vm2, $0x1, v1  }
0x175: {  	v3 =	vxor.u32 $0x80000001, v3  }
0x176: {  	(xrf0) =	vmax.scan.msk.u32 $0xffff, v3;
	_ =	sdelay $0x5  }
0x177: {  	v3, _, _ =	vpop (xrf0)  }
0x178: {  	(v2sf) =	vpush v3, $0xF;
	_ =	sdelay $0xe  }
0x179: {  	s28 =	spop (v2sf)  }
0x17a: {  	p0 =	slt.u32 s28, $0x80000001  }
.Ltmp16:
0x17b: {  	_ = 	snop;
	(pc) =	sbr.rel @p0 .LBB2_24-.Ltmp16, $1  }
0x17c: {  	_ =	sdelay $0x3  }
0x17d: {  	s28 =	sor.u32 $0x50, s26  }
0x17e: {  	v3 =	vld [tilespmem:s28+$0x16080]  }
0x17f: {  	v4 =	vld [tilespmem:s28+$0x19280];
	_ =	sdelay $0x3  }
0x180: {  	v11 =	vimm.s32 $0x1  }
0x181: {  	v5 =	vadd.s32 $0x2710, v3;
	v6 =	vadd.s32 $0x2710, v4;
	v7 =	vadd.s32 $0x4E20, v3  }
0x182: {  	v8 =	vadd.s32 $0x4E20, v4;
	v9 =	vadd.s32 $0x7530, v3;
	v10 =	vadd.s32 $0x7530, v4  }
.LBB2_23:
0x183: {  	vm2 =	vne.s32 v11, $0x0;
	_ =	sdelay $0x5  }
0x184: {  	[tilespmem:v4+s18+$0x0] =	vst.idx.msk vm2, v2  }
0x185: {  	v12 =	vld.idx.msk [tilespmem:v4+s18+$0x0], $0xffff;
	_ =	sdelay $0x4  }
0x186: {  	v59 =	vld.idx.msk [tilespmem:v3+s3+$0x0], $0xffff;
	vm3 =	veq.s32 v12, v2  }
0x187: {  	v13 =	vld.idx.msk [tilespmem:v4+s17+$0x0], $0xffff;
	vm2 =	vmand vm2, vm3;
	v11 =	vsel vm3, $0x0, v11  }
0x188: {  	v60 =	vor.u32 $0x80000000, v11  }
0x189: {  	(xrf0) =	vmax.scan.msk.u32 $0xffff, v60;
	_ =	sdelay $0x2  }
0x18a: {  	v12 =	vmax.f32 v13, v59  }
0x18b: {  	[tilespmem:v4+s17+$0x0] =	vst.idx.msk vm2, v12  }
0x18c: {  	v12 =	vld.idx.msk [tilespmem:v5+s3+$0x0], $0xffff  }
0x18d: {  	v61 =	vld.idx.msk [tilespmem:v6+s17+$0x0], $0xffff;
	v14, _, _ =	vpop (xrf0)  }
0x18e: {  	(v2sf) =	vpush v14, $0xF;
	_ =	sdelay $0x3  }
0x18f: {  	v12 =	vmax.f32 v61, v12  }
0x190: {  	[tilespmem:v6+s17+$0x0] =	vst.idx.msk vm2, v12  }
0x191: {  	v12 =	vld.idx.msk [tilespmem:v7+s3+$0x0], $0xffff  }
0x192: {  	v62 =	vld.idx.msk [tilespmem:v8+s17+$0x0], $0xffff;
	_ =	sdelay $0x4  }
0x193: {  	v12 =	vmax.f32 v62, v12  }
0x194: {  	[tilespmem:v8+s17+$0x0] =	vst.idx.msk vm2, v12  }
0x195: {  	v12 =	vld.idx.msk [tilespmem:v9+s3+$0x0], $0xffff  }
0x196: {  	v63 =	vld.idx.msk [tilespmem:v10+s17+$0x0], $0xffff;
	s28 =	spop (v2sf)  }
0x197: {  	p0 =	sgt.u32 s28, $0x80000000  }
.Ltmp17:
0x198: {  	_ = 	snop;
	(pc) =	sbr.rel @p0 .LBB2_23-.Ltmp17, $3  }
0x199: {  	_ =	sdelay $0x1  }
0x19a: {  	v12 =	vmax.f32 v63, v12  }
0x19b: {  	[tilespmem:v10+s17+$0x0] =	vst.idx.msk vm2, v12  }
.LBB2_24:
0x19c: {  	v3 =	vsel vm1, $0x1, v1  }
0x19d: {  	v3 =	vxor.u32 $0x80000001, v3  }
0x19e: {  	(xrf0) =	vmax.scan.msk.u32 $0xffff, v3;
	_ =	sdelay $0x5  }
0x19f: {  	v3, _, _ =	vpop (xrf0)  }
0x1a0: {  	(v2sf) =	vpush v3, $0xF;
	_ =	sdelay $0xe  }
0x1a1: {  	s28 =	spop (v2sf)  }
0x1a2: {  	p0 =	slt.u32 s28, $0x80000001  }
.Ltmp18:
0x1a3: {  	_ = 	snop;
	(pc) =	sbr.rel @p0 .LBB2_27-.Ltmp18, $1  }
0x1a4: {  	_ =	sdelay $0x3  }
0x1a5: {  	s28 =	sor.u32 $0x60, s26  }
0x1a6: {  	v3 =	vld [tilespmem:s28+$0x16080]  }
0x1a7: {  	v4 =	vld [tilespmem:s28+$0x19280];
	_ =	sdelay $0x3  }
0x1a8: {  	v11 =	vimm.s32 $0x1  }
0x1a9: {  	v5 =	vadd.s32 $0x2710, v3;
	v6 =	vadd.s32 $0x2710, v4;
	v7 =	vadd.s32 $0x4E20, v3  }
0x1aa: {  	v8 =	vadd.s32 $0x4E20, v4;
	v9 =	vadd.s32 $0x7530, v3;
	v10 =	vadd.s32 $0x7530, v4  }
.LBB2_26:
0x1ab: {  	vm1 =	vne.s32 v11, $0x0;
	_ =	sdelay $0x5  }
0x1ac: {  	[tilespmem:v4+s18+$0x0] =	vst.idx.msk vm1, v2  }
0x1ad: {  	v12 =	vld.idx.msk [tilespmem:v4+s18+$0x0], $0xffff;
	_ =	sdelay $0x4  }
0x1ae: {  	v59 =	vld.idx.msk [tilespmem:v3+s3+$0x0], $0xffff;
	vm2 =	veq.s32 v12, v2  }
0x1af: {  	v13 =	vld.idx.msk [tilespmem:v4+s17+$0x0], $0xffff;
	vm1 =	vmand vm1, vm2;
	v11 =	vsel vm2, $0x0, v11  }
0x1b0: {  	v60 =	vor.u32 $0x80000000, v11  }
0x1b1: {  	(xrf0) =	vmax.scan.msk.u32 $0xffff, v60;
	_ =	sdelay $0x2  }
0x1b2: {  	v12 =	vmax.f32 v13, v59  }
0x1b3: {  	[tilespmem:v4+s17+$0x0] =	vst.idx.msk vm1, v12  }
0x1b4: {  	v12 =	vld.idx.msk [tilespmem:v5+s3+$0x0], $0xffff  }
0x1b5: {  	v61 =	vld.idx.msk [tilespmem:v6+s17+$0x0], $0xffff;
	v14, _, _ =	vpop (xrf0)  }
0x1b6: {  	(v2sf) =	vpush v14, $0xF;
	_ =	sdelay $0x3  }
0x1b7: {  	v12 =	vmax.f32 v61, v12  }
0x1b8: {  	[tilespmem:v6+s17+$0x0] =	vst.idx.msk vm1, v12  }
0x1b9: {  	v12 =	vld.idx.msk [tilespmem:v7+s3+$0x0], $0xffff  }
0x1ba: {  	v62 =	vld.idx.msk [tilespmem:v8+s17+$0x0], $0xffff;
	_ =	sdelay $0x4  }
0x1bb: {  	v12 =	vmax.f32 v62, v12  }
0x1bc: {  	[tilespmem:v8+s17+$0x0] =	vst.idx.msk vm1, v12  }
0x1bd: {  	v12 =	vld.idx.msk [tilespmem:v9+s3+$0x0], $0xffff  }
0x1be: {  	v63 =	vld.idx.msk [tilespmem:v10+s17+$0x0], $0xffff;
	s28 =	spop (v2sf)  }
0x1bf: {  	p0 =	sgt.u32 s28, $0x80000000  }
.Ltmp19:
0x1c0: {  	_ = 	snop;
	(pc) =	sbr.rel @p0 .LBB2_26-.Ltmp19, $3  }
0x1c1: {  	_ =	sdelay $0x1  }
0x1c2: {  	v12 =	vmax.f32 v63, v12  }
0x1c3: {  	[tilespmem:v10+s17+$0x0] =	vst.idx.msk vm1, v12  }
.LBB2_27:
0x1c4: {  	v3 =	vsel vm0, $0x1, v1  }
0x1c5: {  	v3 =	vxor.u32 $0x80000001, v3  }
0x1c6: {  	(xrf0) =	vmax.scan.msk.u32 $0xffff, v3;
	_ =	sdelay $0x5  }
0x1c7: {  	v3, _, _ =	vpop (xrf0)  }
0x1c8: {  	(v2sf) =	vpush v3, $0xF;
	_ =	sdelay $0xe  }
0x1c9: {  	s28 =	spop (v2sf)  }
0x1ca: {  	p0 =	slt.u32 s28, $0x80000001  }
.Ltmp20:
0x1cb: {  	_ = 	snop;
	(pc) =	sbr.rel @p0 .LBB2_30-.Ltmp20, $1  }
0x1cc: {  	_ =	sdelay $0x3  }
0x1cd: {  	s26 =	sor.u32 $0x70, s26  }
0x1ce: {  	v3 =	vld [tilespmem:s26+$0x16080]  }
0x1cf: {  	v4 =	vld [tilespmem:s26+$0x19280];
	_ =	sdelay $0x3  }
0x1d0: {  	v11 =	vimm.s32 $0x1  }
0x1d1: {  	v5 =	vadd.s32 $0x2710, v3;
	v6 =	vadd.s32 $0x2710, v4;
	v7 =	vadd.s32 $0x4E20, v3  }
0x1d2: {  	v8 =	vadd.s32 $0x4E20, v4;
	v9 =	vadd.s32 $0x7530, v3;
	v10 =	vadd.s32 $0x7530, v4  }
.LBB2_29:
0x1d3: {  	vm0 =	vne.s32 v11, $0x0;
	_ =	sdelay $0x5  }
0x1d4: {  	[tilespmem:v4+s18+$0x0] =	vst.idx.msk vm0, v2  }
0x1d5: {  	v12 =	vld.idx.msk [tilespmem:v4+s18+$0x0], $0xffff;
	_ =	sdelay $0x4  }
0x1d6: {  	v59 =	vld.idx.msk [tilespmem:v3+s3+$0x0], $0xffff;
	vm1 =	veq.s32 v12, v2  }
0x1d7: {  	v13 =	vld.idx.msk [tilespmem:v4+s17+$0x0], $0xffff;
	vm0 =	vmand vm0, vm1;
	v11 =	vsel vm1, $0x0, v11  }
0x1d8: {  	v60 =	vor.u32 $0x80000000, v11  }
0x1d9: {  	(xrf0) =	vmax.scan.msk.u32 $0xffff, v60;
	_ =	sdelay $0x2  }
0x1da: {  	v12 =	vmax.f32 v13, v59  }
0x1db: {  	[tilespmem:v4+s17+$0x0] =	vst.idx.msk vm0, v12  }
0x1dc: {  	v12 =	vld.idx.msk [tilespmem:v5+s3+$0x0], $0xffff  }
0x1dd: {  	v61 =	vld.idx.msk [tilespmem:v6+s17+$0x0], $0xffff;
	v14, _, _ =	vpop (xrf0)  }
0x1de: {  	(v2sf) =	vpush v14, $0xF;
	_ =	sdelay $0x3  }
0x1df: {  	v12 =	vmax.f32 v61, v12  }
0x1e0: {  	[tilespmem:v6+s17+$0x0] =	vst.idx.msk vm0, v12  }
0x1e1: {  	v12 =	vld.idx.msk [tilespmem:v7+s3+$0x0], $0xffff  }
0x1e2: {  	v62 =	vld.idx.msk [tilespmem:v8+s17+$0x0], $0xffff;
	_ =	sdelay $0x4  }
0x1e3: {  	v12 =	vmax.f32 v62, v12  }
0x1e4: {  	[tilespmem:v8+s17+$0x0] =	vst.idx.msk vm0, v12  }
0x1e5: {  	v12 =	vld.idx.msk [tilespmem:v9+s3+$0x0], $0xffff  }
0x1e6: {  	v63 =	vld.idx.msk [tilespmem:v10+s17+$0x0], $0xffff;
	s26 =	spop (v2sf)  }
0x1e7: {  	p0 =	sgt.u32 s26, $0x80000000  }
.Ltmp21:
0x1e8: {  	_ = 	snop;
	(pc) =	sbr.rel @p0 .LBB2_29-.Ltmp21, $3  }
0x1e9: {  	_ =	sdelay $0x1  }
0x1ea: {  	v12 =	vmax.f32 v63, v12  }
0x1eb: {  	[tilespmem:v10+s17+$0x0] =	vst.idx.msk vm0, v12  }
.Ltmp22:
0x1ec: {  	_ = 	snop;
	(pc) =	sbr.rel .LBB2_30-.Ltmp22, $1  }
0x1ed: {  	_ =	sdelay $0x3  }
.LBB2_31:
0x1ee: {  	p0 =	seq.s32 s23, $0x18  }
0x1ef: {  	s24 =	sshrl.u32 @!p0 s24, $0x3  }
0x1f0: {  	s24 =	sadd.s32 @!p0 $0x640, s24  }
0x1f1: {  	s26 =	simm.s32 @!p0 $0x0;
	s28 =	simm.s32 @!p0 $0x16080;
	s25 =	sadd.s32 @!p0 s4, s24  }
0x1f2: {  	[tilespmem:s28], [sflag:$0x1] =	stream.linear.gather @!p0 [hbm4b:s25+s26], $0x1900, $0x38;
	[tilespmem:$0x1C480] =	vst v63  }
0x1f3: {  	s24 =	sadd.s32 @!p0 s1, s24;
	s25 =	simm.s32 @!p0 $0x19280  }
0x1f4: {  	[tilespmem:s25], [sflag:$0x3] =	stream.linear.gather @!p0 [hbm4b:s24+s26], $0x1900, $0x38;
	[tilespmem:$0x1C480] =	vst v63  }
0x1f5: {  	_ =	swait.ge [sflag:s19], $0x1900  }
.Ltmp23:
0x1f6: {  	[sflag:s19] =	ssyncset.done $0x0;
	(pc) =	sbr.rel .LBB2_32-.Ltmp23, $4  }
0x1f7: {  	[sflag:s19] =	ssyncadd.s32 $0xFFFFE700  }
0x1f8: {  	_ =	swait.ge [sflag:s20], $0x1900  }
0x1f9: {  	[sflag:s20] =	ssyncset.done $0x0  }
0x1fa: {  	s24 =	simm.s32 $0x0;
	[sflag:s20] =	ssyncadd.s32 $0xFFFFE700  }
.LBB2_57:
0x1fb: {  	s24 =	sadd.s32 $0x1, s24  }
0x1fc: {  	p0 =	sne.s32 s24, $0x32  }
.Ltmp24:
0x1fd: {  	_ = 	snop;
	(pc) =	sbr.rel @!p0 .LBB2_58-.Ltmp24, $1  }
0x1fe: {  	_ =	sdelay $0x3  }
.LBB2_32:
0x1ff: {  	s25 =	sshll.u32 s24, $0x7  }
0x200: {  	v3 =	vld [tilespmem:s25+$0x17980]  }
0x201: {  	v8 =	vld [tilespmem:s25+$0x1AB80]  }
0x202: {  	v9 =	vld [tilespmem:s25+$0x17990]  }
0x203: {  	v10 =	vld [tilespmem:s25+$0x1AB90]  }
0x204: {  	v11 =	vld [tilespmem:s25+$0x179A0]  }
0x205: {  	v12 =	vld [tilespmem:s25+$0x1ABA0]  }
0x206: {  	v13 =	vld [tilespmem:s25+$0x179B0]  }
0x207: {  	v14 =	vld [tilespmem:s25+$0x1ABB0]  }
0x208: {  	v15 =	vld [tilespmem:s25+$0x179C0]  }
0x209: {  	v16 =	vld [tilespmem:s25+$0x1ABC0]  }
0x20a: {  	v17 =	vld [tilespmem:s25+$0x179D0];
	v5 =	vadd.s32 $0x2710, v3  }
0x20b: {  	v7 =	vld [tilespmem:s25+$0x1ABD0];
	v18 =	vadd.s32 $0x4E20, v3  }
0x20c: {  	v6 =	vld [tilespmem:s25+$0x179E0];
	v19 =	vadd.s32 $0x7530, v3  }
0x20d: {  	v21 =	vadd.s32 $0x2710, v8;
	v20 =	vld.idx.msk [tilespmem:v3+s3+$0x0], $0xffff  }
0x20e: {  	v23 =	vadd.s32 $0x4E20, v8;
	v25 =	vld.idx.msk [tilespmem:v8+s17+$0x0], $0xffff  }
0x20f: {  	v24 =	vadd.s32 $0x7530, v8;
	v22 =	vld.idx.msk [tilespmem:v5+s3+$0x0], $0xffff  }
0x210: {  	v18 =	vld.idx.msk [tilespmem:v18+s3+$0x0], $0xffff  }
0x211: {  	v19 =	vld.idx.msk [tilespmem:v19+s3+$0x0], $0xffff  }
0x212: {  	v26 =	vld.idx.msk [tilespmem:v21+s17+$0x0], $0xffff  }
0x213: {  	v27 =	vld.idx.msk [tilespmem:v23+s17+$0x0], $0xffff  }
0x214: {  	v28 =	vld.idx.msk [tilespmem:v24+s17+$0x0], $0xffff  }
0x215: {  	v4 =	vld [tilespmem:s25+$0x1ABE0]  }
0x216: {  	v3 =	vld [tilespmem:s25+$0x1ABF0];
	v20 =	vmax.f32 v25, v20  }
0x217: {  	v54 =	vadd.s32 $0x2710, v9;
	v5 =	vld [tilespmem:s25+$0x179F0];
	[tilespmem:v8+s17+$0x0] =	vst.idx.msk $0xffff, v20;
	v53 =	vmax.f32 v26, v22  }
0x218: {  	v55 =	vadd.s32 $0x4E20, v9;
	v18 =	vmax.f32 v27, v18;
	[tilespmem:v21+s17+$0x0] =	vst.idx.msk $0xffff, v53  }
0x219: {  	v57 =	vadd.s32 $0x7530, v9;
	v56 =	vmax.f32 v28, v19;
	[tilespmem:v23+s17+$0x0] =	vst.idx.msk $0xffff, v18  }
0x21a: {  	[tilespmem:v24+s17+$0x0] =	vst.idx.msk $0xffff, v56  }
0x21b: {  	v58 =	vadd.s32 $0x2710, v10;
	v9 =	vld.idx.msk [tilespmem:v9+s3+$0x0], $0xffff  }
0x21c: {  	v59 =	vadd.s32 $0x4E20, v10;
	v21 =	vld.idx.msk [tilespmem:v54+s3+$0x0], $0xffff  }
0x21d: {  	v60 =	vadd.s32 $0x7530, v10;
	v20 =	vld.idx.msk [tilespmem:v55+s3+$0x0], $0xffff  }
0x21e: {  	v19 =	vld.idx.msk [tilespmem:v57+s3+$0x0], $0xffff  }
0x21f: {  	v24 =	vld.idx.msk [tilespmem:v10+s17+$0x0], $0xffff  }
0x220: {  	v61 =	vld.idx.msk [tilespmem:v58+s17+$0x0], $0xffff  }
0x221: {  	v62 =	vld.idx.msk [tilespmem:v59+s17+$0x0], $0xffff  }
0x222: {  	v63 =	vld.idx.msk [tilespmem:v60+s17+$0x0], $0xffff;
	_ =	sdelay $0x1  }
0x223: {  	v9 =	vmax.f32 v24, v9  }
0x224: {  	v25 =	vadd.s32 $0x2710, v11;
	v24 =	vmax.f32 v61, v21;
	[tilespmem:v10+s17+$0x0] =	vst.idx.msk $0xffff, v9  }
0x225: {  	v28 =	vadd.s32 $0x4E20, v11;
	v26 =	vmax.f32 v62, v20;
	[tilespmem:v58+s17+$0x0] =	vst.idx.msk $0xffff, v24  }
0x226: {  	v30 =	vadd.s32 $0x7530, v11;
	v29 =	vmax.f32 v63, v19;
	[tilespmem:v59+s17+$0x0] =	vst.idx.msk $0xffff, v26  }
0x227: {  	[tilespmem:v60+s17+$0x0] =	vst.idx.msk $0xffff, v29  }
0x228: {  	v31 =	vadd.s32 $0x2710, v12;
	v9 =	vld.idx.msk [tilespmem:v11+s3+$0x0], $0xffff  }
0x229: {  	v33 =	vadd.s32 $0x4E20, v12;
	v32 =	vld.idx.msk [tilespmem:v25+s3+$0x0], $0xffff  }
0x22a: {  	v34 =	vadd.s32 $0x7530, v12;
	v18 =	vld.idx.msk [tilespmem:v28+s3+$0x0], $0xffff  }
0x22b: {  	v19 =	vld.idx.msk [tilespmem:v30+s3+$0x0], $0xffff  }
0x22c: {  	v23 =	vld.idx.msk [tilespmem:v12+s17+$0x0], $0xffff  }
0x22d: {  	v35 =	vld.idx.msk [tilespmem:v31+s17+$0x0], $0xffff  }
0x22e: {  	v36 =	vld.idx.msk [tilespmem:v33+s17+$0x0], $0xffff  }
0x22f: {  	v37 =	vld.idx.msk [tilespmem:v34+s17+$0x0], $0xffff;
	_ =	sdelay $0x1  }
0x230: {  	v9 =	vmax.f32 v23, v9  }
0x231: {  	v39 =	vadd.s32 $0x2710, v13;
	v38 =	vmax.f32 v35, v32;
	[tilespmem:v12+s17+$0x0] =	vst.idx.msk $0xffff, v9  }
0x232: {  	v41 =	vadd.s32 $0x4E20, v13;
	v40 =	vmax.f32 v36, v18;
	[tilespmem:v31+s17+$0x0] =	vst.idx.msk $0xffff, v38  }
0x233: {  	v43 =	vadd.s32 $0x7530, v13;
	v42 =	vmax.f32 v37, v19;
	[tilespmem:v33+s17+$0x0] =	vst.idx.msk $0xffff, v40  }
0x234: {  	[tilespmem:v34+s17+$0x0] =	vst.idx.msk $0xffff, v42  }
0x235: {  	v44 =	vadd.s32 $0x2710, v14;
	v9 =	vld.idx.msk [tilespmem:v13+s3+$0x0], $0xffff  }
0x236: {  	v46 =	vadd.s32 $0x4E20, v14;
	v45 =	vld.idx.msk [tilespmem:v39+s3+$0x0], $0xffff  }
0x237: {  	v47 =	vadd.s32 $0x7530, v14;
	v11 =	vld.idx.msk [tilespmem:v41+s3+$0x0], $0xffff  }
0x238: {  	v18 =	vld.idx.msk [tilespmem:v43+s3+$0x0], $0xffff  }
0x239: {  	v22 =	vld.idx.msk [tilespmem:v14+s17+$0x0], $0xffff  }
0x23a: {  	v48 =	vld.idx.msk [tilespmem:v44+s17+$0x0], $0xffff  }
0x23b: {  	v49 =	vld.idx.msk [tilespmem:v46+s17+$0x0], $0xffff  }
0x23c: {  	v50 =	vld.idx.msk [tilespmem:v47+s17+$0x0], $0xffff;
	_ =	sdelay $0x1  }
0x23d: {  	v9 =	vmax.f32 v22, v9  }
0x23e: {  	v52 =	vadd.s32 $0x2710, v15;
	v51 =	vmax.f32 v48, v45;
	[tilespmem:v14+s17+$0x0] =	vst.idx.msk $0xffff, v9  }
0x23f: {  	v54 =	vadd.s32 $0x4E20, v15;
	v53 =	vmax.f32 v49, v11;
	[tilespmem:v44+s17+$0x0] =	vst.idx.msk $0xffff, v51  }
0x240: {  	v56 =	vadd.s32 $0x7530, v15;
	v55 =	vmax.f32 v50, v18;
	[tilespmem:v46+s17+$0x0] =	vst.idx.msk $0xffff, v53  }
0x241: {  	[tilespmem:v47+s17+$0x0] =	vst.idx.msk $0xffff, v55  }
0x242: {  	v57 =	vadd.s32 $0x2710, v16;
	v9 =	vld.idx.msk [tilespmem:v15+s3+$0x0], $0xffff  }
0x243: {  	v59 =	vadd.s32 $0x4E20, v16;
	v58 =	vld.idx.msk [tilespmem:v52+s3+$0x0], $0xffff  }
0x244: {  	v60 =	vadd.s32 $0x7530, v16;
	v11 =	vld.idx.msk [tilespmem:v54+s3+$0x0], $0xffff  }
0x245: {  	v13 =	vld.idx.msk [tilespmem:v56+s3+$0x0], $0xffff  }
0x246: {  	v21 =	vld.idx.msk [tilespmem:v16+s17+$0x0], $0xffff  }
0x247: {  	v61 =	vld.idx.msk [tilespmem:v57+s17+$0x0], $0xffff  }
0x248: {  	v62 =	vld.idx.msk [tilespmem:v59+s17+$0x0], $0xffff  }
0x249: {  	(xrf1) =	vunique.msk.u32 $0xffff, v8;
	v63 =	vld.idx.msk [tilespmem:v60+s17+$0x0], $0xffff  }
0x24a: {  	(xrf1) =	vunique.msk.u32 $0xffff, v10  }
0x24b: {  	(xrf1) =	vunique.msk.u32 $0xffff, v12;
	v9 =	vmax.f32 v21, v9  }
0x24c: {  	(xrf1) =	vunique.msk.u32 $0xffff, v14;
	v22 =	vadd.s32 $0x2710, v17;
	v21 =	vmax.f32 v61, v58;
	[tilespmem:v16+s17+$0x0] =	vst.idx.msk $0xffff, v9  }
0x24d: {  	(xrf1) =	vunique.msk.u32 $0xffff, v16;
	v26 =	vadd.s32 $0x4E20, v17;
	v25 =	vmax.f32 v62, v11;
	[tilespmem:v57+s17+$0x0] =	vst.idx.msk $0xffff, v21  }
0x24e: {  	(xrf1) =	vunique.msk.u32 $0xffff, v7;
	v28 =	vadd.s32 $0x7530, v17;
	v27 =	vmax.f32 v63, v13;
	[tilespmem:v59+s17+$0x0] =	vst.idx.msk $0xffff, v25  }
0x24f: {  	(xrf1) =	vunique.msk.u32 $0xffff, v4;
	[tilespmem:v60+s17+$0x0] =	vst.idx.msk $0xffff, v27  }
0x250: {  	(xrf1) =	vunique.msk.u32 $0xffff, v3;
	v29 =	vadd.s32 $0x2710, v7;
	v8 =	vld.idx.msk [tilespmem:v17+s3+$0x0], $0xffff  }
0x251: {  	v31 =	vadd.s32 $0x4E20, v7;
	v30 =	vld.idx.msk [tilespmem:v22+s3+$0x0], $0xffff  }
0x252: {  	v32 =	vadd.s32 $0x7530, v7;
	v9 =	vld.idx.msk [tilespmem:v26+s3+$0x0], $0xffff  }
0x253: {  	v10 =	vld.idx.msk [tilespmem:v28+s3+$0x0], $0xffff  }
0x254: {  	v15 =	vld.idx.msk [tilespmem:v7+s17+$0x0], $0xffff  }
0x255: {  	v33 =	vld.idx.msk [tilespmem:v29+s17+$0x0], $0xffff  }
0x256: {  	v34 =	vld.idx.msk [tilespmem:v31+s17+$0x0], $0xffff  }
0x257: {  	_, v38, vm7 =	vpop (xrf1);
	v35 =	vld.idx.msk [tilespmem:v32+s17+$0x0], $0xffff  }
0x258: {  	_, v41, vm6 =	vpop (xrf1)  }
0x259: {  	_, v44, vm5 =	vpop (xrf1);
	v8 =	vmax.f32 v15, v8  }
0x25a: {  	v37 =	vadd.s32 $0x2710, v6;
	_, v45, vm4 =	vpop (xrf1);
	vm0 =	vmand vm6, vm5;
	v36 =	vmax.f32 v33, v30;
	[tilespmem:v7+s17+$0x0] =	vst.idx.msk $0xffff, v8  }
0x25b: {  	v40 =	vadd.s32 $0x4E20, v6;
	_, v46, vm3 =	vpop (xrf1);
	vm0 =	vmand vm0, vm4;
	v39 =	vmax.f32 v34, v9;
	[tilespmem:v29+s17+$0x0] =	vst.idx.msk $0xffff, v36  }
0x25c: {  	v43 =	vadd.s32 $0x7530, v6;
	_, v47, vm2 =	vpop (xrf1);
	vm0 =	vmand vm0, vm3;
	v42 =	vmax.f32 v35, v10;
	[tilespmem:v31+s17+$0x0] =	vst.idx.msk $0xffff, v39  }
0x25d: {  	_, v48, vm1 =	vpop (xrf1);
	vm8 =	vmand vm0, vm2;
	[tilespmem:v32+s17+$0x0] =	vst.idx.msk $0xffff, v42  }
0x25e: {  	_, v49, vm0 =	vpop (xrf1);
	vm8 =	vmand vm8, vm1;
	v7 =	vadd.s32 $0x2710, v4;
	v6 =	vld.idx.msk [tilespmem:v6+s3+$0x0], $0xffff  }
0x25f: {  	vm8 =	vmand vm8, vm0;
	v11 =	vadd.s32 $0x4E20, v4;
	v8 =	vld.idx.msk [tilespmem:v37+s3+$0x0], $0xffff  }
0x260: {  	v12 =	vadd.s32 $0x7530, v4;
	vm7 =	vmneg vm7;
	vm8 =	vmneg vm8;
	v9 =	vld.idx.msk [tilespmem:v40+s3+$0x0], $0xffff  }
0x261: {  	vm8 =	vmor vm7, vm8;
	v10 =	vld.idx.msk [tilespmem:v43+s3+$0x0], $0xffff  }
0x262: {  	v52 =	vmpcnt.ones.xlane vm8;
	v13 =	vld.idx.msk [tilespmem:v4+s17+$0x0], $0xffff  }
0x263: {  	v14 =	vld.idx.msk [tilespmem:v7+s17+$0x0], $0xffff  }
0x264: {  	(v2sf) =	vpush v52, $0x0;
	v50 =	vld.idx.msk [tilespmem:v11+s17+$0x0], $0xffff  }
0x265: {  	v51 =	vld.idx.msk [tilespmem:v12+s17+$0x0], $0xffff;
	_ =	sdelay $0x1  }
0x266: {  	v6 =	vmax.f32 v13, v6  }
0x267: {  	v54 =	vadd.s32 $0x2710, v5;
	[tilespmem:v4+s17+$0x0] =	vst.idx.msk $0xffff, v6;
	v53 =	vmax.f32 v14, v8  }
0x268: {  	v56 =	vadd.s32 $0x4E20, v5;
	v55 =	vmax.f32 v50, v9;
	[tilespmem:v7+s17+$0x0] =	vst.idx.msk $0xffff, v53  }
0x269: {  	v58 =	vadd.s32 $0x7530, v5;
	v57 =	vmax.f32 v51, v10;
	[tilespmem:v11+s17+$0x0] =	vst.idx.msk $0xffff, v55  }
0x26a: {  	[tilespmem:v12+s17+$0x0] =	vst.idx.msk $0xffff, v57  }
0x26b: {  	v59 =	vadd.s32 $0x2710, v3;
	v4 =	vld.idx.msk [tilespmem:v5+s3+$0x0], $0xffff  }
0x26c: {  	v60 =	vadd.s32 $0x4E20, v3;
	v6 =	vld.idx.msk [tilespmem:v54+s3+$0x0], $0xffff  }
0x26d: {  	v61 =	vadd.s32 $0x7530, v3;
	v7 =	vld.idx.msk [tilespmem:v56+s3+$0x0], $0xffff  }
0x26e: {  	v8 =	vld.idx.msk [tilespmem:v58+s3+$0x0], $0xffff  }
0x26f: {  	v11 =	vld.idx.msk [tilespmem:v3+s17+$0x0], $0xffff  }
0x270: {  	v12 =	vld.idx.msk [tilespmem:v59+s17+$0x0], $0xffff  }
0x271: {  	v62 =	vld.idx.msk [tilespmem:v60+s17+$0x0], $0xffff  }
0x272: {  	s26 =	spop (v2sf);
	v63 =	vld.idx.msk [tilespmem:v61+s17+$0x0], $0xffff  }
0x273: {  	p0 =	slt.s32 s26, $0x1  }
.Ltmp25:
0x274: {  	v4 =	vmax.f32 v11, v4;
	(pc) =	sbr.rel @p0 .LBB2_57-.Ltmp25, $4  }
0x275: {  	[tilespmem:v3+s17+$0x0] =	vst.idx.msk $0xffff, v4;
	v3 =	vmax.f32 v12, v6  }
0x276: {  	[tilespmem:v59+s17+$0x0] =	vst.idx.msk $0xffff, v3;
	v3 =	vmax.f32 v62, v7  }
0x277: {  	[tilespmem:v60+s17+$0x0] =	vst.idx.msk $0xffff, v3;
	v3 =	vmax.f32 v63, v8  }
0x278: {  	[tilespmem:v61+s17+$0x0] =	vst.idx.msk $0xffff, v3  }
0x279: {  	v3 =	vsel vm7, $0x1, v1  }
0x27a: {  	v3 =	vor.u32 $0x80000000, v3  }
0x27b: {  	(xrf0) =	vmax.scan.msk.u32 $0xffff, v3;
	_ =	sdelay $0x5  }
0x27c: {  	v3, _, _ =	vpop (xrf0)  }
0x27d: {  	(v2sf) =	vpush v3, $0xF;
	_ =	sdelay $0xe  }
0x27e: {  	s26 =	spop (v2sf)  }
0x27f: {  	p0 =	slt.u32 s26, $0x80000001  }
.Ltmp26:
0x280: {  	_ = 	snop;
	(pc) =	sbr.rel @p0 .LBB2_36-.Ltmp26, $1  }
0x281: {  	_ =	sdelay $0x3  }
0x282: {  	v3 =	vld [tilespmem:s25+$0x17980]  }
0x283: {  	v4 =	vld [tilespmem:s25+$0x1AB80];
	_ =	sdelay $0x3  }
0x284: {  	v11 =	vimm.s32 $0x1  }
0x285: {  	v5 =	vadd.s32 $0x2710, v3;
	v6 =	vadd.s32 $0x2710, v4;
	v7 =	vadd.s32 $0x4E20, v3  }
0x286: {  	v8 =	vadd.s32 $0x4E20, v4;
	v9 =	vadd.s32 $0x7530, v3;
	v10 =	vadd.s32 $0x7530, v4  }
.LBB2_35:
0x287: {  	vm7 =	vne.s32 v11, $0x0;
	_ =	sdelay $0x5  }
0x288: {  	[tilespmem:v4+s18+$0x0] =	vst.idx.msk vm7, v2  }
0x289: {  	v12 =	vld.idx.msk [tilespmem:v4+s18+$0x0], $0xffff;
	_ =	sdelay $0x4  }
0x28a: {  	v59 =	vld.idx.msk [tilespmem:v3+s3+$0x0], $0xffff;
	vm8 =	veq.s32 v12, v2  }
0x28b: {  	v13 =	vld.idx.msk [tilespmem:v4+s17+$0x0], $0xffff;
	vm7 =	vmand vm7, vm8;
	v11 =	vsel vm8, $0x0, v11  }
0x28c: {  	v60 =	vor.u32 $0x80000000, v11  }
0x28d: {  	(xrf0) =	vmax.scan.msk.u32 $0xffff, v60;
	_ =	sdelay $0x2  }
0x28e: {  	v12 =	vmax.f32 v13, v59  }
0x28f: {  	[tilespmem:v4+s17+$0x0] =	vst.idx.msk vm7, v12  }
0x290: {  	v12 =	vld.idx.msk [tilespmem:v5+s3+$0x0], $0xffff  }
0x291: {  	v61 =	vld.idx.msk [tilespmem:v6+s17+$0x0], $0xffff;
	v14, _, _ =	vpop (xrf0)  }
0x292: {  	(v2sf) =	vpush v14, $0xF;
	_ =	sdelay $0x3  }
0x293: {  	v12 =	vmax.f32 v61, v12  }
0x294: {  	[tilespmem:v6+s17+$0x0] =	vst.idx.msk vm7, v12  }
0x295: {  	v12 =	vld.idx.msk [tilespmem:v7+s3+$0x0], $0xffff  }
0x296: {  	v62 =	vld.idx.msk [tilespmem:v8+s17+$0x0], $0xffff;
	_ =	sdelay $0x4  }
0x297: {  	v12 =	vmax.f32 v62, v12  }
0x298: {  	[tilespmem:v8+s17+$0x0] =	vst.idx.msk vm7, v12  }
0x299: {  	v12 =	vld.idx.msk [tilespmem:v9+s3+$0x0], $0xffff  }
0x29a: {  	v63 =	vld.idx.msk [tilespmem:v10+s17+$0x0], $0xffff;
	s26 =	spop (v2sf)  }
0x29b: {  	p0 =	sgt.u32 s26, $0x80000000  }
.Ltmp27:
0x29c: {  	_ = 	snop;
	(pc) =	sbr.rel @p0 .LBB2_35-.Ltmp27, $3  }
0x29d: {  	_ =	sdelay $0x1  }
0x29e: {  	v12 =	vmax.f32 v63, v12  }
0x29f: {  	[tilespmem:v10+s17+$0x0] =	vst.idx.msk vm7, v12  }
.LBB2_36:
0x2a0: {  	v3 =	vsel vm6, $0x1, v1  }
0x2a1: {  	v3 =	vxor.u32 $0x80000001, v3  }
0x2a2: {  	(xrf0) =	vmax.scan.msk.u32 $0xffff, v3;
	_ =	sdelay $0x5  }
0x2a3: {  	v3, _, _ =	vpop (xrf0)  }
0x2a4: {  	(v2sf) =	vpush v3, $0xF;
	_ =	sdelay $0xe  }
0x2a5: {  	s26 =	spop (v2sf)  }
0x2a6: {  	p0 =	slt.u32 s26, $0x80000001  }
.Ltmp28:
0x2a7: {  	_ = 	snop;
	(pc) =	sbr.rel @p0 .LBB2_39-.Ltmp28, $1  }
0x2a8: {  	_ =	sdelay $0x3  }
0x2a9: {  	s26 =	sor.u32 $0x10, s25  }
0x2aa: {  	v3 =	vld [tilespmem:s26+$0x17980]  }
0x2ab: {  	v4 =	vld [tilespmem:s26+$0x1AB80];
	_ =	sdelay $0x3  }
0x2ac: {  	v11 =	vimm.s32 $0x1  }
0x2ad: {  	v5 =	vadd.s32 $0x2710, v3;
	v6 =	vadd.s32 $0x2710, v4;
	v7 =	vadd.s32 $0x4E20, v3  }
0x2ae: {  	v8 =	vadd.s32 $0x4E20, v4;
	v9 =	vadd.s32 $0x7530, v3;
	v10 =	vadd.s32 $0x7530, v4  }
.LBB2_38:
0x2af: {  	vm6 =	vne.s32 v11, $0x0;
	_ =	sdelay $0x5  }
0x2b0: {  	[tilespmem:v4+s18+$0x0] =	vst.idx.msk vm6, v2  }
0x2b1: {  	v12 =	vld.idx.msk [tilespmem:v4+s18+$0x0], $0xffff;
	_ =	sdelay $0x4  }
0x2b2: {  	v59 =	vld.idx.msk [tilespmem:v3+s3+$0x0], $0xffff;
	vm7 =	veq.s32 v12, v2  }
0x2b3: {  	v13 =	vld.idx.msk [tilespmem:v4+s17+$0x0], $0xffff;
	vm6 =	vmand vm6, vm7;
	v11 =	vsel vm7, $0x0, v11  }
0x2b4: {  	v60 =	vor.u32 $0x80000000, v11  }
0x2b5: {  	(xrf0) =	vmax.scan.msk.u32 $0xffff, v60;
	_ =	sdelay $0x2  }
0x2b6: {  	v12 =	vmax.f32 v13, v59  }
0x2b7: {  	[tilespmem:v4+s17+$0x0] =	vst.idx.msk vm6, v12  }
0x2b8: {  	v12 =	vld.idx.msk [tilespmem:v5+s3+$0x0], $0xffff  }
0x2b9: {  	v61 =	vld.idx.msk [tilespmem:v6+s17+$0x0], $0xffff;
	v14, _, _ =	vpop (xrf0)  }
0x2ba: {  	(v2sf) =	vpush v14, $0xF;
	_ =	sdelay $0x3  }
0x2bb: {  	v12 =	vmax.f32 v61, v12  }
0x2bc: {  	[tilespmem:v6+s17+$0x0] =	vst.idx.msk vm6, v12  }
0x2bd: {  	v12 =	vld.idx.msk [tilespmem:v7+s3+$0x0], $0xffff  }
0x2be: {  	v62 =	vld.idx.msk [tilespmem:v8+s17+$0x0], $0xffff;
	_ =	sdelay $0x4  }
0x2bf: {  	v12 =	vmax.f32 v62, v12  }
0x2c0: {  	[tilespmem:v8+s17+$0x0] =	vst.idx.msk vm6, v12  }
0x2c1: {  	v12 =	vld.idx.msk [tilespmem:v9+s3+$0x0], $0xffff  }
0x2c2: {  	v63 =	vld.idx.msk [tilespmem:v10+s17+$0x0], $0xffff;
	s26 =	spop (v2sf)  }
0x2c3: {  	p0 =	sgt.u32 s26, $0x80000000  }
.Ltmp29:
0x2c4: {  	_ = 	snop;
	(pc) =	sbr.rel @p0 .LBB2_38-.Ltmp29, $3  }
0x2c5: {  	_ =	sdelay $0x1  }
0x2c6: {  	v12 =	vmax.f32 v63, v12  }
0x2c7: {  	[tilespmem:v10+s17+$0x0] =	vst.idx.msk vm6, v12  }
.LBB2_39:
0x2c8: {  	v3 =	vsel vm5, $0x1, v1  }
0x2c9: {  	v3 =	vxor.u32 $0x80000001, v3  }
0x2ca: {  	(xrf0) =	vmax.scan.msk.u32 $0xffff, v3;
	_ =	sdelay $0x5  }
0x2cb: {  	v3, _, _ =	vpop (xrf0)  }
0x2cc: {  	(v2sf) =	vpush v3, $0xF;
	_ =	sdelay $0xe  }
0x2cd: {  	s26 =	spop (v2sf)  }
0x2ce: {  	p0 =	slt.u32 s26, $0x80000001  }
.Ltmp30:
0x2cf: {  	_ = 	snop;
	(pc) =	sbr.rel @p0 .LBB2_42-.Ltmp30, $1  }
0x2d0: {  	_ =	sdelay $0x3  }
0x2d1: {  	s26 =	sor.u32 $0x20, s25  }
0x2d2: {  	v3 =	vld [tilespmem:s26+$0x17980]  }
0x2d3: {  	v4 =	vld [tilespmem:s26+$0x1AB80];
	_ =	sdelay $0x3  }
0x2d4: {  	v11 =	vimm.s32 $0x1  }
0x2d5: {  	v5 =	vadd.s32 $0x2710, v3;
	v6 =	vadd.s32 $0x2710, v4;
	v7 =	vadd.s32 $0x4E20, v3  }
0x2d6: {  	v8 =	vadd.s32 $0x4E20, v4;
	v9 =	vadd.s32 $0x7530, v3;
	v10 =	vadd.s32 $0x7530, v4  }
.LBB2_41:
0x2d7: {  	vm5 =	vne.s32 v11, $0x0;
	_ =	sdelay $0x5  }
0x2d8: {  	[tilespmem:v4+s18+$0x0] =	vst.idx.msk vm5, v2  }
0x2d9: {  	v12 =	vld.idx.msk [tilespmem:v4+s18+$0x0], $0xffff;
	_ =	sdelay $0x4  }
0x2da: {  	v59 =	vld.idx.msk [tilespmem:v3+s3+$0x0], $0xffff;
	vm6 =	veq.s32 v12, v2  }
0x2db: {  	v13 =	vld.idx.msk [tilespmem:v4+s17+$0x0], $0xffff;
	vm5 =	vmand vm5, vm6;
	v11 =	vsel vm6, $0x0, v11  }
0x2dc: {  	v60 =	vor.u32 $0x80000000, v11  }
0x2dd: {  	(xrf0) =	vmax.scan.msk.u32 $0xffff, v60;
	_ =	sdelay $0x2  }
0x2de: {  	v12 =	vmax.f32 v13, v59  }
0x2df: {  	[tilespmem:v4+s17+$0x0] =	vst.idx.msk vm5, v12  }
0x2e0: {  	v12 =	vld.idx.msk [tilespmem:v5+s3+$0x0], $0xffff  }
0x2e1: {  	v61 =	vld.idx.msk [tilespmem:v6+s17+$0x0], $0xffff;
	v14, _, _ =	vpop (xrf0)  }
0x2e2: {  	(v2sf) =	vpush v14, $0xF;
	_ =	sdelay $0x3  }
0x2e3: {  	v12 =	vmax.f32 v61, v12  }
0x2e4: {  	[tilespmem:v6+s17+$0x0] =	vst.idx.msk vm5, v12  }
0x2e5: {  	v12 =	vld.idx.msk [tilespmem:v7+s3+$0x0], $0xffff  }
0x2e6: {  	v62 =	vld.idx.msk [tilespmem:v8+s17+$0x0], $0xffff;
	_ =	sdelay $0x4  }
0x2e7: {  	v12 =	vmax.f32 v62, v12  }
0x2e8: {  	[tilespmem:v8+s17+$0x0] =	vst.idx.msk vm5, v12  }
0x2e9: {  	v12 =	vld.idx.msk [tilespmem:v9+s3+$0x0], $0xffff  }
0x2ea: {  	v63 =	vld.idx.msk [tilespmem:v10+s17+$0x0], $0xffff;
	s26 =	spop (v2sf)  }
0x2eb: {  	p0 =	sgt.u32 s26, $0x80000000  }
.Ltmp31:
0x2ec: {  	_ = 	snop;
	(pc) =	sbr.rel @p0 .LBB2_41-.Ltmp31, $3  }
0x2ed: {  	_ =	sdelay $0x1  }
0x2ee: {  	v12 =	vmax.f32 v63, v12  }
0x2ef: {  	[tilespmem:v10+s17+$0x0] =	vst.idx.msk vm5, v12  }
.LBB2_42:
0x2f0: {  	v3 =	vsel vm4, $0x1, v1  }
0x2f1: {  	v3 =	vxor.u32 $0x80000001, v3  }
0x2f2: {  	(xrf0) =	vmax.scan.msk.u32 $0xffff, v3;
	_ =	sdelay $0x5  }
0x2f3: {  	v3, _, _ =	vpop (xrf0)  }
0x2f4: {  	(v2sf) =	vpush v3, $0xF;
	_ =	sdelay $0xe  }
0x2f5: {  	s26 =	spop (v2sf)  }
0x2f6: {  	p0 =	slt.u32 s26, $0x80000001  }
.Ltmp32:
0x2f7: {  	_ = 	snop;
	(pc) =	sbr.rel @p0 .LBB2_45-.Ltmp32, $1  }
0x2f8: {  	_ =	sdelay $0x3  }
0x2f9: {  	s26 =	sor.u32 $0x30, s25  }
0x2fa: {  	v3 =	vld [tilespmem:s26+$0x17980]  }
0x2fb: {  	v4 =	vld [tilespmem:s26+$0x1AB80];
	_ =	sdelay $0x3  }
0x2fc: {  	v11 =	vimm.s32 $0x1  }
0x2fd: {  	v5 =	vadd.s32 $0x2710, v3;
	v6 =	vadd.s32 $0x2710, v4;
	v7 =	vadd.s32 $0x4E20, v3  }
0x2fe: {  	v8 =	vadd.s32 $0x4E20, v4;
	v9 =	vadd.s32 $0x7530, v3;
	v10 =	vadd.s32 $0x7530, v4  }
.LBB2_44:
0x2ff: {  	vm4 =	vne.s32 v11, $0x0;
	_ =	sdelay $0x5  }
0x300: {  	[tilespmem:v4+s18+$0x0] =	vst.idx.msk vm4, v2  }
0x301: {  	v12 =	vld.idx.msk [tilespmem:v4+s18+$0x0], $0xffff;
	_ =	sdelay $0x4  }
0x302: {  	v59 =	vld.idx.msk [tilespmem:v3+s3+$0x0], $0xffff;
	vm5 =	veq.s32 v12, v2  }
0x303: {  	v13 =	vld.idx.msk [tilespmem:v4+s17+$0x0], $0xffff;
	vm4 =	vmand vm4, vm5;
	v11 =	vsel vm5, $0x0, v11  }
0x304: {  	v60 =	vor.u32 $0x80000000, v11  }
0x305: {  	(xrf0) =	vmax.scan.msk.u32 $0xffff, v60;
	_ =	sdelay $0x2  }
0x306: {  	v12 =	vmax.f32 v13, v59  }
0x307: {  	[tilespmem:v4+s17+$0x0] =	vst.idx.msk vm4, v12  }
0x308: {  	v12 =	vld.idx.msk [tilespmem:v5+s3+$0x0], $0xffff  }
0x309: {  	v61 =	vld.idx.msk [tilespmem:v6+s17+$0x0], $0xffff;
	v14, _, _ =	vpop (xrf0)  }
0x30a: {  	(v2sf) =	vpush v14, $0xF;
	_ =	sdelay $0x3  }
0x30b: {  	v12 =	vmax.f32 v61, v12  }
0x30c: {  	[tilespmem:v6+s17+$0x0] =	vst.idx.msk vm4, v12  }
0x30d: {  	v12 =	vld.idx.msk [tilespmem:v7+s3+$0x0], $0xffff  }
0x30e: {  	v62 =	vld.idx.msk [tilespmem:v8+s17+$0x0], $0xffff;
	_ =	sdelay $0x4  }
0x30f: {  	v12 =	vmax.f32 v62, v12  }
0x310: {  	[tilespmem:v8+s17+$0x0] =	vst.idx.msk vm4, v12  }
0x311: {  	v12 =	vld.idx.msk [tilespmem:v9+s3+$0x0], $0xffff  }
0x312: {  	v63 =	vld.idx.msk [tilespmem:v10+s17+$0x0], $0xffff;
	s26 =	spop (v2sf)  }
0x313: {  	p0 =	sgt.u32 s26, $0x80000000  }
.Ltmp33:
0x314: {  	_ = 	snop;
	(pc) =	sbr.rel @p0 .LBB2_44-.Ltmp33, $3  }
0x315: {  	_ =	sdelay $0x1  }
0x316: {  	v12 =	vmax.f32 v63, v12  }
0x317: {  	[tilespmem:v10+s17+$0x0] =	vst.idx.msk vm4, v12  }
.LBB2_45:
0x318: {  	v3 =	vsel vm3, $0x1, v1  }
0x319: {  	v3 =	vxor.u32 $0x80000001, v3  }
0x31a: {  	(xrf0) =	vmax.scan.msk.u32 $0xffff, v3;
	_ =	sdelay $0x5  }
0x31b: {  	v3, _, _ =	vpop (xrf0)  }
0x31c: {  	(v2sf) =	vpush v3, $0xF;
	_ =	sdelay $0xe  }
0x31d: {  	s26 =	spop (v2sf)  }
0x31e: {  	p0 =	slt.u32 s26, $0x80000001  }
.Ltmp34:
0x31f: {  	_ = 	snop;
	(pc) =	sbr.rel @p0 .LBB2_48-.Ltmp34, $1  }
0x320: {  	_ =	sdelay $0x3  }
0x321: {  	s26 =	sor.u32 $0x40, s25  }
0x322: {  	v3 =	vld [tilespmem:s26+$0x17980]  }
0x323: {  	v4 =	vld [tilespmem:s26+$0x1AB80];
	_ =	sdelay $0x3  }
0x324: {  	v11 =	vimm.s32 $0x1  }
0x325: {  	v5 =	vadd.s32 $0x2710, v3;
	v6 =	vadd.s32 $0x2710, v4;
	v7 =	vadd.s32 $0x4E20, v3  }
0x326: {  	v8 =	vadd.s32 $0x4E20, v4;
	v9 =	vadd.s32 $0x7530, v3;
	v10 =	vadd.s32 $0x7530, v4  }
.LBB2_47:
0x327: {  	vm3 =	vne.s32 v11, $0x0;
	_ =	sdelay $0x5  }
0x328: {  	[tilespmem:v4+s18+$0x0] =	vst.idx.msk vm3, v2  }
0x329: {  	v12 =	vld.idx.msk [tilespmem:v4+s18+$0x0], $0xffff;
	_ =	sdelay $0x4  }
0x32a: {  	v59 =	vld.idx.msk [tilespmem:v3+s3+$0x0], $0xffff;
	vm4 =	veq.s32 v12, v2  }
0x32b: {  	v13 =	vld.idx.msk [tilespmem:v4+s17+$0x0], $0xffff;
	vm3 =	vmand vm3, vm4;
	v11 =	vsel vm4, $0x0, v11  }
0x32c: {  	v60 =	vor.u32 $0x80000000, v11  }
0x32d: {  	(xrf0) =	vmax.scan.msk.u32 $0xffff, v60;
	_ =	sdelay $0x2  }
0x32e: {  	v12 =	vmax.f32 v13, v59  }
0x32f: {  	[tilespmem:v4+s17+$0x0] =	vst.idx.msk vm3, v12  }
0x330: {  	v12 =	vld.idx.msk [tilespmem:v5+s3+$0x0], $0xffff  }
0x331: {  	v61 =	vld.idx.msk [tilespmem:v6+s17+$0x0], $0xffff;
	v14, _, _ =	vpop (xrf0)  }
0x332: {  	(v2sf) =	vpush v14, $0xF;
	_ =	sdelay $0x3  }
0x333: {  	v12 =	vmax.f32 v61, v12  }
0x334: {  	[tilespmem:v6+s17+$0x0] =	vst.idx.msk vm3, v12  }
0x335: {  	v12 =	vld.idx.msk [tilespmem:v7+s3+$0x0], $0xffff  }
0x336: {  	v62 =	vld.idx.msk [tilespmem:v8+s17+$0x0], $0xffff;
	_ =	sdelay $0x4  }
0x337: {  	v12 =	vmax.f32 v62, v12  }
0x338: {  	[tilespmem:v8+s17+$0x0] =	vst.idx.msk vm3, v12  }
0x339: {  	v12 =	vld.idx.msk [tilespmem:v9+s3+$0x0], $0xffff  }
0x33a: {  	v63 =	vld.idx.msk [tilespmem:v10+s17+$0x0], $0xffff;
	s26 =	spop (v2sf)  }
0x33b: {  	p0 =	sgt.u32 s26, $0x80000000  }
.Ltmp35:
0x33c: {  	_ = 	snop;
	(pc) =	sbr.rel @p0 .LBB2_47-.Ltmp35, $3  }
0x33d: {  	_ =	sdelay $0x1  }
0x33e: {  	v12 =	vmax.f32 v63, v12  }
0x33f: {  	[tilespmem:v10+s17+$0x0] =	vst.idx.msk vm3, v12  }
.LBB2_48:
0x340: {  	v3 =	vsel vm2, $0x1, v1  }
0x341: {  	v3 =	vxor.u32 $0x80000001, v3  }
0x342: {  	(xrf0) =	vmax.scan.msk.u32 $0xffff, v3;
	_ =	sdelay $0x5  }
0x343: {  	v3, _, _ =	vpop (xrf0)  }
0x344: {  	(v2sf) =	vpush v3, $0xF;
	_ =	sdelay $0xe  }
0x345: {  	s26 =	spop (v2sf)  }
0x346: {  	p0 =	slt.u32 s26, $0x80000001  }
.Ltmp36:
0x347: {  	_ = 	snop;
	(pc) =	sbr.rel @p0 .LBB2_51-.Ltmp36, $1  }
0x348: {  	_ =	sdelay $0x3  }
0x349: {  	s26 =	sor.u32 $0x50, s25  }
0x34a: {  	v3 =	vld [tilespmem:s26+$0x17980]  }
0x34b: {  	v4 =	vld [tilespmem:s26+$0x1AB80];
	_ =	sdelay $0x3  }
0x34c: {  	v11 =	vimm.s32 $0x1  }
0x34d: {  	v5 =	vadd.s32 $0x2710, v3;
	v6 =	vadd.s32 $0x2710, v4;
	v7 =	vadd.s32 $0x4E20, v3  }
0x34e: {  	v8 =	vadd.s32 $0x4E20, v4;
	v9 =	vadd.s32 $0x7530, v3;
	v10 =	vadd.s32 $0x7530, v4  }
.LBB2_50:
0x34f: {  	vm2 =	vne.s32 v11, $0x0;
	_ =	sdelay $0x5  }
0x350: {  	[tilespmem:v4+s18+$0x0] =	vst.idx.msk vm2, v2  }
0x351: {  	v12 =	vld.idx.msk [tilespmem:v4+s18+$0x0], $0xffff;
	_ =	sdelay $0x4  }
0x352: {  	v59 =	vld.idx.msk [tilespmem:v3+s3+$0x0], $0xffff;
	vm3 =	veq.s32 v12, v2  }
0x353: {  	v13 =	vld.idx.msk [tilespmem:v4+s17+$0x0], $0xffff;
	vm2 =	vmand vm2, vm3;
	v11 =	vsel vm3, $0x0, v11  }
0x354: {  	v60 =	vor.u32 $0x80000000, v11  }
0x355: {  	(xrf0) =	vmax.scan.msk.u32 $0xffff, v60;
	_ =	sdelay $0x2  }
0x356: {  	v12 =	vmax.f32 v13, v59  }
0x357: {  	[tilespmem:v4+s17+$0x0] =	vst.idx.msk vm2, v12  }
0x358: {  	v12 =	vld.idx.msk [tilespmem:v5+s3+$0x0], $0xffff  }
0x359: {  	v61 =	vld.idx.msk [tilespmem:v6+s17+$0x0], $0xffff;
	v14, _, _ =	vpop (xrf0)  }
0x35a: {  	(v2sf) =	vpush v14, $0xF;
	_ =	sdelay $0x3  }
0x35b: {  	v12 =	vmax.f32 v61, v12  }
0x35c: {  	[tilespmem:v6+s17+$0x0] =	vst.idx.msk vm2, v12  }
0x35d: {  	v12 =	vld.idx.msk [tilespmem:v7+s3+$0x0], $0xffff  }
0x35e: {  	v62 =	vld.idx.msk [tilespmem:v8+s17+$0x0], $0xffff;
	_ =	sdelay $0x4  }
0x35f: {  	v12 =	vmax.f32 v62, v12  }
0x360: {  	[tilespmem:v8+s17+$0x0] =	vst.idx.msk vm2, v12  }
0x361: {  	v12 =	vld.idx.msk [tilespmem:v9+s3+$0x0], $0xffff  }
0x362: {  	v63 =	vld.idx.msk [tilespmem:v10+s17+$0x0], $0xffff;
	s26 =	spop (v2sf)  }
0x363: {  	p0 =	sgt.u32 s26, $0x80000000  }
.Ltmp37:
0x364: {  	_ = 	snop;
	(pc) =	sbr.rel @p0 .LBB2_50-.Ltmp37, $3  }
0x365: {  	_ =	sdelay $0x1  }
0x366: {  	v12 =	vmax.f32 v63, v12  }
0x367: {  	[tilespmem:v10+s17+$0x0] =	vst.idx.msk vm2, v12  }
.LBB2_51:
0x368: {  	v3 =	vsel vm1, $0x1, v1  }
0x369: {  	v3 =	vxor.u32 $0x80000001, v3  }
0x36a: {  	(xrf0) =	vmax.scan.msk.u32 $0xffff, v3;
	_ =	sdelay $0x5  }
0x36b: {  	v3, _, _ =	vpop (xrf0)  }
0x36c: {  	(v2sf) =	vpush v3, $0xF;
	_ =	sdelay $0xe  }
0x36d: {  	s26 =	spop (v2sf)  }
0x36e: {  	p0 =	slt.u32 s26, $0x80000001  }
.Ltmp38:
0x36f: {  	_ = 	snop;
	(pc) =	sbr.rel @p0 .LBB2_54-.Ltmp38, $1  }
0x370: {  	_ =	sdelay $0x3  }
0x371: {  	s26 =	sor.u32 $0x60, s25  }
0x372: {  	v3 =	vld [tilespmem:s26+$0x17980]  }
0x373: {  	v4 =	vld [tilespmem:s26+$0x1AB80];
	_ =	sdelay $0x3  }
0x374: {  	v11 =	vimm.s32 $0x1  }
0x375: {  	v5 =	vadd.s32 $0x2710, v3;
	v6 =	vadd.s32 $0x2710, v4;
	v7 =	vadd.s32 $0x4E20, v3  }
0x376: {  	v8 =	vadd.s32 $0x4E20, v4;
	v9 =	vadd.s32 $0x7530, v3;
	v10 =	vadd.s32 $0x7530, v4  }
.LBB2_53:
0x377: {  	vm1 =	vne.s32 v11, $0x0;
	_ =	sdelay $0x5  }
0x378: {  	[tilespmem:v4+s18+$0x0] =	vst.idx.msk vm1, v2  }
0x379: {  	v12 =	vld.idx.msk [tilespmem:v4+s18+$0x0], $0xffff;
	_ =	sdelay $0x4  }
0x37a: {  	v59 =	vld.idx.msk [tilespmem:v3+s3+$0x0], $0xffff;
	vm2 =	veq.s32 v12, v2  }
0x37b: {  	v13 =	vld.idx.msk [tilespmem:v4+s17+$0x0], $0xffff;
	vm1 =	vmand vm1, vm2;
	v11 =	vsel vm2, $0x0, v11  }
0x37c: {  	v60 =	vor.u32 $0x80000000, v11  }
0x37d: {  	(xrf0) =	vmax.scan.msk.u32 $0xffff, v60;
	_ =	sdelay $0x2  }
0x37e: {  	v12 =	vmax.f32 v13, v59  }
0x37f: {  	[tilespmem:v4+s17+$0x0] =	vst.idx.msk vm1, v12  }
0x380: {  	v12 =	vld.idx.msk [tilespmem:v5+s3+$0x0], $0xffff  }
0x381: {  	v61 =	vld.idx.msk [tilespmem:v6+s17+$0x0], $0xffff;
	v14, _, _ =	vpop (xrf0)  }
0x382: {  	(v2sf) =	vpush v14, $0xF;
	_ =	sdelay $0x3  }
0x383: {  	v12 =	vmax.f32 v61, v12  }
0x384: {  	[tilespmem:v6+s17+$0x0] =	vst.idx.msk vm1, v12  }
0x385: {  	v12 =	vld.idx.msk [tilespmem:v7+s3+$0x0], $0xffff  }
0x386: {  	v62 =	vld.idx.msk [tilespmem:v8+s17+$0x0], $0xffff;
	_ =	sdelay $0x4  }
0x387: {  	v12 =	vmax.f32 v62, v12  }
0x388: {  	[tilespmem:v8+s17+$0x0] =	vst.idx.msk vm1, v12  }
0x389: {  	v12 =	vld.idx.msk [tilespmem:v9+s3+$0x0], $0xffff  }
0x38a: {  	v63 =	vld.idx.msk [tilespmem:v10+s17+$0x0], $0xffff;
	s26 =	spop (v2sf)  }
0x38b: {  	p0 =	sgt.u32 s26, $0x80000000  }
.Ltmp39:
0x38c: {  	_ = 	snop;
	(pc) =	sbr.rel @p0 .LBB2_53-.Ltmp39, $3  }
0x38d: {  	_ =	sdelay $0x1  }
0x38e: {  	v12 =	vmax.f32 v63, v12  }
0x38f: {  	[tilespmem:v10+s17+$0x0] =	vst.idx.msk vm1, v12  }
.LBB2_54:
0x390: {  	v3 =	vsel vm0, $0x1, v1  }
0x391: {  	v3 =	vxor.u32 $0x80000001, v3  }
0x392: {  	(xrf0) =	vmax.scan.msk.u32 $0xffff, v3;
	_ =	sdelay $0x5  }
0x393: {  	v3, _, _ =	vpop (xrf0)  }
0x394: {  	(v2sf) =	vpush v3, $0xF;
	_ =	sdelay $0xe  }
0x395: {  	s26 =	spop (v2sf)  }
0x396: {  	p0 =	slt.u32 s26, $0x80000001  }
.Ltmp40:
0x397: {  	_ = 	snop;
	(pc) =	sbr.rel @p0 .LBB2_57-.Ltmp40, $1  }
0x398: {  	_ =	sdelay $0x3  }
0x399: {  	s25 =	sor.u32 $0x70, s25  }
0x39a: {  	v3 =	vld [tilespmem:s25+$0x17980]  }
0x39b: {  	v4 =	vld [tilespmem:s25+$0x1AB80];
	_ =	sdelay $0x3  }
0x39c: {  	v11 =	vimm.s32 $0x1  }
0x39d: {  	v5 =	vadd.s32 $0x2710, v3;
	v6 =	vadd.s32 $0x2710, v4;
	v7 =	vadd.s32 $0x4E20, v3  }
0x39e: {  	v8 =	vadd.s32 $0x4E20, v4;
	v9 =	vadd.s32 $0x7530, v3;
	v10 =	vadd.s32 $0x7530, v4  }
.LBB2_56:
0x39f: {  	vm0 =	vne.s32 v11, $0x0;
	_ =	sdelay $0x5  }
0x3a0: {  	[tilespmem:v4+s18+$0x0] =	vst.idx.msk vm0, v2  }
0x3a1: {  	v12 =	vld.idx.msk [tilespmem:v4+s18+$0x0], $0xffff;
	_ =	sdelay $0x4  }
0x3a2: {  	v59 =	vld.idx.msk [tilespmem:v3+s3+$0x0], $0xffff;
	vm1 =	veq.s32 v12, v2  }
0x3a3: {  	v13 =	vld.idx.msk [tilespmem:v4+s17+$0x0], $0xffff;
	vm0 =	vmand vm0, vm1;
	v11 =	vsel vm1, $0x0, v11  }
0x3a4: {  	v60 =	vor.u32 $0x80000000, v11  }
0x3a5: {  	(xrf0) =	vmax.scan.msk.u32 $0xffff, v60;
	_ =	sdelay $0x2  }
0x3a6: {  	v12 =	vmax.f32 v13, v59  }
0x3a7: {  	[tilespmem:v4+s17+$0x0] =	vst.idx.msk vm0, v12  }
0x3a8: {  	v12 =	vld.idx.msk [tilespmem:v5+s3+$0x0], $0xffff  }
0x3a9: {  	v61 =	vld.idx.msk [tilespmem:v6+s17+$0x0], $0xffff;
	v14, _, _ =	vpop (xrf0)  }
0x3aa: {  	(v2sf) =	vpush v14, $0xF;
	_ =	sdelay $0x3  }
0x3ab: {  	v12 =	vmax.f32 v61, v12  }
0x3ac: {  	[tilespmem:v6+s17+$0x0] =	vst.idx.msk vm0, v12  }
0x3ad: {  	v12 =	vld.idx.msk [tilespmem:v7+s3+$0x0], $0xffff  }
0x3ae: {  	v62 =	vld.idx.msk [tilespmem:v8+s17+$0x0], $0xffff;
	_ =	sdelay $0x4  }
0x3af: {  	v12 =	vmax.f32 v62, v12  }
0x3b0: {  	[tilespmem:v8+s17+$0x0] =	vst.idx.msk vm0, v12  }
0x3b1: {  	v12 =	vld.idx.msk [tilespmem:v9+s3+$0x0], $0xffff  }
0x3b2: {  	v63 =	vld.idx.msk [tilespmem:v10+s17+$0x0], $0xffff;
	s25 =	spop (v2sf)  }
0x3b3: {  	p0 =	sgt.u32 s25, $0x80000000  }
.Ltmp41:
0x3b4: {  	_ = 	snop;
	(pc) =	sbr.rel @p0 .LBB2_56-.Ltmp41, $3  }
0x3b5: {  	_ =	sdelay $0x1  }
0x3b6: {  	v12 =	vmax.f32 v63, v12  }
0x3b7: {  	[tilespmem:v10+s17+$0x0] =	vst.idx.msk vm0, v12  }
.Ltmp42:
0x3b8: {  	_ = 	snop;
	(pc) =	sbr.rel .LBB2_57-.Ltmp42, $1  }
0x3b9: {  	_ =	sdelay $0x3  }
.LBB2_59:
0x3ba: {  	s22 =	simm.s32 $0x0;
	s23 =	simm.s32 $0x40  }
.LBB2_60:
0x3bb: {  	p0 =	sne.s32 s23, $0x270C0;
	v3 =	vld [tilespmem:s22+$0x9C80];
	_ =	sdelay $0x1  }
0x3bc: {  	v4 =	vld [tilespmem:s22+$0x0];
	_ =	sdelay $0x2  }
.Ltmp43:
0x3bd: {  	vm0 =	veq.f32 v3, $-Inf;
	(pc) =	sbr.rel @p0 .LBB2_60-.Ltmp43, $3  }
0x3be: {  	v3 =	vsel vm0, $0x0, v3  }
0x3bf: {  	v3 =	vadd.f32 v3, v4;
	_ =	sdelay $0x1  }
0x3c0: {  	[tilespmem:s22+$0x9C80] =	vst v3;
	s22 =	sshra.s32 s23, $0x2;
	s23 =	sadd.s32 $0x40, s23  }
0x3c1: {  	v3 =	vld [tilespmem:s22+$0x9C80];
	_ =	sdelay $0x1  }
0x3c2: {  	v4 =	vld [tilespmem:s22+$0x0];
	_ =	sdelay $0x2  }
0x3c3: {  	vm0 =	veq.f32 v3, $-Inf  }
0x3c4: {  	v3 =	vsel vm0, $0x0, v3  }
0x3c5: {  	s21 =	sadd.s32 $0x1, s21;
	v3 =	vadd.f32 v3, v4  }
0x3c6: {  	p0 =	sne.s32 s21, s7  }
.Ltmp44:
0x3c7: {  	[tilespmem:s22+$0x9C80] =	vst v3;
	(pc) =	sbr.rel @p0 .LBB2_1-.Ltmp44, $4  }
0x3c8: {  	[hbm4b:s6+s10] =	stream.strided.scatter [tilespmem:s17], [sflag:$0x5], $0x9C80, s11, s10, $0x38;
	[tilespmem:$0x1C480] =	vst v63  }
0x3c9: {  	_ =	swait.ge [sflag:s12], $0x9C80  }
0x3ca: {  	[sflag:s12] =	ssyncset.done $0x0  }
0x3cb: {  	[sflag:s12] =	ssyncadd.s32 $0xFFFF6380  }
0x3cc: {  	_ =	sfence.sel $0x180000  }
0x3cd: {  	[bflag:$0x0] =	sbarrier.arrive $0xFFFF  }
0x3ce: {  	p0 =	sne.s32 s0, $0x0;
	_ =	strace $0x90000047  }
0x3cf: {  	s0 =	sadd.s32 @!p0 $0x100000, s2;
	[bflag:$0x2] =	sbarrier.arrive $0xFFFF  }
0x3d0: {  	[sflag:s0] =	ssyncadd.tile.s32 @!p0 $0x1;
	_ =	shalt  }
.Lfunc_end2:
_tile_overlayer_lowered:
.L_overlay_start_2:
0x3d1: {  	(tag) =	ssettag $0x2  }
0x3d2: {  	s0 =	rddreg [dreg:$0x0];
	s2 =	stileid.u32  }
0x3d3: {  	s1 =	rddreg [dreg:$0x1];
	p0 =	sne.s32 s2, $0x0  }
0x3d4: {  	s3 =	rddreg [dreg:$0x2];
	[bflag:$0x3] =	sbarrier.arrive $0xFFFF;
	s2 =	simm.s32 @!p0 $0x1C05  }
0x3d5: {  	[timem:s3], [sflag:s2] =	dma.local @!p0 [hbm:s0], s1  }
0x3d6: {  	s0 =	simm.s32 @!p0 $0x5  }
0x3d7: {  	_ =	swait.ge @!p0 [sflag:s0], s1  }
0x3d8: {  	s1 =	ssub.s32 @!p0 $0x0, s1;
	[sflag:s0] =	ssyncset.done @!p0 $0x0  }
0x3d9: {  	[sflag:s0] =	ssyncadd.s32 @!p0 s1  }
0x3da: {  	[bflag:$0x3] =	sbarrier.arrive $0xFFFF  }
0x3db: {  	_ =	shalt  }

</sc_bundles>
